<compile_context>
chip_gen: v7x
topology: tpu7x:2x2x1
jax: 0.10.2.dev20260603
libtpu: 0.0.44.dev20260713+nightly
codegen_flags: <defaults>
</compile_context>

<pallas_src>
import jax
import jax.numpy as jnp
from jax import lax
from jax.experimental import pallas as pl
from jax.experimental.pallas import tpu as pltpu
from jax.experimental.pallas import tpu_sc as plsc

_DIM = 2048
_N_EXPERTS = 64
_TOPK = 8
_BLOCK = 1024
_TOKENS = 32768
_CHUNKS = (8192, 8192, 8192, 8192)

_NW = 32


def _probs_block_kernel(x_ref, wt_ref, p_ref):
    x = x_ref[...]
    wt = wt_ref[...]
    scores = lax.dot_general(
        x, wt, dimension_numbers=(((1,), (0,)), ((), ())),
        preferred_element_type=jnp.float32)
    m = jnp.max(scores, axis=-1, keepdims=True)
    e = jnp.exp(scores - m)
    p_ref[...] = e / jnp.sum(e, axis=-1, keepdims=True)


def _tc_probs(x, wt, tok0, ctok):
    off = tok0 // _BLOCK
    grid = (ctok // _BLOCK,)
    return pl.pallas_call(
        _probs_block_kernel,
        grid=grid,
        in_specs=[
            pl.BlockSpec((_BLOCK, _DIM), lambda i: (i + off, 0)),
            pl.BlockSpec((_DIM, _N_EXPERTS), lambda i: (0, 0)),
        ],
        out_specs=pl.BlockSpec((_BLOCK, _N_EXPERTS), lambda i: (i, 0)),
        out_shape=jax.ShapeDtypeStruct((ctok, _N_EXPERTS), jnp.float32),
    )(x, wt)


def _merge_top16(ka, va, kb, vb):
    rk = lax.rev(kb, (0,))
    rv = lax.rev(vb, (0,))
    c = ka >= rk
    mk = jnp.where(c, ka, rk)
    mv = jnp.where(c, va, rv)
    return plsc.sort_key_val(mk, mv, descending=True)


def _make_sc_topk_body(rows_per_w):
    out_per_w = rows_per_w * _TOPK

    def _sc_topk_body(probs_hbm, w_hbm, i_hbm, slab_v, w_v, i_v, sem):
        wid = lax.axis_index("s") * 2 + lax.axis_index("c")
        pltpu.async_copy(probs_hbm.at[pl.ds(wid * rows_per_w, rows_per_w), :],
                         slab_v, sem).wait()

        iota = lax.iota(jnp.int32, 16)
        m8 = iota < _TOPK
        rowsel = [iota + 16 * j for j in range(4)]

        @plsc.parallel_loop(0, rows_per_w, 1, unroll=4)
        def _(t):
            srt = [
                plsc.sort_key_val(slab_v[t, pl.ds(16 * j, 16)], rowsel[j],
                                  descending=True)
                for j in range(4)
            ]
            k01, v01 = _merge_top16(*srt[0], *srt[1])
            k23, v23 = _merge_top16(*srt[2], *srt[3])
            kf, vf = _merge_top16(k01, v01, k23, v23)
            plsc.store_compressed(w_v.at[pl.ds(t * _TOPK, 16)], kf, mask=m8)
            plsc.store_compressed(i_v.at[pl.ds(t * _TOPK, 16)], vf, mask=m8)

        pltpu.sync_copy(w_v.at[pl.ds(0, out_per_w)],
                        w_hbm.at[pl.ds(wid * out_per_w, out_per_w)])
        pltpu.sync_copy(i_v.at[pl.ds(0, out_per_w)],
                        i_hbm.at[pl.ds(wid * out_per_w, out_per_w)])

    return _sc_topk_body


def _sc_topk(ctok):
    rows_per_w = ctok // _NW
    return pl.kernel(
        _make_sc_topk_body(rows_per_w),
        out_type=[
            jax.ShapeDtypeStruct((ctok * _TOPK,), jnp.float32),
            jax.ShapeDtypeStruct((ctok * _TOPK,), jnp.int32),
        ],
        mesh=plsc.VectorSubcoreMesh(core_axis_name="c", subcore_axis_name="s"),
        compiler_params=pltpu.CompilerParams(needs_layout_passes=False),
        scratch_types=[
            pltpu.VMEM((rows_per_w, _N_EXPERTS), jnp.float32),
            pltpu.VMEM((rows_per_w * _TOPK + 16,), jnp.float32),
            pltpu.VMEM((rows_per_w * _TOPK + 16,), jnp.int32),
            pltpu.SemaphoreType.DMA,
        ],
    )


def kernel(x, weight):
    wt = weight.T
    ws, inds = [], []
    tok0 = 0
    for ctok in _CHUNKS:
        probs = _tc_probs(x, wt, tok0, ctok)
        w_flat, i_flat = _sc_topk(ctok)(probs)
        ws.append(w_flat.reshape(ctok, _TOPK))
        inds.append(i_flat.reshape(ctok, _TOPK))
        tok0 += ctok
    return (jnp.concatenate(ws, axis=0), jnp.concatenate(inds, axis=0))

# --- scband reference (transcript-rebuilt; emitter-appended) ---
"""Pipeline reference for scband-gate-50062138802428 (READ-ONLY COPY).

The authoritative reference and input builder live on the scoring server;
editing this copy changes nothing except your own understanding.
"""

import jax, jax.numpy as jnp
import numpy as np

DIM = 2048
N_EXPERTS = 64
TOPK = 8
ROUTE_SCALE = 1.0
TOKENS = 32768

def setup_inputs(seed: int = 0) -> dict:
    key = jax.random.key(seed)
    k1, k2 = jax.random.split(key)
    x = jax.random.normal(k1, (TOKENS, DIM), dtype=jnp.float32)
    weight = jax.random.normal(k2, (N_EXPERTS, DIM), dtype=jnp.float32) * (1.0 / np.sqrt(DIM))
    return {"x": x, "weight": weight}

def reference(x, weight):
    # linear: y = x @ W^T (no bias since dim != 7168)
    scores = jnp.matmul(x, weight.T)
    # score_func == 'softmax'
    scores = jax.nn.softmax(scores, axis=-1)
    original_scores = scores
    # n_groups == 1 -> skip group routing branch
    _, indices = jax.lax.top_k(scores, TOPK)
    weights = jnp.take_along_axis(original_scores, indices, axis=1)
    # score_func == 'softmax' -> no sigmoid renormalization
    weights = weights * ROUTE_SCALE
    return (weights, indices)

if __name__ == "__main__":
    import jax
    _d = setup_inputs()
    print(jax.jit(kernel)(*tuple(_d.values())))

</pallas_src>

<mosaic_0001>
#map = affine_map<(d0, d1) -> (0, 0)>
#map1 = affine_map<(d0, d1) -> (0)>
module attributes {stable_mosaic.version = 14 : i64} {
  func.func @_sc_topk_body(%arg0: i32, %arg1: i32, %arg2: memref<8192x64xf32, #tpu.memory_space<hbm>>, %arg3: memref<65536xf32, #tpu.memory_space<hbm>>, %arg4: memref<65536xi32, #tpu.memory_space<hbm>>, %arg5: memref<256x64xf32, #tpu.memory_space<vmem>>, %arg6: memref<2064xf32, #tpu.memory_space<vmem>>, %arg7: memref<2064xi32, #tpu.memory_space<vmem>>, %arg8: memref<!tpu.dma_semaphore, #tpu.memory_space<semaphore_mem>>) attributes {dimension_semantics = [#tpu.dimension_semantics<core_parallel>, #tpu.dimension_semantics<subcore_parallel>], iteration_bounds = array<i64: 2, 16>, scalar_prefetch = 0 : i64, scratch_operands = 4 : i64, tpu.core_type = #tpu.core_type<sc_vector_subcore>, window_params = [{transform_indices = #map}, {transform_indices = #map1}, {transform_indices = #map1}]} {
    %mul3A = arith.constant 2 : i32
    %mul3A_0 = arith.muli %arg1, %mul3A : i32
    %add3A = arith.addi %mul3A_0, %arg0 : i32
    %mul3A_1 = arith.constant 256 : i32
    %mul3A_2 = arith.muli %add3A, %mul3A_1 : i32
    %dma_start3A = arith.constant 0 : i32
    %dma_start3A_3 = tpu.memref_slice %arg2[%mul3A_2, %dma_start3A] : memref<8192x64xf32, #tpu.memory_space<hbm>> -> memref<256x64xf32, #tpu.memory_space<hbm>>
    %dma_start3A_4 = arith.constant 0 : i32
    %dma_start3A_5 = tpu.memref_slice %arg2[%mul3A_2, %dma_start3A_4] : memref<8192x64xf32, #tpu.memory_space<hbm>> -> memref<256x64xf32, #tpu.memory_space<hbm>>
    tpu.enqueue_dma source(%dma_start3A_5 : memref<256x64xf32, #tpu.memory_space<hbm>>) target(%arg5 : memref<256x64xf32, #tpu.memory_space<vmem>>) target_semaphore(%arg8 : memref<!tpu.dma_semaphore, #tpu.memory_space<semaphore_mem>>)
    %dma_wait3A = arith.constant 0 : i32
    %dma_wait3A_6 = tpu.memref_slice %arg2[%mul3A_2, %dma_wait3A] : memref<8192x64xf32, #tpu.memory_space<hbm>> -> memref<256x64xf32, #tpu.memory_space<hbm>>
    %dma_wait3A_7 = arith.constant 0 : i32
    %dma_wait3A_8 = tpu.memref_slice %arg2[%mul3A_2, %dma_wait3A_7] : memref<8192x64xf32, #tpu.memory_space<hbm>> -> memref<256x64xf32, #tpu.memory_space<hbm>>
    tpu.wait_dma2 semaphore(%arg8 : memref<!tpu.dma_semaphore, #tpu.memory_space<semaphore_mem>>) src(%dma_wait3A_8 : memref<256x64xf32, #tpu.memory_space<hbm>>) dst(%arg5 : memref<256x64xf32, #tpu.memory_space<vmem>>)
    %iota3A = tpu.iota {dimensions = array<i32: 0>} : vector<16xi32>
    %lt3A = arith.constant 8 : i32
    %lt3A_9 = vector.broadcast %lt3A : i32 to vector<16xi32>
    %lt3A_10 = arith.cmpi slt, %iota3A, %lt3A_9 : vector<16xi32>
    %add3A_11 = arith.constant 0 : i32
    %add3A_12 = vector.broadcast %add3A_11 : i32 to vector<16xi32>
    %add3A_13 = arith.addi %iota3A, %add3A_12 : vector<16xi32>
    %add3A_14 = arith.constant 16 : i32
    %add3A_15 = vector.broadcast %add3A_14 : i32 to vector<16xi32>
    %add3A_16 = arith.addi %iota3A, %add3A_15 : vector<16xi32>
    %add3A_17 = arith.constant 32 : i32
    %add3A_18 = vector.broadcast %add3A_17 : i32 to vector<16xi32>
    %add3A_19 = arith.addi %iota3A, %add3A_18 : vector<16xi32>
    %add3A_20 = arith.constant 48 : i32
    %add3A_21 = vector.broadcast %add3A_20 : i32 to vector<16xi32>
    %add3A_22 = arith.addi %iota3A, %add3A_21 : vector<16xi32>
    %parallel_loop3A = arith.constant 0 : i32
    %parallel_loop3A_23 = arith.constant 256 : i32
    %parallel_loop3A_24 = arith.constant 1 : i32
    scf.for %parallel_loop3A_29 = %parallel_loop3A to %parallel_loop3A_23 step %parallel_loop3A_24  : i32 {
      %parallel_loop3A_30 = arith.index_cast %parallel_loop3A_29 : i32 to index
      %parallel_loop3A_31 = arith.constant 0 : index
      %parallel_loop3A_32 = tpu.vector_load %arg5[%parallel_loop3A_30, %parallel_loop3A_31] {strides = array<i32>} : memref<256x64xf32, #tpu.memory_space<vmem>>, vector<16xf32>,
      %parallel_loop3A_33 = arith.constant dense<true> : vector<16xi1>
      %parallel_loop3A_34, %parallel_loop3A_35, %parallel_loop3A_36 = tpu.sort %parallel_loop3A_32, %add3A_13 masked %parallel_loop3A_33 {descending = true} : (vector<16xf32>, vector<16xi32>, vector<16xi1>) -> (vector<16xi1>, vector<16xf32>, vector<16xi32>)
      %parallel_loop3A_37 = arith.index_cast %parallel_loop3A_29 : i32 to index
      %parallel_loop3A_38 = arith.constant 16 : index
      %parallel_loop3A_39 = tpu.vector_load %arg5[%parallel_loop3A_37, %parallel_loop3A_38] {strides = array<i32>} : memref<256x64xf32, #tpu.memory_space<vmem>>, vector<16xf32>,
      %parallel_loop3A_40 = arith.constant dense<true> : vector<16xi1>
      %parallel_loop3A_41, %parallel_loop3A_42, %parallel_loop3A_43 = tpu.sort %parallel_loop3A_39, %add3A_16 masked %parallel_loop3A_40 {descending = true} : (vector<16xf32>, vector<16xi32>, vector<16xi1>) -> (vector<16xi1>, vector<16xf32>, vector<16xi32>)
      %parallel_loop3A_44 = arith.index_cast %parallel_loop3A_29 : i32 to index
      %parallel_loop3A_45 = arith.constant 32 : index
      %parallel_loop3A_46 = tpu.vector_load %arg5[%parallel_loop3A_44, %parallel_loop3A_45] {strides = array<i32>} : memref<256x64xf32, #tpu.memory_space<vmem>>, vector<16xf32>,
      %parallel_loop3A_47 = arith.constant dense<true> : vector<16xi1>
      %parallel_loop3A_48, %parallel_loop3A_49, %parallel_loop3A_50 = tpu.sort %parallel_loop3A_46, %add3A_19 masked %parallel_loop3A_47 {descending = true} : (vector<16xf32>, vector<16xi32>, vector<16xi1>) -> (vector<16xi1>, vector<16xf32>, vector<16xi32>)
      %parallel_loop3A_51 = arith.index_cast %parallel_loop3A_29 : i32 to index
      %parallel_loop3A_52 = arith.constant 48 : index
      %parallel_loop3A_53 = tpu.vector_load %arg5[%parallel_loop3A_51, %parallel_loop3A_52] {strides = array<i32>} : memref<256x64xf32, #tpu.memory_space<vmem>>, vector<16xf32>,
      %parallel_loop3A_54 = arith.constant dense<true> : vector<16xi1>
      %parallel_loop3A_55, %parallel_loop3A_56, %parallel_loop3A_57 = tpu.sort %parallel_loop3A_53, %add3A_22 masked %parallel_loop3A_54 {descending = true} : (vector<16xf32>, vector<16xi32>, vector<16xi1>) -> (vector<16xi1>, vector<16xf32>, vector<16xi32>)
      %parallel_loop3A_58 = arith.constant 15 : i32
      %parallel_loop3A_59 = vector.broadcast %parallel_loop3A_58 : i32 to vector<16xi32>
      %parallel_loop3A_60 = tpu.iota {dimensions = array<i32: 0>} : vector<16xi32>
      %parallel_loop3A_61 = arith.subi %parallel_loop3A_59, %parallel_loop3A_60 : vector<16xi32>
      %parallel_loop3A_62 = tpu.dynamic_gather %parallel_loop3A_42[%parallel_loop3A_61] in [0] : vector<16xf32>, vector<16xi32> -> vector<16xf32>
      %parallel_loop3A_63 = arith.constant 15 : i32
      %parallel_loop3A_64 = vector.broadcast %parallel_loop3A_63 : i32 to vector<16xi32>
      %parallel_loop3A_65 = tpu.iota {dimensions = array<i32: 0>} : vector<16xi32>
      %parallel_loop3A_66 = arith.subi %parallel_loop3A_64, %parallel_loop3A_65 : vector<16xi32>
      %parallel_loop3A_67 = tpu.dynamic_gather %parallel_loop3A_43[%parallel_loop3A_66] in [0] : vector<16xi32>, vector<16xi32> -> vector<16xi32>
      %parallel_loop3A_68 = arith.cmpf oge, %parallel_loop3A_35, %parallel_loop3A_62 : vector<16xf32>
      %parallel_loop3A_69 = arith.select %parallel_loop3A_68, %parallel_loop3A_35, %parallel_loop3A_62 : vector<16xi1>, vector<16xf32>
      %parallel_loop3A_70 = arith.select %parallel_loop3A_68, %parallel_loop3A_36, %parallel_loop3A_67 : vector<16xi1>, vector<16xi32>
      %parallel_loop3A_71 = arith.constant dense<true> : vector<16xi1>
      %parallel_loop3A_72, %parallel_loop3A_73, %parallel_loop3A_74 = tpu.sort %parallel_loop3A_69, %parallel_loop3A_70 masked %parallel_loop3A_71 {descending = true} : (vector<16xf32>, vector<16xi32>, vector<16xi1>) -> (vector<16xi1>, vector<16xf32>, vector<16xi32>)
      %parallel_loop3A_75 = arith.constant 15 : i32
      %parallel_loop3A_76 = vector.broadcast %parallel_loop3A_75 : i32 to vector<16xi32>
      %parallel_loop3A_77 = tpu.iota {dimensions = array<i32: 0>} : vector<16xi32>
      %parallel_loop3A_78 = arith.subi %parallel_loop3A_76, %parallel_loop3A_77 : vector<16xi32>
      %parallel_loop3A_79 = tpu.dynamic_gather %parallel_loop3A_56[%parallel_loop3A_78] in [0] : vector<16xf32>, vector<16xi32> -> vector<16xf32>
      %parallel_loop3A_80 = arith.constant 15 : i32
      %parallel_loop3A_81 = vector.broadcast %parallel_loop3A_80 : i32 to vector<16xi32>
      %parallel_loop3A_82 = tpu.iota {dimensions = array<i32: 0>} : vector<16xi32>
      %parallel_loop3A_83 = arith.subi %parallel_loop3A_81, %parallel_loop3A_82 : vector<16xi32>
      %parallel_loop3A_84 = tpu.dynamic_gather %parallel_loop3A_57[%parallel_loop3A_83] in [0] : vector<16xi32>, vector<16xi32> -> vector<16xi32>
      %parallel_loop3A_85 = arith.cmpf oge, %parallel_loop3A_49, %parallel_loop3A_79 : vector<16xf32>
      %parallel_loop3A_86 = arith.select %parallel_loop3A_85, %parallel_loop3A_49, %parallel_loop3A_79 : vector<16xi1>, vector<16xf32>
      %parallel_loop3A_87 = arith.select %parallel_loop3A_85, %parallel_loop3A_50, %parallel_loop3A_84 : vector<16xi1>, vector<16xi32>
      %parallel_loop3A_88 = arith.constant dense<true> : vector<16xi1>
      %parallel_loop3A_89, %parallel_loop3A_90, %parallel_loop3A_91 = tpu.sort %parallel_loop3A_86, %parallel_loop3A_87 masked %parallel_loop3A_88 {descending = true} : (vector<16xf32>, vector<16xi32>, vector<16xi1>) -> (vector<16xi1>, vector<16xf32>, vector<16xi32>)
      %parallel_loop3A_92 = arith.constant 15 : i32
      %parallel_loop3A_93 = vector.broadcast %parallel_loop3A_92 : i32 to vector<16xi32>
      %parallel_loop3A_94 = tpu.iota {dimensions = array<i32: 0>} : vector<16xi32>
      %parallel_loop3A_95 = arith.subi %parallel_loop3A_93, %parallel_loop3A_94 : vector<16xi32>
      %parallel_loop3A_96 = tpu.dynamic_gather %parallel_loop3A_90[%parallel_loop3A_95] in [0] : vector<16xf32>, vector<16xi32> -> vector<16xf32>
      %parallel_loop3A_97 = arith.constant 15 : i32
      %parallel_loop3A_98 = vector.broadcast %parallel_loop3A_97 : i32 to vector<16xi32>
      %parallel_loop3A_99 = tpu.iota {dimensions = array<i32: 0>} : vector<16xi32>
      %parallel_loop3A_100 = arith.subi %parallel_loop3A_98, %parallel_loop3A_99 : vector<16xi32>
      %parallel_loop3A_101 = tpu.dynamic_gather %parallel_loop3A_91[%parallel_loop3A_100] in [0] : vector<16xi32>, vector<16xi32> -> vector<16xi32>
      %parallel_loop3A_102 = arith.cmpf oge, %parallel_loop3A_73, %parallel_loop3A_96 : vector<16xf32>
      %parallel_loop3A_103 = arith.select %parallel_loop3A_102, %parallel_loop3A_73, %parallel_loop3A_96 : vector<16xi1>, vector<16xf32>
      %parallel_loop3A_104 = arith.select %parallel_loop3A_102, %parallel_loop3A_74, %parallel_loop3A_101 : vector<16xi1>, vector<16xi32>
      %parallel_loop3A_105 = arith.constant dense<true> : vector<16xi1>
      %parallel_loop3A_106, %parallel_loop3A_107, %parallel_loop3A_108 = tpu.sort %parallel_loop3A_103, %parallel_loop3A_104 masked %parallel_loop3A_105 {descending = true} : (vector<16xf32>, vector<16xi32>, vector<16xi1>) -> (vector<16xi1>, vector<16xf32>, vector<16xi32>)
      %parallel_loop3A_109 = arith.constant 8 : i32
      %parallel_loop3A_110 = arith.muli %parallel_loop3A_29, %parallel_loop3A_109 : i32
      %parallel_loop3A_111 = arith.index_cast %parallel_loop3A_110 : i32 to index
      %parallel_loop3A_112 = tpu.vector_load %arg6[%parallel_loop3A_111] masked %lt3A_10 {strides = array<i32>} : memref<2064xf32, #tpu.memory_space<vmem>>, vector<16xf32>, vector<16xi1>
      tpu.vector_store %arg6[%parallel_loop3A_111], %parallel_loop3A_107 masked %lt3A_10 {strides = array<i32>} : memref<2064xf32, #tpu.memory_space<vmem>>, vector<16xf32>, vector<16xi1>
      %parallel_loop3A_113 = arith.constant 8 : i32
      %parallel_loop3A_114 = arith.muli %parallel_loop3A_29, %parallel_loop3A_113 : i32
      %parallel_loop3A_115 = arith.index_cast %parallel_loop3A_114 : i32 to index
      %parallel_loop3A_116 = tpu.vector_load %arg7[%parallel_loop3A_115] masked %lt3A_10 {strides = array<i32>} : memref<2064xi32, #tpu.memory_space<vmem>>, vector<16xi32>, vector<16xi1>
      tpu.vector_store %arg7[%parallel_loop3A_115], %parallel_loop3A_108 masked %lt3A_10 {strides = array<i32>} : memref<2064xi32, #tpu.memory_space<vmem>>, vector<16xi32>, vector<16xi1>
    } {sc.loop_unroll_factor = 4 : i64, sc.parallel_access}
    %mul3A_25 = arith.constant 2048 : i32
    %mul3A_26 = arith.muli %add3A, %mul3A_25 : i32
    "tpu.region"() ({
      %run_scoped3A = tpu.sem_alloc : memref<!tpu.dma_semaphore, #tpu.memory_space<semaphore_mem>>
      %dma_start3A_29 = arith.constant 0 : i32
      %dma_start3A_30 = tpu.memref_slice %arg6[%dma_start3A_29] : memref<2064xf32, #tpu.memory_space<vmem>> -> memref<2048xf32, #tpu.memory_space<vmem>>
      %dma_start3A_31 = tpu.memref_slice %arg3[%mul3A_26] : memref<65536xf32, #tpu.memory_space<hbm>> -> memref<2048xf32, #tpu.memory_space<hbm>>
      %dma_start3A_32 = tpu.memref_slice %arg3[%mul3A_26] : memref<65536xf32, #tpu.memory_space<hbm>> -> memref<2048xf32, #tpu.memory_space<hbm>>
      %dma_start3A_33 = arith.constant 0 : i32
      %dma_start3A_34 = tpu.memref_slice %arg6[%dma_start3A_33] : memref<2064xf32, #tpu.memory_space<vmem>> -> memref<2048xf32, #tpu.memory_space<vmem>>
      tpu.enqueue_dma source(%dma_start3A_34 : memref<2048xf32, #tpu.memory_space<vmem>>) target(%dma_start3A_32 : memref<2048xf32, #tpu.memory_space<hbm>>) target_semaphore(%run_scoped3A : memref<!tpu.dma_semaphore, #tpu.memory_space<semaphore_mem>>)
      %dma_wait3A_35 = arith.constant 0 : i32
      %dma_wait3A_36 = tpu.memref_slice %arg6[%dma_wait3A_35] : memref<2064xf32, #tpu.memory_space<vmem>> -> memref<2048xf32, #tpu.memory_space<vmem>>
      %dma_wait3A_37 = tpu.memref_slice %arg3[%mul3A_26] : memref<65536xf32, #tpu.memory_space<hbm>> -> memref<2048xf32, #tpu.memory_space<hbm>>
      %dma_wait3A_38 = tpu.memref_slice %arg3[%mul3A_26] : memref<65536xf32, #tpu.memory_space<hbm>> -> memref<2048xf32, #tpu.memory_space<hbm>>
      %dma_wait3A_39 = arith.constant 0 : i32
      %dma_wait3A_40 = tpu.memref_slice %arg6[%dma_wait3A_39] : memref<2064xf32, #tpu.memory_space<vmem>> -> memref<2048xf32, #tpu.memory_space<vmem>>
      tpu.wait_dma2 semaphore(%run_scoped3A : memref<!tpu.dma_semaphore, #tpu.memory_space<semaphore_mem>>) src(%dma_wait3A_40 : memref<2048xf32, #tpu.memory_space<vmem>>) dst(%dma_wait3A_38 : memref<2048xf32, #tpu.memory_space<hbm>>)
      tpu.yield
    }) : () -> ()
    %mul3A_27 = arith.constant 2048 : i32
    %mul3A_28 = arith.muli %add3A, %mul3A_27 : i32
    "tpu.region"() ({
      %run_scoped3A = tpu.sem_alloc : memref<!tpu.dma_semaphore, #tpu.memory_space<semaphore_mem>>
      %dma_start3A_29 = arith.constant 0 : i32
      %dma_start3A_30 = tpu.memref_slice %arg7[%dma_start3A_29] : memref<2064xi32, #tpu.memory_space<vmem>> -> memref<2048xi32, #tpu.memory_space<vmem>>
      %dma_start3A_31 = tpu.memref_slice %arg4[%mul3A_28] : memref<65536xi32, #tpu.memory_space<hbm>> -> memref<2048xi32, #tpu.memory_space<hbm>>
      %dma_start3A_32 = tpu.memref_slice %arg4[%mul3A_28] : memref<65536xi32, #tpu.memory_space<hbm>> -> memref<2048xi32, #tpu.memory_space<hbm>>
      %dma_start3A_33 = arith.constant 0 : i32
      %dma_start3A_34 = tpu.memref_slice %arg7[%dma_start3A_33] : memref<2064xi32, #tpu.memory_space<vmem>> -> memref<2048xi32, #tpu.memory_space<vmem>>
      tpu.enqueue_dma source(%dma_start3A_34 : memref<2048xi32, #tpu.memory_space<vmem>>) target(%dma_start3A_32 : memref<2048xi32, #tpu.memory_space<hbm>>) target_semaphore(%run_scoped3A : memref<!tpu.dma_semaphore, #tpu.memory_space<semaphore_mem>>)
      %dma_wait3A_35 = arith.constant 0 : i32
      %dma_wait3A_36 = tpu.memref_slice %arg7[%dma_wait3A_35] : memref<2064xi32, #tpu.memory_space<vmem>> -> memref<2048xi32, #tpu.memory_space<vmem>>
      %dma_wait3A_37 = tpu.memref_slice %arg4[%mul3A_28] : memref<65536xi32, #tpu.memory_space<hbm>> -> memref<2048xi32, #tpu.memory_space<hbm>>
      %dma_wait3A_38 = tpu.memref_slice %arg4[%mul3A_28] : memref<65536xi32, #tpu.memory_space<hbm>> -> memref<2048xi32, #tpu.memory_space<hbm>>
      %dma_wait3A_39 = arith.constant 0 : i32
      %dma_wait3A_40 = tpu.memref_slice %arg7[%dma_wait3A_39] : memref<2064xi32, #tpu.memory_space<vmem>> -> memref<2048xi32, #tpu.memory_space<vmem>>
      tpu.wait_dma2 semaphore(%run_scoped3A : memref<!tpu.dma_semaphore, #tpu.memory_space<semaphore_mem>>) src(%dma_wait3A_40 : memref<2048xi32, #tpu.memory_space<vmem>>) dst(%dma_wait3A_38 : memref<2048xi32, #tpu.memory_space<hbm>>)
      tpu.yield
    }) : () -> ()
    return
  }
}

#map = affine_map<(d0, d1) -> (0, 0)>
#map1 = affine_map<(d0, d1) -> (0)>
module attributes {stable_mosaic.version = 14 : i64} {
  func.func @_sc_topk_body(%arg0: i32, %arg1: i32, %arg2: memref<8192x64xf32, #tpu.memory_space<hbm>>, %arg3: memref<65536xf32, #tpu.memory_space<hbm>>, %arg4: memref<65536xi32, #tpu.memory_space<hbm>>, %arg5: memref<256x64xf32, #tpu.memory_space<vmem>>, %arg6: memref<2064xf32, #tpu.memory_space<vmem>>, %arg7: memref<2064xi32, #tpu.memory_space<vmem>>, %arg8: memref<!tpu.dma_semaphore, #tpu.memory_space<semaphore_mem>>) attributes {dimension_semantics = [#tpu.dimension_semantics<core_parallel>, #tpu.dimension_semantics<subcore_parallel>], iteration_bounds = array<i64: 2, 16>, scalar_prefetch = 0 : i64, scratch_operands = 4 : i64, tpu.core_type = #tpu.core_type<sc_vector_subcore>, window_params = [{transform_indices = #map}, {transform_indices = #map1}, {transform_indices = #map1}]} {
    %mul3A = arith.constant 2 : i32
    %mul3A_0 = arith.muli %arg1, %mul3A : i32
    %add3A = arith.addi %mul3A_0, %arg0 : i32
    %mul3A_1 = arith.constant 256 : i32
    %mul3A_2 = arith.muli %add3A, %mul3A_1 : i32
    %dma_start3A = arith.constant 0 : i32
    %dma_start3A_3 = tpu.memref_slice %arg2[%mul3A_2, %dma_start3A] : memref<8192x64xf32, #tpu.memory_space<hbm>> -> memref<256x64xf32, #tpu.memory_space<hbm>>
    %dma_start3A_4 = arith.constant 0 : i32
    %dma_start3A_5 = tpu.memref_slice %arg2[%mul3A_2, %dma_start3A_4] : memref<8192x64xf32, #tpu.memory_space<hbm>> -> memref<256x64xf32, #tpu.memory_space<hbm>>
    tpu.enqueue_dma source(%dma_start3A_5 : memref<256x64xf32, #tpu.memory_space<hbm>>) target(%arg5 : memref<256x64xf32, #tpu.memory_space<vmem>>) target_semaphore(%arg8 : memref<!tpu.dma_semaphore, #tpu.memory_space<semaphore_mem>>)
    %dma_wait3A = arith.constant 0 : i32
    %dma_wait3A_6 = tpu.memref_slice %arg2[%mul3A_2, %dma_wait3A] : memref<8192x64xf32, #tpu.memory_space<hbm>> -> memref<256x64xf32, #tpu.memory_space<hbm>>
    %dma_wait3A_7 = arith.constant 0 : i32
    %dma_wait3A_8 = tpu.memref_slice %arg2[%mul3A_2, %dma_wait3A_7] : memref<8192x64xf32, #tpu.memory_space<hbm>> -> memref<256x64xf32, #tpu.memory_space<hbm>>
    tpu.wait_dma2 semaphore(%arg8 : memref<!tpu.dma_semaphore, #tpu.memory_space<semaphore_mem>>) src(%dma_wait3A_8 : memref<256x64xf32, #tpu.memory_space<hbm>>) dst(%arg5 : memref<256x64xf32, #tpu.memory_space<vmem>>)
    %iota3A = tpu.iota {dimensions = array<i32: 0>} : vector<16xi32>
    %lt3A = arith.constant 8 : i32
    %lt3A_9 = vector.broadcast %lt3A : i32 to vector<16xi32>
    %lt3A_10 = arith.cmpi slt, %iota3A, %lt3A_9 : vector<16xi32>
    %add3A_11 = arith.constant 0 : i32
    %add3A_12 = vector.broadcast %add3A_11 : i32 to vector<16xi32>
    %add3A_13 = arith.addi %iota3A, %add3A_12 : vector<16xi32>
    %add3A_14 = arith.constant 16 : i32
    %add3A_15 = vector.broadcast %add3A_14 : i32 to vector<16xi32>
    %add3A_16 = arith.addi %iota3A, %add3A_15 : vector<16xi32>
    %add3A_17 = arith.constant 32 : i32
    %add3A_18 = vector.broadcast %add3A_17 : i32 to vector<16xi32>
    %add3A_19 = arith.addi %iota3A, %add3A_18 : vector<16xi32>
    %add3A_20 = arith.constant 48 : i32
    %add3A_21 = vector.broadcast %add3A_20 : i32 to vector<16xi32>
    %add3A_22 = arith.addi %iota3A, %add3A_21 : vector<16xi32>
    %parallel_loop3A = arith.constant 0 : i32
    %parallel_loop3A_23 = arith.constant 256 : i32
    %parallel_loop3A_24 = arith.constant 1 : i32
    scf.for %parallel_loop3A_29 = %parallel_loop3A to %parallel_loop3A_23 step %parallel_loop3A_24  : i32 {
      %parallel_loop3A_30 = arith.index_cast %parallel_loop3A_29 : i32 to index
      %parallel_loop3A_31 = arith.constant 0 : index
      %parallel_loop3A_32 = tpu.vector_load %arg5[%parallel_loop3A_30, %parallel_loop3A_31] {strides = array<i32>} : memref<256x64xf32, #tpu.memory_space<vmem>>, vector<16xf32>,
      %parallel_loop3A_33 = arith.constant dense<true> : vector<16xi1>
      %parallel_loop3A_34, %parallel_loop3A_35, %parallel_loop3A_36 = tpu.sort %parallel_loop3A_32, %add3A_13 masked %parallel_loop3A_33 {descending = true} : (vector<16xf32>, vector<16xi32>, vector<16xi1>) -> (vector<16xi1>, vector<16xf32>, vector<16xi32>)
      %parallel_loop3A_37 = arith.index_cast %parallel_loop3A_29 : i32 to index
      %parallel_loop3A_38 = arith.constant 16 : index
      %parallel_loop3A_39 = tpu.vector_load %arg5[%parallel_loop3A_37, %parallel_loop3A_38] {strides = array<i32>} : memref<256x64xf32, #tpu.memory_space<vmem>>, vector<16xf32>,
      %parallel_loop3A_40 = arith.constant dense<true> : vector<16xi1>
      %parallel_loop3A_41, %parallel_loop3A_42, %parallel_loop3A_43 = tpu.sort %parallel_loop3A_39, %add3A_16 masked %parallel_loop3A_40 {descending = true} : (vector<16xf32>, vector<16xi32>, vector<16xi1>) -> (vector<16xi1>, vector<16xf32>, vector<16xi32>)
      %parallel_loop3A_44 = arith.index_cast %parallel_loop3A_29 : i32 to index
      %parallel_loop3A_45 = arith.constant 32 : index
      %parallel_loop3A_46 = tpu.vector_load %arg5[%parallel_loop3A_44, %parallel_loop3A_45] {strides = array<i32>} : memref<256x64xf32, #tpu.memory_space<vmem>>, vector<16xf32>,
      %parallel_loop3A_47 = arith.constant dense<true> : vector<16xi1>
      %parallel_loop3A_48, %parallel_loop3A_49, %parallel_loop3A_50 = tpu.sort %parallel_loop3A_46, %add3A_19 masked %parallel_loop3A_47 {descending = true} : (vector<16xf32>, vector<16xi32>, vector<16xi1>) -> (vector<16xi1>, vector<16xf32>, vector<16xi32>)
      %parallel_loop3A_51 = arith.index_cast %parallel_loop3A_29 : i32 to index
      %parallel_loop3A_52 = arith.constant 48 : index
      %parallel_loop3A_53 = tpu.vector_load %arg5[%parallel_loop3A_51, %parallel_loop3A_52] {strides = array<i32>} : memref<256x64xf32, #tpu.memory_space<vmem>>, vector<16xf32>,
      %parallel_loop3A_54 = arith.constant dense<true> : vector<16xi1>
      %parallel_loop3A_55, %parallel_loop3A_56, %parallel_loop3A_57 = tpu.sort %parallel_loop3A_53, %add3A_22 masked %parallel_loop3A_54 {descending = true} : (vector<16xf32>, vector<16xi32>, vector<16xi1>) -> (vector<16xi1>, vector<16xf32>, vector<16xi32>)
      %parallel_loop3A_58 = arith.constant 15 : i32
      %parallel_loop3A_59 = vector.broadcast %parallel_loop3A_58 : i32 to vector<16xi32>
      %parallel_loop3A_60 = tpu.iota {dimensions = array<i32: 0>} : vector<16xi32>
      %parallel_loop3A_61 = arith.subi %parallel_loop3A_59, %parallel_loop3A_60 : vector<16xi32>
      %parallel_loop3A_62 = tpu.dynamic_gather %parallel_loop3A_42[%parallel_loop3A_61] in [0] : vector<16xf32>, vector<16xi32> -> vector<16xf32>
      %parallel_loop3A_63 = arith.constant 15 : i32
      %parallel_loop3A_64 = vector.broadcast %parallel_loop3A_63 : i32 to vector<16xi32>
      %parallel_loop3A_65 = tpu.iota {dimensions = array<i32: 0>} : vector<16xi32>
      %parallel_loop3A_66 = arith.subi %parallel_loop3A_64, %parallel_loop3A_65 : vector<16xi32>
      %parallel_loop3A_67 = tpu.dynamic_gather %parallel_loop3A_43[%parallel_loop3A_66] in [0] : vector<16xi32>, vector<16xi32> -> vector<16xi32>
      %parallel_loop3A_68 = arith.cmpf oge, %parallel_loop3A_35, %parallel_loop3A_62 : vector<16xf32>
      %parallel_loop3A_69 = arith.select %parallel_loop3A_68, %parallel_loop3A_35, %parallel_loop3A_62 : vector<16xi1>, vector<16xf32>
      %parallel_loop3A_70 = arith.select %parallel_loop3A_68, %parallel_loop3A_36, %parallel_loop3A_67 : vector<16xi1>, vector<16xi32>
      %parallel_loop3A_71 = arith.constant dense<true> : vector<16xi1>
      %parallel_loop3A_72, %parallel_loop3A_73, %parallel_loop3A_74 = tpu.sort %parallel_loop3A_69, %parallel_loop3A_70 masked %parallel_loop3A_71 {descending = true} : (vector<16xf32>, vector<16xi32>, vector<16xi1>) -> (vector<16xi1>, vector<16xf32>, vector<16xi32>)
      %parallel_loop3A_75 = arith.constant 15 : i32
      %parallel_loop3A_76 = vector.broadcast %parallel_loop3A_75 : i32 to vector<16xi32>
      %parallel_loop3A_77 = tpu.iota {dimensions = array<i32: 0>} : vector<16xi32>
      %parallel_loop3A_78 = arith.subi %parallel_loop3A_76, %parallel_loop3A_77 : vector<16xi32>
      %parallel_loop3A_79 = tpu.dynamic_gather %parallel_loop3A_56[%parallel_loop3A_78] in [0] : vector<16xf32>, vector<16xi32> -> vector<16xf32>
      %parallel_loop3A_80 = arith.constant 15 : i32
      %parallel_loop3A_81 = vector.broadcast %parallel_loop3A_80 : i32 to vector<16xi32>
      %parallel_loop3A_82 = tpu.iota {dimensions = array<i32: 0>} : vector<16xi32>
      %parallel_loop3A_83 = arith.subi %parallel_loop3A_81, %parallel_loop3A_82 : vector<16xi32>
      %parallel_loop3A_84 = tpu.dynamic_gather %parallel_loop3A_57[%parallel_loop3A_83] in [0] : vector<16xi32>, vector<16xi32> -> vector<16xi32>
      %parallel_loop3A_85 = arith.cmpf oge, %parallel_loop3A_49, %parallel_loop3A_79 : vector<16xf32>
      %parallel_loop3A_86 = arith.select %parallel_loop3A_85, %parallel_loop3A_49, %parallel_loop3A_79 : vector<16xi1>, vector<16xf32>
      %parallel_loop3A_87 = arith.select %parallel_loop3A_85, %parallel_loop3A_50, %parallel_loop3A_84 : vector<16xi1>, vector<16xi32>
      %parallel_loop3A_88 = arith.constant dense<true> : vector<16xi1>
      %parallel_loop3A_89, %parallel_loop3A_90, %parallel_loop3A_91 = tpu.sort %parallel_loop3A_86, %parallel_loop3A_87 masked %parallel_loop3A_88 {descending = true} : (vector<16xf32>, vector<16xi32>, vector<16xi1>) -> (vector<16xi1>, vector<16xf32>, vector<16xi32>)
      %parallel_loop3A_92 = arith.constant 15 : i32
      %parallel_loop3A_93 = vector.broadcast %parallel_loop3A_92 : i32 to vector<16xi32>
      %parallel_loop3A_94 = tpu.iota {dimensions = array<i32: 0>} : vector<16xi32>
      %parallel_loop3A_95 = arith.subi %parallel_loop3A_93, %parallel_loop3A_94 : vector<16xi32>
      %parallel_loop3A_96 = tpu.dynamic_gather %parallel_loop3A_90[%parallel_loop3A_95] in [0] : vector<16xf32>, vector<16xi32> -> vector<16xf32>
      %parallel_loop3A_97 = arith.constant 15 : i32
      %parallel_loop3A_98 = vector.broadcast %parallel_loop3A_97 : i32 to vector<16xi32>
      %parallel_loop3A_99 = tpu.iota {dimensions = array<i32: 0>} : vector<16xi32>
      %parallel_loop3A_100 = arith.subi %parallel_loop3A_98, %parallel_loop3A_99 : vector<16xi32>
      %parallel_loop3A_101 = tpu.dynamic_gather %parallel_loop3A_91[%parallel_loop3A_100] in [0] : vector<16xi32>, vector<16xi32> -> vector<16xi32>
      %parallel_loop3A_102 = arith.cmpf oge, %parallel_loop3A_73, %parallel_loop3A_96 : vector<16xf32>
      %parallel_loop3A_103 = arith.select %parallel_loop3A_102, %parallel_loop3A_73, %parallel_loop3A_96 : vector<16xi1>, vector<16xf32>
      %parallel_loop3A_104 = arith.select %parallel_loop3A_102, %parallel_loop3A_74, %parallel_loop3A_101 : vector<16xi1>, vector<16xi32>
      %parallel_loop3A_105 = arith.constant dense<true> : vector<16xi1>
      %parallel_loop3A_106, %parallel_loop3A_107, %parallel_loop3A_108 = tpu.sort %parallel_loop3A_103, %parallel_loop3A_104 masked %parallel_loop3A_105 {descending = true} : (vector<16xf32>, vector<16xi32>, vector<16xi1>) -> (vector<16xi1>, vector<16xf32>, vector<16xi32>)
      %parallel_loop3A_109 = arith.constant 8 : i32
      %parallel_loop3A_110 = arith.muli %parallel_loop3A_29, %parallel_loop3A_109 : i32
      %parallel_loop3A_111 = arith.index_cast %parallel_loop3A_110 : i32 to index
      %parallel_loop3A_112 = tpu.vector_load %arg6[%parallel_loop3A_111] masked %lt3A_10 {strides = array<i32>} : memref<2064xf32, #tpu.memory_space<vmem>>, vector<16xf32>, vector<16xi1>
      tpu.vector_store %arg6[%parallel_loop3A_111], %parallel_loop3A_107 masked %lt3A_10 {strides = array<i32>} : memref<2064xf32, #tpu.memory_space<vmem>>, vector<16xf32>, vector<16xi1>
      %parallel_loop3A_113 = arith.constant 8 : i32
      %parallel_loop3A_114 = arith.muli %parallel_loop3A_29, %parallel_loop3A_113 : i32
      %parallel_loop3A_115 = arith.index_cast %parallel_loop3A_114 : i32 to index
      %parallel_loop3A_116 = tpu.vector_load %arg7[%parallel_loop3A_115] masked %lt3A_10 {strides = array<i32>} : memref<2064xi32, #tpu.memory_space<vmem>>, vector<16xi32>, vector<16xi1>
      tpu.vector_store %arg7[%parallel_loop3A_115], %parallel_loop3A_108 masked %lt3A_10 {strides = array<i32>} : memref<2064xi32, #tpu.memory_space<vmem>>, vector<16xi32>, vector<16xi1>
    } {sc.loop_unroll_factor = 4 : i64, sc.parallel_access}
    %mul3A_25 = arith.constant 2048 : i32
    %mul3A_26 = arith.muli %add3A, %mul3A_25 : i32
    "tpu.region"() ({
      %run_scoped3A = tpu.sem_alloc : memref<!tpu.dma_semaphore, #tpu.memory_space<semaphore_mem>>
      %dma_start3A_29 = arith.constant 0 : i32
      %dma_start3A_30 = tpu.memref_slice %arg6[%dma_start3A_29] : memref<2064xf32, #tpu.memory_space<vmem>> -> memref<2048xf32, #tpu.memory_space<vmem>>
      %dma_start3A_31 = tpu.memref_slice %arg3[%mul3A_26] : memref<65536xf32, #tpu.memory_space<hbm>> -> memref<2048xf32, #tpu.memory_space<hbm>>
      %dma_start3A_32 = tpu.memref_slice %arg3[%mul3A_26] : memref<65536xf32, #tpu.memory_space<hbm>> -> memref<2048xf32, #tpu.memory_space<hbm>>
      %dma_start3A_33 = arith.constant 0 : i32
      %dma_start3A_34 = tpu.memref_slice %arg6[%dma_start3A_33] : memref<2064xf32, #tpu.memory_space<vmem>> -> memref<2048xf32, #tpu.memory_space<vmem>>
      tpu.enqueue_dma source(%dma_start3A_34 : memref<2048xf32, #tpu.memory_space<vmem>>) target(%dma_start3A_32 : memref<2048xf32, #tpu.memory_space<hbm>>) target_semaphore(%run_scoped3A : memref<!tpu.dma_semaphore, #tpu.memory_space<semaphore_mem>>)
      %dma_wait3A_35 = arith.constant 0 : i32
      %dma_wait3A_36 = tpu.memref_slice %arg6[%dma_wait3A_35] : memref<2064xf32, #tpu.memory_space<vmem>> -> memref<2048xf32, #tpu.memory_space<vmem>>
      %dma_wait3A_37 = tpu.memref_slice %arg3[%mul3A_26] : memref<65536xf32, #tpu.memory_space<hbm>> -> memref<2048xf32, #tpu.memory_space<hbm>>
      %dma_wait3A_38 = tpu.memref_slice %arg3[%mul3A_26] : memref<65536xf32, #tpu.memory_space<hbm>> -> memref<2048xf32, #tpu.memory_space<hbm>>
      %dma_wait3A_39 = arith.constant 0 : i32
      %dma_wait3A_40 = tpu.memref_slice %arg6[%dma_wait3A_39] : memref<2064xf32, #tpu.memory_space<vmem>> -> memref<2048xf32, #tpu.memory_space<vmem>>
      tpu.wait_dma2 semaphore(%run_scoped3A : memref<!tpu.dma_semaphore, #tpu.memory_space<semaphore_mem>>) src(%dma_wait3A_40 : memref<2048xf32, #tpu.memory_space<vmem>>) dst(%dma_wait3A_38 : memref<2048xf32, #tpu.memory_space<hbm>>)
      tpu.yield
    }) : () -> ()
    %mul3A_27 = arith.constant 2048 : i32
    %mul3A_28 = arith.muli %add3A, %mul3A_27 : i32
    "tpu.region"() ({
      %run_scoped3A = tpu.sem_alloc : memref<!tpu.dma_semaphore, #tpu.memory_space<semaphore_mem>>
      %dma_start3A_29 = arith.constant 0 : i32
      %dma_start3A_30 = tpu.memref_slice %arg7[%dma_start3A_29] : memref<2064xi32, #tpu.memory_space<vmem>> -> memref<2048xi32, #tpu.memory_space<vmem>>
      %dma_start3A_31 = tpu.memref_slice %arg4[%mul3A_28] : memref<65536xi32, #tpu.memory_space<hbm>> -> memref<2048xi32, #tpu.memory_space<hbm>>
      %dma_start3A_32 = tpu.memref_slice %arg4[%mul3A_28] : memref<65536xi32, #tpu.memory_space<hbm>> -> memref<2048xi32, #tpu.memory_space<hbm>>
      %dma_start3A_33 = arith.constant 0 : i32
      %dma_start3A_34 = tpu.memref_slice %arg7[%dma_start3A_33] : memref<2064xi32, #tpu.memory_space<vmem>> -> memref<2048xi32, #tpu.memory_space<vmem>>
      tpu.enqueue_dma source(%dma_start3A_34 : memref<2048xi32, #tpu.memory_space<vmem>>) target(%dma_start3A_32 : memref<2048xi32, #tpu.memory_space<hbm>>) target_semaphore(%run_scoped3A : memref<!tpu.dma_semaphore, #tpu.memory_space<semaphore_mem>>)
      %dma_wait3A_35 = arith.constant 0 : i32
      %dma_wait3A_36 = tpu.memref_slice %arg7[%dma_wait3A_35] : memref<2064xi32, #tpu.memory_space<vmem>> -> memref<2048xi32, #tpu.memory_space<vmem>>
      %dma_wait3A_37 = tpu.memref_slice %arg4[%mul3A_28] : memref<65536xi32, #tpu.memory_space<hbm>> -> memref<2048xi32, #tpu.memory_space<hbm>>
      %dma_wait3A_38 = tpu.memref_slice %arg4[%mul3A_28] : memref<65536xi32, #tpu.memory_space<hbm>> -> memref<2048xi32, #tpu.memory_space<hbm>>
      %dma_wait3A_39 = arith.constant 0 : i32
      %dma_wait3A_40 = tpu.memref_slice %arg7[%dma_wait3A_39] : memref<2064xi32, #tpu.memory_space<vmem>> -> memref<2048xi32, #tpu.memory_space<vmem>>
      tpu.wait_dma2 semaphore(%run_scoped3A : memref<!tpu.dma_semaphore, #tpu.memory_space<semaphore_mem>>) src(%dma_wait3A_40 : memref<2048xi32, #tpu.memory_space<vmem>>) dst(%dma_wait3A_38 : memref<2048xi32, #tpu.memory_space<hbm>>)
      tpu.yield
    }) : () -> ()
    return
  }
}

#map = affine_map<(d0, d1) -> (0, 0)>
#map1 = affine_map<(d0, d1) -> (0)>
module attributes {stable_mosaic.version = 14 : i64} {
  func.func @_sc_topk_body(%arg0: i32, %arg1: i32, %arg2: memref<8192x64xf32, #tpu.memory_space<hbm>>, %arg3: memref<65536xf32, #tpu.memory_space<hbm>>, %arg4: memref<65536xi32, #tpu.memory_space<hbm>>, %arg5: memref<256x64xf32, #tpu.memory_space<vmem>>, %arg6: memref<2064xf32, #tpu.memory_space<vmem>>, %arg7: memref<2064xi32, #tpu.memory_space<vmem>>, %arg8: memref<!tpu.dma_semaphore, #tpu.memory_space<semaphore_mem>>) attributes {dimension_semantics = [#tpu.dimension_semantics<core_parallel>, #tpu.dimension_semantics<subcore_parallel>], iteration_bounds = array<i64: 2, 16>, scalar_prefetch = 0 : i64, scratch_operands = 4 : i64, tpu.core_type = #tpu.core_type<sc_vector_subcore>, window_params = [{transform_indices = #map}, {transform_indices = #map1}, {transform_indices = #map1}]} {
    %mul3A = arith.constant 2 : i32
    %mul3A_0 = arith.muli %arg1, %mul3A : i32
    %add3A = arith.addi %mul3A_0, %arg0 : i32
    %mul3A_1 = arith.constant 256 : i32
    %mul3A_2 = arith.muli %add3A, %mul3A_1 : i32
    %dma_start3A = arith.constant 0 : i32
    %dma_start3A_3 = tpu.memref_slice %arg2[%mul3A_2, %dma_start3A] : memref<8192x64xf32, #tpu.memory_space<hbm>> -> memref<256x64xf32, #tpu.memory_space<hbm>>
    %dma_start3A_4 = arith.constant 0 : i32
    %dma_start3A_5 = tpu.memref_slice %arg2[%mul3A_2, %dma_start3A_4] : memref<8192x64xf32, #tpu.memory_space<hbm>> -> memref<256x64xf32, #tpu.memory_space<hbm>>
    tpu.enqueue_dma source(%dma_start3A_5 : memref<256x64xf32, #tpu.memory_space<hbm>>) target(%arg5 : memref<256x64xf32, #tpu.memory_space<vmem>>) target_semaphore(%arg8 : memref<!tpu.dma_semaphore, #tpu.memory_space<semaphore_mem>>)
    %dma_wait3A = arith.constant 0 : i32
    %dma_wait3A_6 = tpu.memref_slice %arg2[%mul3A_2, %dma_wait3A] : memref<8192x64xf32, #tpu.memory_space<hbm>> -> memref<256x64xf32, #tpu.memory_space<hbm>>
    %dma_wait3A_7 = arith.constant 0 : i32
    %dma_wait3A_8 = tpu.memref_slice %arg2[%mul3A_2, %dma_wait3A_7] : memref<8192x64xf32, #tpu.memory_space<hbm>> -> memref<256x64xf32, #tpu.memory_space<hbm>>
    tpu.wait_dma2 semaphore(%arg8 : memref<!tpu.dma_semaphore, #tpu.memory_space<semaphore_mem>>) src(%dma_wait3A_8 : memref<256x64xf32, #tpu.memory_space<hbm>>) dst(%arg5 : memref<256x64xf32, #tpu.memory_space<vmem>>)
    %iota3A = tpu.iota {dimensions = array<i32: 0>} : vector<16xi32>
    %lt3A = arith.constant 8 : i32
    %lt3A_9 = vector.broadcast %lt3A : i32 to vector<16xi32>
    %lt3A_10 = arith.cmpi slt, %iota3A, %lt3A_9 : vector<16xi32>
    %add3A_11 = arith.constant 0 : i32
    %add3A_12 = vector.broadcast %add3A_11 : i32 to vector<16xi32>
    %add3A_13 = arith.addi %iota3A, %add3A_12 : vector<16xi32>
    %add3A_14 = arith.constant 16 : i32
    %add3A_15 = vector.broadcast %add3A_14 : i32 to vector<16xi32>
    %add3A_16 = arith.addi %iota3A, %add3A_15 : vector<16xi32>
    %add3A_17 = arith.constant 32 : i32
    %add3A_18 = vector.broadcast %add3A_17 : i32 to vector<16xi32>
    %add3A_19 = arith.addi %iota3A, %add3A_18 : vector<16xi32>
    %add3A_20 = arith.constant 48 : i32
    %add3A_21 = vector.broadcast %add3A_20 : i32 to vector<16xi32>
    %add3A_22 = arith.addi %iota3A, %add3A_21 : vector<16xi32>
    %parallel_loop3A = arith.constant 0 : i32
    %parallel_loop3A_23 = arith.constant 256 : i32
    %parallel_loop3A_24 = arith.constant 1 : i32
    scf.for %parallel_loop3A_29 = %parallel_loop3A to %parallel_loop3A_23 step %parallel_loop3A_24  : i32 {
      %parallel_loop3A_30 = arith.index_cast %parallel_loop3A_29 : i32 to index
      %parallel_loop3A_31 = arith.constant 0 : index
      %parallel_loop3A_32 = tpu.vector_load %arg5[%parallel_loop3A_30, %parallel_loop3A_31] {strides = array<i32>} : memref<256x64xf32, #tpu.memory_space<vmem>>, vector<16xf32>,
      %parallel_loop3A_33 = arith.constant dense<true> : vector<16xi1>
      %parallel_loop3A_34, %parallel_loop3A_35, %parallel_loop3A_36 = tpu.sort %parallel_loop3A_32, %add3A_13 masked %parallel_loop3A_33 {descending = true} : (vector<16xf32>, vector<16xi32>, vector<16xi1>) -> (vector<16xi1>, vector<16xf32>, vector<16xi32>)
      %parallel_loop3A_37 = arith.index_cast %parallel_loop3A_29 : i32 to index
      %parallel_loop3A_38 = arith.constant 16 : index
      %parallel_loop3A_39 = tpu.vector_load %arg5[%parallel_loop3A_37, %parallel_loop3A_38] {strides = array<i32>} : memref<256x64xf32, #tpu.memory_space<vmem>>, vector<16xf32>,
      %parallel_loop3A_40 = arith.constant dense<true> : vector<16xi1>
      %parallel_loop3A_41, %parallel_loop3A_42, %parallel_loop3A_43 = tpu.sort %parallel_loop3A_39, %add3A_16 masked %parallel_loop3A_40 {descending = true} : (vector<16xf32>, vector<16xi32>, vector<16xi1>) -> (vector<16xi1>, vector<16xf32>, vector<16xi32>)
      %parallel_loop3A_44 = arith.index_cast %parallel_loop3A_29 : i32 to index
      %parallel_loop3A_45 = arith.constant 32 : index
      %parallel_loop3A_46 = tpu.vector_load %arg5[%parallel_loop3A_44, %parallel_loop3A_45] {strides = array<i32>} : memref<256x64xf32, #tpu.memory_space<vmem>>, vector<16xf32>,
      %parallel_loop3A_47 = arith.constant dense<true> : vector<16xi1>
      %parallel_loop3A_48, %parallel_loop3A_49, %parallel_loop3A_50 = tpu.sort %parallel_loop3A_46, %add3A_19 masked %parallel_loop3A_47 {descending = true} : (vector<16xf32>, vector<16xi32>, vector<16xi1>) -> (vector<16xi1>, vector<16xf32>, vector<16xi32>)
      %parallel_loop3A_51 = arith.index_cast %parallel_loop3A_29 : i32 to index
      %parallel_loop3A_52 = arith.constant 48 : index
      %parallel_loop3A_53 = tpu.vector_load %arg5[%parallel_loop3A_51, %parallel_loop3A_52] {strides = array<i32>} : memref<256x64xf32, #tpu.memory_space<vmem>>, vector<16xf32>,
      %parallel_loop3A_54 = arith.constant dense<true> : vector<16xi1>
      %parallel_loop3A_55, %parallel_loop3A_56, %parallel_loop3A_57 = tpu.sort %parallel_loop3A_53, %add3A_22 masked %parallel_loop3A_54 {descending = true} : (vector<16xf32>, vector<16xi32>, vector<16xi1>) -> (vector<16xi1>, vector<16xf32>, vector<16xi32>)
      %parallel_loop3A_58 = arith.constant 15 : i32
      %parallel_loop3A_59 = vector.broadcast %parallel_loop3A_58 : i32 to vector<16xi32>
      %parallel_loop3A_60 = tpu.iota {dimensions = array<i32: 0>} : vector<16xi32>
      %parallel_loop3A_61 = arith.subi %parallel_loop3A_59, %parallel_loop3A_60 : vector<16xi32>
      %parallel_loop3A_62 = tpu.dynamic_gather %parallel_loop3A_42[%parallel_loop3A_61] in [0] : vector<16xf32>, vector<16xi32> -> vector<16xf32>
      %parallel_loop3A_63 = arith.constant 15 : i32
      %parallel_loop3A_64 = vector.broadcast %parallel_loop3A_63 : i32 to vector<16xi32>
      %parallel_loop3A_65 = tpu.iota {dimensions = array<i32: 0>} : vector<16xi32>
      %parallel_loop3A_66 = arith.subi %parallel_loop3A_64, %parallel_loop3A_65 : vector<16xi32>
      %parallel_loop3A_67 = tpu.dynamic_gather %parallel_loop3A_43[%parallel_loop3A_66] in [0] : vector<16xi32>, vector<16xi32> -> vector<16xi32>
      %parallel_loop3A_68 = arith.cmpf oge, %parallel_loop3A_35, %parallel_loop3A_62 : vector<16xf32>
      %parallel_loop3A_69 = arith.select %parallel_loop3A_68, %parallel_loop3A_35, %parallel_loop3A_62 : vector<16xi1>, vector<16xf32>
      %parallel_loop3A_70 = arith.select %parallel_loop3A_68, %parallel_loop3A_36, %parallel_loop3A_67 : vector<16xi1>, vector<16xi32>
      %parallel_loop3A_71 = arith.constant dense<true> : vector<16xi1>
      %parallel_loop3A_72, %parallel_loop3A_73, %parallel_loop3A_74 = tpu.sort %parallel_loop3A_69, %parallel_loop3A_70 masked %parallel_loop3A_71 {descending = true} : (vector<16xf32>, vector<16xi32>, vector<16xi1>) -> (vector<16xi1>, vector<16xf32>, vector<16xi32>)
      %parallel_loop3A_75 = arith.constant 15 : i32
      %parallel_loop3A_76 = vector.broadcast %parallel_loop3A_75 : i32 to vector<16xi32>
      %parallel_loop3A_77 = tpu.iota {dimensions = array<i32: 0>} : vector<16xi32>
      %parallel_loop3A_78 = arith.subi %parallel_loop3A_76, %parallel_loop3A_77 : vector<16xi32>
      %parallel_loop3A_79 = tpu.dynamic_gather %parallel_loop3A_56[%parallel_loop3A_78] in [0] : vector<16xf32>, vector<16xi32> -> vector<16xf32>
      %parallel_loop3A_80 = arith.constant 15 : i32
      %parallel_loop3A_81 = vector.broadcast %parallel_loop3A_80 : i32 to vector<16xi32>
      %parallel_loop3A_82 = tpu.iota {dimensions = array<i32: 0>} : vector<16xi32>
      %parallel_loop3A_83 = arith.subi %parallel_loop3A_81, %parallel_loop3A_82 : vector<16xi32>
      %parallel_loop3A_84 = tpu.dynamic_gather %parallel_loop3A_57[%parallel_loop3A_83] in [0] : vector<16xi32>, vector<16xi32> -> vector<16xi32>
      %parallel_loop3A_85 = arith.cmpf oge, %parallel_loop3A_49, %parallel_loop3A_79 : vector<16xf32>
      %parallel_loop3A_86 = arith.select %parallel_loop3A_85, %parallel_loop3A_49, %parallel_loop3A_79 : vector<16xi1>, vector<16xf32>
      %parallel_loop3A_87 = arith.select %parallel_loop3A_85, %parallel_loop3A_50, %parallel_loop3A_84 : vector<16xi1>, vector<16xi32>
      %parallel_loop3A_88 = arith.constant dense<true> : vector<16xi1>
      %parallel_loop3A_89, %parallel_loop3A_90, %parallel_loop3A_91 = tpu.sort %parallel_loop3A_86, %parallel_loop3A_87 masked %parallel_loop3A_88 {descending = true} : (vector<16xf32>, vector<16xi32>, vector<16xi1>) -> (vector<16xi1>, vector<16xf32>, vector<16xi32>)
      %parallel_loop3A_92 = arith.constant 15 : i32
      %parallel_loop3A_93 = vector.broadcast %parallel_loop3A_92 : i32 to vector<16xi32>
      %parallel_loop3A_94 = tpu.iota {dimensions = array<i32: 0>} : vector<16xi32>
      %parallel_loop3A_95 = arith.subi %parallel_loop3A_93, %parallel_loop3A_94 : vector<16xi32>
      %parallel_loop3A_96 = tpu.dynamic_gather %parallel_loop3A_90[%parallel_loop3A_95] in [0] : vector<16xf32>, vector<16xi32> -> vector<16xf32>
      %parallel_loop3A_97 = arith.constant 15 : i32
      %parallel_loop3A_98 = vector.broadcast %parallel_loop3A_97 : i32 to vector<16xi32>
      %parallel_loop3A_99 = tpu.iota {dimensions = array<i32: 0>} : vector<16xi32>
      %parallel_loop3A_100 = arith.subi %parallel_loop3A_98, %parallel_loop3A_99 : vector<16xi32>
      %parallel_loop3A_101 = tpu.dynamic_gather %parallel_loop3A_91[%parallel_loop3A_100] in [0] : vector<16xi32>, vector<16xi32> -> vector<16xi32>
      %parallel_loop3A_102 = arith.cmpf oge, %parallel_loop3A_73, %parallel_loop3A_96 : vector<16xf32>
      %parallel_loop3A_103 = arith.select %parallel_loop3A_102, %parallel_loop3A_73, %parallel_loop3A_96 : vector<16xi1>, vector<16xf32>
      %parallel_loop3A_104 = arith.select %parallel_loop3A_102, %parallel_loop3A_74, %parallel_loop3A_101 : vector<16xi1>, vector<16xi32>
      %parallel_loop3A_105 = arith.constant dense<true> : vector<16xi1>
      %parallel_loop3A_106, %parallel_loop3A_107, %parallel_loop3A_108 = tpu.sort %parallel_loop3A_103, %parallel_loop3A_104 masked %parallel_loop3A_105 {descending = true} : (vector<16xf32>, vector<16xi32>, vector<16xi1>) -> (vector<16xi1>, vector<16xf32>, vector<16xi32>)
      %parallel_loop3A_109 = arith.constant 8 : i32
      %parallel_loop3A_110 = arith.muli %parallel_loop3A_29, %parallel_loop3A_109 : i32
      %parallel_loop3A_111 = arith.index_cast %parallel_loop3A_110 : i32 to index
      %parallel_loop3A_112 = tpu.vector_load %arg6[%parallel_loop3A_111] masked %lt3A_10 {strides = array<i32>} : memref<2064xf32, #tpu.memory_space<vmem>>, vector<16xf32>, vector<16xi1>
      tpu.vector_store %arg6[%parallel_loop3A_111], %parallel_loop3A_107 masked %lt3A_10 {strides = array<i32>} : memref<2064xf32, #tpu.memory_space<vmem>>, vector<16xf32>, vector<16xi1>
      %parallel_loop3A_113 = arith.constant 8 : i32
      %parallel_loop3A_114 = arith.muli %parallel_loop3A_29, %parallel_loop3A_113 : i32
      %parallel_loop3A_115 = arith.index_cast %parallel_loop3A_114 : i32 to index
      %parallel_loop3A_116 = tpu.vector_load %arg7[%parallel_loop3A_115] masked %lt3A_10 {strides = array<i32>} : memref<2064xi32, #tpu.memory_space<vmem>>, vector<16xi32>, vector<16xi1>
      tpu.vector_store %arg7[%parallel_loop3A_115], %parallel_loop3A_108 masked %lt3A_10 {strides = array<i32>} : memref<2064xi32, #tpu.memory_space<vmem>>, vector<16xi32>, vector<16xi1>
    } {sc.loop_unroll_factor = 4 : i64, sc.parallel_access}
    %mul3A_25 = arith.constant 2048 : i32
    %mul3A_26 = arith.muli %add3A, %mul3A_25 : i32
    "tpu.region"() ({
      %run_scoped3A = tpu.sem_alloc : memref<!tpu.dma_semaphore, #tpu.memory_space<semaphore_mem>>
      %dma_start3A_29 = arith.constant 0 : i32
      %dma_start3A_30 = tpu.memref_slice %arg6[%dma_start3A_29] : memref<2064xf32, #tpu.memory_space<vmem>> -> memref<2048xf32, #tpu.memory_space<vmem>>
      %dma_start3A_31 = tpu.memref_slice %arg3[%mul3A_26] : memref<65536xf32, #tpu.memory_space<hbm>> -> memref<2048xf32, #tpu.memory_space<hbm>>
      %dma_start3A_32 = tpu.memref_slice %arg3[%mul3A_26] : memref<65536xf32, #tpu.memory_space<hbm>> -> memref<2048xf32, #tpu.memory_space<hbm>>
      %dma_start3A_33 = arith.constant 0 : i32
      %dma_start3A_34 = tpu.memref_slice %arg6[%dma_start3A_33] : memref<2064xf32, #tpu.memory_space<vmem>> -> memref<2048xf32, #tpu.memory_space<vmem>>
      tpu.enqueue_dma source(%dma_start3A_34 : memref<2048xf32, #tpu.memory_space<vmem>>) target(%dma_start3A_32 : memref<2048xf32, #tpu.memory_space<hbm>>) target_semaphore(%run_scoped3A : memref<!tpu.dma_semaphore, #tpu.memory_space<semaphore_mem>>)
      %dma_wait3A_35 = arith.constant 0 : i32
      %dma_wait3A_36 = tpu.memref_slice %arg6[%dma_wait3A_35] : memref<2064xf32, #tpu.memory_space<vmem>> -> memref<2048xf32, #tpu.memory_space<vmem>>
      %dma_wait3A_37 = tpu.memref_slice %arg3[%mul3A_26] : memref<65536xf32, #tpu.memory_space<hbm>> -> memref<2048xf32, #tpu.memory_space<hbm>>
      %dma_wait3A_38 = tpu.memref_slice %arg3[%mul3A_26] : memref<65536xf32, #tpu.memory_space<hbm>> -> memref<2048xf32, #tpu.memory_space<hbm>>
      %dma_wait3A_39 = arith.constant 0 : i32
      %dma_wait3A_40 = tpu.memref_slice %arg6[%dma_wait3A_39] : memref<2064xf32, #tpu.memory_space<vmem>> -> memref<2048xf32, #tpu.memory_space<vmem>>
      tpu.wait_dma2 semaphore(%run_scoped3A : memref<!tpu.dma_semaphore, #tpu.memory_space<semaphore_mem>>) src(%dma_wait3A_40 : memref<2048xf32, #tpu.memory_space<vmem>>) dst(%dma_wait3A_38 : memref<2048xf32, #tpu.memory_space<hbm>>)
      tpu.yield
    }) : () -> ()
    %mul3A_27 = arith.constant 2048 : i32
    %mul3A_28 = arith.muli %add3A, %mul3A_27 : i32
    "tpu.region"() ({
      %run_scoped3A = tpu.sem_alloc : memref<!tpu.dma_semaphore, #tpu.memory_space<semaphore_mem>>
      %dma_start3A_29 = arith.constant 0 : i32
      %dma_start3A_30 = tpu.memref_slice %arg7[%dma_start3A_29] : memref<2064xi32, #tpu.memory_space<vmem>> -> memref<2048xi32, #tpu.memory_space<vmem>>
      %dma_start3A_31 = tpu.memref_slice %arg4[%mul3A_28] : memref<65536xi32, #tpu.memory_space<hbm>> -> memref<2048xi32, #tpu.memory_space<hbm>>
      %dma_start3A_32 = tpu.memref_slice %arg4[%mul3A_28] : memref<65536xi32, #tpu.memory_space<hbm>> -> memref<2048xi32, #tpu.memory_space<hbm>>
      %dma_start3A_33 = arith.constant 0 : i32
      %dma_start3A_34 = tpu.memref_slice %arg7[%dma_start3A_33] : memref<2064xi32, #tpu.memory_space<vmem>> -> memref<2048xi32, #tpu.memory_space<vmem>>
      tpu.enqueue_dma source(%dma_start3A_34 : memref<2048xi32, #tpu.memory_space<vmem>>) target(%dma_start3A_32 : memref<2048xi32, #tpu.memory_space<hbm>>) target_semaphore(%run_scoped3A : memref<!tpu.dma_semaphore, #tpu.memory_space<semaphore_mem>>)
      %dma_wait3A_35 = arith.constant 0 : i32
      %dma_wait3A_36 = tpu.memref_slice %arg7[%dma_wait3A_35] : memref<2064xi32, #tpu.memory_space<vmem>> -> memref<2048xi32, #tpu.memory_space<vmem>>
      %dma_wait3A_37 = tpu.memref_slice %arg4[%mul3A_28] : memref<65536xi32, #tpu.memory_space<hbm>> -> memref<2048xi32, #tpu.memory_space<hbm>>
      %dma_wait3A_38 = tpu.memref_slice %arg4[%mul3A_28] : memref<65536xi32, #tpu.memory_space<hbm>> -> memref<2048xi32, #tpu.memory_space<hbm>>
      %dma_wait3A_39 = arith.constant 0 : i32
      %dma_wait3A_40 = tpu.memref_slice %arg7[%dma_wait3A_39] : memref<2064xi32, #tpu.memory_space<vmem>> -> memref<2048xi32, #tpu.memory_space<vmem>>
      tpu.wait_dma2 semaphore(%run_scoped3A : memref<!tpu.dma_semaphore, #tpu.memory_space<semaphore_mem>>) src(%dma_wait3A_40 : memref<2048xi32, #tpu.memory_space<vmem>>) dst(%dma_wait3A_38 : memref<2048xi32, #tpu.memory_space<hbm>>)
      tpu.yield
    }) : () -> ()
    return
  }
}

#map = affine_map<(d0, d1) -> (0, 0)>
#map1 = affine_map<(d0, d1) -> (0)>
module attributes {stable_mosaic.version = 14 : i64} {
  func.func @_sc_topk_body(%arg0: i32, %arg1: i32, %arg2: memref<8192x64xf32, #tpu.memory_space<hbm>>, %arg3: memref<65536xf32, #tpu.memory_space<hbm>>, %arg4: memref<65536xi32, #tpu.memory_space<hbm>>, %arg5: memref<256x64xf32, #tpu.memory_space<vmem>>, %arg6: memref<2064xf32, #tpu.memory_space<vmem>>, %arg7: memref<2064xi32, #tpu.memory_space<vmem>>, %arg8: memref<!tpu.dma_semaphore, #tpu.memory_space<semaphore_mem>>) attributes {dimension_semantics = [#tpu.dimension_semantics<core_parallel>, #tpu.dimension_semantics<subcore_parallel>], iteration_bounds = array<i64: 2, 16>, scalar_prefetch = 0 : i64, scratch_operands = 4 : i64, tpu.core_type = #tpu.core_type<sc_vector_subcore>, window_params = [{transform_indices = #map}, {transform_indices = #map1}, {transform_indices = #map1}]} {
    %mul3A = arith.constant 2 : i32
    %mul3A_0 = arith.muli %arg1, %mul3A : i32
    %add3A = arith.addi %mul3A_0, %arg0 : i32
    %mul3A_1 = arith.constant 256 : i32
    %mul3A_2 = arith.muli %add3A, %mul3A_1 : i32
    %dma_start3A = arith.constant 0 : i32
    %dma_start3A_3 = tpu.memref_slice %arg2[%mul3A_2, %dma_start3A] : memref<8192x64xf32, #tpu.memory_space<hbm>> -> memref<256x64xf32, #tpu.memory_space<hbm>>
    %dma_start3A_4 = arith.constant 0 : i32
    %dma_start3A_5 = tpu.memref_slice %arg2[%mul3A_2, %dma_start3A_4] : memref<8192x64xf32, #tpu.memory_space<hbm>> -> memref<256x64xf32, #tpu.memory_space<hbm>>
    tpu.enqueue_dma source(%dma_start3A_5 : memref<256x64xf32, #tpu.memory_space<hbm>>) target(%arg5 : memref<256x64xf32, #tpu.memory_space<vmem>>) target_semaphore(%arg8 : memref<!tpu.dma_semaphore, #tpu.memory_space<semaphore_mem>>)
    %dma_wait3A = arith.constant 0 : i32
    %dma_wait3A_6 = tpu.memref_slice %arg2[%mul3A_2, %dma_wait3A] : memref<8192x64xf32, #tpu.memory_space<hbm>> -> memref<256x64xf32, #tpu.memory_space<hbm>>
    %dma_wait3A_7 = arith.constant 0 : i32
    %dma_wait3A_8 = tpu.memref_slice %arg2[%mul3A_2, %dma_wait3A_7] : memref<8192x64xf32, #tpu.memory_space<hbm>> -> memref<256x64xf32, #tpu.memory_space<hbm>>
    tpu.wait_dma2 semaphore(%arg8 : memref<!tpu.dma_semaphore, #tpu.memory_space<semaphore_mem>>) src(%dma_wait3A_8 : memref<256x64xf32, #tpu.memory_space<hbm>>) dst(%arg5 : memref<256x64xf32, #tpu.memory_space<vmem>>)
    %iota3A = tpu.iota {dimensions = array<i32: 0>} : vector<16xi32>
    %lt3A = arith.constant 8 : i32
    %lt3A_9 = vector.broadcast %lt3A : i32 to vector<16xi32>
    %lt3A_10 = arith.cmpi slt, %iota3A, %lt3A_9 : vector<16xi32>
    %add3A_11 = arith.constant 0 : i32
    %add3A_12 = vector.broadcast %add3A_11 : i32 to vector<16xi32>
    %add3A_13 = arith.addi %iota3A, %add3A_12 : vector<16xi32>
    %add3A_14 = arith.constant 16 : i32
    %add3A_15 = vector.broadcast %add3A_14 : i32 to vector<16xi32>
    %add3A_16 = arith.addi %iota3A, %add3A_15 : vector<16xi32>
    %add3A_17 = arith.constant 32 : i32
    %add3A_18 = vector.broadcast %add3A_17 : i32 to vector<16xi32>
    %add3A_19 = arith.addi %iota3A, %add3A_18 : vector<16xi32>
    %add3A_20 = arith.constant 48 : i32
    %add3A_21 = vector.broadcast %add3A_20 : i32 to vector<16xi32>
    %add3A_22 = arith.addi %iota3A, %add3A_21 : vector<16xi32>
    %parallel_loop3A = arith.constant 0 : i32
    %parallel_loop3A_23 = arith.constant 256 : i32
    %parallel_loop3A_24 = arith.constant 1 : i32
    scf.for %parallel_loop3A_29 = %parallel_loop3A to %parallel_loop3A_23 step %parallel_loop3A_24  : i32 {
      %parallel_loop3A_30 = arith.index_cast %parallel_loop3A_29 : i32 to index
      %parallel_loop3A_31 = arith.constant 0 : index
      %parallel_loop3A_32 = tpu.vector_load %arg5[%parallel_loop3A_30, %parallel_loop3A_31] {strides = array<i32>} : memref<256x64xf32, #tpu.memory_space<vmem>>, vector<16xf32>,
      %parallel_loop3A_33 = arith.constant dense<true> : vector<16xi1>
      %parallel_loop3A_34, %parallel_loop3A_35, %parallel_loop3A_36 = tpu.sort %parallel_loop3A_32, %add3A_13 masked %parallel_loop3A_33 {descending = true} : (vector<16xf32>, vector<16xi32>, vector<16xi1>) -> (vector<16xi1>, vector<16xf32>, vector<16xi32>)
      %parallel_loop3A_37 = arith.index_cast %parallel_loop3A_29 : i32 to index
      %parallel_loop3A_38 = arith.constant 16 : index
      %parallel_loop3A_39 = tpu.vector_load %arg5[%parallel_loop3A_37, %parallel_loop3A_38] {strides = array<i32>} : memref<256x64xf32, #tpu.memory_space<vmem>>, vector<16xf32>,
      %parallel_loop3A_40 = arith.constant dense<true> : vector<16xi1>
      %parallel_loop3A_41, %parallel_loop3A_42, %parallel_loop3A_43 = tpu.sort %parallel_loop3A_39, %add3A_16 masked %parallel_loop3A_40 {descending = true} : (vector<16xf32>, vector<16xi32>, vector<16xi1>) -> (vector<16xi1>, vector<16xf32>, vector<16xi32>)
      %parallel_loop3A_44 = arith.index_cast %parallel_loop3A_29 : i32 to index
      %parallel_loop3A_45 = arith.constant 32 : index
      %parallel_loop3A_46 = tpu.vector_load %arg5[%parallel_loop3A_44, %parallel_loop3A_45] {strides = array<i32>} : memref<256x64xf32, #tpu.memory_space<vmem>>, vector<16xf32>,
      %parallel_loop3A_47 = arith.constant dense<true> : vector<16xi1>
      %parallel_loop3A_48, %parallel_loop3A_49, %parallel_loop3A_50 = tpu.sort %parallel_loop3A_46, %add3A_19 masked %parallel_loop3A_47 {descending = true} : (vector<16xf32>, vector<16xi32>, vector<16xi1>) -> (vector<16xi1>, vector<16xf32>, vector<16xi32>)
      %parallel_loop3A_51 = arith.index_cast %parallel_loop3A_29 : i32 to index
      %parallel_loop3A_52 = arith.constant 48 : index
      %parallel_loop3A_53 = tpu.vector_load %arg5[%parallel_loop3A_51, %parallel_loop3A_52] {strides = array<i32>} : memref<256x64xf32, #tpu.memory_space<vmem>>, vector<16xf32>,
      %parallel_loop3A_54 = arith.constant dense<true> : vector<16xi1>
      %parallel_loop3A_55, %parallel_loop3A_56, %parallel_loop3A_57 = tpu.sort %parallel_loop3A_53, %add3A_22 masked %parallel_loop3A_54 {descending = true} : (vector<16xf32>, vector<16xi32>, vector<16xi1>) -> (vector<16xi1>, vector<16xf32>, vector<16xi32>)
      %parallel_loop3A_58 = arith.constant 15 : i32
      %parallel_loop3A_59 = vector.broadcast %parallel_loop3A_58 : i32 to vector<16xi32>
      %parallel_loop3A_60 = tpu.iota {dimensions = array<i32: 0>} : vector<16xi32>
      %parallel_loop3A_61 = arith.subi %parallel_loop3A_59, %parallel_loop3A_60 : vector<16xi32>
      %parallel_loop3A_62 = tpu.dynamic_gather %parallel_loop3A_42[%parallel_loop3A_61] in [0] : vector<16xf32>, vector<16xi32> -> vector<16xf32>
      %parallel_loop3A_63 = arith.constant 15 : i32
      %parallel_loop3A_64 = vector.broadcast %parallel_loop3A_63 : i32 to vector<16xi32>
      %parallel_loop3A_65 = tpu.iota {dimensions = array<i32: 0>} : vector<16xi32>
      %parallel_loop3A_66 = arith.subi %parallel_loop3A_64, %parallel_loop3A_65 : vector<16xi32>
      %parallel_loop3A_67 = tpu.dynamic_gather %parallel_loop3A_43[%parallel_loop3A_66] in [0] : vector<16xi32>, vector<16xi32> -> vector<16xi32>
      %parallel_loop3A_68 = arith.cmpf oge, %parallel_loop3A_35, %parallel_loop3A_62 : vector<16xf32>
      %parallel_loop3A_69 = arith.select %parallel_loop3A_68, %parallel_loop3A_35, %parallel_loop3A_62 : vector<16xi1>, vector<16xf32>
      %parallel_loop3A_70 = arith.select %parallel_loop3A_68, %parallel_loop3A_36, %parallel_loop3A_67 : vector<16xi1>, vector<16xi32>
      %parallel_loop3A_71 = arith.constant dense<true> : vector<16xi1>
      %parallel_loop3A_72, %parallel_loop3A_73, %parallel_loop3A_74 = tpu.sort %parallel_loop3A_69, %parallel_loop3A_70 masked %parallel_loop3A_71 {descending = true} : (vector<16xf32>, vector<16xi32>, vector<16xi1>) -> (vector<16xi1>, vector<16xf32>, vector<16xi32>)
      %parallel_loop3A_75 = arith.constant 15 : i32
      %parallel_loop3A_76 = vector.broadcast %parallel_loop3A_75 : i32 to vector<16xi32>
      %parallel_loop3A_77 = tpu.iota {dimensions = array<i32: 0>} : vector<16xi32>
      %parallel_loop3A_78 = arith.subi %parallel_loop3A_76, %parallel_loop3A_77 : vector<16xi32>
      %parallel_loop3A_79 = tpu.dynamic_gather %parallel_loop3A_56[%parallel_loop3A_78] in [0] : vector<16xf32>, vector<16xi32> -> vector<16xf32>
      %parallel_loop3A_80 = arith.constant 15 : i32
      %parallel_loop3A_81 = vector.broadcast %parallel_loop3A_80 : i32 to vector<16xi32>
      %parallel_loop3A_82 = tpu.iota {dimensions = array<i32: 0>} : vector<16xi32>
      %parallel_loop3A_83 = arith.subi %parallel_loop3A_81, %parallel_loop3A_82 : vector<16xi32>
      %parallel_loop3A_84 = tpu.dynamic_gather %parallel_loop3A_57[%parallel_loop3A_83] in [0] : vector<16xi32>, vector<16xi32> -> vector<16xi32>
      %parallel_loop3A_85 = arith.cmpf oge, %parallel_loop3A_49, %parallel_loop3A_79 : vector<16xf32>
      %parallel_loop3A_86 = arith.select %parallel_loop3A_85, %parallel_loop3A_49, %parallel_loop3A_79 : vector<16xi1>, vector<16xf32>
      %parallel_loop3A_87 = arith.select %parallel_loop3A_85, %parallel_loop3A_50, %parallel_loop3A_84 : vector<16xi1>, vector<16xi32>
      %parallel_loop3A_88 = arith.constant dense<true> : vector<16xi1>
      %parallel_loop3A_89, %parallel_loop3A_90, %parallel_loop3A_91 = tpu.sort %parallel_loop3A_86, %parallel_loop3A_87 masked %parallel_loop3A_88 {descending = true} : (vector<16xf32>, vector<16xi32>, vector<16xi1>) -> (vector<16xi1>, vector<16xf32>, vector<16xi32>)
      %parallel_loop3A_92 = arith.constant 15 : i32
      %parallel_loop3A_93 = vector.broadcast %parallel_loop3A_92 : i32 to vector<16xi32>
      %parallel_loop3A_94 = tpu.iota {dimensions = array<i32: 0>} : vector<16xi32>
      %parallel_loop3A_95 = arith.subi %parallel_loop3A_93, %parallel_loop3A_94 : vector<16xi32>
      %parallel_loop3A_96 = tpu.dynamic_gather %parallel_loop3A_90[%parallel_loop3A_95] in [0] : vector<16xf32>, vector<16xi32> -> vector<16xf32>
      %parallel_loop3A_97 = arith.constant 15 : i32
      %parallel_loop3A_98 = vector.broadcast %parallel_loop3A_97 : i32 to vector<16xi32>
      %parallel_loop3A_99 = tpu.iota {dimensions = array<i32: 0>} : vector<16xi32>
      %parallel_loop3A_100 = arith.subi %parallel_loop3A_98, %parallel_loop3A_99 : vector<16xi32>
      %parallel_loop3A_101 = tpu.dynamic_gather %parallel_loop3A_91[%parallel_loop3A_100] in [0] : vector<16xi32>, vector<16xi32> -> vector<16xi32>
      %parallel_loop3A_102 = arith.cmpf oge, %parallel_loop3A_73, %parallel_loop3A_96 : vector<16xf32>
      %parallel_loop3A_103 = arith.select %parallel_loop3A_102, %parallel_loop3A_73, %parallel_loop3A_96 : vector<16xi1>, vector<16xf32>
      %parallel_loop3A_104 = arith.select %parallel_loop3A_102, %parallel_loop3A_74, %parallel_loop3A_101 : vector<16xi1>, vector<16xi32>
      %parallel_loop3A_105 = arith.constant dense<true> : vector<16xi1>
      %parallel_loop3A_106, %parallel_loop3A_107, %parallel_loop3A_108 = tpu.sort %parallel_loop3A_103, %parallel_loop3A_104 masked %parallel_loop3A_105 {descending = true} : (vector<16xf32>, vector<16xi32>, vector<16xi1>) -> (vector<16xi1>, vector<16xf32>, vector<16xi32>)
      %parallel_loop3A_109 = arith.constant 8 : i32
      %parallel_loop3A_110 = arith.muli %parallel_loop3A_29, %parallel_loop3A_109 : i32
      %parallel_loop3A_111 = arith.index_cast %parallel_loop3A_110 : i32 to index
      %parallel_loop3A_112 = tpu.vector_load %arg6[%parallel_loop3A_111] masked %lt3A_10 {strides = array<i32>} : memref<2064xf32, #tpu.memory_space<vmem>>, vector<16xf32>, vector<16xi1>
      tpu.vector_store %arg6[%parallel_loop3A_111], %parallel_loop3A_107 masked %lt3A_10 {strides = array<i32>} : memref<2064xf32, #tpu.memory_space<vmem>>, vector<16xf32>, vector<16xi1>
      %parallel_loop3A_113 = arith.constant 8 : i32
      %parallel_loop3A_114 = arith.muli %parallel_loop3A_29, %parallel_loop3A_113 : i32
      %parallel_loop3A_115 = arith.index_cast %parallel_loop3A_114 : i32 to index
      %parallel_loop3A_116 = tpu.vector_load %arg7[%parallel_loop3A_115] masked %lt3A_10 {strides = array<i32>} : memref<2064xi32, #tpu.memory_space<vmem>>, vector<16xi32>, vector<16xi1>
      tpu.vector_store %arg7[%parallel_loop3A_115], %parallel_loop3A_108 masked %lt3A_10 {strides = array<i32>} : memref<2064xi32, #tpu.memory_space<vmem>>, vector<16xi32>, vector<16xi1>
    } {sc.loop_unroll_factor = 4 : i64, sc.parallel_access}
    %mul3A_25 = arith.constant 2048 : i32
    %mul3A_26 = arith.muli %add3A, %mul3A_25 : i32
    "tpu.region"() ({
      %run_scoped3A = tpu.sem_alloc : memref<!tpu.dma_semaphore, #tpu.memory_space<semaphore_mem>>
      %dma_start3A_29 = arith.constant 0 : i32
      %dma_start3A_30 = tpu.memref_slice %arg6[%dma_start3A_29] : memref<2064xf32, #tpu.memory_space<vmem>> -> memref<2048xf32, #tpu.memory_space<vmem>>
      %dma_start3A_31 = tpu.memref_slice %arg3[%mul3A_26] : memref<65536xf32, #tpu.memory_space<hbm>> -> memref<2048xf32, #tpu.memory_space<hbm>>
      %dma_start3A_32 = tpu.memref_slice %arg3[%mul3A_26] : memref<65536xf32, #tpu.memory_space<hbm>> -> memref<2048xf32, #tpu.memory_space<hbm>>
      %dma_start3A_33 = arith.constant 0 : i32
      %dma_start3A_34 = tpu.memref_slice %arg6[%dma_start3A_33] : memref<2064xf32, #tpu.memory_space<vmem>> -> memref<2048xf32, #tpu.memory_space<vmem>>
      tpu.enqueue_dma source(%dma_start3A_34 : memref<2048xf32, #tpu.memory_space<vmem>>) target(%dma_start3A_32 : memref<2048xf32, #tpu.memory_space<hbm>>) target_semaphore(%run_scoped3A : memref<!tpu.dma_semaphore, #tpu.memory_space<semaphore_mem>>)
      %dma_wait3A_35 = arith.constant 0 : i32
      %dma_wait3A_36 = tpu.memref_slice %arg6[%dma_wait3A_35] : memref<2064xf32, #tpu.memory_space<vmem>> -> memref<2048xf32, #tpu.memory_space<vmem>>
      %dma_wait3A_37 = tpu.memref_slice %arg3[%mul3A_26] : memref<65536xf32, #tpu.memory_space<hbm>> -> memref<2048xf32, #tpu.memory_space<hbm>>
      %dma_wait3A_38 = tpu.memref_slice %arg3[%mul3A_26] : memref<65536xf32, #tpu.memory_space<hbm>> -> memref<2048xf32, #tpu.memory_space<hbm>>
      %dma_wait3A_39 = arith.constant 0 : i32
      %dma_wait3A_40 = tpu.memref_slice %arg6[%dma_wait3A_39] : memref<2064xf32, #tpu.memory_space<vmem>> -> memref<2048xf32, #tpu.memory_space<vmem>>
      tpu.wait_dma2 semaphore(%run_scoped3A : memref<!tpu.dma_semaphore, #tpu.memory_space<semaphore_mem>>) src(%dma_wait3A_40 : memref<2048xf32, #tpu.memory_space<vmem>>) dst(%dma_wait3A_38 : memref<2048xf32, #tpu.memory_space<hbm>>)
      tpu.yield
    }) : () -> ()
    %mul3A_27 = arith.constant 2048 : i32
    %mul3A_28 = arith.muli %add3A, %mul3A_27 : i32
    "tpu.region"() ({
      %run_scoped3A = tpu.sem_alloc : memref<!tpu.dma_semaphore, #tpu.memory_space<semaphore_mem>>
      %dma_start3A_29 = arith.constant 0 : i32
      %dma_start3A_30 = tpu.memref_slice %arg7[%dma_start3A_29] : memref<2064xi32, #tpu.memory_space<vmem>> -> memref<2048xi32, #tpu.memory_space<vmem>>
      %dma_start3A_31 = tpu.memref_slice %arg4[%mul3A_28] : memref<65536xi32, #tpu.memory_space<hbm>> -> memref<2048xi32, #tpu.memory_space<hbm>>
      %dma_start3A_32 = tpu.memref_slice %arg4[%mul3A_28] : memref<65536xi32, #tpu.memory_space<hbm>> -> memref<2048xi32, #tpu.memory_space<hbm>>
      %dma_start3A_33 = arith.constant 0 : i32
      %dma_start3A_34 = tpu.memref_slice %arg7[%dma_start3A_33] : memref<2064xi32, #tpu.memory_space<vmem>> -> memref<2048xi32, #tpu.memory_space<vmem>>
      tpu.enqueue_dma source(%dma_start3A_34 : memref<2048xi32, #tpu.memory_space<vmem>>) target(%dma_start3A_32 : memref<2048xi32, #tpu.memory_space<hbm>>) target_semaphore(%run_scoped3A : memref<!tpu.dma_semaphore, #tpu.memory_space<semaphore_mem>>)
      %dma_wait3A_35 = arith.constant 0 : i32
      %dma_wait3A_36 = tpu.memref_slice %arg7[%dma_wait3A_35] : memref<2064xi32, #tpu.memory_space<vmem>> -> memref<2048xi32, #tpu.memory_space<vmem>>
      %dma_wait3A_37 = tpu.memref_slice %arg4[%mul3A_28] : memref<65536xi32, #tpu.memory_space<hbm>> -> memref<2048xi32, #tpu.memory_space<hbm>>
      %dma_wait3A_38 = tpu.memref_slice %arg4[%mul3A_28] : memref<65536xi32, #tpu.memory_space<hbm>> -> memref<2048xi32, #tpu.memory_space<hbm>>
      %dma_wait3A_39 = arith.constant 0 : i32
      %dma_wait3A_40 = tpu.memref_slice %arg7[%dma_wait3A_39] : memref<2064xi32, #tpu.memory_space<vmem>> -> memref<2048xi32, #tpu.memory_space<vmem>>
      tpu.wait_dma2 semaphore(%run_scoped3A : memref<!tpu.dma_semaphore, #tpu.memory_space<semaphore_mem>>) src(%dma_wait3A_40 : memref<2048xi32, #tpu.memory_space<vmem>>) dst(%dma_wait3A_38 : memref<2048xi32, #tpu.memory_space<hbm>>)
      tpu.yield
    }) : () -> ()
    return
  }
}

module attributes {stable_mosaic.version = 14 : i64} {
  func.func @_probs_block_kernel(%arg0: i32, %arg1: memref<1024x2048xf32, #tpu.memory_space<vmem>>, %arg2: memref<2048x64xf32, #tpu.memory_space<vmem>>, %arg3: memref<1024x64xf32, #tpu.memory_space<vmem>>) attributes {dimension_semantics = [#tpu.dimension_semantics<arbitrary>], iteration_bounds = array<i64: 8>, scalar_prefetch = 0 : i64, scratch_operands = 0 : i64, tpu.core_type = #tpu.core_type<tc>, window_params = [{transform_indices = @transform_0, window_bounds = array<i64: 1024, 2048>}, {pipeline_mode = #tpu.pipeline_mode<synchronous>, transform_indices = @transform_1, window_bounds = array<i64: 2048, 64>}, {transform_indices = @transform_2, window_bounds = array<i64: 1024, 64>}]} {
    %get3A = arith.constant 0 : index
    %get3A_0 = arith.constant 0 : index
    %get3A_1 = vector.load %arg1[%get3A, %get3A_0] : memref<1024x2048xf32, #tpu.memory_space<vmem>>, vector<1024x2048xf32>
    %get3A_2 = arith.constant 0 : index
    %get3A_3 = arith.constant 0 : index
    %get3A_4 = vector.load %arg2[%get3A_2, %get3A_3] : memref<2048x64xf32, #tpu.memory_space<vmem>>, vector<2048x64xf32>
    %dot_general3A = arith.constant dense<0.000000e+00> : vector<1024x64xf32>
    %dot_general3A_5 = tpu.matmul %get3A_1, %get3A_4, %dot_general3A {dimension_numbers = #tpu.dot_dimension_numbers<[1], [0], [0], [1], [0, 0, 1, 1], [], []>, transpose_lhs_hint = false} : vector<1024x2048xf32>, vector<2048x64xf32>, vector<1024x64xf32> -> vector<1024x64xf32>
    %reduce_max3A = arith.constant dense<0xFF800000> : vector<1024xf32>
    %reduce_max3A_6 = vector.multi_reduction <maximumf>, %dot_general3A_5, %reduce_max3A [1] : vector<1024x64xf32> to vector<1024xf32>
    %broadcast_in_dim3A = vector.shape_cast %reduce_max3A_6 : vector<1024xf32> to vector<1024x1xf32>
    %sub3A = vector.broadcast %broadcast_in_dim3A : vector<1024x1xf32> to vector<1024x64xf32>
    %sub3A_7 = arith.subf %dot_general3A_5, %sub3A : vector<1024x64xf32>
    %exp3A = math.exp %sub3A_7 : vector<1024x64xf32>
    %reduce_sum3A = arith.constant dense<0.000000e+00> : vector<1024xf32>
    %reduce_sum3A_8 = vector.multi_reduction <add>, %exp3A, %reduce_sum3A [1] : vector<1024x64xf32> to vector<1024xf32>
    %broadcast_in_dim3A_9 = vector.shape_cast %reduce_sum3A_8 : vector<1024xf32> to vector<1024x1xf32>
    %div3A = vector.broadcast %broadcast_in_dim3A_9 : vector<1024x1xf32> to vector<1024x64xf32>
    %div3A_10 = arith.divf %exp3A, %div3A : vector<1024x64xf32>
    %swap3A = arith.constant 0 : index
    %swap3A_11 = arith.constant 0 : index
    %swap3A_12 = vector.load %arg3[%swap3A, %swap3A_11] : memref<1024x64xf32, #tpu.memory_space<vmem>>, vector<1024x64xf32>
    tpu.vector_store %arg3[%swap3A, %swap3A_11], %div3A_10 {strides = array<i32>} : memref<1024x64xf32, #tpu.memory_space<vmem>>, vector<1024x64xf32>,
    return
  }
  func.func @transform_0(%arg0: i32) -> (i32, i32) {
    %add3A = arith.constant 0 : i32
    %add3A_0 = arith.addi %arg0, %add3A : i32
    %c0_i32 = arith.constant 0 : i32
    %c0_i32_1 = arith.constant 0 : i32
    return %add3A_0, %c0_i32 : i32, i32
  }
  func.func @transform_1(%arg0: i32) -> (i32, i32) {
    %c0_i32 = arith.constant 0 : i32
    %c0_i32_0 = arith.constant 0 : i32
    %c0_i32_1 = arith.constant 0 : i32
    return %c0_i32, %c0_i32_0 : i32, i32
  }
  func.func @transform_2(%arg0: i32) -> (i32, i32) {
    %c0_i32 = arith.constant 0 : i32
    %c0_i32_0 = arith.constant 0 : i32
    return %arg0, %c0_i32 : i32, i32
  }
}

module attributes {stable_mosaic.version = 14 : i64} {
  func.func @_probs_block_kernel(%arg0: i32, %arg1: memref<1024x2048xf32, #tpu.memory_space<vmem>>, %arg2: memref<2048x64xf32, #tpu.memory_space<vmem>>, %arg3: memref<1024x64xf32, #tpu.memory_space<vmem>>) attributes {dimension_semantics = [#tpu.dimension_semantics<arbitrary>], iteration_bounds = array<i64: 8>, scalar_prefetch = 0 : i64, scratch_operands = 0 : i64, tpu.core_type = #tpu.core_type<tc>, window_params = [{transform_indices = @transform_0, window_bounds = array<i64: 1024, 2048>}, {pipeline_mode = #tpu.pipeline_mode<synchronous>, transform_indices = @transform_1, window_bounds = array<i64: 2048, 64>}, {transform_indices = @transform_2, window_bounds = array<i64: 1024, 64>}]} {
    %get3A = arith.constant 0 : index
    %get3A_0 = arith.constant 0 : index
    %get3A_1 = vector.load %arg1[%get3A, %get3A_0] : memref<1024x2048xf32, #tpu.memory_space<vmem>>, vector<1024x2048xf32>
    %get3A_2 = arith.constant 0 : index
    %get3A_3 = arith.constant 0 : index
    %get3A_4 = vector.load %arg2[%get3A_2, %get3A_3] : memref<2048x64xf32, #tpu.memory_space<vmem>>, vector<2048x64xf32>
    %dot_general3A = arith.constant dense<0.000000e+00> : vector<1024x64xf32>
    %dot_general3A_5 = tpu.matmul %get3A_1, %get3A_4, %dot_general3A {dimension_numbers = #tpu.dot_dimension_numbers<[1], [0], [0], [1], [0, 0, 1, 1], [], []>, transpose_lhs_hint = false} : vector<1024x2048xf32>, vector<2048x64xf32>, vector<1024x64xf32> -> vector<1024x64xf32>
    %reduce_max3A = arith.constant dense<0xFF800000> : vector<1024xf32>
    %reduce_max3A_6 = vector.multi_reduction <maximumf>, %dot_general3A_5, %reduce_max3A [1] : vector<1024x64xf32> to vector<1024xf32>
    %broadcast_in_dim3A = vector.shape_cast %reduce_max3A_6 : vector<1024xf32> to vector<1024x1xf32>
    %sub3A = vector.broadcast %broadcast_in_dim3A : vector<1024x1xf32> to vector<1024x64xf32>
    %sub3A_7 = arith.subf %dot_general3A_5, %sub3A : vector<1024x64xf32>
    %exp3A = math.exp %sub3A_7 : vector<1024x64xf32>
    %reduce_sum3A = arith.constant dense<0.000000e+00> : vector<1024xf32>
    %reduce_sum3A_8 = vector.multi_reduction <add>, %exp3A, %reduce_sum3A [1] : vector<1024x64xf32> to vector<1024xf32>
    %broadcast_in_dim3A_9 = vector.shape_cast %reduce_sum3A_8 : vector<1024xf32> to vector<1024x1xf32>
    %div3A = vector.broadcast %broadcast_in_dim3A_9 : vector<1024x1xf32> to vector<1024x64xf32>
    %div3A_10 = arith.divf %exp3A, %div3A : vector<1024x64xf32>
    %swap3A = arith.constant 0 : index
    %swap3A_11 = arith.constant 0 : index
    %swap3A_12 = vector.load %arg3[%swap3A, %swap3A_11] : memref<1024x64xf32, #tpu.memory_space<vmem>>, vector<1024x64xf32>
    tpu.vector_store %arg3[%swap3A, %swap3A_11], %div3A_10 {strides = array<i32>} : memref<1024x64xf32, #tpu.memory_space<vmem>>, vector<1024x64xf32>,
    return
  }
  func.func @transform_0(%arg0: i32) -> (i32, i32) {
    %add3A = arith.constant 24 : i32
    %add3A_0 = arith.addi %arg0, %add3A : i32
    %c0_i32 = arith.constant 0 : i32
    %c0_i32_1 = arith.constant 0 : i32
    return %add3A_0, %c0_i32 : i32, i32
  }
  func.func @transform_1(%arg0: i32) -> (i32, i32) {
    %c0_i32 = arith.constant 0 : i32
    %c0_i32_0 = arith.constant 0 : i32
    %c0_i32_1 = arith.constant 0 : i32
    return %c0_i32, %c0_i32_0 : i32, i32
  }
  func.func @transform_2(%arg0: i32) -> (i32, i32) {
    %c0_i32 = arith.constant 0 : i32
    %c0_i32_0 = arith.constant 0 : i32
    return %arg0, %c0_i32 : i32, i32
  }
}

module attributes {stable_mosaic.version = 14 : i64} {
  func.func @_probs_block_kernel(%arg0: i32, %arg1: memref<1024x2048xf32, #tpu.memory_space<vmem>>, %arg2: memref<2048x64xf32, #tpu.memory_space<vmem>>, %arg3: memref<1024x64xf32, #tpu.memory_space<vmem>>) attributes {dimension_semantics = [#tpu.dimension_semantics<arbitrary>], iteration_bounds = array<i64: 8>, scalar_prefetch = 0 : i64, scratch_operands = 0 : i64, tpu.core_type = #tpu.core_type<tc>, window_params = [{transform_indices = @transform_0, window_bounds = array<i64: 1024, 2048>}, {pipeline_mode = #tpu.pipeline_mode<synchronous>, transform_indices = @transform_1, window_bounds = array<i64: 2048, 64>}, {transform_indices = @transform_2, window_bounds = array<i64: 1024, 64>}]} {
    %get3A = arith.constant 0 : index
    %get3A_0 = arith.constant 0 : index
    %get3A_1 = vector.load %arg1[%get3A, %get3A_0] : memref<1024x2048xf32, #tpu.memory_space<vmem>>, vector<1024x2048xf32>
    %get3A_2 = arith.constant 0 : index
    %get3A_3 = arith.constant 0 : index
    %get3A_4 = vector.load %arg2[%get3A_2, %get3A_3] : memref<2048x64xf32, #tpu.memory_space<vmem>>, vector<2048x64xf32>
    %dot_general3A = arith.constant dense<0.000000e+00> : vector<1024x64xf32>
    %dot_general3A_5 = tpu.matmul %get3A_1, %get3A_4, %dot_general3A {dimension_numbers = #tpu.dot_dimension_numbers<[1], [0], [0], [1], [0, 0, 1, 1], [], []>, transpose_lhs_hint = false} : vector<1024x2048xf32>, vector<2048x64xf32>, vector<1024x64xf32> -> vector<1024x64xf32>
    %reduce_max3A = arith.constant dense<0xFF800000> : vector<1024xf32>
    %reduce_max3A_6 = vector.multi_reduction <maximumf>, %dot_general3A_5, %reduce_max3A [1] : vector<1024x64xf32> to vector<1024xf32>
    %broadcast_in_dim3A = vector.shape_cast %reduce_max3A_6 : vector<1024xf32> to vector<1024x1xf32>
    %sub3A = vector.broadcast %broadcast_in_dim3A : vector<1024x1xf32> to vector<1024x64xf32>
    %sub3A_7 = arith.subf %dot_general3A_5, %sub3A : vector<1024x64xf32>
    %exp3A = math.exp %sub3A_7 : vector<1024x64xf32>
    %reduce_sum3A = arith.constant dense<0.000000e+00> : vector<1024xf32>
    %reduce_sum3A_8 = vector.multi_reduction <add>, %exp3A, %reduce_sum3A [1] : vector<1024x64xf32> to vector<1024xf32>
    %broadcast_in_dim3A_9 = vector.shape_cast %reduce_sum3A_8 : vector<1024xf32> to vector<1024x1xf32>
    %div3A = vector.broadcast %broadcast_in_dim3A_9 : vector<1024x1xf32> to vector<1024x64xf32>
    %div3A_10 = arith.divf %exp3A, %div3A : vector<1024x64xf32>
    %swap3A = arith.constant 0 : index
    %swap3A_11 = arith.constant 0 : index
    %swap3A_12 = vector.load %arg3[%swap3A, %swap3A_11] : memref<1024x64xf32, #tpu.memory_space<vmem>>, vector<1024x64xf32>
    tpu.vector_store %arg3[%swap3A, %swap3A_11], %div3A_10 {strides = array<i32>} : memref<1024x64xf32, #tpu.memory_space<vmem>>, vector<1024x64xf32>,
    return
  }
  func.func @transform_0(%arg0: i32) -> (i32, i32) {
    %add3A = arith.constant 16 : i32
    %add3A_0 = arith.addi %arg0, %add3A : i32
    %c0_i32 = arith.constant 0 : i32
    %c0_i32_1 = arith.constant 0 : i32
    return %add3A_0, %c0_i32 : i32, i32
  }
  func.func @transform_1(%arg0: i32) -> (i32, i32) {
    %c0_i32 = arith.constant 0 : i32
    %c0_i32_0 = arith.constant 0 : i32
    %c0_i32_1 = arith.constant 0 : i32
    return %c0_i32, %c0_i32_0 : i32, i32
  }
  func.func @transform_2(%arg0: i32) -> (i32, i32) {
    %c0_i32 = arith.constant 0 : i32
    %c0_i32_0 = arith.constant 0 : i32
    return %arg0, %c0_i32 : i32, i32
  }
}

module attributes {stable_mosaic.version = 14 : i64} {
  func.func @_probs_block_kernel(%arg0: i32, %arg1: memref<1024x2048xf32, #tpu.memory_space<vmem>>, %arg2: memref<2048x64xf32, #tpu.memory_space<vmem>>, %arg3: memref<1024x64xf32, #tpu.memory_space<vmem>>) attributes {dimension_semantics = [#tpu.dimension_semantics<arbitrary>], iteration_bounds = array<i64: 8>, scalar_prefetch = 0 : i64, scratch_operands = 0 : i64, tpu.core_type = #tpu.core_type<tc>, window_params = [{transform_indices = @transform_0, window_bounds = array<i64: 1024, 2048>}, {pipeline_mode = #tpu.pipeline_mode<synchronous>, transform_indices = @transform_1, window_bounds = array<i64: 2048, 64>}, {transform_indices = @transform_2, window_bounds = array<i64: 1024, 64>}]} {
    %get3A = arith.constant 0 : index
    %get3A_0 = arith.constant 0 : index
    %get3A_1 = vector.load %arg1[%get3A, %get3A_0] : memref<1024x2048xf32, #tpu.memory_space<vmem>>, vector<1024x2048xf32>
    %get3A_2 = arith.constant 0 : index
    %get3A_3 = arith.constant 0 : index
    %get3A_4 = vector.load %arg2[%get3A_2, %get3A_3] : memref<2048x64xf32, #tpu.memory_space<vmem>>, vector<2048x64xf32>
    %dot_general3A = arith.constant dense<0.000000e+00> : vector<1024x64xf32>
    %dot_general3A_5 = tpu.matmul %get3A_1, %get3A_4, %dot_general3A {dimension_numbers = #tpu.dot_dimension_numbers<[1], [0], [0], [1], [0, 0, 1, 1], [], []>, transpose_lhs_hint = false} : vector<1024x2048xf32>, vector<2048x64xf32>, vector<1024x64xf32> -> vector<1024x64xf32>
    %reduce_max3A = arith.constant dense<0xFF800000> : vector<1024xf32>
    %reduce_max3A_6 = vector.multi_reduction <maximumf>, %dot_general3A_5, %reduce_max3A [1] : vector<1024x64xf32> to vector<1024xf32>
    %broadcast_in_dim3A = vector.shape_cast %reduce_max3A_6 : vector<1024xf32> to vector<1024x1xf32>
    %sub3A = vector.broadcast %broadcast_in_dim3A : vector<1024x1xf32> to vector<1024x64xf32>
    %sub3A_7 = arith.subf %dot_general3A_5, %sub3A : vector<1024x64xf32>
    %exp3A = math.exp %sub3A_7 : vector<1024x64xf32>
    %reduce_sum3A = arith.constant dense<0.000000e+00> : vector<1024xf32>
    %reduce_sum3A_8 = vector.multi_reduction <add>, %exp3A, %reduce_sum3A [1] : vector<1024x64xf32> to vector<1024xf32>
    %broadcast_in_dim3A_9 = vector.shape_cast %reduce_sum3A_8 : vector<1024xf32> to vector<1024x1xf32>
    %div3A = vector.broadcast %broadcast_in_dim3A_9 : vector<1024x1xf32> to vector<1024x64xf32>
    %div3A_10 = arith.divf %exp3A, %div3A : vector<1024x64xf32>
    %swap3A = arith.constant 0 : index
    %swap3A_11 = arith.constant 0 : index
    %swap3A_12 = vector.load %arg3[%swap3A, %swap3A_11] : memref<1024x64xf32, #tpu.memory_space<vmem>>, vector<1024x64xf32>
    tpu.vector_store %arg3[%swap3A, %swap3A_11], %div3A_10 {strides = array<i32>} : memref<1024x64xf32, #tpu.memory_space<vmem>>, vector<1024x64xf32>,
    return
  }
  func.func @transform_0(%arg0: i32) -> (i32, i32) {
    %add3A = arith.constant 8 : i32
    %add3A_0 = arith.addi %arg0, %add3A : i32
    %c0_i32 = arith.constant 0 : i32
    %c0_i32_1 = arith.constant 0 : i32
    return %add3A_0, %c0_i32 : i32, i32
  }
  func.func @transform_1(%arg0: i32) -> (i32, i32) {
    %c0_i32 = arith.constant 0 : i32
    %c0_i32_0 = arith.constant 0 : i32
    %c0_i32_1 = arith.constant 0 : i32
    return %c0_i32, %c0_i32_0 : i32, i32
  }
  func.func @transform_2(%arg0: i32) -> (i32, i32) {
    %c0_i32 = arith.constant 0 : i32
    %c0_i32_0 = arith.constant 0 : i32
    return %arg0, %c0_i32 : i32, i32
  }
}

</mosaic_0001>

<sc_bundles>
// kernel: kernel.10.cloned.1.call-start
scs
__scs_entry_jumppad:
0x0: {  	(pc) =	sbr.rel $0x88, $3  }
0x1: {  	(tag) =	ssettag $0x0;
	lr =	simm.s32 $0x1  }
0x2: {  	[smem:$0x3F9F] =	sst lr;
	_ =	strace $0xD0000000  }
0x3: {  	_ = 	snop  }
0x4: {  	_ = 	snop  }
0x5: {  	_ = 	snop  }
0x6: {  	_ = 	snop  }
0x7: {  	_ = 	snop  }
__scs_overlays_trampoline_lowered:
0x8: {  	[smem:$0x3FAE] =	sst s0  }
0x9: {  	[smem:$0x3FAF] =	sst s1  }
0xa: {  	[smem:$0x3FB0] =	sst s2  }
0xb: {  	[smem:$0x3FB1] =	sst s3  }
0xc: {  	[smem:$0x3FB2] =	sst s4  }
0xd: {  	[smem:$0x3FB3] =	sst s5  }
0xe: {  	[smem:$0x3FB4] =	sst s6  }
0xf: {  	[smem:$0x3FB5] =	sst s7  }
0x10: {  	[smem:$0x3FB6] =	sst s8  }
0x11: {  	[smem:$0x3FB7] =	sst s9;
	s0 =	simm.s32 @!p0 $0x0  }
0x12: {  	s1 =	sld [smem:$0x3F9D];
	s0 =	simm.s32 @p0 $0x1  }
0x13: {  	[smem:$0x3FB8] =	sst s0;
	s0 =	simm.s32 @!p1 $0x0  }
0x14: {  	s2 =	sld [smem:$0x3F9C];
	s0 =	simm.s32 @p1 $0x1  }
0x15: {  	[smem:$0x3FB9] =	sst s0;
	s0 =	simm.s32 @!p2 $0x0  }
0x16: {  	s3 =	sld [smem:$0x3FDB];
	s0 =	simm.s32 @p2 $0x1  }
0x17: {  	s4 =	simm.s32 $0x1BF5;
	[smem:$0x3FBB] =	sst s0  }
0x18: {  	s0 =	sld [smem:$0x3F9E];
	_ =	swait.ge [sflag:s4], $0x0  }
0x19: {  	s7 =	sld [smem:$0x3F9F]  }
0x1a: {  	s8 =	sadd.s32 $0xFFFFE003, lr  }
0x1b: {  	s9 =	sadd.s32 $0xFFFFFEF7, lr;
	s5 =	simm.s32 $0xFFFFFFFF;
	p2 =	slt.u32 s8, $0xFFFFF086  }
0x1c: {  	p1 =	slt.u32 s9, $0xF7A;
	s5 =	simm.s32 @!p2 $0x0  }
0x1d: {  	s5 =	simm.s32 @p1 $0x1;
	p0 =	seq.s32 s7, s2  }
0x1e: {  	s7 =	smul.u32 @!p0 $0xF7A, s2;
	p2 =	seq.s32 @!p0 s5, $0x0  }
0x1f: {  	s9 =	smul.u32 $0xF7A, s1;
	s8 =	simm.s32 @!p0 $0x1BF5;
	p2 =	por !p2, p0  }
0x20: {  	[sflag:s8] =	ssyncset.s32 @!p0 $0xFFFFF086;
	s6 =	sadd.s32 @!p0 s3, s7;
	s7 =	simm.s32 @!p0 $0x108  }
0x21: {  	s3 =	sadd.s32 s3, s9;
	s6 =	sadd.s32 @!p0 $0x88, s6;
	s7 =	simm.s32 @p2 $0x1082  }
0x22: {  	[simem:s7], [sflag:s8] =	dma.local @!p0 [hbm:s6], $0xF7A  }
0x23: {  	s9 =	sor.u32 $0xD0000000, s2;
	s6 =	simm.s32 $0x108;
	_ =	swait.ge @!p0 [sflag:s8], $0x0  }
0x24: {  	s3 =	sadd.s32 $0x88, s3;
	s6 =	simm.s32 @!p1 $0x1082;
	[sflag:s4] =	ssyncset.s32 $0xFFFFF086  }
0x25: {  	[simem:s6], [sflag:s4] =	dma.local [hbm:s3], $0xF7A  }
0x26: {  	[smem:$0x3F9F] =	sst s1;
	(tag) =	ssettag s2;
	_ =	strace s9  }
0x27: {  	s1 =	sld [smem:$0x3FAF]  }
0x28: {  	s2 =	sld [smem:$0x3FB0]  }
0x29: {  	s4 =	sld [smem:$0x3FB2]  }
0x2a: {  	p0 =	seq.s32 s5, $0x0;
	s5 =	sld [smem:$0x3FB3]  }
0x2b: {  	s6 =	sld [smem:$0x3FB4]  }
0x2c: {  	s7 =	sld [smem:$0x3FB5]  }
0x2d: {  	s3 =	simm.s32 $0x108;
	s8 =	sld [smem:$0x3FB6]  }
0x2e: {  	s3 =	simm.s32 @!p0 $0x1082;
	s9 =	sld [smem:$0x3FB7]  }
0x2f: {  	lr =	sadd.s32 s0, s3;
	s0 =	sld [smem:$0x3FAE]  }
0x30: {  	s3 =	sld [smem:$0x3FB1]  }
0x31: {  	[smem:$0x3FBA] =	sst s10  }
0x32: {  	s10 =	sld [smem:$0x3FB8];
	_ =	sdelay $0x3  }
0x33: {  	p0 =	seq.s32 s10, $0x1;
	s10 =	sld [smem:$0x3FBA];
	_ =	sdelay $0x3  }
0x34: {  	[smem:$0x3FBA] =	sst s10  }
0x35: {  	s10 =	sld [smem:$0x3FB9];
	_ =	sdelay $0x3  }
0x36: {  	p1 =	seq.s32 s10, $0x1;
	s10 =	sld [smem:$0x3FBA];
	_ =	sdelay $0x3  }
0x37: {  	[smem:$0x3FBA] =	sst s10  }
0x38: {  	s10 =	sld [smem:$0x3FBB]  }
0x39: {  	_ = 	snop;
	(pc) =	sbr.ind lr, $3  }
0x3a: {  	_ = 	snop  }
0x3b: {  	_ = 	snop  }
0x3c: {  	p2 =	seq.s32 s10, $0x1;
	s10 =	sld [smem:$0x3FBA]  }
0x3d: {  	_ =	shalt  }
0x3e: {  	_ =	shalt  }
0x3f: {  	_ =	shalt  }
0x40: {  	_ =	shalt  }
0x41: {  	_ =	shalt  }
0x42: {  	_ =	shalt  }
0x43: {  	_ =	shalt  }
0x44: {  	_ =	shalt  }
0x45: {  	_ =	shalt  }
0x46: {  	_ =	shalt  }
0x47: {  	_ =	shalt  }
0x48: {  	_ =	shalt  }
0x49: {  	_ =	shalt  }
0x4a: {  	_ =	shalt  }
0x4b: {  	_ =	shalt  }
0x4c: {  	_ =	shalt  }
0x4d: {  	_ =	shalt  }
0x4e: {  	_ =	shalt  }
0x4f: {  	_ =	shalt  }
0x50: {  	_ =	shalt  }
0x51: {  	_ =	shalt  }
0x52: {  	_ =	shalt  }
0x53: {  	_ =	shalt  }
0x54: {  	_ =	shalt  }
0x55: {  	_ =	shalt  }
0x56: {  	_ =	shalt  }
0x57: {  	_ =	shalt  }
0x58: {  	_ =	shalt  }
0x59: {  	_ =	shalt  }
0x5a: {  	_ =	shalt  }
0x5b: {  	_ =	shalt  }
0x5c: {  	_ =	shalt  }
0x5d: {  	_ =	shalt  }
0x5e: {  	_ =	shalt  }
0x5f: {  	_ =	shalt  }
0x60: {  	_ =	shalt  }
0x61: {  	_ =	shalt  }
0x62: {  	_ =	shalt  }
0x63: {  	_ =	shalt  }
0x64: {  	_ =	shalt  }
0x65: {  	_ =	shalt  }
0x66: {  	_ =	shalt  }
0x67: {  	_ =	shalt  }
0x68: {  	_ =	shalt  }
0x69: {  	_ =	shalt  }
0x6a: {  	_ =	shalt  }
0x6b: {  	_ =	shalt  }
0x6c: {  	_ =	shalt  }
0x6d: {  	_ =	shalt  }
0x6e: {  	_ =	shalt  }
0x6f: {  	_ =	shalt  }
0x70: {  	_ =	shalt  }
0x71: {  	_ =	shalt  }
0x72: {  	_ =	shalt  }
0x73: {  	_ =	shalt  }
0x74: {  	_ =	shalt  }
0x75: {  	_ =	shalt  }
0x76: {  	_ =	shalt  }
0x77: {  	_ =	shalt  }
0x78: {  	_ =	shalt  }
0x79: {  	_ =	shalt  }
0x7a: {  	_ =	shalt  }
0x7b: {  	_ =	shalt  }
0x7c: {  	_ =	shalt  }
0x7d: {  	_ =	shalt  }
0x7e: {  	_ =	shalt  }
0x7f: {  	_ =	shalt  }
0x80: {  	_ =	shalt  }
0x81: {  	_ =	shalt  }
0x82: {  	_ =	shalt  }
0x83: {  	_ =	shalt  }
0x84: {  	_ =	shalt  }
0x85: {  	_ =	shalt  }
0x86: {  	_ =	shalt  }
0x87: {  	_ =	shalt  }
.Lfunc_end0:
.L_simem_size_0:
called_computation_lowered:
.L_overlay_start_0:
0x88: {  	s2 =	sld [smem:$0x3FD9]  }
0x89: {  	s3 =	sld [smem:$0x3FFE];
	_ =	sdelay $0x1  }
0x8a: {  	s1 =	srdreg.scid  }
0x8b: {  	s0 =	sand.u32 $0x1, s1  }
0x8c: {  	s17 =	sshll.u32 s0, $0xA;
	s2 =	sadd.s32 s3, s2  }
0x8d: {  	s2 =	sadd.s32 s2, s17  }
0x8e: {  	[smem:$0x3FC6] =	sst s2  }
0x8f: {  	_ = 	snop  }
0x90: {  	(tm) =	ssettm $0x1  }
0x91: {  	s18 =	sld [smem:$0x3FFB];
	_ =	sdelay $0x3  }
0x92: {  	_ =	strace s18  }
0x93: {  	s2 =	sld [smem:$0x3FFC];
	_ =	sdelay $0x3  }
0x94: {  	_ =	strace s2  }
0x95: {  	s2 =	sld [smem:$0x3FFD];
	_ =	sdelay $0x3  }
0x96: {  	_ =	strace s2  }
0x97: {  	_ =	strace $0x8FFFFFFF  }
0x98: {  	s19 =	sld [smem:$0x3FDB];
	_ =	sdelay $0x1  }
0x99: {  	s20 =	simm.s32 $_scs_section_size  }
0x9a: {  	s4 =	simm.s32 $_size__tile_overlayer_lowered;
	s5 =	simm.s32 $_tile_overlayer_lowered  }
0x9b: {  	s6 =	simm.s32 $0x1BFF;
	s21 =	sshll.u32 s5, $0x1;
	s3 =	sadd.s32 s20, s19  }
0x9c: {  	s22 =	simm.s32 $0x0;
	s4 =	sshll.u32 s4, $0x1;
	s5 =	sadd.s32 s21, s3  }
0x9d: {  	[timem:s22], [sflag:s6] =	dma.local [hbm:s5], s4  }
0x9e: {  	_ =	swait.ge [sflag:s6], s4  }
0x9f: {  	s4 =	ssub.s32 $0x0, s4;
	[sflag:s6] =	ssyncset.done $0x0  }
0xa0: {  	[sflag:s6] =	ssyncadd.s32 s4;
	_ =	sdelay $0x1  }
0xa1: {  	s23 =	simm.s32 $0x1B8B  }
0xa2: {  	_ =	swait.ge [sflag:s23], $0x1  }
0xa3: {  	[sflag:s23] =	ssyncset.done $0x0  }
0xa4: {  	[sflag:s23] =	ssyncadd.s32 $0xFFFFFFFF  }
0xa5: {  	s4 =	sld [smem:$0x0]  }
0xa6: {  	s5 =	sand.u32 $0xFFFFFFFE, s1  }
0xa7: {  	p0 =	sne.s32 s1, s5  }
0xa8: {  	s5 =	sshll.u32 @p0 s5, $0xE  }
0xa9: {  	s5 =	sadd.s32 @p0 $0x11B8D, s5;
	s6 =	sshll.u32 @p0 s4, $0x11  }
0xaa: {  	s5 =	sor.u32 @p0 s6, s5  }
0xab: {  	[sflag:s5] =	ssyncadd.remote.s32 @p0 $0x1;
	_ =	sdelay $0x1  }
0xac: {  	s5 =	simm.s32 @p0 $0x1B8D  }
0xad: {  	_ =	swait.eq @p0 [sflag:s5], $0x1  }
0xae: {  	[sflag:s5] =	ssyncadd.s32 @p0 $0xFFFFFFFF  }
0xaf: {  	s6 =	sshll.u32 @!p0 s1, $0xE  }
0xb0: {  	s6 =	sor.u32 @!p0 $0x4000, s6;
	s5 =	simm.s32 @!p0 $0x1B8D  }
0xb1: {  	s4 =	sshll.u32 @!p0 s4, $0x11;
	s6 =	sadd.s32 @!p0 $0x11B8D, s6;
	_ =	swait.eq @!p0 [sflag:s5], $0x1  }
0xb2: {  	s4 =	sor.u32 @!p0 s4, s6;
	[sflag:s5] =	ssyncadd.s32 @!p0 $0xFFFFFFFF  }
0xb3: {  	s25 =	simm.s32 $0x1B8E;
	s24 =	sld [smem:$0x3FFE];
	[sflag:s4] =	ssyncadd.remote.s32 @!p0 $0x1  }
0xb4: {  	s26 =	simm.s32 $execute0_lowered;
	[smem:$0x3FD2] =	sst s25  }
0xb5: {  	s5 =	sshll.u32 s26, $0x1;
	_ =	strace $0x8000004C;
	[dreg:$0x1] =	wrdreg $0xFFFFFFFF  }
0xb6: {  	s28 =	simm.s32 $_size_execute0_lowered;
	s3 =	sadd.s32 s3, s5;
	[dreg:$0x0] =	wrdreg $0x0  }
0xb7: {  	s5 =	sshll.u32 s28, $0x1;
	[dreg:$0x2] =	wrdreg s3  }
0xb8: {  	[dreg:$0x3] =	wrdreg s5  }
0xb9: {  	[dreg:$0x4] =	wrdreg $0xC0  }
0xba: {  	_ =	task [dreg:s22], $0x5FFFF  }
0xbb: {  	[dreg:$0x1] =	wrdreg $0xFFFFFFFF  }
0xbc: {  	[dreg:$0x0] =	wrdreg $0x60  }
0xbd: {  	[dreg:$0x2] =	wrdreg s24  }
0xbe: {  	[dreg:$0x3] =	wrdreg $0x9  }
0xbf: {  	_ =	task.clear_ibuf [dreg:s22], $0x4FFFF;
	_ =	strace $0x9000004C  }
0xc0: {  	s29 =	simm.s32 $0x9;
	_ =	strace $0x8000004E  }
0xc1: {  	_ =	swait.ge [sflag:s29], $0x1  }
0xc2: {  	[sflag:s29] =	ssyncadd.s32 $0xFFFFFFFF  }
0xc3: {  	_ =	strace $0x9000004E  }
0xc4: {  	_ =	sfence  }
0xc5: {  	s30 =	sld [smem:$0x0];
	_ =	sdelay $0x2  }
0xc6: {  	s31 =	sshll.u32 s1, $0xD;
	s1 =	sshrl.u32 s1, $0x2  }
0xc7: {  	s4 =	sand.u32 $0x4000, s31;
	s1 =	sadd.s32 s1, s30  }
0xc8: {  	s0 =	sor.u32 s4, s0;
	s1 =	sshll.u32 s1, $0x11  }
0xc9: {  	s0 =	sor.u32 s1, s0  }
0xca: {  	s0 =	sadd.s32 $0x8F2B, s0  }
0xcb: {  	[sflag:s0] =	ssyncadd.remote.s32 $0x1  }
0xcc: {  	_ =	sfence.sel $0xFFFF  }
0xcd: {  	[dreg:$0x0] =	wrdreg $0xFFFFFFFF;
	(pc) =	sbr.abs _section_cstart, $3  }
0xce: {  	[dreg:$0x1] =	wrdreg $0xFFFFFFFF  }
0xcf: {  	_ =	task.clear_ibuf [dreg:s22], $0x2FFFF;
	_ =	strace $0x9FFFFFFF  }
0xd0: {  	(tm) =	ssettm $0x7FFFFFFF  }
0xd1: {  	_ =	shalt  }
tec
execute0_lowered:
.L_overlay_start_1:
0x0: {  	(tag) =	ssettag $0x1  }
0x1: {  	s3 =	rddreg [dreg:$0x0]  }
0x2: {  	s0 =	rddreg [dreg:$0x1]  }
0x3: {  	s2 =	simm.s32 $0x0;
	s4 =	srdreg.scid;
	s1 =	stileid.u32  }
0x4: {  	s8 =	simm.s32 $0x8000;
	s9 =	simm.s32 $0x2;
	s10 =	simm.s32 $0x8880  }
0x5: {  	[smem:$0x7FF] =	sst s2;
	s4 =	sand.u32 $0x1, s4;
	s5 =	sshll.u32 s1, $0x1  }
0x6: {  	s11 =	simm.s32 $0x0;
	_ =	strace $0x8000004D;
	s5 =	sor.u32 s4, s5  }
0x7: {  	v0 =	vlaneseq.u32;
	s4 =	ssub.s32 $0x2, s4;
	s6 =	sshll.u32 s5, $0xC;
	s5 =	sshll.u32 s5, $0x8  }
0x8: {  	v4 =	vmul.u32 $0xFFFFFFFF, v0;
	s7 =	sshrl.u32 s4, $0x1;
	s6 =	sadd.s32 s6, s3;
	s5 =	sadd.s32 s5, s3  }
0x9: {  	v1 =	vor.u32 $0x10, v0;
	s7 =	ssub.s32 s4, s7;
	s3 =	sadd.s32 $0x4B000, s6;
	s4 =	sadd.s32 $0x6B000, s5  }
0xa: {  	v2 =	vor.u32 $0x20, v0;
	v3 =	vor.u32 $0x30, v0;
	v4 =	vadd.s32 $0xF, v4;
	s5 =	sadd.s32 $0x6D000, s5;
	s6 =	smax.u32 s7, $0x1;
	s7 =	simm.s32 $0x1  }
.LBB2_1:
0xb: {  	[tilespmem:s2], [sflag:$0x1] =	stream.linear.gather [hbm4b:s3+s2], $0x8000, $0x38;
	[tilespmem:$0x9100] =	vst v63  }
0xc: {  	_ =	swait.ge [sflag:s7], $0x8000  }
0xd: {  	[sflag:s7] =	ssyncset.done $0x0  }
0xe: {  	s22 =	simm.s32 $0x100;
	[sflag:s7] =	ssyncadd.s32 $0xFFFF8000  }
0xf: {  	v5 =	vld [tilespmem:s22+$0xFFFFFF30]  }
0x10: {  	v6 =	vld [tilespmem:s22+$0xFFFFFF20]  }
0x11: {  	v7 =	vld [tilespmem:s22+$0xFFFFFF10];
	_ =	sdelay $0x1  }
0x12: {  	v8 =	vld [tilespmem:s22+$0xFFFFFF00]  }
0x13: {  	(xrf1) =	vsort.dscd.msk.f32 $0xffff, v5, v3  }
0x14: {  	(xrf1) =	vsort.dscd.msk.f32 $0xffff, v6, v2  }
0x15: {  	(xrf1) =	vsort.dscd.msk.f32 $0xffff, v7, v1;
	_ =	sdelay $0x1  }
0x16: {  	(xrf1) =	vsort.dscd.msk.f32 $0xffff, v8, v0;
	_ =	sdelay $0x9  }
0x17: {  	v5, v6, _ =	vpop (xrf1)  }
0x18: {  	v5 =	vperm.xlane v5, v4;
	v7, v8, _ =	vpop (xrf1)  }
0x19: {  	v6 =	vperm.xlane v6, v4;
	v9, v10, _ =	vpop (xrf1)  }
0x1a: {  	v9 =	vperm.xlane v9, v4;
	vm0 =	vge.f32 v7, v5  }
0x1b: {  	v10 =	vperm.xlane v10, v4;
	v5 =	vsel vm0, v7, v5;
	v7, v11, _ =	vpop (xrf1);
	v6 =	vsel vm0, v8, v6  }
0x1c: {  	vm10 =	vge.f32 v7, v9;
	(xrf1) =	vsort.dscd.msk.f32 $0xffff, v5, v6  }
0x1d: {  	v5 =	vsel vm10, v7, v9;
	v6 =	vsel vm10, v11, v10  }
0x1e: {  	(xrf1) =	vsort.dscd.msk.f32 $0xffff, v5, v6;
	_ =	sdelay $0x5  }
0x1f: {  	s28 =	simm.s32 $0x300  }
0x20: {  	v5 =	vld [tilespmem:s28+$0xFFFFFF30]  }
0x21: {  	v6 =	vld [tilespmem:s28+$0xFFFFFF20]  }
0x22: {  	v7 =	vld [tilespmem:s28+$0xFFFFFF10];
	_ =	sdelay $0x1  }
0x23: {  	v8 =	vld [tilespmem:s28+$0xFFFFFF00]  }
0x24: {  	(xrf1) =	vsort.dscd.msk.f32 $0xffff, v5, v3;
	v9, v10, _ =	vpop (xrf1)  }
0x25: {  	(xrf1) =	vsort.dscd.msk.f32 $0xffff, v6, v2;
	v5 =	vperm.xlane v9, v4  }
0x26: {  	(xrf1) =	vsort.dscd.msk.f32 $0xffff, v7, v1;
	v10 =	vperm.xlane v10, v4;
	v6, v9, _ =	vpop (xrf1)  }
0x27: {  	vm11 =	vge.f32 v6, v5  }
0x28: {  	(xrf1) =	vsort.dscd.msk.f32 $0xffff, v8, v0;
	v5 =	vsel vm11, v6, v5;
	v6 =	vsel vm11, v9, v10  }
0x29: {  	(xrf1) =	vsort.dscd.msk.f32 $0xffff, v5, v6;
	_ =	sdelay $0x8  }
0x2a: {  	v5, v6, _ =	vpop (xrf1)  }
0x2b: {  	v7, v8, _ =	vpop (xrf1);
	v5 =	vperm.xlane v5, v4  }
0x2c: {  	v6 =	vperm.xlane v6, v4;
	v9, v10, _ =	vpop (xrf1)  }
0x2d: {  	v9 =	vperm.xlane v9, v4;
	vm12 =	vge.f32 v7, v5  }
0x2e: {  	v11, v12, _ =	vpop (xrf1);
	v10 =	vperm.xlane v10, v4;
	v5 =	vsel vm12, v7, v5;
	v6 =	vsel vm12, v8, v6  }
0x2f: {  	s12 =	simm.s32 $0x8010;
	vm13 =	vge.f32 v11, v9;
	(xrf1) =	vsort.dscd.msk.f32 $0xffff, v5, v6;
	v13, v14, _ =	vpop (xrf1)  }
0x30: {  	s13 =	simm.s32 $0x8890;
	v5 =	vsel vm13, v11, v9;
	v6 =	vsel vm13, v12, v10;
	[tilespmem:s12+$0xFFFFFFF0] =	vst.msk $0xff, v13  }
0x31: {  	(xrf1) =	vsort.dscd.msk.f32 $0xffff, v5, v6;
	[tilespmem:s13+$0xFFFFFFF0] =	vst.msk $0xff, v14  }
0x32: {  	v7 =	vld [tilespmem:s22+$0xFFFFFFB0]  }
0x33: {  	v5 =	vld [tilespmem:s22+$0xFFFFFFA0]  }
0x34: {  	v6 =	vld [tilespmem:s22+$0xFFFFFF90];
	_ =	sdelay $0x1  }
0x35: {  	v8 =	vld [tilespmem:s22+$0xFFFFFF80]  }
0x36: {  	(xrf1) =	vsort.dscd.msk.f32 $0xffff, v7, v3  }
0x37: {  	s24 =	simm.s32 $0x500;
	(xrf1) =	vsort.dscd.msk.f32 $0xffff, v5, v2  }
0x38: {  	v5 =	vld [tilespmem:s24+$0xFFFFFF30];
	(xrf1) =	vsort.dscd.msk.f32 $0xffff, v6, v1  }
0x39: {  	v6 =	vld [tilespmem:s24+$0xFFFFFF20]  }
0x3a: {  	(xrf1) =	vsort.dscd.msk.f32 $0xffff, v8, v0;
	_ =	sdelay $0x1  }
0x3b: {  	v9, v10, _ =	vpop (xrf1)  }
0x3c: {  	v7 =	vld [tilespmem:s24+$0xFFFFFF10];
	(xrf1) =	vsort.dscd.msk.f32 $0xffff, v5, v3;
	v5 =	vperm.xlane v9, v4  }
0x3d: {  	v10 =	vperm.xlane v10, v4;
	v8 =	vld [tilespmem:s24+$0xFFFFFF00];
	(xrf1) =	vsort.dscd.msk.f32 $0xffff, v6, v2;
	v6, v9, _ =	vpop (xrf1)  }
0x3e: {  	vm14 =	vge.f32 v6, v5  }
0x3f: {  	v5 =	vsel vm14, v6, v5;
	v6 =	vsel vm14, v9, v10;
	_ =	sdelay $0x1  }
0x40: {  	(xrf1) =	vsort.dscd.msk.f32 $0xffff, v7, v1  }
0x41: {  	(xrf1) =	vsort.dscd.msk.f32 $0xffff, v8, v0  }
0x42: {  	(xrf1) =	vsort.dscd.msk.f32 $0xffff, v5, v6;
	v5, v6, _ =	vpop (xrf1)  }
0x43: {  	v5 =	vperm.xlane v5, v4;
	v7, v8, _ =	vpop (xrf1)  }
0x44: {  	v6 =	vperm.xlane v6, v4;
	v9, v10, _ =	vpop (xrf1)  }
0x45: {  	v9 =	vperm.xlane v9, v4;
	vm15 =	vge.f32 v7, v5  }
0x46: {  	v10 =	vperm.xlane v10, v4;
	v5 =	vsel vm15, v7, v5;
	v6 =	vsel vm15, v8, v6;
	v7, v8, _ =	vpop (xrf1)  }
0x47: {  	vm4 =	vge.f32 v7, v9  }
0x48: {  	(xrf1) =	vsort.dscd.msk.f32 $0xffff, v5, v6;
	v6 =	vsel vm4, v8, v10  }
0x49: {  	v5 =	vsel vm4, v7, v9  }
0x4a: {  	(xrf1) =	vsort.dscd.msk.f32 $0xffff, v5, v6;
	_ =	sdelay $0x1  }
0x4b: {  	v5, v6, _ =	vpop (xrf1)  }
0x4c: {  	v7, v8, _ =	vpop (xrf1);
	v5 =	vperm.xlane v5, v4  }
0x4d: {  	v6 =	vperm.xlane v6, v4;
	v9, v10, _ =	vpop (xrf1)  }
0x4e: {  	v11, v46, _ =	vpop (xrf1);
	v9 =	vperm.xlane v9, v4;
	vm5 =	vge.f32 v7, v5  }
0x4f: {  	s15 =	simm.s32 $0x8030;
	v10 =	vperm.xlane v10, v4;
	v47, v48, _ =	vpop (xrf1);
	v5 =	vsel vm5, v7, v5;
	v6 =	vsel vm5, v8, v6  }
0x50: {  	s14 =	simm.s32 $0x88B0;
	[tilespmem:s15+$0xFFFFFFF0] =	vst.msk $0xff, v47;
	vm6 =	vge.f32 v11, v9;
	(xrf1) =	vsort.dscd.msk.f32 $0xffff, v5, v6  }
0x51: {  	[tilespmem:s14+$0xFFFFFFF0] =	vst.msk $0xff, v48;
	v5 =	vsel vm6, v11, v9;
	v6 =	vsel vm6, v46, v10  }
0x52: {  	v7 =	vld [tilespmem:s28+$0xFFFFFFB0];
	(xrf1) =	vsort.dscd.msk.f32 $0xffff, v5, v6  }
0x53: {  	v5 =	vld [tilespmem:s28+$0xFFFFFFA0]  }
0x54: {  	v6 =	vld [tilespmem:s28+$0xFFFFFF90]  }
0x55: {  	v8, v9, _ =	vpop (xrf1)  }
0x56: {  	v8 =	vperm.xlane v8, v4  }
0x57: {  	v10 =	vld [tilespmem:s28+$0xFFFFFF80];
	(xrf1) =	vsort.dscd.msk.f32 $0xffff, v7, v3;
	v7 =	vperm.xlane v9, v4;
	v9, v11, _ =	vpop (xrf1)  }
0x58: {  	(xrf1) =	vsort.dscd.msk.f32 $0xffff, v5, v2;
	vm7 =	vge.f32 v9, v8  }
0x59: {  	s20 =	simm.s32 $0x700;
	(xrf1) =	vsort.dscd.msk.f32 $0xffff, v6, v1;
	v5 =	vsel vm7, v9, v8;
	v6 =	vsel vm7, v11, v7  }
0x5a: {  	(xrf1) =	vsort.dscd.msk.f32 $0xffff, v5, v6;
	v5 =	vld [tilespmem:s20+$0xFFFFFF30]  }
0x5b: {  	v6 =	vld [tilespmem:s20+$0xFFFFFF20]  }
0x5c: {  	(xrf1) =	vsort.dscd.msk.f32 $0xffff, v10, v0;
	_ =	sdelay $0x1  }
0x5d: {  	v7 =	vld [tilespmem:s20+$0xFFFFFF10];
	v9, v10, _ =	vpop (xrf1)  }
0x5e: {  	v8 =	vld [tilespmem:s20+$0xFFFFFF00];
	(xrf1) =	vsort.dscd.msk.f32 $0xffff, v5, v3;
	v5 =	vperm.xlane v9, v4  }
0x5f: {  	v10 =	vperm.xlane v10, v4;
	(xrf1) =	vsort.dscd.msk.f32 $0xffff, v6, v2;
	v6, v9, _ =	vpop (xrf1)  }
0x60: {  	vm8 =	vge.f32 v6, v5  }
0x61: {  	v5 =	vsel vm8, v6, v5;
	v6 =	vsel vm8, v9, v10  }
0x62: {  	(xrf1) =	vsort.dscd.msk.f32 $0xffff, v7, v1  }
0x63: {  	(xrf1) =	vsort.dscd.msk.f32 $0xffff, v8, v0  }
0x64: {  	(xrf1) =	vsort.dscd.msk.f32 $0xffff, v5, v6  }
0x65: {  	v5, v6, _ =	vpop (xrf1)  }
0x66: {  	v5 =	vperm.xlane v5, v4;
	v7, v8, _ =	vpop (xrf1)  }
0x67: {  	v6 =	vperm.xlane v6, v4;
	v9, v10, _ =	vpop (xrf1)  }
0x68: {  	v9 =	vperm.xlane v9, v4;
	vm9 =	vge.f32 v7, v5;
	v11, v49, _ =	vpop (xrf1)  }
0x69: {  	v10 =	vperm.xlane v10, v4;
	v5 =	vsel vm9, v7, v5;
	v6 =	vsel vm9, v8, v6;
	v7, v8, _ =	vpop (xrf1)  }
0x6a: {  	[tilespmem:s12+$0xFFFFFFF8] =	vst.msk $0xff, v11;
	vm10 =	vge.f32 v7, v9;
	(xrf1) =	vsort.dscd.msk.f32 $0xffff, v5, v6  }
0x6b: {  	[tilespmem:s13+$0xFFFFFFF8] =	vst.msk $0xff, v49;
	v5 =	vsel vm10, v7, v9;
	v6 =	vsel vm10, v8, v10  }
0x6c: {  	v7 =	vld [tilespmem:s22+$0x30];
	(xrf1) =	vsort.dscd.msk.f32 $0xffff, v5, v6  }
0x6d: {  	v5 =	vld [tilespmem:s22+$0x10]  }
0x6e: {  	v9 =	vld [tilespmem:s22+$0x0];
	v6, v8, _ =	vpop (xrf1)  }
0x6f: {  	v10, v11, _ =	vpop (xrf1)  }
0x70: {  	v6 =	vperm.xlane v6, v4;
	v51, v50, _ =	vpop (xrf1)  }
0x71: {  	v8 =	vperm.xlane v8, v4;
	(xrf1) =	vsort.dscd.msk.f32 $0xffff, v7, v3;
	v12 =	vperm.xlane v51, v4;
	v7, v52, _ =	vpop (xrf1)  }
0x72: {  	s16 =	simm.s32 $0x8050;
	vm11 =	vge.f32 v10, v6;
	v13 =	vperm.xlane v50, v4;
	(xrf1) =	vsort.dscd.msk.f32 $0xffff, v5, v1;
	v15, v16, _ =	vpop (xrf1)  }
0x73: {  	s17 =	simm.s32 $0x88D0;
	v5 =	vld [tilespmem:s22+$0x20];
	v6 =	vsel vm11, v10, v6;
	v8 =	vsel vm11, v11, v8;
	(xrf1) =	vsort.dscd.msk.f32 $0xffff, v9, v0;
	[tilespmem:s16+$0xFFFFFFF0] =	vst.msk $0xff, v15  }
0x74: {  	vm12 =	vge.f32 v7, v12;
	(xrf1) =	vsort.dscd.msk.f32 $0xffff, v6, v8;
	[tilespmem:s17+$0xFFFFFFF0] =	vst.msk $0xff, v16  }
0x75: {  	v6 =	vsel vm12, v7, v12;
	v7 =	vsel vm12, v52, v13;
	v8 =	vld [tilespmem:s24+$0xFFFFFFB0]  }
0x76: {  	(xrf1) =	vsort.dscd.msk.f32 $0xffff, v6, v7;
	v6 =	vld [tilespmem:s24+$0xFFFFFFA0]  }
0x77: {  	v7 =	vld [tilespmem:s24+$0xFFFFFF90]  }
0x78: {  	(xrf1) =	vsort.dscd.msk.f32 $0xffff, v5, v2;
	v9, v10, _ =	vpop (xrf1)  }
0x79: {  	v9 =	vperm.xlane v9, v4  }
0x7a: {  	v5 =	vld [tilespmem:s24+$0xFFFFFF80];
	(xrf1) =	vsort.dscd.msk.f32 $0xffff, v8, v3;
	v8 =	vperm.xlane v10, v4;
	v10, v11, _ =	vpop (xrf1)  }
0x7b: {  	(xrf1) =	vsort.dscd.msk.f32 $0xffff, v6, v2;
	vm13 =	vge.f32 v10, v9  }
0x7c: {  	(xrf1) =	vsort.dscd.msk.f32 $0xffff, v7, v1;
	v7 =	vsel vm13, v11, v8  }
0x7d: {  	s21 =	simm.s32 $0x900;
	v6 =	vsel vm13, v10, v9  }
0x7e: {  	(xrf1) =	vsort.dscd.msk.f32 $0xffff, v6, v7;
	v6 =	vld [tilespmem:s21+$0xFFFFFF30]  }
0x7f: {  	(xrf1) =	vsort.dscd.msk.f32 $0xffff, v5, v0;
	v5 =	vld [tilespmem:s21+$0xFFFFFF20];
	v7, v8, _ =	vpop (xrf1)  }
0x80: {  	v10, v11, _ =	vpop (xrf1)  }
0x81: {  	v9 =	vld [tilespmem:s21+$0xFFFFFF10];
	v13, v14, _ =	vpop (xrf1)  }
0x82: {  	v54, v55, _ =	vpop (xrf1)  }
0x83: {  	v53 =	vld [tilespmem:s21+$0xFFFFFF00];
	(xrf1) =	vsort.dscd.msk.f32 $0xffff, v6, v3;
	v6 =	vperm.xlane v54, v4  }
0x84: {  	(xrf1) =	vsort.dscd.msk.f32 $0xffff, v5, v2;
	v5, v56, _ =	vpop (xrf1);
	v16 =	vperm.xlane v55, v4  }
0x85: {  	v7 =	vperm.xlane v7, v4;
	vm14 =	vge.f32 v5, v6  }
0x86: {  	(xrf1) =	vsort.dscd.msk.f32 $0xffff, v9, v1;
	v9, v57, _ =	vpop (xrf1);
	v5 =	vsel vm14, v5, v6;
	v6 =	vsel vm14, v56, v16  }
0x87: {  	v8 =	vperm.xlane v8, v4;
	vm15 =	vge.f32 v9, v7  }
0x88: {  	v10 =	vperm.xlane v10, v4;
	(xrf1) =	vsort.dscd.msk.f32 $0xffff, v53, v0;
	v7 =	vsel vm15, v9, v7  }
0x89: {  	v8 =	vsel vm15, v57, v8;
	(xrf1) =	vsort.dscd.msk.f32 $0xffff, v5, v6;
	v5 =	vperm.xlane v11, v4;
	v6, v11, _ =	vpop (xrf1)  }
0x8a: {  	(xrf1) =	vsort.dscd.msk.f32 $0xffff, v7, v8;
	v8 =	vperm.xlane v11, v4  }
0x8b: {  	vm4 =	vge.f32 v13, v10;
	v6 =	vperm.xlane v6, v4;
	v9, v58, _ =	vpop (xrf1)  }
0x8c: {  	v7 =	vsel vm4, v13, v10;
	v10, v11, _ =	vpop (xrf1)  }
0x8d: {  	v5 =	vsel vm4, v14, v5;
	v10 =	vperm.xlane v10, v4;
	vm5 =	vge.f32 v9, v6;
	v59, v60, _ =	vpop (xrf1)  }
0x8e: {  	(xrf1) =	vsort.dscd.msk.f32 $0xffff, v7, v5;
	v6 =	vsel vm5, v9, v6;
	v7 =	vsel vm5, v58, v8;
	v8, v9, _ =	vpop (xrf1)  }
0x8f: {  	vm6 =	vge.f32 v8, v10  }
0x90: {  	v5 =	vperm.xlane v11, v4;
	(xrf1) =	vsort.dscd.msk.f32 $0xffff, v6, v7;
	v6 =	vsel vm6, v8, v10  }
0x91: {  	[tilespmem:s15+$0xFFFFFFF8] =	vst.msk $0xff, v59  }
0x92: {  	[tilespmem:s14+$0xFFFFFFF8] =	vst.msk $0xff, v60;
	v5 =	vsel vm6, v9, v5  }
0x93: {  	v7 =	vld [tilespmem:s28+$0x30];
	(xrf1) =	vsort.dscd.msk.f32 $0xffff, v6, v5;
	v6, v8, _ =	vpop (xrf1)  }
0x94: {  	v5 =	vld [tilespmem:s28+$0x10];
	v6 =	vperm.xlane v6, v4  }
0x95: {  	v9 =	vld [tilespmem:s28+$0x0];
	v10, v11, _ =	vpop (xrf1);
	v8 =	vperm.xlane v8, v4  }
0x96: {  	v61, v62, _ =	vpop (xrf1);
	vm7 =	vge.f32 v10, v6  }
0x97: {  	v12 =	vperm.xlane v61, v4;
	v8 =	vsel vm7, v11, v8  }
0x98: {  	(xrf1) =	vsort.dscd.msk.f32 $0xffff, v7, v3;
	v7, v63, _ =	vpop (xrf1);
	v13 =	vperm.xlane v62, v4;
	v6 =	vsel vm7, v10, v6  }
0x99: {  	(xrf1) =	vsort.dscd.msk.f32 $0xffff, v5, v1;
	vm8 =	vge.f32 v7, v12  }
0x9a: {  	s18 =	simm.s32 $0x8070;
	v5 =	vld [tilespmem:s28+$0x20];
	v15, v16, _ =	vpop (xrf1);
	(xrf1) =	vsort.dscd.msk.f32 $0xffff, v9, v0;
	v9 =	vsel vm8, v63, v13  }
0x9b: {  	s19 =	simm.s32 $0x88F0;
	[tilespmem:s18+$0xFFFFFFF0] =	vst.msk $0xff, v15;
	(xrf1) =	vsort.dscd.msk.f32 $0xffff, v6, v8;
	v6, v8, _ =	vpop (xrf1)  }
0x9c: {  	[tilespmem:s19+$0xFFFFFFF0] =	vst.msk $0xff, v16;
	v7 =	vsel vm8, v7, v12;
	v6 =	vperm.xlane v6, v4  }
0x9d: {  	v10 =	vld [tilespmem:s20+$0xFFFFFFB0];
	(xrf1) =	vsort.dscd.msk.f32 $0xffff, v7, v9;
	v7 =	vperm.xlane v8, v4;
	v9, v11, _ =	vpop (xrf1)  }
0x9e: {  	v8 =	vld [tilespmem:s20+$0xFFFFFFA0];
	vm9 =	vge.f32 v9, v6  }
0x9f: {  	v19 =	vld [tilespmem:s20+$0xFFFFFF90];
	(xrf1) =	vsort.dscd.msk.f32 $0xffff, v5, v2;
	v5 =	vsel vm9, v9, v6;
	v6 =	vsel vm9, v11, v7  }
0xa0: {  	v13, v14, _ =	vpop (xrf1)  }
0xa1: {  	v7 =	vld [tilespmem:s20+$0xFFFFFF80];
	v9 =	vperm.xlane v13, v4;
	(xrf1) =	vsort.dscd.msk.f32 $0xffff, v5, v6  }
0xa2: {  	v5 =	vperm.xlane v14, v4;
	(xrf1) =	vsort.dscd.msk.f32 $0xffff, v10, v3;
	v6, v10, _ =	vpop (xrf1)  }
0xa3: {  	(xrf1) =	vsort.dscd.msk.f32 $0xffff, v8, v2;
	vm10 =	vge.f32 v6, v9  }
0xa4: {  	s25 =	simm.s32 $0xB00;
	(xrf1) =	vsort.dscd.msk.f32 $0xffff, v19, v1;
	v6 =	vsel vm10, v6, v9;
	v5 =	vsel vm10, v10, v5  }
0xa5: {  	(xrf1) =	vsort.dscd.msk.f32 $0xffff, v6, v5;
	v5 =	vld [tilespmem:s25+$0xFFFFFF30]  }
0xa6: {  	v6 =	vld [tilespmem:s25+$0xFFFFFF20];
	(xrf1) =	vsort.dscd.msk.f32 $0xffff, v7, v0;
	v7, v8, _ =	vpop (xrf1)  }
0xa7: {  	v10, v11, _ =	vpop (xrf1)  }
0xa8: {  	v21, v22, _ =	vpop (xrf1)  }
0xa9: {  	v23, v24, _ =	vpop (xrf1)  }
0xaa: {  	v9 =	vld [tilespmem:s25+$0xFFFFFF10];
	(xrf1) =	vsort.dscd.msk.f32 $0xffff, v5, v3;
	v5 =	vperm.xlane v23, v4  }
0xab: {  	v20 =	vld [tilespmem:s25+$0xFFFFFF00];
	v16 =	vperm.xlane v24, v4;
	(xrf1) =	vsort.dscd.msk.f32 $0xffff, v6, v2;
	v6, v25, _ =	vpop (xrf1)  }
0xac: {  	vm11 =	vge.f32 v6, v5  }
0xad: {  	v5 =	vsel vm11, v6, v5;
	v6 =	vsel vm11, v25, v16;
	_ =	sdelay $0x1  }
0xae: {  	v7 =	vperm.xlane v7, v4;
	v11 =	vperm.xlane v11, v4;
	(xrf1) =	vsort.dscd.msk.f32 $0xffff, v9, v1  }
0xaf: {  	v8 =	vperm.xlane v8, v4;
	v10 =	vperm.xlane v10, v4;
	v9, v26, _ =	vpop (xrf1);
	(xrf1) =	vsort.dscd.msk.f32 $0xffff, v20, v0  }
0xb0: {  	vm12 =	vge.f32 v9, v7;
	(xrf1) =	vsort.dscd.msk.f32 $0xffff, v5, v6;
	v5, v6, _ =	vpop (xrf1)  }
0xb1: {  	v7 =	vsel vm12, v9, v7;
	v8 =	vsel vm12, v26, v8;
	v15, v16, _ =	vpop (xrf1)  }
0xb2: {  	vm13 =	vge.f32 v21, v10;
	(xrf1) =	vsort.dscd.msk.f32 $0xffff, v7, v8;
	v27, v28, _ =	vpop (xrf1)  }
0xb3: {  	v7 =	vsel vm13, v21, v10;
	v8 =	vsel vm13, v22, v11;
	[tilespmem:s12+$0x0] =	vst.msk $0xff, v5;
	v9 =	vperm.xlane v15, v4;
	v10, v11, _ =	vpop (xrf1)  }
0xb4: {  	v5 =	vperm.xlane v16, v4;
	[tilespmem:s13+$0x0] =	vst.msk $0xff, v6;
	v6 =	vperm.xlane v10, v4;
	v10, v29, _ =	vpop (xrf1)  }
0xb5: {  	(xrf1) =	vsort.dscd.msk.f32 $0xffff, v7, v8;
	v7 =	vld [tilespmem:s22+$0x80];
	vm14 =	vge.f32 v27, v9;
	v8 =	vperm.xlane v11, v4;
	v11, v30, _ =	vpop (xrf1);
	[tilespmem:s16+$0xFFFFFFF8] =	vst.msk $0xff, v10  }
0xb6: {  	v9 =	vsel vm14, v27, v9;
	v5 =	vsel vm14, v28, v5;
	v10 =	vld [tilespmem:s22+$0xB0];
	vm15 =	vge.f32 v11, v6;
	[tilespmem:s17+$0xFFFFFFF8] =	vst.msk $0xff, v29  }
0xb7: {  	(xrf1) =	vsort.dscd.msk.f32 $0xffff, v9, v5;
	v5 =	vsel vm15, v11, v6;
	v6 =	vsel vm15, v30, v8;
	v8 =	vld [tilespmem:s24+$0x30];
	_ =	sdelay $0x1  }
0xb8: {  	(xrf1) =	vsort.dscd.msk.f32 $0xffff, v5, v6  }
0xb9: {  	v9 =	vld [tilespmem:s22+$0xA0];
	(xrf1) =	vsort.dscd.msk.f32 $0xffff, v7, v0;
	v6, v11, _ =	vpop (xrf1)  }
0xba: {  	v5 =	vld [tilespmem:s24+$0x10];
	(xrf1) =	vsort.dscd.msk.f32 $0xffff, v10, v3;
	v6 =	vperm.xlane v6, v4  }
0xbb: {  	v31 =	vld [tilespmem:s24+$0x0];
	v7, v32, _ =	vpop (xrf1);
	(xrf1) =	vsort.dscd.msk.f32 $0xffff, v8, v3;
	v8 =	vperm.xlane v11, v4  }
0xbc: {  	v10, v33, _ =	vpop (xrf1);
	vm4 =	vge.f32 v7, v6  }
0xbd: {  	v10 =	vperm.xlane v10, v4;
	v6 =	vsel vm4, v7, v6;
	v7 =	vsel vm4, v32, v8  }
0xbe: {  	v11, v34, _ =	vpop (xrf1);
	(xrf1) =	vsort.dscd.msk.f32 $0xffff, v9, v2;
	v14 =	vperm.xlane v33, v4  }
0xbf: {  	v9 =	vld [tilespmem:s22+$0x90];
	s22 =	simm.s32 $0x8090;
	v35, v17, _ =	vpop (xrf1);
	(xrf1) =	vsort.dscd.msk.f32 $0xffff, v5, v1;
	vm5 =	vge.f32 v11, v10  }
0xc0: {  	s23 =	simm.s32 $0x8910;
	v5 =	vld [tilespmem:s24+$0x20];
	[tilespmem:s22+$0xFFFFFFF0] =	vst.msk $0xff, v35;
	(xrf1) =	vsort.dscd.msk.f32 $0xffff, v31, v0;
	v8 =	vsel vm5, v11, v10;
	v10 =	vsel vm5, v34, v14  }
0xc1: {  	(xrf1) =	vsort.dscd.msk.f32 $0xffff, v6, v7;
	[tilespmem:s23+$0xFFFFFFF0] =	vst.msk $0xff, v17;
	v6, v7, _ =	vpop (xrf1)  }
0xc2: {  	v11 =	vld [tilespmem:s21+$0xFFFFFFB0];
	v6 =	vperm.xlane v6, v4  }
0xc3: {  	(xrf1) =	vsort.dscd.msk.f32 $0xffff, v8, v10;
	v7 =	vperm.xlane v7, v4;
	v10, v36, _ =	vpop (xrf1)  }
0xc4: {  	(xrf1) =	vsort.dscd.msk.f32 $0xffff, v9, v1;
	vm6 =	vge.f32 v10, v6  }
0xc5: {  	(xrf1) =	vsort.dscd.msk.f32 $0xffff, v5, v2;
	v37, v38, _ =	vpop (xrf1);
	v5 =	vsel vm6, v10, v6;
	v6 =	vsel vm6, v36, v7  }
0xc6: {  	v8 =	vld [tilespmem:s21+$0xFFFFFFA0];
	v7 =	vperm.xlane v37, v4;
	(xrf1) =	vsort.dscd.msk.f32 $0xffff, v5, v6  }
0xc7: {  	v9 =	vld [tilespmem:s21+$0xFFFFFF90];
	(xrf1) =	vsort.dscd.msk.f32 $0xffff, v11, v3;
	v10, v11, _ =	vpop (xrf1)  }
0xc8: {  	v6 =	vperm.xlane v38, v4;
	vm7 =	vge.f32 v10, v7  }
0xc9: {  	v7 =	vsel vm7, v10, v7  }
0xca: {  	v5 =	vld [tilespmem:s21+$0xFFFFFF80];
	v6 =	vsel vm7, v11, v6  }
0xcb: {  	s30 =	simm.s32 $0xD00;
	(xrf1) =	vsort.dscd.msk.f32 $0xffff, v8, v2  }
0xcc: {  	(xrf1) =	vsort.dscd.msk.f32 $0xffff, v9, v1;
	v8, v9, _ =	vpop (xrf1);
	v10 =	vld [tilespmem:s30+$0xFFFFFF30]  }
0xcd: {  	v11 =	vld [tilespmem:s30+$0xFFFFFF20];
	(xrf1) =	vsort.dscd.msk.f32 $0xffff, v7, v6;
	v6, v7, _ =	vpop (xrf1)  }
0xce: {  	v39, v40, _ =	vpop (xrf1)  }
0xcf: {  	(xrf1) =	vsort.dscd.msk.f32 $0xffff, v5, v0;
	v5 =	vld [tilespmem:s30+$0xFFFFFF10];
	v42, v41, _ =	vpop (xrf1)  }
0xd0: {  	v43, v44, _ =	vpop (xrf1)  }
0xd1: {  	(xrf1) =	vsort.dscd.msk.f32 $0xffff, v10, v3;
	v19, v20, _ =	vpop (xrf1)  }
0xd2: {  	(xrf1) =	vsort.dscd.msk.f32 $0xffff, v11, v2;
	v11, v45, _ =	vpop (xrf1)  }
0xd3: {  	v11 =	vperm.xlane v11, v4;
	v13 =	vperm.xlane v45, v4  }
0xd4: {  	v18 =	vld [tilespmem:s30+$0xFFFFFF00];
	(xrf1) =	vsort.dscd.msk.f32 $0xffff, v5, v1;
	v5, v46, _ =	vpop (xrf1)  }
0xd5: {  	vm9 =	vge.f32 v5, v11  }
0xd6: {  	v12 =	vperm.xlane v39, v4;
	v47, v48, _ =	vpop (xrf1);
	v5 =	vsel vm9, v5, v11;
	v11 =	vsel vm9, v46, v13  }
0xd7: {  	v6 =	vperm.xlane v6, v4;
	v13, v14, _ =	vpop (xrf1)  }
0xd8: {  	v7 =	vperm.xlane v7, v4;
	v10 =	vperm.xlane v40, v4;
	vm1 =	vge.f32 v13, v12  }
0xd9: {  	vm8 =	vge.f32 v42, v6;
	(xrf1) =	vsort.dscd.msk.f32 $0xffff, v18, v0;
	v12 =	vsel vm1, v13, v12  }
0xda: {  	v16 =	vperm.xlane v43, v4;
	(xrf1) =	vsort.dscd.msk.f32 $0xffff, v5, v11;
	v10 =	vsel vm1, v14, v10;
	v5, v11, _ =	vpop (xrf1)  }
0xdb: {  	v6 =	vsel vm8, v42, v6;
	v17 =	vperm.xlane v44, v4;
	v49, v50, _ =	vpop (xrf1)  }
0xdc: {  	v7 =	vsel vm8, v41, v7;
	vm10 =	vge.f32 v19, v16;
	v15 =	vperm.xlane v47, v4;
	v51, v52, _ =	vpop (xrf1)  }
0xdd: {  	v16 =	vsel vm10, v19, v16;
	v17 =	vsel vm10, v20, v17;
	[tilespmem:s15+$0x0] =	vst.msk $0xff, v5;
	(xrf1) =	vsort.dscd.msk.f32 $0xffff, v12, v10;
	v10, v12, _ =	vpop (xrf1)  }
0xde: {  	vm11 =	vge.f32 v8, v15;
	v5 =	vperm.xlane v49, v4;
	[tilespmem:s14+$0x0] =	vst.msk $0xff, v11;
	v11, v53, _ =	vpop (xrf1);
	v10 =	vperm.xlane v10, v4  }
0xdf: {  	(xrf1) =	vsort.dscd.msk.f32 $0xffff, v6, v7;
	v6 =	vperm.xlane v48, v4;
	v7 =	vsel vm11, v8, v15;
	v56, v55, _ =	vpop (xrf1)  }
0xe0: {  	v8 =	vperm.xlane v50, v4;
	vm12 =	vge.f32 v51, v5;
	vm13 =	vge.f32 v56, v10  }
0xe1: {  	(xrf1) =	vsort.dscd.msk.f32 $0xffff, v16, v17;
	v6 =	vsel vm11, v9, v6;
	v9 =	vsel vm13, v56, v10  }
0xe2: {  	v54 =	vld [tilespmem:s28+$0x80];
	[tilespmem:s18+$0xFFFFFFF8] =	vst.msk $0xff, v11;
	v11 =	vperm.xlane v12, v4;
	v5 =	vsel vm12, v51, v5;
	v8 =	vsel vm12, v52, v8  }
0xe3: {  	v57 =	vld [tilespmem:s28+$0xB0];
	[tilespmem:s19+$0xFFFFFFF8] =	vst.msk $0xff, v53;
	(xrf1) =	vsort.dscd.msk.f32 $0xffff, v5, v8  }
0xe4: {  	v5 =	vld [tilespmem:s20+$0x30];
	v10 =	vsel vm13, v55, v11;
	(xrf1) =	vsort.dscd.msk.f32 $0xffff, v7, v6  }
0xe5: {  	v8 =	vld [tilespmem:s28+$0xA0];
	(xrf1) =	vsort.dscd.msk.f32 $0xffff, v9, v10;
	v7, v9, _ =	vpop (xrf1)  }
0xe6: {  	v6 =	vld [tilespmem:s20+$0x10];
	v7 =	vperm.xlane v7, v4  }
0xe7: {  	v10 =	vld [tilespmem:s20+$0x0];
	(xrf1) =	vsort.dscd.msk.f32 $0xffff, v54, v0;
	v11, v58, _ =	vpop (xrf1);
	v9 =	vperm.xlane v9, v4  }
0xe8: {  	(xrf1) =	vsort.dscd.msk.f32 $0xffff, v57, v3;
	vm14 =	vge.f32 v11, v7  }
0xe9: {  	(xrf1) =	vsort.dscd.msk.f32 $0xffff, v5, v3;
	v9 =	vsel vm14, v58, v9  }
0xea: {  	v59, v60, _ =	vpop (xrf1);
	(xrf1) =	vsort.dscd.msk.f32 $0xffff, v8, v2;
	v7 =	vsel vm14, v11, v7  }
0xeb: {  	v5 =	vld [tilespmem:s28+$0x90];
	v13 =	vperm.xlane v59, v4;
	v61, v62, _ =	vpop (xrf1);
	(xrf1) =	vsort.dscd.msk.f32 $0xffff, v6, v1  }
0xec: {  	s26 =	simm.s32 $0x80B0;
	v8 =	vperm.xlane v60, v4;
	v11, v63, _ =	vpop (xrf1);
	(xrf1) =	vsort.dscd.msk.f32 $0xffff, v10, v0  }
0xed: {  	s28 =	simm.s32 $0x8930;
	v6 =	vld [tilespmem:s20+$0x20];
	vm15 =	vge.f32 v61, v13;
	[tilespmem:s26+$0xFFFFFFF0] =	vst.msk $0xff, v11;
	(xrf1) =	vsort.dscd.msk.f32 $0xffff, v7, v9;
	v7, v9, _ =	vpop (xrf1)  }
0xee: {  	v10 =	vsel vm15, v61, v13;
	v8 =	vsel vm15, v62, v8;
	[tilespmem:s28+$0xFFFFFFF0] =	vst.msk $0xff, v63  }
0xef: {  	s31 =	simm.s32 $0x18;
	s29 =	simm.s32 $0xD00;
	(xrf1) =	vsort.dscd.msk.f32 $0xffff, v10, v8;
	v8 =	vld [tilespmem:s25+$0xFFFFFFB0];
	v10 =	vperm.xlane v7, v4;
	v11 =	vperm.xlane v9, v4;
	v9, v7, _ =	vpop (xrf1)  }
.LBB2_2:
0xf0: {  	s31 =	sadd.s32 $0x4, s31;
	v12 =	vld [tilespmem:s25+$0xFFFFFFA0];
	v13, v14, _ =	vpop (xrf1);
	(xrf1) =	vsort.dscd.msk.f32 $0xffff, v5, v1  }
0xf1: {  	v9 =	vperm.xlane v9, v4;
	p0 =	slt.u32 s31, $0xFC;
	v5 =	vld [tilespmem:s25+$0xFFFFFF90];
	vm0 =	vge.f32 v13, v10  }
0xf2: {  	v15, v16, _ =	vpop (xrf1);
	(xrf1) =	vsort.dscd.msk.f32 $0xffff, v6, v2;
	v6 =	vsel vm0, v13, v10;
	v17 =	vsel vm0, v14, v11  }
0xf3: {  	v11 =	vld [tilespmem:s25+$0xFFFFFF80];
	v13 =	vperm.xlane v15, v4;
	(xrf1) =	vsort.dscd.msk.f32 $0xffff, v6, v17;
	v6 =	vperm.xlane v7, v4;
	v7, v10, _ =	vpop (xrf1)  }
0xf4: {  	v17 =	vperm.xlane v16, v4;
	(xrf1) =	vsort.dscd.msk.f32 $0xffff, v8, v3;
	v14, v15, _ =	vpop (xrf1);
	vm0 =	vge.f32 v7, v9  }
0xf5: {  	s30 =	sadd.s32 $0x200, s30;
	(xrf1) =	vsort.dscd.msk.f32 $0xffff, v12, v2;
	vm1 =	vge.f32 v14, v13;
	v7 =	vsel vm0, v7, v9  }
0xf6: {  	(xrf1) =	vsort.dscd.msk.f32 $0xffff, v5, v1;
	v16 =	vsel vm1, v14, v13;
	v15 =	vsel vm1, v15, v17;
	v9, v12, _ =	vpop (xrf1)  }
0xf7: {  	v6 =	vsel vm0, v10, v6;
	v13 =	vld [tilespmem:s30+$0xFFFFFF30];
	(xrf1) =	vsort.dscd.msk.f32 $0xffff, v16, v15;
	v5, v8, _ =	vpop (xrf1)  }
0xf8: {  	v10 =	vld [tilespmem:s30+$0xFFFFFF20];
	(xrf1) =	vsort.dscd.msk.f32 $0xffff, v11, v0;
	v11, v14, _ =	vpop (xrf1);
	v5 =	vperm.xlane v5, v4  }
0xf9: {  	v8 =	vperm.xlane v8, v4;
	v15 =	vld [tilespmem:s30+$0xFFFFFF10];
	v11 =	vperm.xlane v11, v4;
	v16, v17, _ =	vpop (xrf1);
	(xrf1) =	vsort.dscd.msk.f32 $0xffff, v7, v6  }
0xfa: {  	v6 =	vperm.xlane v14, v4;
	v7, v14, _ =	vpop (xrf1);
	vm0 =	vge.f32 v16, v5  }
0xfb: {  	v18 =	vld [tilespmem:s30+$0xFFFFFF00];
	v7 =	vperm.xlane v7, v4;
	v19, v20, _ =	vpop (xrf1);
	v16 =	vsel vm0, v16, v5;
	v8 =	vsel vm0, v17, v8  }
0xfc: {  	v14 =	vperm.xlane v14, v4;
	(xrf1) =	vsort.dscd.msk.f32 $0xffff, v13, v3;
	v5, v13, _ =	vpop (xrf1)  }
0xfd: {  	(xrf1) =	vsort.dscd.msk.f32 $0xffff, v10, v2;
	v5 =	vperm.xlane v5, v4;
	v10, v17, _ =	vpop (xrf1);
	vm0 =	vge.f32 v19, v7  }
0xfe: {  	v21 =	vperm.xlane v13, v4;
	(xrf1) =	vsort.dscd.msk.f32 $0xffff, v15, v1;
	v7 =	vsel vm0, v19, v7;
	v15, v19, _ =	vpop (xrf1)  }
0xff: {  	v14 =	vsel vm0, v20, v14;
	vm1 =	vge.f32 v10, v5;
	v15 =	vperm.xlane v15, v4  }
0x100: {  	(xrf1) =	vsort.dscd.msk.f32 $0xffff, v18, v0;
	v22 =	vsel vm1, v10, v5;
	v21 =	vsel vm1, v17, v21;
	v13, v17, _ =	vpop (xrf1)  }
0x101: {  	(xrf1) =	vsort.dscd.msk.f32 $0xffff, v22, v21;
	vm0 =	vge.f32 v13, v11;
	v5, v10, _ =	vpop (xrf1);
	vm1 =	vge.f32 v9, v15  }
0x102: {  	v22 =	vperm.xlane v19, v4;
	v18, v20, _ =	vpop (xrf1);
	v21 =	vsel vm0, v13, v11;
	v6 =	vsel vm0, v17, v6;
	[tilespmem:s16+$0x0] =	vst.msk $0xff, v5  }
0x103: {  	v17 =	vperm.xlane v18, v4;
	v18, v19, _ =	vpop (xrf1);
	(xrf1) =	vsort.dscd.msk.f32 $0xffff, v21, v6;
	[tilespmem:s17+$0x0] =	vst.msk $0xff, v10;
	v6 =	vsel vm1, v9, v15  }
0x104: {  	v9 =	vperm.xlane v20, v4;
	v12 =	vsel vm1, v12, v22;
	v10, v11, _ =	vpop (xrf1);
	v5 =	vld [tilespmem:s24+$0x90];
	(xrf1) =	vsort.dscd.msk.f32 $0xffff, v16, v8  }
0x105: {  	v8 =	vperm.xlane v10, v4;
	vm0 =	vge.f32 v18, v17;
	v10, v13, _ =	vpop (xrf1);
	(xrf1) =	vsort.dscd.msk.f32 $0xffff, v7, v14;
	v7 =	vld [tilespmem:s24+$0x80]  }
0x106: {  	v20 =	vperm.xlane v11, v4;
	v17 =	vsel vm0, v18, v17;
	v9 =	vsel vm0, v19, v9;
	v15, v16, _ =	vpop (xrf1);
	[tilespmem:s22+$0xFFFFFFF8] =	vst.msk $0xff, v10;
	v10 =	vld [tilespmem:s24+$0xB0]  }
0x107: {  	vm0 =	vge.f32 v15, v8;
	(xrf1) =	vsort.dscd.msk.f32 $0xffff, v17, v9;
	[tilespmem:s23+$0xFFFFFFF8] =	vst.msk $0xff, v13;
	v9 =	vld [tilespmem:s24+$0xA0];
	v13, v14, _ =	vpop (xrf1);
	s24 =	smov.u32 s20;
	s20 =	smov.u32 s21;
	s21 =	smov.u32 s25  }
0x108: {  	s25 =	smov.u32 s29;
	s29 =	smov.u32 s30;
	v17 =	vsel vm0, v15, v8;
	v16 =	vsel vm0, v16, v20;
	v15 =	vld [tilespmem:s20+$0x30];
	(xrf1) =	vsort.dscd.msk.f32 $0xffff, v6, v12;
	[tilespmem:s12+$0x8] =	vst.msk $0xff, v13;
	s12 =	smov.u32 s15  }
0x109: {  	s15 =	smov.u32 s16;
	s16 =	smov.u32 s18;
	s18 =	smov.u32 s22;
	(xrf1) =	vsort.dscd.msk.f32 $0xffff, v17, v16;
	v6 =	vld [tilespmem:s20+$0x20];
	[tilespmem:s13+$0x8] =	vst.msk $0xff, v14  }
0x10a: {  	s22 =	smov.u32 s26;
	s13 =	smov.u32 s14;
	s14 =	smov.u32 s17;
	v8, v11, _ =	vpop (xrf1);
	v12 =	vld [tilespmem:s20+$0x10]  }
0x10b: {  	s17 =	smov.u32 s19;
	s19 =	smov.u32 s23;
	s23 =	smov.u32 s28;
	v8 =	vperm.xlane v8, v4;
	v13, v14, _ =	vpop (xrf1);
	v16 =	vld [tilespmem:s20+$0x0];
	(xrf1) =	vsort.dscd.msk.f32 $0xffff, v7, v0  }
0x10c: {  	s26 =	sadd.s32 $0x20, s26;
	v7 =	vperm.xlane v11, v4;
	v11, v17, _ =	vpop (xrf1);
	(xrf1) =	vsort.dscd.msk.f32 $0xffff, v10, v3  }
0x10d: {  	s28 =	sadd.s32 $0x20, s28;
	v10 =	vperm.xlane v11, v4;
	vm0 =	vge.f32 v13, v8;
	(xrf1) =	vsort.dscd.msk.f32 $0xffff, v15, v3  }
.Ltmp0:
0x10e: {  	v11 =	vperm.xlane v17, v4;
	v8 =	vsel vm0, v13, v8;
	v13, v15, _ =	vpop (xrf1);
	(xrf1) =	vsort.dscd.msk.f32 $0xffff, v9, v2;
	(pc) =	sbr.rel @p0 .LBB2_2-.Ltmp0, $4  }
0x10f: {  	v17 =	vsel vm0, v14, v7;
	vm1 =	vge.f32 v13, v10;
	v9, v14, _ =	vpop (xrf1);
	(xrf1) =	vsort.dscd.msk.f32 $0xffff, v12, v1  }
0x110: {  	v10 =	vsel vm1, v13, v10;
	v11 =	vsel vm1, v15, v11;
	[tilespmem:s26+$0xFFFFFFF0] =	vst.msk $0xff, v9;
	(xrf1) =	vsort.dscd.msk.f32 $0xffff, v16, v0  }
0x111: {  	(xrf1) =	vsort.dscd.msk.f32 $0xffff, v8, v17;
	[tilespmem:s28+$0xFFFFFFF0] =	vst.msk $0xff, v14;
	v12, v9, _ =	vpop (xrf1)  }
0x112: {  	(xrf1) =	vsort.dscd.msk.f32 $0xffff, v10, v11;
	v8 =	vld [tilespmem:s25+$0xFFFFFFB0];
	v10 =	vperm.xlane v12, v4;
	v11 =	vperm.xlane v9, v4;
	v9, v7, _ =	vpop (xrf1)  }
0x113: {  	v13, v14, _ =	vpop (xrf1)  }
0x114: {  	(xrf1) =	vsort.dscd.msk.f32 $0xffff, v5, v1;
	vm0 =	vge.f32 v13, v10  }
0x115: {  	v15, v16, _ =	vpop (xrf1);
	(xrf1) =	vsort.dscd.msk.f32 $0xffff, v6, v2;
	v6 =	vsel vm0, v13, v10  }
0x116: {  	v12 =	vld [tilespmem:s25+$0xFFFFFFA0]  }
0x117: {  	v5 =	vld [tilespmem:s25+$0xFFFFFF90];
	v22 =	vsel vm0, v14, v11  }
0x118: {  	v24 =	vperm.xlane v15, v4;
	(xrf1) =	vsort.dscd.msk.f32 $0xffff, v6, v22;
	v6, v10, _ =	vpop (xrf1)  }
0x119: {  	v25 =	vperm.xlane v16, v4;
	v26, v27, _ =	vpop (xrf1)  }
0x11a: {  	(xrf1) =	vsort.dscd.msk.f32 $0xffff, v8, v3;
	vm14 =	vge.f32 v26, v24  }
0x11b: {  	(xrf1) =	vsort.dscd.msk.f32 $0xffff, v12, v2;
	v8 =	vsel vm14, v27, v25  }
0x11c: {  	(xrf1) =	vsort.dscd.msk.f32 $0xffff, v5, v1;
	v5 =	vsel vm14, v26, v24;
	_ =	sdelay $0x1  }
0x11d: {  	v23 =	vld [tilespmem:s25+$0xFFFFFF80];
	v9 =	vperm.xlane v9, v4;
	v28, v29, _ =	vpop (xrf1)  }
0x11e: {  	v7 =	vperm.xlane v7, v4;
	(xrf1) =	vsort.dscd.msk.f32 $0xffff, v5, v8;
	v5, v8, _ =	vpop (xrf1)  }
0x11f: {  	vm15 =	vge.f32 v6, v9;
	v31, v30, _ =	vpop (xrf1)  }
0x120: {  	v7 =	vsel vm15, v10, v7;
	v33, v32, _ =	vpop (xrf1)  }
0x121: {  	v34, v17, _ =	vpop (xrf1)  }
0x122: {  	v6 =	vsel vm15, v6, v9;
	(xrf1) =	vsort.dscd.msk.f32 $0xffff, v23, v0;
	v36, v18, _ =	vpop (xrf1)  }
0x123: {  	(xrf1) =	vsort.dscd.msk.f32 $0xffff, v6, v7;
	v7, v37, _ =	vpop (xrf1)  }
0x124: {  	v7 =	vperm.xlane v7, v4  }
0x125: {  	v38, v39, _ =	vpop (xrf1);
	v9 =	vperm.xlane v37, v4  }
0x126: {  	vm1 =	vge.f32 v38, v7  }
0x127: {  	v9 =	vsel vm1, v39, v9  }
0x128: {  	v5 =	vperm.xlane v5, v4;
	v7 =	vsel vm1, v38, v7  }
0x129: {  	v8 =	vperm.xlane v8, v4;
	v35 =	vperm.xlane v31, v4;
	v40, v19, _ =	vpop (xrf1)  }
0x12a: {  	v14 =	vperm.xlane v30, v4;
	vm4 =	vge.f32 v33, v5;
	v6 =	vperm.xlane v34, v4;
	v41, v42, _ =	vpop (xrf1)  }
0x12b: {  	v5 =	vsel vm4, v33, v5;
	vm6 =	vge.f32 v41, v35;
	(xrf1) =	vsort.dscd.msk.f32 $0xffff, v7, v9;
	v7, v9, _ =	vpop (xrf1)  }
0x12c: {  	v17 =	vperm.xlane v17, v4;
	v10 =	vsel vm6, v41, v35;
	v14 =	vsel vm6, v42, v14;
	v43, v20, _ =	vpop (xrf1)  }
0x12d: {  	v8 =	vsel vm4, v32, v8;
	vm5 =	vge.f32 v36, v6;
	v47, v46, _ =	vpop (xrf1);
	(xrf1) =	vsort.dscd.msk.f32 $0xffff, v10, v14  }
0x12e: {  	v6 =	vsel vm5, v36, v6;
	v17 =	vsel vm5, v18, v17;
	(xrf1) =	vsort.dscd.msk.f32 $0xffff, v5, v8  }
0x12f: {  	v11 =	vperm.xlane v40, v4;
	(xrf1) =	vsort.dscd.msk.f32 $0xffff, v6, v17  }
0x130: {  	v45 =	vperm.xlane v43, v4  }
0x131: {  	v44 =	vperm.xlane v19, v4;
	vm7 =	vge.f32 v28, v11;
	v49 =	vperm.xlane v20, v4;
	v51, v50, _ =	vpop (xrf1)  }
0x132: {  	v48 =	vsel vm7, v28, v11;
	v5 =	vperm.xlane v51, v4;
	vm8 =	vge.f32 v47, v45;
	v52, v53, _ =	vpop (xrf1)  }
0x133: {  	v6 =	vperm.xlane v50, v4;
	v54 =	vsel vm8, v47, v45;
	v11 =	vsel vm8, v46, v49;
	v56, v55, _ =	vpop (xrf1)  }
0x134: {  	[tilespmem:s16+$0x0] =	vst.msk $0xff, v7;
	v7 =	vsel vm7, v29, v44;
	vm9 =	vge.f32 v56, v5;
	(xrf1) =	vsort.dscd.msk.f32 $0xffff, v54, v11  }
0x135: {  	[tilespmem:s17+$0x0] =	vst.msk $0xff, v9;
	v5 =	vsel vm9, v56, v5;
	v6 =	vsel vm9, v55, v6;
	(xrf1) =	vsort.dscd.msk.f32 $0xffff, v48, v7  }
0x136: {  	[tilespmem:s22+$0xFFFFFFF8] =	vst.msk $0xff, v52;
	v7 =	vld [tilespmem:s24+$0x80];
	(xrf1) =	vsort.dscd.msk.f32 $0xffff, v5, v6  }
0x137: {  	v57 =	vld [tilespmem:s24+$0xB0];
	[tilespmem:s23+$0xFFFFFFF8] =	vst.msk $0xff, v53  }
0x138: {  	v58 =	vld [tilespmem:s21+$0x30]  }
0x139: {  	v59 =	vld [tilespmem:s24+$0xA0];
	v6, v5, _ =	vpop (xrf1)  }
0x13a: {  	v60 =	vld [tilespmem:s21+$0x10];
	v62, v61, _ =	vpop (xrf1)  }
0x13b: {  	v12 =	vld [tilespmem:s21+$0x0];
	(xrf1) =	vsort.dscd.msk.f32 $0xffff, v7, v0;
	v20, v19, _ =	vpop (xrf1)  }
0x13c: {  	s31 =	sadd.s32 $0x20, s26;
	v7 =	vld [tilespmem:s24+$0x90];
	(xrf1) =	vsort.dscd.msk.f32 $0xffff, v57, v3;
	v8 =	vperm.xlane v20, v4;
	v23, v22, _ =	vpop (xrf1)  }
0x13d: {  	s30 =	sadd.s32 $0x20, s28;
	v63 =	vld [tilespmem:s21+$0x20];
	[tilespmem:s31+$0xFFFFFFF0] =	vst.msk $0xff, v62;
	(xrf1) =	vsort.dscd.msk.f32 $0xffff, v58, v3;
	v9 =	vperm.xlane v19, v4;
	v25, v26, _ =	vpop (xrf1)  }
0x13e: {  	[tilespmem:s30+$0xFFFFFFF0] =	vst.msk $0xff, v61;
	(xrf1) =	vsort.dscd.msk.f32 $0xffff, v59, v2;
	vm10 =	vge.f32 v25, v8  }
0x13f: {  	v21 =	vld [tilespmem:s29+$0xFFFFFFB0];
	(xrf1) =	vsort.dscd.msk.f32 $0xffff, v60, v1;
	v9 =	vsel vm10, v26, v9  }
0x140: {  	v24 =	vld [tilespmem:s29+$0xFFFFFFA0];
	(xrf1) =	vsort.dscd.msk.f32 $0xffff, v12, v0;
	v8 =	vsel vm10, v25, v8  }
0x141: {  	(xrf1) =	vsort.dscd.msk.f32 $0xffff, v7, v1;
	v7 =	vld [tilespmem:s29+$0xFFFFFF90]  }
0x142: {  	(xrf1) =	vsort.dscd.msk.f32 $0xffff, v63, v2;
	v28, v27, _ =	vpop (xrf1)  }
0x143: {  	v29 =	vld [tilespmem:s29+$0xFFFFFF80];
	v30 =	vperm.xlane v28, v4;
	(xrf1) =	vsort.dscd.msk.f32 $0xffff, v8, v9;
	v8, v9, _ =	vpop (xrf1)  }
0x144: {  	v31 =	vperm.xlane v27, v4;
	(xrf1) =	vsort.dscd.msk.f32 $0xffff, v21, v3;
	v32, v33, _ =	vpop (xrf1)  }
0x145: {  	(xrf1) =	vsort.dscd.msk.f32 $0xffff, v24, v2;
	vm11 =	vge.f32 v32, v30  }
0x146: {  	(xrf1) =	vsort.dscd.msk.f32 $0xffff, v7, v1;
	v7 =	vsel vm11, v32, v30;
	v10 =	vsel vm11, v33, v31  }
0x147: {  	(xrf1) =	vsort.dscd.msk.f32 $0xffff, v7, v10  }
0x148: {  	(xrf1) =	vsort.dscd.msk.f32 $0xffff, v29, v0  }
0x149: {  	v34, v35, _ =	vpop (xrf1)  }
0x14a: {  	v36, v37, _ =	vpop (xrf1);
	v7 =	vperm.xlane v23, v4  }
0x14b: {  	v13 =	vperm.xlane v22, v4;
	v15, v16, _ =	vpop (xrf1)  }
0x14c: {  	v38 =	vperm.xlane v36, v4;
	v14 =	vperm.xlane v37, v4;
	v40, v39, _ =	vpop (xrf1);
	vm12 =	vge.f32 v8, v7  }
0x14d: {  	v41 =	vperm.xlane v15, v4;
	v43, v42, _ =	vpop (xrf1);
	v7 =	vsel vm12, v8, v7;
	v9 =	vsel vm12, v9, v13  }
0x14e: {  	vm13 =	vge.f32 v40, v38;
	v44, v45, _ =	vpop (xrf1);
	(xrf1) =	vsort.dscd.msk.f32 $0xffff, v7, v9;
	v7 =	vperm.xlane v43, v4  }
0x14f: {  	v16 =	vperm.xlane v16, v4;
	v8 =	vsel vm13, v40, v38;
	v46 =	vperm.xlane v42, v4;
	v48, v47, _ =	vpop (xrf1)  }
0x150: {  	v14 =	vsel vm13, v39, v14;
	v49 =	vperm.xlane v48, v4;
	v51, v50, _ =	vpop (xrf1);
	vm14 =	vge.f32 v44, v7  }
0x151: {  	v53 =	vperm.xlane v47, v4;
	vm15 =	vge.f32 v51, v41;
	v7 =	vsel vm14, v44, v7;
	v12, v15, _ =	vpop (xrf1)  }
0x152: {  	v52 =	vsel vm14, v45, v46;
	v13 =	vsel vm15, v51, v41;
	v16 =	vsel vm15, v50, v16;
	v21, v22, _ =	vpop (xrf1)  }
0x153: {  	vm4 =	vge.f32 v34, v49;
	(xrf1) =	vsort.dscd.msk.f32 $0xffff, v13, v16;
	v54 =	vperm.xlane v21, v4;
	v55, v56, _ =	vpop (xrf1)  }
0x154: {  	v10 =	vsel vm4, v34, v49;
	v57 =	vperm.xlane v22, v4;
	(xrf1) =	vsort.dscd.msk.f32 $0xffff, v8, v14;
	v58, v59, _ =	vpop (xrf1)  }
0x155: {  	(xrf1) =	vsort.dscd.msk.f32 $0xffff, v7, v52;
	v60 =	vperm.xlane v58, v4;
	vm5 =	vge.f32 v55, v54;
	v61, v62, _ =	vpop (xrf1)  }
0x156: {  	v7 =	vperm.xlane v59, v4;
	v63 =	vsel vm5, v55, v54;
	v13 =	vsel vm5, v56, v57;
	v22, v23, _ =	vpop (xrf1)  }
0x157: {  	v11 =	vsel vm4, v35, v53;
	(xrf1) =	vsort.dscd.msk.f32 $0xffff, v63, v13;
	vm6 =	vge.f32 v22, v60  }
0x158: {  	(xrf1) =	vsort.dscd.msk.f32 $0xffff, v10, v11;
	v8 =	vsel vm6, v22, v60;
	v7 =	vsel vm6, v23, v7  }
0x159: {  	[tilespmem:s18+$0x0] =	vst.msk $0xff, v12;
	(xrf1) =	vsort.dscd.msk.f32 $0xffff, v8, v7  }
0x15a: {  	[tilespmem:s19+$0x0] =	vst.msk $0xff, v15  }
0x15b: {  	[tilespmem:s26+$0xFFFFFFF8] =	vst.msk $0xff, v61;
	v7 =	vld [tilespmem:s20+$0x80]  }
0x15c: {  	v24 =	vld [tilespmem:s20+$0xB0];
	[tilespmem:s28+$0xFFFFFFF8] =	vst.msk $0xff, v62  }
0x15d: {  	v25 =	vld [tilespmem:s25+$0x30]  }
0x15e: {  	v26 =	vld [tilespmem:s20+$0xA0]  }
0x15f: {  	v27 =	vld [tilespmem:s25+$0x10]  }
0x160: {  	v28 =	vld [tilespmem:s25+$0x0];
	(xrf1) =	vsort.dscd.msk.f32 $0xffff, v7, v0  }
0x161: {  	v29 =	vld [tilespmem:s20+$0x90];
	v8, v7, _ =	vpop (xrf1);
	(xrf1) =	vsort.dscd.msk.f32 $0xffff, v24, v3  }
0x162: {  	v14 =	vld [tilespmem:s25+$0x20];
	v30, v31, _ =	vpop (xrf1);
	(xrf1) =	vsort.dscd.msk.f32 $0xffff, v25, v3  }
0x163: {  	v33, v32, _ =	vpop (xrf1);
	v9 =	vperm.xlane v30, v4;
	(xrf1) =	vsort.dscd.msk.f32 $0xffff, v26, v2  }
0x164: {  	v35, v34, _ =	vpop (xrf1);
	(xrf1) =	vsort.dscd.msk.f32 $0xffff, v27, v1  }
0x165: {  	v10 =	vperm.xlane v31, v4;
	v37, v36, _ =	vpop (xrf1);
	vm7 =	vge.f32 v35, v9;
	(xrf1) =	vsort.dscd.msk.f32 $0xffff, v28, v0  }
0x166: {  	v13 =	vperm.xlane v37, v4;
	v39, v38, _ =	vpop (xrf1);
	v9 =	vsel vm7, v35, v9;
	(xrf1) =	vsort.dscd.msk.f32 $0xffff, v29, v1  }
0x167: {  	v10 =	vsel vm7, v34, v10;
	v40 =	vperm.xlane v36, v4;
	(xrf1) =	vsort.dscd.msk.f32 $0xffff, v14, v2;
	v41, v42, _ =	vpop (xrf1)  }
0x168: {  	(xrf1) =	vsort.dscd.msk.f32 $0xffff, v9, v10;
	vm8 =	vge.f32 v41, v13  }
0x169: {  	v43 =	vsel vm8, v41, v13;
	v44 =	vsel vm8, v42, v40  }
0x16a: {  	(xrf1) =	vsort.dscd.msk.f32 $0xffff, v43, v44;
	_ =	sdelay $0x3  }
0x16b: {  	v9, v10, _ =	vpop (xrf1)  }
0x16c: {  	v46, v45, _ =	vpop (xrf1)  }
0x16d: {  	v47, v48, _ =	vpop (xrf1)  }
0x16e: {  	v11 =	vperm.xlane v33, v4;
	v50, v49, _ =	vpop (xrf1)  }
0x16f: {  	v15 =	vperm.xlane v32, v4;
	v52, v51, _ =	vpop (xrf1)  }
0x170: {  	vm9 =	vge.f32 v39, v11;
	v12 =	vperm.xlane v46, v4;
	v23, v24, _ =	vpop (xrf1)  }
0x171: {  	v11 =	vsel vm9, v39, v11;
	v15 =	vsel vm9, v38, v15;
	v13 =	vperm.xlane v45, v4;
	v53, v25, _ =	vpop (xrf1)  }
0x172: {  	(xrf1) =	vsort.dscd.msk.f32 $0xffff, v11, v15;
	v16 =	vperm.xlane v47, v4;
	vm10 =	vge.f32 v50, v12;
	v54, v26, _ =	vpop (xrf1)  }
0x173: {  	v17 =	vperm.xlane v48, v4;
	v55 =	vperm.xlane v52, v4;
	v12 =	vsel vm10, v50, v12;
	v56, v57, _ =	vpop (xrf1)  }
0x174: {  	v13 =	vsel vm10, v49, v13;
	v58 =	vperm.xlane v51, v4;
	vm12 =	vge.f32 v54, v16;
	[tilespmem:s22+$0x0] =	vst.msk $0xff, v56  }
0x175: {  	vm11 =	vge.f32 v23, v55;
	v16 =	vsel vm12, v54, v16;
	v17 =	vsel vm12, v26, v17;
	[tilespmem:s23+$0x0] =	vst.msk $0xff, v57;
	v59, v60, _ =	vpop (xrf1)  }
0x176: {  	v14 =	vperm.xlane v53, v4;
	v62 =	vperm.xlane v25, v4;
	(xrf1) =	vsort.dscd.msk.f32 $0xffff, v16, v17;
	v61 =	vld [tilespmem:s21+$0x80];
	[tilespmem:s31+$0xFFFFFFF8] =	vst.msk $0xff, v59  }
0x177: {  	v11 =	vsel vm11, v23, v55;
	v15 =	vsel vm11, v24, v58;
	v63 =	vld [tilespmem:s21+$0xB0];
	(xrf1) =	vsort.dscd.msk.f32 $0xffff, v12, v13;
	[tilespmem:s30+$0xFFFFFFF8] =	vst.msk $0xff, v60  }
0x178: {  	vm13 =	vge.f32 v9, v14;
	(xrf1) =	vsort.dscd.msk.f32 $0xffff, v11, v15;
	v17 =	vld [tilespmem:s29+$0x30]  }
0x179: {  	v9 =	vsel vm13, v9, v14;
	v10 =	vsel vm13, v10, v62;
	v20 =	vld [tilespmem:s21+$0xA0]  }
0x17a: {  	(xrf1) =	vsort.dscd.msk.f32 $0xffff, v9, v10;
	v21 =	vld [tilespmem:s29+$0x10]  }
0x17b: {  	v22 =	vld [tilespmem:s29+$0x0];
	(xrf1) =	vsort.dscd.msk.f32 $0xffff, v61, v0  }
0x17c: {  	v23 =	vld [tilespmem:s21+$0x90];
	(xrf1) =	vsort.dscd.msk.f32 $0xffff, v63, v3  }
0x17d: {  	v24 =	vld [tilespmem:s29+$0x20];
	(xrf1) =	vsort.dscd.msk.f32 $0xffff, v17, v3  }
0x17e: {  	(xrf1) =	vsort.dscd.msk.f32 $0xffff, v20, v2  }
0x17f: {  	(xrf1) =	vsort.dscd.msk.f32 $0xffff, v21, v1  }
0x180: {  	(xrf1) =	vsort.dscd.msk.f32 $0xffff, v22, v0  }
0x181: {  	(xrf1) =	vsort.dscd.msk.f32 $0xffff, v23, v1  }
0x182: {  	(xrf1) =	vsort.dscd.msk.f32 $0xffff, v24, v2  }
0x183: {  	v10, v9, _ =	vpop (xrf1)  }
0x184: {  	v26, v25, _ =	vpop (xrf1)  }
0x185: {  	v27, v28, _ =	vpop (xrf1);
	v11 =	vperm.xlane v26, v4  }
0x186: {  	v12 =	vperm.xlane v25, v4;
	v15, v29, _ =	vpop (xrf1)  }
0x187: {  	vm14 =	vge.f32 v15, v11  }
0x188: {  	v30, v31, _ =	vpop (xrf1);
	v12 =	vsel vm14, v29, v12  }
0x189: {  	v11 =	vsel vm14, v15, v11;
	v33, v32, _ =	vpop (xrf1)  }
0x18a: {  	v35, v34, _ =	vpop (xrf1)  }
0x18b: {  	v13 =	vperm.xlane v27, v4;
	v36, v37, _ =	vpop (xrf1)  }
0x18c: {  	v14 =	vperm.xlane v28, v4;
	(xrf1) =	vsort.dscd.msk.f32 $0xffff, v11, v12;
	v11, v12, _ =	vpop (xrf1)  }
0x18d: {  	vm15 =	vge.f32 v30, v13;
	v38, v39, _ =	vpop (xrf1)  }
0x18e: {  	v13 =	vsel vm15, v30, v13;
	v14 =	vsel vm15, v31, v14;
	v40 =	vperm.xlane v35, v4;
	v42, v41, _ =	vpop (xrf1)  }
0x18f: {  	(xrf1) =	vsort.dscd.msk.f32 $0xffff, v13, v14;
	v15 =	vperm.xlane v36, v4;
	v45, v44, _ =	vpop (xrf1)  }
0x190: {  	v43 =	vperm.xlane v34, v4;
	v46 =	vperm.xlane v37, v4;
	vm4 =	vge.f32 v11, v40;
	v47, v48, _ =	vpop (xrf1)  }
0x191: {  	v23 =	vperm.xlane v38, v4;
	v11 =	vsel vm4, v11, v40;
	vm5 =	vge.f32 v47, v15  }
0x192: {  	v49 =	vperm.xlane v39, v4;
	v14 =	vsel vm5, v47, v15;
	v13 =	vsel vm5, v48, v46  }
0x193: {  	v12 =	vsel vm4, v12, v43;
	vm6 =	vge.f32 v42, v23;
	(xrf1) =	vsort.dscd.msk.f32 $0xffff, v14, v13  }
0x194: {  	v50 =	vsel vm6, v42, v23;
	v51 =	vsel vm6, v41, v49;
	(xrf1) =	vsort.dscd.msk.f32 $0xffff, v11, v12  }
0x195: {  	(xrf1) =	vsort.dscd.msk.f32 $0xffff, v50, v51;
	_ =	sdelay $0x4  }
0x196: {  	v52 =	vperm.xlane v45, v4;
	v11, v12, _ =	vpop (xrf1)  }
0x197: {  	v53 =	vperm.xlane v44, v4;
	[tilespmem:s26+$0x0] =	vst.msk $0xff, v11  }
0x198: {  	vm7 =	vge.f32 v33, v52;
	[tilespmem:s28+$0x0] =	vst.msk $0xff, v12  }
0x199: {  	v13 =	vsel vm7, v32, v53;
	v12 =	vld [tilespmem:s25+$0x80]  }
0x19a: {  	v11 =	vsel vm7, v33, v52;
	v54 =	vld [tilespmem:s25+$0xB0]  }
0x19b: {  	v55 =	vld [tilespmem:s25+$0xA0]  }
0x19c: {  	v17, v18, _ =	vpop (xrf1);
	v56 =	vld [tilespmem:s25+$0x90]  }
0x19d: {  	(xrf1) =	vsort.dscd.msk.f32 $0xffff, v11, v13;
	v11, v13, _ =	vpop (xrf1)  }
0x19e: {  	(xrf1) =	vsort.dscd.msk.f32 $0xffff, v12, v0;
	v11 =	vperm.xlane v11, v4;
	v58, v57, _ =	vpop (xrf1)  }
0x19f: {  	(xrf1) =	vsort.dscd.msk.f32 $0xffff, v54, v3;
	v13 =	vperm.xlane v13, v4;
	v60, v59, _ =	vpop (xrf1)  }
0x1a0: {  	(xrf1) =	vsort.dscd.msk.f32 $0xffff, v55, v2;
	vm8 =	vge.f32 v60, v11  }
0x1a1: {  	(xrf1) =	vsort.dscd.msk.f32 $0xffff, v56, v1;
	v11 =	vsel vm8, v60, v11;
	v13 =	vsel vm8, v59, v13  }
0x1a2: {  	(xrf1) =	vsort.dscd.msk.f32 $0xffff, v11, v13;
	_ =	sdelay $0x8  }
0x1a3: {  	v11, v13, _ =	vpop (xrf1)  }
0x1a4: {  	v62, v61, _ =	vpop (xrf1)  }
0x1a5: {  	v63, v28, _ =	vpop (xrf1)  }
0x1a6: {  	v29, v30, _ =	vpop (xrf1)  }
0x1a7: {  	v12 =	vperm.xlane v58, v4;
	v32, v31, _ =	vpop (xrf1)  }
0x1a8: {  	v33, v34, _ =	vpop (xrf1)  }
0x1a9: {  	v19 =	vperm.xlane v57, v4;
	vm9 =	vge.f32 v11, v12;
	[tilespmem:s31+$0x0] =	vst.msk $0xff, v33  }
0x1aa: {  	v11 =	vsel vm9, v11, v12;
	v35 =	vperm.xlane v63, v4;
	[tilespmem:s30+$0x0] =	vst.msk $0xff, v34  }
0x1ab: {  	v13 =	vsel vm9, v13, v19;
	v36 =	vperm.xlane v28, v4;
	v37 =	vperm.xlane v32, v4;
	v38 =	vld [tilespmem:s29+$0x80]  }
0x1ac: {  	(xrf1) =	vsort.dscd.msk.f32 $0xffff, v11, v13;
	vm10 =	vge.f32 v29, v35;
	v39 =	vperm.xlane v31, v4;
	v40 =	vld [tilespmem:s29+$0xB0]  }
0x1ad: {  	v12 =	vsel vm10, v29, v35;
	v16 =	vsel vm10, v30, v36;
	vm11 =	vge.f32 v62, v37;
	v41 =	vld [tilespmem:s29+$0xA0]  }
0x1ae: {  	(xrf1) =	vsort.dscd.msk.f32 $0xffff, v12, v16;
	v14 =	vsel vm11, v62, v37;
	v11 =	vsel vm11, v61, v39;
	v42 =	vld [tilespmem:s29+$0x90]  }
0x1af: {  	(xrf1) =	vsort.dscd.msk.f32 $0xffff, v14, v11  }
0x1b0: {  	(xrf1) =	vsort.dscd.msk.f32 $0xffff, v38, v0  }
0x1b1: {  	(xrf1) =	vsort.dscd.msk.f32 $0xffff, v40, v3  }
0x1b2: {  	(xrf1) =	vsort.dscd.msk.f32 $0xffff, v41, v2  }
0x1b3: {  	(xrf1) =	vsort.dscd.msk.f32 $0xffff, v42, v1;
	_ =	sdelay $0x7  }
0x1b4: {  	v44, v43, _ =	vpop (xrf1)  }
0x1b5: {  	v46, v45, _ =	vpop (xrf1)  }
0x1b6: {  	v47, v48, _ =	vpop (xrf1)  }
0x1b7: {  	v13 =	vperm.xlane v46, v4;
	v49, v20, _ =	vpop (xrf1)  }
0x1b8: {  	v14 =	vperm.xlane v45, v4;
	v51, v50, _ =	vpop (xrf1)  }
0x1b9: {  	vm12 =	vge.f32 v47, v13;
	v21 =	vperm.xlane v51, v4;
	v52, v53, _ =	vpop (xrf1)  }
0x1ba: {  	v13 =	vsel vm12, v47, v13;
	v14 =	vsel vm12, v48, v14;
	v54 =	vperm.xlane v50, v4;
	v55, v56, _ =	vpop (xrf1)  }
0x1bb: {  	(xrf1) =	vsort.dscd.msk.f32 $0xffff, v13, v14;
	vm13 =	vge.f32 v52, v21;
	v57 =	vperm.xlane v55, v4  }
0x1bc: {  	v59 =	vperm.xlane v56, v4;
	v58 =	vsel vm13, v52, v21;
	v15 =	vsel vm13, v53, v54  }
0x1bd: {  	vm14 =	vge.f32 v49, v57;
	(xrf1) =	vsort.dscd.msk.f32 $0xffff, v58, v15  }
0x1be: {  	v13 =	vsel vm14, v49, v57;
	v60 =	vsel vm14, v20, v59  }
0x1bf: {  	(xrf1) =	vsort.dscd.msk.f32 $0xffff, v13, v60;
	_ =	sdelay $0xa  }
0x1c0: {  	v13, v14, _ =	vpop (xrf1)  }
0x1c1: {  	v15, v61, _ =	vpop (xrf1)  }
0x1c2: {  	v15 =	vperm.xlane v15, v4  }
0x1c3: {  	v16 =	vperm.xlane v61, v4;
	v62, v63, _ =	vpop (xrf1)  }
0x1c4: {  	vm15 =	vge.f32 v62, v15  }
0x1c5: {  	v15 =	vsel vm15, v62, v15;
	v16 =	vsel vm15, v63, v16  }
0x1c6: {  	(xrf1) =	vsort.dscd.msk.f32 $0xffff, v15, v16;
	_ =	sdelay $0x2  }
0x1c7: {  	[tilespmem:s12+$0x8] =	vst.msk $0xff, v6  }
0x1c8: {  	[tilespmem:s13+$0x8] =	vst.msk $0xff, v5  }
0x1c9: {  	[tilespmem:s15+$0x8] =	vst.msk $0xff, v8  }
0x1ca: {  	[tilespmem:s14+$0x8] =	vst.msk $0xff, v7  }
0x1cb: {  	[tilespmem:s16+$0x8] =	vst.msk $0xff, v10  }
0x1cc: {  	[tilespmem:s17+$0x8] =	vst.msk $0xff, v9  }
0x1cd: {  	[tilespmem:s18+$0x8] =	vst.msk $0xff, v17  }
0x1ce: {  	[tilespmem:s19+$0x8] =	vst.msk $0xff, v18  }
0x1cf: {  	[tilespmem:s22+$0x8] =	vst.msk $0xff, v44  }
0x1d0: {  	[tilespmem:s23+$0x8] =	vst.msk $0xff, v43  }
0x1d1: {  	[tilespmem:s26+$0x8] =	vst.msk $0xff, v13  }
0x1d2: {  	[tilespmem:s28+$0x8] =	vst.msk $0xff, v14;
	v5, v6, _ =	vpop (xrf1)  }
0x1d3: {  	[tilespmem:s31+$0x8] =	vst.msk $0xff, v5  }
0x1d4: {  	[tilespmem:s30+$0x8] =	vst.msk $0xff, v6  }
0x1d5: {  	[hbm4b:s4+s2] =	stream.linear.scatter [tilespmem:s8], [sflag:$0x2], $0x800, $0x38;
	[tilespmem:$0x9100] =	vst v63  }
0x1d6: {  	s11 =	sadd.s32 $0x1, s11;
	_ =	swait.ge [sflag:s9], $0x800  }
0x1d7: {  	p0 =	sne.s32 s11, s6;
	[sflag:s9] =	ssyncset.done $0x0  }
.Ltmp1:
0x1d8: {  	[sflag:s9] =	ssyncadd.s32 $0xFFFFF800;
	(pc) =	sbr.rel @p0 .LBB2_1-.Ltmp1, $4  }
0x1d9: {  	[hbm4b:s5+s2] =	stream.linear.scatter [tilespmem:s10], [sflag:$0x2], $0x800, $0x38;
	[tilespmem:$0x9100] =	vst v63  }
0x1da: {  	_ =	swait.ge [sflag:s9], $0x800  }
0x1db: {  	[sflag:s9] =	ssyncset.done $0x0  }
0x1dc: {  	[sflag:s9] =	ssyncadd.s32 $0xFFFFF800  }
0x1dd: {  	_ =	sfence.sel $0x180000  }
0x1de: {  	[bflag:$0x0] =	sbarrier.arrive $0xFFFF  }
0x1df: {  	p0 =	sne.s32 s1, $0x0;
	_ =	strace $0x9000004D  }
0x1e0: {  	s0 =	sadd.s32 @!p0 $0x100000, s0;
	[bflag:$0x2] =	sbarrier.arrive $0xFFFF  }
0x1e1: {  	[sflag:s0] =	ssyncadd.tile.s32 @!p0 $0x1;
	_ =	shalt  }
.Lfunc_end2:
_tile_overlayer_lowered:
.L_overlay_start_2:
0x1e2: {  	(tag) =	ssettag $0x2  }
0x1e3: {  	s0 =	rddreg [dreg:$0x0];
	s2 =	stileid.u32  }
0x1e4: {  	s1 =	rddreg [dreg:$0x1];
	p0 =	sne.s32 s2, $0x0  }
0x1e5: {  	s3 =	rddreg [dreg:$0x2];
	[bflag:$0x3] =	sbarrier.arrive $0xFFFF;
	s2 =	simm.s32 @!p0 $0x1C02  }
0x1e6: {  	[timem:s3], [sflag:s2] =	dma.local @!p0 [hbm:s0], s1  }
0x1e7: {  	s0 =	simm.s32 @!p0 $0x2  }
0x1e8: {  	_ =	swait.ge @!p0 [sflag:s0], s1  }
0x1e9: {  	s1 =	ssub.s32 @!p0 $0x0, s1;
	[sflag:s0] =	ssyncset.done @!p0 $0x0  }
0x1ea: {  	[sflag:s0] =	ssyncadd.s32 @!p0 s1  }
0x1eb: {  	[bflag:$0x3] =	sbarrier.arrive $0xFFFF  }
0x1ec: {  	_ =	shalt  }

// kernel: kernel.13.cloned.1.call-start
scs
__scs_entry_jumppad:
0x0: {  	(pc) =	sbr.rel $0x88, $3  }
0x1: {  	(tag) =	ssettag $0x0;
	lr =	simm.s32 $0x1  }
0x2: {  	[smem:$0x3F9F] =	sst lr;
	_ =	strace $0xD0000000  }
0x3: {  	_ = 	snop  }
0x4: {  	_ = 	snop  }
0x5: {  	_ = 	snop  }
0x6: {  	_ = 	snop  }
0x7: {  	_ = 	snop  }
__scs_overlays_trampoline_lowered:
0x8: {  	[smem:$0x3FAE] =	sst s0  }
0x9: {  	[smem:$0x3FAF] =	sst s1  }
0xa: {  	[smem:$0x3FB0] =	sst s2  }
0xb: {  	[smem:$0x3FB1] =	sst s3  }
0xc: {  	[smem:$0x3FB2] =	sst s4  }
0xd: {  	[smem:$0x3FB3] =	sst s5  }
0xe: {  	[smem:$0x3FB4] =	sst s6  }
0xf: {  	[smem:$0x3FB5] =	sst s7  }
0x10: {  	[smem:$0x3FB6] =	sst s8  }
0x11: {  	[smem:$0x3FB7] =	sst s9;
	s0 =	simm.s32 @!p0 $0x0  }
0x12: {  	s1 =	sld [smem:$0x3F9D];
	s0 =	simm.s32 @p0 $0x1  }
0x13: {  	[smem:$0x3FB8] =	sst s0;
	s0 =	simm.s32 @!p1 $0x0  }
0x14: {  	s2 =	sld [smem:$0x3F9C];
	s0 =	simm.s32 @p1 $0x1  }
0x15: {  	[smem:$0x3FB9] =	sst s0;
	s0 =	simm.s32 @!p2 $0x0  }
0x16: {  	s3 =	sld [smem:$0x3FDB];
	s0 =	simm.s32 @p2 $0x1  }
0x17: {  	s4 =	simm.s32 $0x1BF5;
	[smem:$0x3FBB] =	sst s0  }
0x18: {  	s0 =	sld [smem:$0x3F9E];
	_ =	swait.ge [sflag:s4], $0x0  }
0x19: {  	s7 =	sld [smem:$0x3F9F]  }
0x1a: {  	s8 =	sadd.s32 $0xFFFFE003, lr  }
0x1b: {  	s9 =	sadd.s32 $0xFFFFFEF7, lr;
	s5 =	simm.s32 $0xFFFFFFFF;
	p2 =	slt.u32 s8, $0xFFFFF086  }
0x1c: {  	p1 =	slt.u32 s9, $0xF7A;
	s5 =	simm.s32 @!p2 $0x0  }
0x1d: {  	s5 =	simm.s32 @p1 $0x1;
	p0 =	seq.s32 s7, s2  }
0x1e: {  	s7 =	smul.u32 @!p0 $0xF7A, s2;
	p2 =	seq.s32 @!p0 s5, $0x0  }
0x1f: {  	s9 =	smul.u32 $0xF7A, s1;
	s8 =	simm.s32 @!p0 $0x1BF5;
	p2 =	por !p2, p0  }
0x20: {  	[sflag:s8] =	ssyncset.s32 @!p0 $0xFFFFF086;
	s6 =	sadd.s32 @!p0 s3, s7;
	s7 =	simm.s32 @!p0 $0x108  }
0x21: {  	s3 =	sadd.s32 s3, s9;
	s6 =	sadd.s32 @!p0 $0x88, s6;
	s7 =	simm.s32 @p2 $0x1082  }
0x22: {  	[simem:s7], [sflag:s8] =	dma.local @!p0 [hbm:s6], $0xF7A  }
0x23: {  	s9 =	sor.u32 $0xD0000000, s2;
	s6 =	simm.s32 $0x108;
	_ =	swait.ge @!p0 [sflag:s8], $0x0  }
0x24: {  	s3 =	sadd.s32 $0x88, s3;
	s6 =	simm.s32 @!p1 $0x1082;
	[sflag:s4] =	ssyncset.s32 $0xFFFFF086  }
0x25: {  	[simem:s6], [sflag:s4] =	dma.local [hbm:s3], $0xF7A  }
0x26: {  	[smem:$0x3F9F] =	sst s1;
	(tag) =	ssettag s2;
	_ =	strace s9  }
0x27: {  	s1 =	sld [smem:$0x3FAF]  }
0x28: {  	s2 =	sld [smem:$0x3FB0]  }
0x29: {  	s4 =	sld [smem:$0x3FB2]  }
0x2a: {  	p0 =	seq.s32 s5, $0x0;
	s5 =	sld [smem:$0x3FB3]  }
0x2b: {  	s6 =	sld [smem:$0x3FB4]  }
0x2c: {  	s7 =	sld [smem:$0x3FB5]  }
0x2d: {  	s3 =	simm.s32 $0x108;
	s8 =	sld [smem:$0x3FB6]  }
0x2e: {  	s3 =	simm.s32 @!p0 $0x1082;
	s9 =	sld [smem:$0x3FB7]  }
0x2f: {  	lr =	sadd.s32 s0, s3;
	s0 =	sld [smem:$0x3FAE]  }
0x30: {  	s3 =	sld [smem:$0x3FB1]  }
0x31: {  	[smem:$0x3FBA] =	sst s10  }
0x32: {  	s10 =	sld [smem:$0x3FB8];
	_ =	sdelay $0x3  }
0x33: {  	p0 =	seq.s32 s10, $0x1;
	s10 =	sld [smem:$0x3FBA];
	_ =	sdelay $0x3  }
0x34: {  	[smem:$0x3FBA] =	sst s10  }
0x35: {  	s10 =	sld [smem:$0x3FB9];
	_ =	sdelay $0x3  }
0x36: {  	p1 =	seq.s32 s10, $0x1;
	s10 =	sld [smem:$0x3FBA];
	_ =	sdelay $0x3  }
0x37: {  	[smem:$0x3FBA] =	sst s10  }
0x38: {  	s10 =	sld [smem:$0x3FBB]  }
0x39: {  	_ = 	snop;
	(pc) =	sbr.ind lr, $3  }
0x3a: {  	_ = 	snop  }
0x3b: {  	_ = 	snop  }
0x3c: {  	p2 =	seq.s32 s10, $0x1;
	s10 =	sld [smem:$0x3FBA]  }
0x3d: {  	_ =	shalt  }
0x3e: {  	_ =	shalt  }
0x3f: {  	_ =	shalt  }
0x40: {  	_ =	shalt  }
0x41: {  	_ =	shalt  }
0x42: {  	_ =	shalt  }
0x43: {  	_ =	shalt  }
0x44: {  	_ =	shalt  }
0x45: {  	_ =	shalt  }
0x46: {  	_ =	shalt  }
0x47: {  	_ =	shalt  }
0x48: {  	_ =	shalt  }
0x49: {  	_ =	shalt  }
0x4a: {  	_ =	shalt  }
0x4b: {  	_ =	shalt  }
0x4c: {  	_ =	shalt  }
0x4d: {  	_ =	shalt  }
0x4e: {  	_ =	shalt  }
0x4f: {  	_ =	shalt  }
0x50: {  	_ =	shalt  }
0x51: {  	_ =	shalt  }
0x52: {  	_ =	shalt  }
0x53: {  	_ =	shalt  }
0x54: {  	_ =	shalt  }
0x55: {  	_ =	shalt  }
0x56: {  	_ =	shalt  }
0x57: {  	_ =	shalt  }
0x58: {  	_ =	shalt  }
0x59: {  	_ =	shalt  }
0x5a: {  	_ =	shalt  }
0x5b: {  	_ =	shalt  }
0x5c: {  	_ =	shalt  }
0x5d: {  	_ =	shalt  }
0x5e: {  	_ =	shalt  }
0x5f: {  	_ =	shalt  }
0x60: {  	_ =	shalt  }
0x61: {  	_ =	shalt  }
0x62: {  	_ =	shalt  }
0x63: {  	_ =	shalt  }
0x64: {  	_ =	shalt  }
0x65: {  	_ =	shalt  }
0x66: {  	_ =	shalt  }
0x67: {  	_ =	shalt  }
0x68: {  	_ =	shalt  }
0x69: {  	_ =	shalt  }
0x6a: {  	_ =	shalt  }
0x6b: {  	_ =	shalt  }
0x6c: {  	_ =	shalt  }
0x6d: {  	_ =	shalt  }
0x6e: {  	_ =	shalt  }
0x6f: {  	_ =	shalt  }
0x70: {  	_ =	shalt  }
0x71: {  	_ =	shalt  }
0x72: {  	_ =	shalt  }
0x73: {  	_ =	shalt  }
0x74: {  	_ =	shalt  }
0x75: {  	_ =	shalt  }
0x76: {  	_ =	shalt  }
0x77: {  	_ =	shalt  }
0x78: {  	_ =	shalt  }
0x79: {  	_ =	shalt  }
0x7a: {  	_ =	shalt  }
0x7b: {  	_ =	shalt  }
0x7c: {  	_ =	shalt  }
0x7d: {  	_ =	shalt  }
0x7e: {  	_ =	shalt  }
0x7f: {  	_ =	shalt  }
0x80: {  	_ =	shalt  }
0x81: {  	_ =	shalt  }
0x82: {  	_ =	shalt  }
0x83: {  	_ =	shalt  }
0x84: {  	_ =	shalt  }
0x85: {  	_ =	shalt  }
0x86: {  	_ =	shalt  }
0x87: {  	_ =	shalt  }
.Lfunc_end0:
.L_simem_size_0:
called_computation.1_lowered:
.L_overlay_start_0:
0x88: {  	s2 =	sld [smem:$0x3FD9]  }
0x89: {  	s3 =	sld [smem:$0x3FFE];
	_ =	sdelay $0x1  }
0x8a: {  	s1 =	srdreg.scid  }
0x8b: {  	s0 =	sand.u32 $0x1, s1  }
0x8c: {  	s15 =	sshll.u32 s0, $0xA;
	s2 =	sadd.s32 s3, s2  }
0x8d: {  	s2 =	sadd.s32 s2, s15  }
0x8e: {  	[smem:$0x3FC6] =	sst s2  }
0x8f: {  	_ = 	snop  }
0x90: {  	s2 =	sld [smem:$0x3FD0];
	_ =	sdelay $0x2  }
0x91: {  	s4 =	simm.s32 $0xD;
	s16 =	simm.s32 $0x10  }
0x92: {  	[smem:s16], [sflag:s4] =	dma.local [hbm:s2], $0x1  }
0x93: {  	_ =	swait.eq [sflag:s4], $0x1  }
0x94: {  	[sflag:s4] =	ssyncset.done $0x0  }
0x95: {  	s17 =	sld [smem:$0x10];
	[sflag:s4] =	ssyncadd.s32 $0xFFFFFFFF  }
0x96: {  	s18 =	sld [smem:$0x11];
	(tm) =	ssettm $0x1  }
0x97: {  	s19 =	sld [smem:$0x3FFB];
	_ =	sdelay $0x3  }
0x98: {  	_ =	strace s19  }
0x99: {  	s2 =	sld [smem:$0x3FFC];
	_ =	sdelay $0x3  }
0x9a: {  	_ =	strace s2  }
0x9b: {  	s2 =	sld [smem:$0x3FFD];
	_ =	sdelay $0x3  }
0x9c: {  	_ =	strace s2  }
0x9d: {  	_ =	strace $0x8FFFFFFF  }
0x9e: {  	s20 =	sld [smem:$0x3FDB];
	_ =	sdelay $0x1  }
0x9f: {  	s5 =	simm.s32 $_scs_section_size  }
0xa0: {  	s6 =	simm.s32 $_size__tile_overlayer_lowered;
	s7 =	simm.s32 $_tile_overlayer_lowered  }
0xa1: {  	s8 =	simm.s32 $0x1BFF;
	s21 =	sshll.u32 s7, $0x1;
	s5 =	sadd.s32 s5, s20  }
0xa2: {  	s22 =	simm.s32 $0x0;
	s6 =	sshll.u32 s6, $0x1;
	s7 =	sadd.s32 s21, s5  }
0xa3: {  	[timem:s22], [sflag:s8] =	dma.local [hbm:s7], s6  }
0xa4: {  	_ =	swait.ge [sflag:s8], s6  }
0xa5: {  	s6 =	ssub.s32 $0x0, s6;
	[sflag:s8] =	ssyncset.done $0x0  }
0xa6: {  	[sflag:s8] =	ssyncadd.s32 s6;
	_ =	sdelay $0x1  }
0xa7: {  	s23 =	simm.s32 $0x1B8B  }
0xa8: {  	_ =	swait.ge [sflag:s23], $0x1  }
0xa9: {  	[sflag:s23] =	ssyncset.done $0x0  }
0xaa: {  	[sflag:s23] =	ssyncadd.s32 $0xFFFFFFFF  }
0xab: {  	s6 =	sld [smem:$0x0]  }
0xac: {  	s7 =	sand.u32 $0xFFFFFFFE, s1  }
0xad: {  	p0 =	sne.s32 s1, s7  }
0xae: {  	s7 =	sshll.u32 @p0 s7, $0xE  }
0xaf: {  	s7 =	sadd.s32 @p0 $0x11B8D, s7;
	s8 =	sshll.u32 @p0 s6, $0x11  }
0xb0: {  	s7 =	sor.u32 @p0 s8, s7  }
0xb1: {  	[sflag:s7] =	ssyncadd.remote.s32 @p0 $0x1;
	_ =	sdelay $0x1  }
0xb2: {  	s7 =	simm.s32 @p0 $0x1B8D  }
0xb3: {  	_ =	swait.eq @p0 [sflag:s7], $0x1  }
0xb4: {  	[sflag:s7] =	ssyncadd.s32 @p0 $0xFFFFFFFF  }
0xb5: {  	s8 =	sshll.u32 @!p0 s1, $0xE  }
0xb6: {  	s8 =	sor.u32 @!p0 $0x4000, s8;
	s7 =	simm.s32 @!p0 $0x1B8D  }
0xb7: {  	s6 =	sshll.u32 @!p0 s6, $0x11;
	s8 =	sadd.s32 @!p0 $0x11B8D, s8;
	_ =	swait.eq @!p0 [sflag:s7], $0x1  }
0xb8: {  	s6 =	sor.u32 @!p0 s6, s8;
	[sflag:s7] =	ssyncadd.s32 @!p0 $0xFFFFFFFF  }
0xb9: {  	s25 =	simm.s32 $0x1B8E;
	s24 =	sld [smem:$0x3FFE];
	[sflag:s6] =	ssyncadd.remote.s32 @!p0 $0x1  }
0xba: {  	s26 =	simm.s32 $execute0_lowered;
	[smem:$0x3FD2] =	sst s25  }
0xbb: {  	s7 =	sshll.u32 s26, $0x1;
	_ =	strace $0x8000004F;
	[dreg:$0x1] =	wrdreg $0xFFFFFFFF  }
0xbc: {  	s28 =	simm.s32 $_size_execute0_lowered;
	s5 =	sadd.s32 s5, s7;
	[dreg:$0x0] =	wrdreg $0x0  }
0xbd: {  	s7 =	sshll.u32 s28, $0x1;
	[dreg:$0x2] =	wrdreg s5  }
0xbe: {  	[dreg:$0x3] =	wrdreg s7  }
0xbf: {  	[dreg:$0x4] =	wrdreg $0xC0  }
0xc0: {  	_ =	task [dreg:s22], $0x5FFFF  }
0xc1: {  	[dreg:$0x1] =	wrdreg $0xFFFFFFFF  }
0xc2: {  	[dreg:$0x0] =	wrdreg $0x60  }
0xc3: {  	[dreg:$0x2] =	wrdreg s24  }
0xc4: {  	[dreg:$0x3] =	wrdreg s18  }
0xc5: {  	[dreg:$0x4] =	wrdreg s17  }
0xc6: {  	[dreg:$0x5] =	wrdreg $0xA  }
0xc7: {  	_ =	task.clear_ibuf [dreg:s22], $0x6FFFF;
	_ =	strace $0x9000004F  }
0xc8: {  	s29 =	simm.s32 $0xA;
	_ =	strace $0x80000051  }
0xc9: {  	_ =	swait.ge [sflag:s29], $0x1  }
0xca: {  	[sflag:s29] =	ssyncadd.s32 $0xFFFFFFFF  }
0xcb: {  	_ =	strace $0x90000051  }
0xcc: {  	_ =	sfence  }
0xcd: {  	s30 =	sld [smem:$0x0];
	_ =	sdelay $0x2  }
0xce: {  	s31 =	sshll.u32 s1, $0xD;
	s1 =	sshrl.u32 s1, $0x2  }
0xcf: {  	s4 =	sand.u32 $0x4000, s31;
	s1 =	sadd.s32 s1, s30  }
0xd0: {  	s0 =	sor.u32 s4, s0;
	s1 =	sshll.u32 s1, $0x11  }
0xd1: {  	s0 =	sor.u32 s1, s0  }
0xd2: {  	s0 =	sadd.s32 $0x8F2B, s0  }
0xd3: {  	[sflag:s0] =	ssyncadd.remote.s32 $0x1  }
0xd4: {  	_ =	sfence.sel $0xFFFF  }
0xd5: {  	[dreg:$0x0] =	wrdreg $0xFFFFFFFF;
	(pc) =	sbr.abs _section_cstart, $3  }
0xd6: {  	[dreg:$0x1] =	wrdreg $0xFFFFFFFF  }
0xd7: {  	_ =	task.clear_ibuf [dreg:s22], $0x2FFFF;
	_ =	strace $0x9FFFFFFF  }
0xd8: {  	(tm) =	ssettm $0x7FFFFFFF  }
0xd9: {  	_ =	shalt  }
tec
execute0_lowered:
.L_overlay_start_1:
0x0: {  	(tag) =	ssettag $0x1  }
0x1: {  	s3 =	rddreg [dreg:$0x0]  }
0x2: {  	s4 =	rddreg [dreg:$0x1]  }
0x3: {  	s5 =	rddreg [dreg:$0x2]  }
0x4: {  	s0 =	rddreg [dreg:$0x3]  }
0x5: {  	s6 =	srdreg.scid;
	s1 =	stileid.u32  }
0x6: {  	s2 =	simm.s32 $0x0;
	s10 =	simm.s32 $0x8880;
	s11 =	simm.s32 $0x0  }
0x7: {  	s6 =	sand.u32 $0x1, s6;
	s7 =	sshll.u32 s1, $0x1;
	[smem:$0x7FF] =	sst s2  }
0x8: {  	s7 =	sor.u32 s6, s7;
	s6 =	ssub.s32 $0x2, s6;
	_ =	strace $0x80000050  }
0x9: {  	v0 =	vlaneseq.u32;
	s8 =	sshll.u32 s7, $0xC;
	s9 =	sshrl.u32 s6, $0x1;
	s7 =	sshll.u32 s7, $0x8  }
0xa: {  	v4 =	vmul.u32 $0xFFFFFFFF, v0;
	s3 =	sadd.s32 s8, s3;
	s6 =	ssub.s32 s6, s9;
	s4 =	sadd.s32 s4, s7  }
0xb: {  	v1 =	vor.u32 $0x10, v0;
	s5 =	sadd.s32 s5, s7;
	s7 =	simm.s32 $0x1;
	s8 =	simm.s32 $0x8000  }
0xc: {  	v2 =	vor.u32 $0x20, v0;
	v3 =	vor.u32 $0x30, v0;
	v4 =	vadd.s32 $0xF, v4;
	s9 =	simm.s32 $0x2;
	s3 =	sadd.s32 $0x6F000, s3;
	s6 =	smax.u32 s6, $0x1  }
.LBB2_1:
0xd: {  	[tilespmem:s2], [sflag:$0x1] =	stream.linear.gather [hbm4b:s3+s2], $0x8000, $0x38;
	[tilespmem:$0x9100] =	vst v63  }
0xe: {  	_ =	swait.ge [sflag:s7], $0x8000  }
0xf: {  	[sflag:s7] =	ssyncset.done $0x0  }
0x10: {  	s22 =	simm.s32 $0x100;
	[sflag:s7] =	ssyncadd.s32 $0xFFFF8000  }
0x11: {  	v5 =	vld [tilespmem:s22+$0xFFFFFF30]  }
0x12: {  	v6 =	vld [tilespmem:s22+$0xFFFFFF20]  }
0x13: {  	v7 =	vld [tilespmem:s22+$0xFFFFFF10];
	_ =	sdelay $0x1  }
0x14: {  	v8 =	vld [tilespmem:s22+$0xFFFFFF00]  }
0x15: {  	(xrf1) =	vsort.dscd.msk.f32 $0xffff, v5, v3  }
0x16: {  	(xrf1) =	vsort.dscd.msk.f32 $0xffff, v6, v2  }
0x17: {  	(xrf1) =	vsort.dscd.msk.f32 $0xffff, v7, v1;
	_ =	sdelay $0x1  }
0x18: {  	(xrf1) =	vsort.dscd.msk.f32 $0xffff, v8, v0;
	_ =	sdelay $0x9  }
0x19: {  	v5, v6, _ =	vpop (xrf1)  }
0x1a: {  	v5 =	vperm.xlane v5, v4;
	v7, v8, _ =	vpop (xrf1)  }
0x1b: {  	v6 =	vperm.xlane v6, v4;
	v9, v10, _ =	vpop (xrf1)  }
0x1c: {  	v9 =	vperm.xlane v9, v4;
	vm0 =	vge.f32 v7, v5  }
0x1d: {  	v10 =	vperm.xlane v10, v4;
	v5 =	vsel vm0, v7, v5;
	v7, v11, _ =	vpop (xrf1);
	v6 =	vsel vm0, v8, v6  }
0x1e: {  	vm10 =	vge.f32 v7, v9;
	(xrf1) =	vsort.dscd.msk.f32 $0xffff, v5, v6  }
0x1f: {  	v5 =	vsel vm10, v7, v9;
	v6 =	vsel vm10, v11, v10  }
0x20: {  	(xrf1) =	vsort.dscd.msk.f32 $0xffff, v5, v6;
	_ =	sdelay $0x5  }
0x21: {  	s28 =	simm.s32 $0x300  }
0x22: {  	v5 =	vld [tilespmem:s28+$0xFFFFFF30]  }
0x23: {  	v6 =	vld [tilespmem:s28+$0xFFFFFF20]  }
0x24: {  	v7 =	vld [tilespmem:s28+$0xFFFFFF10];
	_ =	sdelay $0x1  }
0x25: {  	v8 =	vld [tilespmem:s28+$0xFFFFFF00]  }
0x26: {  	(xrf1) =	vsort.dscd.msk.f32 $0xffff, v5, v3;
	v9, v10, _ =	vpop (xrf1)  }
0x27: {  	(xrf1) =	vsort.dscd.msk.f32 $0xffff, v6, v2;
	v5 =	vperm.xlane v9, v4  }
0x28: {  	(xrf1) =	vsort.dscd.msk.f32 $0xffff, v7, v1;
	v10 =	vperm.xlane v10, v4;
	v6, v9, _ =	vpop (xrf1)  }
0x29: {  	vm11 =	vge.f32 v6, v5  }
0x2a: {  	(xrf1) =	vsort.dscd.msk.f32 $0xffff, v8, v0;
	v5 =	vsel vm11, v6, v5;
	v6 =	vsel vm11, v9, v10  }
0x2b: {  	(xrf1) =	vsort.dscd.msk.f32 $0xffff, v5, v6;
	_ =	sdelay $0x8  }
0x2c: {  	v5, v6, _ =	vpop (xrf1)  }
0x2d: {  	v7, v8, _ =	vpop (xrf1);
	v5 =	vperm.xlane v5, v4  }
0x2e: {  	v6 =	vperm.xlane v6, v4;
	v9, v10, _ =	vpop (xrf1)  }
0x2f: {  	v9 =	vperm.xlane v9, v4;
	vm12 =	vge.f32 v7, v5  }
0x30: {  	v11, v12, _ =	vpop (xrf1);
	v10 =	vperm.xlane v10, v4;
	v5 =	vsel vm12, v7, v5;
	v6 =	vsel vm12, v8, v6  }
0x31: {  	s12 =	simm.s32 $0x8010;
	vm13 =	vge.f32 v11, v9;
	(xrf1) =	vsort.dscd.msk.f32 $0xffff, v5, v6;
	v13, v14, _ =	vpop (xrf1)  }
0x32: {  	s13 =	simm.s32 $0x8890;
	v5 =	vsel vm13, v11, v9;
	v6 =	vsel vm13, v12, v10;
	[tilespmem:s12+$0xFFFFFFF0] =	vst.msk $0xff, v13  }
0x33: {  	(xrf1) =	vsort.dscd.msk.f32 $0xffff, v5, v6;
	[tilespmem:s13+$0xFFFFFFF0] =	vst.msk $0xff, v14  }
0x34: {  	v7 =	vld [tilespmem:s22+$0xFFFFFFB0]  }
0x35: {  	v5 =	vld [tilespmem:s22+$0xFFFFFFA0]  }
0x36: {  	v6 =	vld [tilespmem:s22+$0xFFFFFF90];
	_ =	sdelay $0x1  }
0x37: {  	v8 =	vld [tilespmem:s22+$0xFFFFFF80]  }
0x38: {  	(xrf1) =	vsort.dscd.msk.f32 $0xffff, v7, v3  }
0x39: {  	s24 =	simm.s32 $0x500;
	(xrf1) =	vsort.dscd.msk.f32 $0xffff, v5, v2  }
0x3a: {  	v5 =	vld [tilespmem:s24+$0xFFFFFF30];
	(xrf1) =	vsort.dscd.msk.f32 $0xffff, v6, v1  }
0x3b: {  	v6 =	vld [tilespmem:s24+$0xFFFFFF20]  }
0x3c: {  	(xrf1) =	vsort.dscd.msk.f32 $0xffff, v8, v0;
	_ =	sdelay $0x1  }
0x3d: {  	v9, v10, _ =	vpop (xrf1)  }
0x3e: {  	v7 =	vld [tilespmem:s24+$0xFFFFFF10];
	(xrf1) =	vsort.dscd.msk.f32 $0xffff, v5, v3;
	v5 =	vperm.xlane v9, v4  }
0x3f: {  	v10 =	vperm.xlane v10, v4;
	v8 =	vld [tilespmem:s24+$0xFFFFFF00];
	(xrf1) =	vsort.dscd.msk.f32 $0xffff, v6, v2;
	v6, v9, _ =	vpop (xrf1)  }
0x40: {  	vm14 =	vge.f32 v6, v5  }
0x41: {  	v5 =	vsel vm14, v6, v5;
	v6 =	vsel vm14, v9, v10;
	_ =	sdelay $0x1  }
0x42: {  	(xrf1) =	vsort.dscd.msk.f32 $0xffff, v7, v1  }
0x43: {  	(xrf1) =	vsort.dscd.msk.f32 $0xffff, v8, v0  }
0x44: {  	(xrf1) =	vsort.dscd.msk.f32 $0xffff, v5, v6;
	v5, v6, _ =	vpop (xrf1)  }
0x45: {  	v5 =	vperm.xlane v5, v4;
	v7, v8, _ =	vpop (xrf1)  }
0x46: {  	v6 =	vperm.xlane v6, v4;
	v9, v10, _ =	vpop (xrf1)  }
0x47: {  	v9 =	vperm.xlane v9, v4;
	vm15 =	vge.f32 v7, v5  }
0x48: {  	v10 =	vperm.xlane v10, v4;
	v5 =	vsel vm15, v7, v5;
	v6 =	vsel vm15, v8, v6;
	v7, v8, _ =	vpop (xrf1)  }
0x49: {  	vm4 =	vge.f32 v7, v9  }
0x4a: {  	(xrf1) =	vsort.dscd.msk.f32 $0xffff, v5, v6;
	v6 =	vsel vm4, v8, v10  }
0x4b: {  	v5 =	vsel vm4, v7, v9  }
0x4c: {  	(xrf1) =	vsort.dscd.msk.f32 $0xffff, v5, v6;
	_ =	sdelay $0x1  }
0x4d: {  	v5, v6, _ =	vpop (xrf1)  }
0x4e: {  	v7, v8, _ =	vpop (xrf1);
	v5 =	vperm.xlane v5, v4  }
0x4f: {  	v6 =	vperm.xlane v6, v4;
	v9, v10, _ =	vpop (xrf1)  }
0x50: {  	v11, v46, _ =	vpop (xrf1);
	v9 =	vperm.xlane v9, v4;
	vm5 =	vge.f32 v7, v5  }
0x51: {  	s15 =	simm.s32 $0x8030;
	v10 =	vperm.xlane v10, v4;
	v47, v48, _ =	vpop (xrf1);
	v5 =	vsel vm5, v7, v5;
	v6 =	vsel vm5, v8, v6  }
0x52: {  	s14 =	simm.s32 $0x88B0;
	[tilespmem:s15+$0xFFFFFFF0] =	vst.msk $0xff, v47;
	vm6 =	vge.f32 v11, v9;
	(xrf1) =	vsort.dscd.msk.f32 $0xffff, v5, v6  }
0x53: {  	[tilespmem:s14+$0xFFFFFFF0] =	vst.msk $0xff, v48;
	v5 =	vsel vm6, v11, v9;
	v6 =	vsel vm6, v46, v10  }
0x54: {  	v7 =	vld [tilespmem:s28+$0xFFFFFFB0];
	(xrf1) =	vsort.dscd.msk.f32 $0xffff, v5, v6  }
0x55: {  	v5 =	vld [tilespmem:s28+$0xFFFFFFA0]  }
0x56: {  	v6 =	vld [tilespmem:s28+$0xFFFFFF90]  }
0x57: {  	v8, v9, _ =	vpop (xrf1)  }
0x58: {  	v8 =	vperm.xlane v8, v4  }
0x59: {  	v10 =	vld [tilespmem:s28+$0xFFFFFF80];
	(xrf1) =	vsort.dscd.msk.f32 $0xffff, v7, v3;
	v7 =	vperm.xlane v9, v4;
	v9, v11, _ =	vpop (xrf1)  }
0x5a: {  	(xrf1) =	vsort.dscd.msk.f32 $0xffff, v5, v2;
	vm7 =	vge.f32 v9, v8  }
0x5b: {  	s20 =	simm.s32 $0x700;
	(xrf1) =	vsort.dscd.msk.f32 $0xffff, v6, v1;
	v5 =	vsel vm7, v9, v8;
	v6 =	vsel vm7, v11, v7  }
0x5c: {  	(xrf1) =	vsort.dscd.msk.f32 $0xffff, v5, v6;
	v5 =	vld [tilespmem:s20+$0xFFFFFF30]  }
0x5d: {  	v6 =	vld [tilespmem:s20+$0xFFFFFF20]  }
0x5e: {  	(xrf1) =	vsort.dscd.msk.f32 $0xffff, v10, v0;
	_ =	sdelay $0x1  }
0x5f: {  	v7 =	vld [tilespmem:s20+$0xFFFFFF10];
	v9, v10, _ =	vpop (xrf1)  }
0x60: {  	v8 =	vld [tilespmem:s20+$0xFFFFFF00];
	(xrf1) =	vsort.dscd.msk.f32 $0xffff, v5, v3;
	v5 =	vperm.xlane v9, v4  }
0x61: {  	v10 =	vperm.xlane v10, v4;
	(xrf1) =	vsort.dscd.msk.f32 $0xffff, v6, v2;
	v6, v9, _ =	vpop (xrf1)  }
0x62: {  	vm8 =	vge.f32 v6, v5  }
0x63: {  	v5 =	vsel vm8, v6, v5;
	v6 =	vsel vm8, v9, v10  }
0x64: {  	(xrf1) =	vsort.dscd.msk.f32 $0xffff, v7, v1  }
0x65: {  	(xrf1) =	vsort.dscd.msk.f32 $0xffff, v8, v0  }
0x66: {  	(xrf1) =	vsort.dscd.msk.f32 $0xffff, v5, v6  }
0x67: {  	v5, v6, _ =	vpop (xrf1)  }
0x68: {  	v5 =	vperm.xlane v5, v4;
	v7, v8, _ =	vpop (xrf1)  }
0x69: {  	v6 =	vperm.xlane v6, v4;
	v9, v10, _ =	vpop (xrf1)  }
0x6a: {  	v9 =	vperm.xlane v9, v4;
	vm9 =	vge.f32 v7, v5;
	v11, v49, _ =	vpop (xrf1)  }
0x6b: {  	v10 =	vperm.xlane v10, v4;
	v5 =	vsel vm9, v7, v5;
	v6 =	vsel vm9, v8, v6;
	v7, v8, _ =	vpop (xrf1)  }
0x6c: {  	[tilespmem:s12+$0xFFFFFFF8] =	vst.msk $0xff, v11;
	vm10 =	vge.f32 v7, v9;
	(xrf1) =	vsort.dscd.msk.f32 $0xffff, v5, v6  }
0x6d: {  	[tilespmem:s13+$0xFFFFFFF8] =	vst.msk $0xff, v49;
	v5 =	vsel vm10, v7, v9;
	v6 =	vsel vm10, v8, v10  }
0x6e: {  	v7 =	vld [tilespmem:s22+$0x30];
	(xrf1) =	vsort.dscd.msk.f32 $0xffff, v5, v6  }
0x6f: {  	v5 =	vld [tilespmem:s22+$0x10]  }
0x70: {  	v9 =	vld [tilespmem:s22+$0x0];
	v6, v8, _ =	vpop (xrf1)  }
0x71: {  	v10, v11, _ =	vpop (xrf1)  }
0x72: {  	v6 =	vperm.xlane v6, v4;
	v51, v50, _ =	vpop (xrf1)  }
0x73: {  	v8 =	vperm.xlane v8, v4;
	(xrf1) =	vsort.dscd.msk.f32 $0xffff, v7, v3;
	v12 =	vperm.xlane v51, v4;
	v7, v52, _ =	vpop (xrf1)  }
0x74: {  	s16 =	simm.s32 $0x8050;
	vm11 =	vge.f32 v10, v6;
	v13 =	vperm.xlane v50, v4;
	(xrf1) =	vsort.dscd.msk.f32 $0xffff, v5, v1;
	v15, v16, _ =	vpop (xrf1)  }
0x75: {  	s17 =	simm.s32 $0x88D0;
	v5 =	vld [tilespmem:s22+$0x20];
	v6 =	vsel vm11, v10, v6;
	v8 =	vsel vm11, v11, v8;
	(xrf1) =	vsort.dscd.msk.f32 $0xffff, v9, v0;
	[tilespmem:s16+$0xFFFFFFF0] =	vst.msk $0xff, v15  }
0x76: {  	vm12 =	vge.f32 v7, v12;
	(xrf1) =	vsort.dscd.msk.f32 $0xffff, v6, v8;
	[tilespmem:s17+$0xFFFFFFF0] =	vst.msk $0xff, v16  }
0x77: {  	v6 =	vsel vm12, v7, v12;
	v7 =	vsel vm12, v52, v13;
	v8 =	vld [tilespmem:s24+$0xFFFFFFB0]  }
0x78: {  	(xrf1) =	vsort.dscd.msk.f32 $0xffff, v6, v7;
	v6 =	vld [tilespmem:s24+$0xFFFFFFA0]  }
0x79: {  	v7 =	vld [tilespmem:s24+$0xFFFFFF90]  }
0x7a: {  	(xrf1) =	vsort.dscd.msk.f32 $0xffff, v5, v2;
	v9, v10, _ =	vpop (xrf1)  }
0x7b: {  	v9 =	vperm.xlane v9, v4  }
0x7c: {  	v5 =	vld [tilespmem:s24+$0xFFFFFF80];
	(xrf1) =	vsort.dscd.msk.f32 $0xffff, v8, v3;
	v8 =	vperm.xlane v10, v4;
	v10, v11, _ =	vpop (xrf1)  }
0x7d: {  	(xrf1) =	vsort.dscd.msk.f32 $0xffff, v6, v2;
	vm13 =	vge.f32 v10, v9  }
0x7e: {  	(xrf1) =	vsort.dscd.msk.f32 $0xffff, v7, v1;
	v7 =	vsel vm13, v11, v8  }
0x7f: {  	s21 =	simm.s32 $0x900;
	v6 =	vsel vm13, v10, v9  }
0x80: {  	(xrf1) =	vsort.dscd.msk.f32 $0xffff, v6, v7;
	v6 =	vld [tilespmem:s21+$0xFFFFFF30]  }
0x81: {  	(xrf1) =	vsort.dscd.msk.f32 $0xffff, v5, v0;
	v5 =	vld [tilespmem:s21+$0xFFFFFF20];
	v7, v8, _ =	vpop (xrf1)  }
0x82: {  	v10, v11, _ =	vpop (xrf1)  }
0x83: {  	v9 =	vld [tilespmem:s21+$0xFFFFFF10];
	v13, v14, _ =	vpop (xrf1)  }
0x84: {  	v54, v55, _ =	vpop (xrf1)  }
0x85: {  	v53 =	vld [tilespmem:s21+$0xFFFFFF00];
	(xrf1) =	vsort.dscd.msk.f32 $0xffff, v6, v3;
	v6 =	vperm.xlane v54, v4  }
0x86: {  	(xrf1) =	vsort.dscd.msk.f32 $0xffff, v5, v2;
	v5, v56, _ =	vpop (xrf1);
	v16 =	vperm.xlane v55, v4  }
0x87: {  	v7 =	vperm.xlane v7, v4;
	vm14 =	vge.f32 v5, v6  }
0x88: {  	(xrf1) =	vsort.dscd.msk.f32 $0xffff, v9, v1;
	v9, v57, _ =	vpop (xrf1);
	v5 =	vsel vm14, v5, v6;
	v6 =	vsel vm14, v56, v16  }
0x89: {  	v8 =	vperm.xlane v8, v4;
	vm15 =	vge.f32 v9, v7  }
0x8a: {  	v10 =	vperm.xlane v10, v4;
	(xrf1) =	vsort.dscd.msk.f32 $0xffff, v53, v0;
	v7 =	vsel vm15, v9, v7  }
0x8b: {  	v8 =	vsel vm15, v57, v8;
	(xrf1) =	vsort.dscd.msk.f32 $0xffff, v5, v6;
	v5 =	vperm.xlane v11, v4;
	v6, v11, _ =	vpop (xrf1)  }
0x8c: {  	(xrf1) =	vsort.dscd.msk.f32 $0xffff, v7, v8;
	v8 =	vperm.xlane v11, v4  }
0x8d: {  	vm4 =	vge.f32 v13, v10;
	v6 =	vperm.xlane v6, v4;
	v9, v58, _ =	vpop (xrf1)  }
0x8e: {  	v7 =	vsel vm4, v13, v10;
	v10, v11, _ =	vpop (xrf1)  }
0x8f: {  	v5 =	vsel vm4, v14, v5;
	v10 =	vperm.xlane v10, v4;
	vm5 =	vge.f32 v9, v6;
	v59, v60, _ =	vpop (xrf1)  }
0x90: {  	(xrf1) =	vsort.dscd.msk.f32 $0xffff, v7, v5;
	v6 =	vsel vm5, v9, v6;
	v7 =	vsel vm5, v58, v8;
	v8, v9, _ =	vpop (xrf1)  }
0x91: {  	vm6 =	vge.f32 v8, v10  }
0x92: {  	v5 =	vperm.xlane v11, v4;
	(xrf1) =	vsort.dscd.msk.f32 $0xffff, v6, v7;
	v6 =	vsel vm6, v8, v10  }
0x93: {  	[tilespmem:s15+$0xFFFFFFF8] =	vst.msk $0xff, v59  }
0x94: {  	[tilespmem:s14+$0xFFFFFFF8] =	vst.msk $0xff, v60;
	v5 =	vsel vm6, v9, v5  }
0x95: {  	v7 =	vld [tilespmem:s28+$0x30];
	(xrf1) =	vsort.dscd.msk.f32 $0xffff, v6, v5;
	v6, v8, _ =	vpop (xrf1)  }
0x96: {  	v5 =	vld [tilespmem:s28+$0x10];
	v6 =	vperm.xlane v6, v4  }
0x97: {  	v9 =	vld [tilespmem:s28+$0x0];
	v10, v11, _ =	vpop (xrf1);
	v8 =	vperm.xlane v8, v4  }
0x98: {  	v61, v62, _ =	vpop (xrf1);
	vm7 =	vge.f32 v10, v6  }
0x99: {  	v12 =	vperm.xlane v61, v4;
	v8 =	vsel vm7, v11, v8  }
0x9a: {  	(xrf1) =	vsort.dscd.msk.f32 $0xffff, v7, v3;
	v7, v63, _ =	vpop (xrf1);
	v13 =	vperm.xlane v62, v4;
	v6 =	vsel vm7, v10, v6  }
0x9b: {  	(xrf1) =	vsort.dscd.msk.f32 $0xffff, v5, v1;
	vm8 =	vge.f32 v7, v12  }
0x9c: {  	s18 =	simm.s32 $0x8070;
	v5 =	vld [tilespmem:s28+$0x20];
	v15, v16, _ =	vpop (xrf1);
	(xrf1) =	vsort.dscd.msk.f32 $0xffff, v9, v0;
	v9 =	vsel vm8, v63, v13  }
0x9d: {  	s19 =	simm.s32 $0x88F0;
	[tilespmem:s18+$0xFFFFFFF0] =	vst.msk $0xff, v15;
	(xrf1) =	vsort.dscd.msk.f32 $0xffff, v6, v8;
	v6, v8, _ =	vpop (xrf1)  }
0x9e: {  	[tilespmem:s19+$0xFFFFFFF0] =	vst.msk $0xff, v16;
	v7 =	vsel vm8, v7, v12;
	v6 =	vperm.xlane v6, v4  }
0x9f: {  	v10 =	vld [tilespmem:s20+$0xFFFFFFB0];
	(xrf1) =	vsort.dscd.msk.f32 $0xffff, v7, v9;
	v7 =	vperm.xlane v8, v4;
	v9, v11, _ =	vpop (xrf1)  }
0xa0: {  	v8 =	vld [tilespmem:s20+$0xFFFFFFA0];
	vm9 =	vge.f32 v9, v6  }
0xa1: {  	v19 =	vld [tilespmem:s20+$0xFFFFFF90];
	(xrf1) =	vsort.dscd.msk.f32 $0xffff, v5, v2;
	v5 =	vsel vm9, v9, v6;
	v6 =	vsel vm9, v11, v7  }
0xa2: {  	v13, v14, _ =	vpop (xrf1)  }
0xa3: {  	v7 =	vld [tilespmem:s20+$0xFFFFFF80];
	v9 =	vperm.xlane v13, v4;
	(xrf1) =	vsort.dscd.msk.f32 $0xffff, v5, v6  }
0xa4: {  	v5 =	vperm.xlane v14, v4;
	(xrf1) =	vsort.dscd.msk.f32 $0xffff, v10, v3;
	v6, v10, _ =	vpop (xrf1)  }
0xa5: {  	(xrf1) =	vsort.dscd.msk.f32 $0xffff, v8, v2;
	vm10 =	vge.f32 v6, v9  }
0xa6: {  	s25 =	simm.s32 $0xB00;
	(xrf1) =	vsort.dscd.msk.f32 $0xffff, v19, v1;
	v6 =	vsel vm10, v6, v9;
	v5 =	vsel vm10, v10, v5  }
0xa7: {  	(xrf1) =	vsort.dscd.msk.f32 $0xffff, v6, v5;
	v5 =	vld [tilespmem:s25+$0xFFFFFF30]  }
0xa8: {  	v6 =	vld [tilespmem:s25+$0xFFFFFF20];
	(xrf1) =	vsort.dscd.msk.f32 $0xffff, v7, v0;
	v7, v8, _ =	vpop (xrf1)  }
0xa9: {  	v10, v11, _ =	vpop (xrf1)  }
0xaa: {  	v21, v22, _ =	vpop (xrf1)  }
0xab: {  	v23, v24, _ =	vpop (xrf1)  }
0xac: {  	v9 =	vld [tilespmem:s25+$0xFFFFFF10];
	(xrf1) =	vsort.dscd.msk.f32 $0xffff, v5, v3;
	v5 =	vperm.xlane v23, v4  }
0xad: {  	v20 =	vld [tilespmem:s25+$0xFFFFFF00];
	v16 =	vperm.xlane v24, v4;
	(xrf1) =	vsort.dscd.msk.f32 $0xffff, v6, v2;
	v6, v25, _ =	vpop (xrf1)  }
0xae: {  	vm11 =	vge.f32 v6, v5  }
0xaf: {  	v5 =	vsel vm11, v6, v5;
	v6 =	vsel vm11, v25, v16;
	_ =	sdelay $0x1  }
0xb0: {  	v7 =	vperm.xlane v7, v4;
	v11 =	vperm.xlane v11, v4;
	(xrf1) =	vsort.dscd.msk.f32 $0xffff, v9, v1  }
0xb1: {  	v8 =	vperm.xlane v8, v4;
	v10 =	vperm.xlane v10, v4;
	v9, v26, _ =	vpop (xrf1);
	(xrf1) =	vsort.dscd.msk.f32 $0xffff, v20, v0  }
0xb2: {  	vm12 =	vge.f32 v9, v7;
	(xrf1) =	vsort.dscd.msk.f32 $0xffff, v5, v6;
	v5, v6, _ =	vpop (xrf1)  }
0xb3: {  	v7 =	vsel vm12, v9, v7;
	v8 =	vsel vm12, v26, v8;
	v15, v16, _ =	vpop (xrf1)  }
0xb4: {  	vm13 =	vge.f32 v21, v10;
	(xrf1) =	vsort.dscd.msk.f32 $0xffff, v7, v8;
	v27, v28, _ =	vpop (xrf1)  }
0xb5: {  	v7 =	vsel vm13, v21, v10;
	v8 =	vsel vm13, v22, v11;
	[tilespmem:s12+$0x0] =	vst.msk $0xff, v5;
	v9 =	vperm.xlane v15, v4;
	v10, v11, _ =	vpop (xrf1)  }
0xb6: {  	v5 =	vperm.xlane v16, v4;
	[tilespmem:s13+$0x0] =	vst.msk $0xff, v6;
	v6 =	vperm.xlane v10, v4;
	v10, v29, _ =	vpop (xrf1)  }
0xb7: {  	(xrf1) =	vsort.dscd.msk.f32 $0xffff, v7, v8;
	v7 =	vld [tilespmem:s22+$0x80];
	vm14 =	vge.f32 v27, v9;
	v8 =	vperm.xlane v11, v4;
	v11, v30, _ =	vpop (xrf1);
	[tilespmem:s16+$0xFFFFFFF8] =	vst.msk $0xff, v10  }
0xb8: {  	v9 =	vsel vm14, v27, v9;
	v5 =	vsel vm14, v28, v5;
	v10 =	vld [tilespmem:s22+$0xB0];
	vm15 =	vge.f32 v11, v6;
	[tilespmem:s17+$0xFFFFFFF8] =	vst.msk $0xff, v29  }
0xb9: {  	(xrf1) =	vsort.dscd.msk.f32 $0xffff, v9, v5;
	v5 =	vsel vm15, v11, v6;
	v6 =	vsel vm15, v30, v8;
	v8 =	vld [tilespmem:s24+$0x30];
	_ =	sdelay $0x1  }
0xba: {  	(xrf1) =	vsort.dscd.msk.f32 $0xffff, v5, v6  }
0xbb: {  	v9 =	vld [tilespmem:s22+$0xA0];
	(xrf1) =	vsort.dscd.msk.f32 $0xffff, v7, v0;
	v6, v11, _ =	vpop (xrf1)  }
0xbc: {  	v5 =	vld [tilespmem:s24+$0x10];
	(xrf1) =	vsort.dscd.msk.f32 $0xffff, v10, v3;
	v6 =	vperm.xlane v6, v4  }
0xbd: {  	v31 =	vld [tilespmem:s24+$0x0];
	v7, v32, _ =	vpop (xrf1);
	(xrf1) =	vsort.dscd.msk.f32 $0xffff, v8, v3;
	v8 =	vperm.xlane v11, v4  }
0xbe: {  	v10, v33, _ =	vpop (xrf1);
	vm4 =	vge.f32 v7, v6  }
0xbf: {  	v10 =	vperm.xlane v10, v4;
	v6 =	vsel vm4, v7, v6;
	v7 =	vsel vm4, v32, v8  }
0xc0: {  	v11, v34, _ =	vpop (xrf1);
	(xrf1) =	vsort.dscd.msk.f32 $0xffff, v9, v2;
	v14 =	vperm.xlane v33, v4  }
0xc1: {  	v9 =	vld [tilespmem:s22+$0x90];
	s22 =	simm.s32 $0x8090;
	v35, v17, _ =	vpop (xrf1);
	(xrf1) =	vsort.dscd.msk.f32 $0xffff, v5, v1;
	vm5 =	vge.f32 v11, v10  }
0xc2: {  	s23 =	simm.s32 $0x8910;
	v5 =	vld [tilespmem:s24+$0x20];
	[tilespmem:s22+$0xFFFFFFF0] =	vst.msk $0xff, v35;
	(xrf1) =	vsort.dscd.msk.f32 $0xffff, v31, v0;
	v8 =	vsel vm5, v11, v10;
	v10 =	vsel vm5, v34, v14  }
0xc3: {  	(xrf1) =	vsort.dscd.msk.f32 $0xffff, v6, v7;
	[tilespmem:s23+$0xFFFFFFF0] =	vst.msk $0xff, v17;
	v6, v7, _ =	vpop (xrf1)  }
0xc4: {  	v11 =	vld [tilespmem:s21+$0xFFFFFFB0];
	v6 =	vperm.xlane v6, v4  }
0xc5: {  	(xrf1) =	vsort.dscd.msk.f32 $0xffff, v8, v10;
	v7 =	vperm.xlane v7, v4;
	v10, v36, _ =	vpop (xrf1)  }
0xc6: {  	(xrf1) =	vsort.dscd.msk.f32 $0xffff, v9, v1;
	vm6 =	vge.f32 v10, v6  }
0xc7: {  	(xrf1) =	vsort.dscd.msk.f32 $0xffff, v5, v2;
	v37, v38, _ =	vpop (xrf1);
	v5 =	vsel vm6, v10, v6;
	v6 =	vsel vm6, v36, v7  }
0xc8: {  	v8 =	vld [tilespmem:s21+$0xFFFFFFA0];
	v7 =	vperm.xlane v37, v4;
	(xrf1) =	vsort.dscd.msk.f32 $0xffff, v5, v6  }
0xc9: {  	v9 =	vld [tilespmem:s21+$0xFFFFFF90];
	(xrf1) =	vsort.dscd.msk.f32 $0xffff, v11, v3;
	v10, v11, _ =	vpop (xrf1)  }
0xca: {  	v6 =	vperm.xlane v38, v4;
	vm7 =	vge.f32 v10, v7  }
0xcb: {  	v7 =	vsel vm7, v10, v7  }
0xcc: {  	v5 =	vld [tilespmem:s21+$0xFFFFFF80];
	v6 =	vsel vm7, v11, v6  }
0xcd: {  	s30 =	simm.s32 $0xD00;
	(xrf1) =	vsort.dscd.msk.f32 $0xffff, v8, v2  }
0xce: {  	(xrf1) =	vsort.dscd.msk.f32 $0xffff, v9, v1;
	v8, v9, _ =	vpop (xrf1);
	v10 =	vld [tilespmem:s30+$0xFFFFFF30]  }
0xcf: {  	v11 =	vld [tilespmem:s30+$0xFFFFFF20];
	(xrf1) =	vsort.dscd.msk.f32 $0xffff, v7, v6;
	v6, v7, _ =	vpop (xrf1)  }
0xd0: {  	v39, v40, _ =	vpop (xrf1)  }
0xd1: {  	(xrf1) =	vsort.dscd.msk.f32 $0xffff, v5, v0;
	v5 =	vld [tilespmem:s30+$0xFFFFFF10];
	v42, v41, _ =	vpop (xrf1)  }
0xd2: {  	v43, v44, _ =	vpop (xrf1)  }
0xd3: {  	(xrf1) =	vsort.dscd.msk.f32 $0xffff, v10, v3;
	v19, v20, _ =	vpop (xrf1)  }
0xd4: {  	(xrf1) =	vsort.dscd.msk.f32 $0xffff, v11, v2;
	v11, v45, _ =	vpop (xrf1)  }
0xd5: {  	v11 =	vperm.xlane v11, v4;
	v13 =	vperm.xlane v45, v4  }
0xd6: {  	v18 =	vld [tilespmem:s30+$0xFFFFFF00];
	(xrf1) =	vsort.dscd.msk.f32 $0xffff, v5, v1;
	v5, v46, _ =	vpop (xrf1)  }
0xd7: {  	vm9 =	vge.f32 v5, v11  }
0xd8: {  	v12 =	vperm.xlane v39, v4;
	v47, v48, _ =	vpop (xrf1);
	v5 =	vsel vm9, v5, v11;
	v11 =	vsel vm9, v46, v13  }
0xd9: {  	v6 =	vperm.xlane v6, v4;
	v13, v14, _ =	vpop (xrf1)  }
0xda: {  	v7 =	vperm.xlane v7, v4;
	v10 =	vperm.xlane v40, v4;
	vm1 =	vge.f32 v13, v12  }
0xdb: {  	vm8 =	vge.f32 v42, v6;
	(xrf1) =	vsort.dscd.msk.f32 $0xffff, v18, v0;
	v12 =	vsel vm1, v13, v12  }
0xdc: {  	v16 =	vperm.xlane v43, v4;
	(xrf1) =	vsort.dscd.msk.f32 $0xffff, v5, v11;
	v10 =	vsel vm1, v14, v10;
	v5, v11, _ =	vpop (xrf1)  }
0xdd: {  	v6 =	vsel vm8, v42, v6;
	v17 =	vperm.xlane v44, v4;
	v49, v50, _ =	vpop (xrf1)  }
0xde: {  	v7 =	vsel vm8, v41, v7;
	vm10 =	vge.f32 v19, v16;
	v15 =	vperm.xlane v47, v4;
	v51, v52, _ =	vpop (xrf1)  }
0xdf: {  	v16 =	vsel vm10, v19, v16;
	v17 =	vsel vm10, v20, v17;
	[tilespmem:s15+$0x0] =	vst.msk $0xff, v5;
	(xrf1) =	vsort.dscd.msk.f32 $0xffff, v12, v10;
	v10, v12, _ =	vpop (xrf1)  }
0xe0: {  	vm11 =	vge.f32 v8, v15;
	v5 =	vperm.xlane v49, v4;
	[tilespmem:s14+$0x0] =	vst.msk $0xff, v11;
	v11, v53, _ =	vpop (xrf1);
	v10 =	vperm.xlane v10, v4  }
0xe1: {  	(xrf1) =	vsort.dscd.msk.f32 $0xffff, v6, v7;
	v6 =	vperm.xlane v48, v4;
	v7 =	vsel vm11, v8, v15;
	v56, v55, _ =	vpop (xrf1)  }
0xe2: {  	v8 =	vperm.xlane v50, v4;
	vm12 =	vge.f32 v51, v5;
	vm13 =	vge.f32 v56, v10  }
0xe3: {  	(xrf1) =	vsort.dscd.msk.f32 $0xffff, v16, v17;
	v6 =	vsel vm11, v9, v6;
	v9 =	vsel vm13, v56, v10  }
0xe4: {  	v54 =	vld [tilespmem:s28+$0x80];
	[tilespmem:s18+$0xFFFFFFF8] =	vst.msk $0xff, v11;
	v11 =	vperm.xlane v12, v4;
	v5 =	vsel vm12, v51, v5;
	v8 =	vsel vm12, v52, v8  }
0xe5: {  	v57 =	vld [tilespmem:s28+$0xB0];
	[tilespmem:s19+$0xFFFFFFF8] =	vst.msk $0xff, v53;
	(xrf1) =	vsort.dscd.msk.f32 $0xffff, v5, v8  }
0xe6: {  	v5 =	vld [tilespmem:s20+$0x30];
	v10 =	vsel vm13, v55, v11;
	(xrf1) =	vsort.dscd.msk.f32 $0xffff, v7, v6  }
0xe7: {  	v8 =	vld [tilespmem:s28+$0xA0];
	(xrf1) =	vsort.dscd.msk.f32 $0xffff, v9, v10;
	v7, v9, _ =	vpop (xrf1)  }
0xe8: {  	v6 =	vld [tilespmem:s20+$0x10];
	v7 =	vperm.xlane v7, v4  }
0xe9: {  	v10 =	vld [tilespmem:s20+$0x0];
	(xrf1) =	vsort.dscd.msk.f32 $0xffff, v54, v0;
	v11, v58, _ =	vpop (xrf1);
	v9 =	vperm.xlane v9, v4  }
0xea: {  	(xrf1) =	vsort.dscd.msk.f32 $0xffff, v57, v3;
	vm14 =	vge.f32 v11, v7  }
0xeb: {  	(xrf1) =	vsort.dscd.msk.f32 $0xffff, v5, v3;
	v9 =	vsel vm14, v58, v9  }
0xec: {  	v59, v60, _ =	vpop (xrf1);
	(xrf1) =	vsort.dscd.msk.f32 $0xffff, v8, v2;
	v7 =	vsel vm14, v11, v7  }
0xed: {  	v5 =	vld [tilespmem:s28+$0x90];
	v13 =	vperm.xlane v59, v4;
	v61, v62, _ =	vpop (xrf1);
	(xrf1) =	vsort.dscd.msk.f32 $0xffff, v6, v1  }
0xee: {  	s26 =	simm.s32 $0x80B0;
	v8 =	vperm.xlane v60, v4;
	v11, v63, _ =	vpop (xrf1);
	(xrf1) =	vsort.dscd.msk.f32 $0xffff, v10, v0  }
0xef: {  	s28 =	simm.s32 $0x8930;
	v6 =	vld [tilespmem:s20+$0x20];
	vm15 =	vge.f32 v61, v13;
	[tilespmem:s26+$0xFFFFFFF0] =	vst.msk $0xff, v11;
	(xrf1) =	vsort.dscd.msk.f32 $0xffff, v7, v9;
	v7, v9, _ =	vpop (xrf1)  }
0xf0: {  	v10 =	vsel vm15, v61, v13;
	v8 =	vsel vm15, v62, v8;
	[tilespmem:s28+$0xFFFFFFF0] =	vst.msk $0xff, v63  }
0xf1: {  	s31 =	simm.s32 $0x18;
	s29 =	simm.s32 $0xD00;
	(xrf1) =	vsort.dscd.msk.f32 $0xffff, v10, v8;
	v8 =	vld [tilespmem:s25+$0xFFFFFFB0];
	v10 =	vperm.xlane v7, v4;
	v11 =	vperm.xlane v9, v4;
	v9, v7, _ =	vpop (xrf1)  }
.LBB2_2:
0xf2: {  	s31 =	sadd.s32 $0x4, s31;
	v12 =	vld [tilespmem:s25+$0xFFFFFFA0];
	v13, v14, _ =	vpop (xrf1);
	(xrf1) =	vsort.dscd.msk.f32 $0xffff, v5, v1  }
0xf3: {  	v9 =	vperm.xlane v9, v4;
	p0 =	slt.u32 s31, $0xFC;
	v5 =	vld [tilespmem:s25+$0xFFFFFF90];
	vm0 =	vge.f32 v13, v10  }
0xf4: {  	v15, v16, _ =	vpop (xrf1);
	(xrf1) =	vsort.dscd.msk.f32 $0xffff, v6, v2;
	v6 =	vsel vm0, v13, v10;
	v17 =	vsel vm0, v14, v11  }
0xf5: {  	v11 =	vld [tilespmem:s25+$0xFFFFFF80];
	v13 =	vperm.xlane v15, v4;
	(xrf1) =	vsort.dscd.msk.f32 $0xffff, v6, v17;
	v6 =	vperm.xlane v7, v4;
	v7, v10, _ =	vpop (xrf1)  }
0xf6: {  	v17 =	vperm.xlane v16, v4;
	(xrf1) =	vsort.dscd.msk.f32 $0xffff, v8, v3;
	v14, v15, _ =	vpop (xrf1);
	vm0 =	vge.f32 v7, v9  }
0xf7: {  	s30 =	sadd.s32 $0x200, s30;
	(xrf1) =	vsort.dscd.msk.f32 $0xffff, v12, v2;
	vm1 =	vge.f32 v14, v13;
	v7 =	vsel vm0, v7, v9  }
0xf8: {  	(xrf1) =	vsort.dscd.msk.f32 $0xffff, v5, v1;
	v16 =	vsel vm1, v14, v13;
	v15 =	vsel vm1, v15, v17;
	v9, v12, _ =	vpop (xrf1)  }
0xf9: {  	v6 =	vsel vm0, v10, v6;
	v13 =	vld [tilespmem:s30+$0xFFFFFF30];
	(xrf1) =	vsort.dscd.msk.f32 $0xffff, v16, v15;
	v5, v8, _ =	vpop (xrf1)  }
0xfa: {  	v10 =	vld [tilespmem:s30+$0xFFFFFF20];
	(xrf1) =	vsort.dscd.msk.f32 $0xffff, v11, v0;
	v11, v14, _ =	vpop (xrf1);
	v5 =	vperm.xlane v5, v4  }
0xfb: {  	v8 =	vperm.xlane v8, v4;
	v15 =	vld [tilespmem:s30+$0xFFFFFF10];
	v11 =	vperm.xlane v11, v4;
	v16, v17, _ =	vpop (xrf1);
	(xrf1) =	vsort.dscd.msk.f32 $0xffff, v7, v6  }
0xfc: {  	v6 =	vperm.xlane v14, v4;
	v7, v14, _ =	vpop (xrf1);
	vm0 =	vge.f32 v16, v5  }
0xfd: {  	v18 =	vld [tilespmem:s30+$0xFFFFFF00];
	v7 =	vperm.xlane v7, v4;
	v19, v20, _ =	vpop (xrf1);
	v16 =	vsel vm0, v16, v5;
	v8 =	vsel vm0, v17, v8  }
0xfe: {  	v14 =	vperm.xlane v14, v4;
	(xrf1) =	vsort.dscd.msk.f32 $0xffff, v13, v3;
	v5, v13, _ =	vpop (xrf1)  }
0xff: {  	(xrf1) =	vsort.dscd.msk.f32 $0xffff, v10, v2;
	v5 =	vperm.xlane v5, v4;
	v10, v17, _ =	vpop (xrf1);
	vm0 =	vge.f32 v19, v7  }
0x100: {  	v21 =	vperm.xlane v13, v4;
	(xrf1) =	vsort.dscd.msk.f32 $0xffff, v15, v1;
	v7 =	vsel vm0, v19, v7;
	v15, v19, _ =	vpop (xrf1)  }
0x101: {  	v14 =	vsel vm0, v20, v14;
	vm1 =	vge.f32 v10, v5;
	v15 =	vperm.xlane v15, v4  }
0x102: {  	(xrf1) =	vsort.dscd.msk.f32 $0xffff, v18, v0;
	v22 =	vsel vm1, v10, v5;
	v21 =	vsel vm1, v17, v21;
	v13, v17, _ =	vpop (xrf1)  }
0x103: {  	(xrf1) =	vsort.dscd.msk.f32 $0xffff, v22, v21;
	vm0 =	vge.f32 v13, v11;
	v5, v10, _ =	vpop (xrf1);
	vm1 =	vge.f32 v9, v15  }
0x104: {  	v22 =	vperm.xlane v19, v4;
	v18, v20, _ =	vpop (xrf1);
	v21 =	vsel vm0, v13, v11;
	v6 =	vsel vm0, v17, v6;
	[tilespmem:s16+$0x0] =	vst.msk $0xff, v5  }
0x105: {  	v17 =	vperm.xlane v18, v4;
	v18, v19, _ =	vpop (xrf1);
	(xrf1) =	vsort.dscd.msk.f32 $0xffff, v21, v6;
	[tilespmem:s17+$0x0] =	vst.msk $0xff, v10;
	v6 =	vsel vm1, v9, v15  }
0x106: {  	v9 =	vperm.xlane v20, v4;
	v12 =	vsel vm1, v12, v22;
	v10, v11, _ =	vpop (xrf1);
	v5 =	vld [tilespmem:s24+$0x90];
	(xrf1) =	vsort.dscd.msk.f32 $0xffff, v16, v8  }
0x107: {  	v8 =	vperm.xlane v10, v4;
	vm0 =	vge.f32 v18, v17;
	v10, v13, _ =	vpop (xrf1);
	(xrf1) =	vsort.dscd.msk.f32 $0xffff, v7, v14;
	v7 =	vld [tilespmem:s24+$0x80]  }
0x108: {  	v20 =	vperm.xlane v11, v4;
	v17 =	vsel vm0, v18, v17;
	v9 =	vsel vm0, v19, v9;
	v15, v16, _ =	vpop (xrf1);
	[tilespmem:s22+$0xFFFFFFF8] =	vst.msk $0xff, v10;
	v10 =	vld [tilespmem:s24+$0xB0]  }
0x109: {  	vm0 =	vge.f32 v15, v8;
	(xrf1) =	vsort.dscd.msk.f32 $0xffff, v17, v9;
	[tilespmem:s23+$0xFFFFFFF8] =	vst.msk $0xff, v13;
	v9 =	vld [tilespmem:s24+$0xA0];
	v13, v14, _ =	vpop (xrf1);
	s24 =	smov.u32 s20;
	s20 =	smov.u32 s21;
	s21 =	smov.u32 s25  }
0x10a: {  	s25 =	smov.u32 s29;
	s29 =	smov.u32 s30;
	v17 =	vsel vm0, v15, v8;
	v16 =	vsel vm0, v16, v20;
	v15 =	vld [tilespmem:s20+$0x30];
	(xrf1) =	vsort.dscd.msk.f32 $0xffff, v6, v12;
	[tilespmem:s12+$0x8] =	vst.msk $0xff, v13;
	s12 =	smov.u32 s15  }
0x10b: {  	s15 =	smov.u32 s16;
	s16 =	smov.u32 s18;
	s18 =	smov.u32 s22;
	(xrf1) =	vsort.dscd.msk.f32 $0xffff, v17, v16;
	v6 =	vld [tilespmem:s20+$0x20];
	[tilespmem:s13+$0x8] =	vst.msk $0xff, v14  }
0x10c: {  	s22 =	smov.u32 s26;
	s13 =	smov.u32 s14;
	s14 =	smov.u32 s17;
	v8, v11, _ =	vpop (xrf1);
	v12 =	vld [tilespmem:s20+$0x10]  }
0x10d: {  	s17 =	smov.u32 s19;
	s19 =	smov.u32 s23;
	s23 =	smov.u32 s28;
	v8 =	vperm.xlane v8, v4;
	v13, v14, _ =	vpop (xrf1);
	v16 =	vld [tilespmem:s20+$0x0];
	(xrf1) =	vsort.dscd.msk.f32 $0xffff, v7, v0  }
0x10e: {  	s26 =	sadd.s32 $0x20, s26;
	v7 =	vperm.xlane v11, v4;
	v11, v17, _ =	vpop (xrf1);
	(xrf1) =	vsort.dscd.msk.f32 $0xffff, v10, v3  }
0x10f: {  	s28 =	sadd.s32 $0x20, s28;
	v10 =	vperm.xlane v11, v4;
	vm0 =	vge.f32 v13, v8;
	(xrf1) =	vsort.dscd.msk.f32 $0xffff, v15, v3  }
.Ltmp0:
0x110: {  	v11 =	vperm.xlane v17, v4;
	v8 =	vsel vm0, v13, v8;
	v13, v15, _ =	vpop (xrf1);
	(xrf1) =	vsort.dscd.msk.f32 $0xffff, v9, v2;
	(pc) =	sbr.rel @p0 .LBB2_2-.Ltmp0, $4  }
0x111: {  	v17 =	vsel vm0, v14, v7;
	vm1 =	vge.f32 v13, v10;
	v9, v14, _ =	vpop (xrf1);
	(xrf1) =	vsort.dscd.msk.f32 $0xffff, v12, v1  }
0x112: {  	v10 =	vsel vm1, v13, v10;
	v11 =	vsel vm1, v15, v11;
	[tilespmem:s26+$0xFFFFFFF0] =	vst.msk $0xff, v9;
	(xrf1) =	vsort.dscd.msk.f32 $0xffff, v16, v0  }
0x113: {  	(xrf1) =	vsort.dscd.msk.f32 $0xffff, v8, v17;
	[tilespmem:s28+$0xFFFFFFF0] =	vst.msk $0xff, v14;
	v12, v9, _ =	vpop (xrf1)  }
0x114: {  	(xrf1) =	vsort.dscd.msk.f32 $0xffff, v10, v11;
	v8 =	vld [tilespmem:s25+$0xFFFFFFB0];
	v10 =	vperm.xlane v12, v4;
	v11 =	vperm.xlane v9, v4;
	v9, v7, _ =	vpop (xrf1)  }
0x115: {  	v13, v14, _ =	vpop (xrf1)  }
0x116: {  	(xrf1) =	vsort.dscd.msk.f32 $0xffff, v5, v1;
	vm0 =	vge.f32 v13, v10  }
0x117: {  	v15, v16, _ =	vpop (xrf1);
	(xrf1) =	vsort.dscd.msk.f32 $0xffff, v6, v2;
	v6 =	vsel vm0, v13, v10  }
0x118: {  	v12 =	vld [tilespmem:s25+$0xFFFFFFA0]  }
0x119: {  	v5 =	vld [tilespmem:s25+$0xFFFFFF90];
	v22 =	vsel vm0, v14, v11  }
0x11a: {  	v24 =	vperm.xlane v15, v4;
	(xrf1) =	vsort.dscd.msk.f32 $0xffff, v6, v22;
	v6, v10, _ =	vpop (xrf1)  }
0x11b: {  	v25 =	vperm.xlane v16, v4;
	v26, v27, _ =	vpop (xrf1)  }
0x11c: {  	(xrf1) =	vsort.dscd.msk.f32 $0xffff, v8, v3;
	vm14 =	vge.f32 v26, v24  }
0x11d: {  	(xrf1) =	vsort.dscd.msk.f32 $0xffff, v12, v2;
	v8 =	vsel vm14, v27, v25  }
0x11e: {  	(xrf1) =	vsort.dscd.msk.f32 $0xffff, v5, v1;
	v5 =	vsel vm14, v26, v24;
	_ =	sdelay $0x1  }
0x11f: {  	v23 =	vld [tilespmem:s25+$0xFFFFFF80];
	v9 =	vperm.xlane v9, v4;
	v28, v29, _ =	vpop (xrf1)  }
0x120: {  	v7 =	vperm.xlane v7, v4;
	(xrf1) =	vsort.dscd.msk.f32 $0xffff, v5, v8;
	v5, v8, _ =	vpop (xrf1)  }
0x121: {  	vm15 =	vge.f32 v6, v9;
	v31, v30, _ =	vpop (xrf1)  }
0x122: {  	v7 =	vsel vm15, v10, v7;
	v33, v32, _ =	vpop (xrf1)  }
0x123: {  	v34, v17, _ =	vpop (xrf1)  }
0x124: {  	v6 =	vsel vm15, v6, v9;
	(xrf1) =	vsort.dscd.msk.f32 $0xffff, v23, v0;
	v36, v18, _ =	vpop (xrf1)  }
0x125: {  	(xrf1) =	vsort.dscd.msk.f32 $0xffff, v6, v7;
	v7, v37, _ =	vpop (xrf1)  }
0x126: {  	v7 =	vperm.xlane v7, v4  }
0x127: {  	v38, v39, _ =	vpop (xrf1);
	v9 =	vperm.xlane v37, v4  }
0x128: {  	vm1 =	vge.f32 v38, v7  }
0x129: {  	v9 =	vsel vm1, v39, v9  }
0x12a: {  	v5 =	vperm.xlane v5, v4;
	v7 =	vsel vm1, v38, v7  }
0x12b: {  	v8 =	vperm.xlane v8, v4;
	v35 =	vperm.xlane v31, v4;
	v40, v19, _ =	vpop (xrf1)  }
0x12c: {  	v14 =	vperm.xlane v30, v4;
	vm4 =	vge.f32 v33, v5;
	v6 =	vperm.xlane v34, v4;
	v41, v42, _ =	vpop (xrf1)  }
0x12d: {  	v5 =	vsel vm4, v33, v5;
	vm6 =	vge.f32 v41, v35;
	(xrf1) =	vsort.dscd.msk.f32 $0xffff, v7, v9;
	v7, v9, _ =	vpop (xrf1)  }
0x12e: {  	v17 =	vperm.xlane v17, v4;
	v10 =	vsel vm6, v41, v35;
	v14 =	vsel vm6, v42, v14;
	v43, v20, _ =	vpop (xrf1)  }
0x12f: {  	v8 =	vsel vm4, v32, v8;
	vm5 =	vge.f32 v36, v6;
	v47, v46, _ =	vpop (xrf1);
	(xrf1) =	vsort.dscd.msk.f32 $0xffff, v10, v14  }
0x130: {  	v6 =	vsel vm5, v36, v6;
	v17 =	vsel vm5, v18, v17;
	(xrf1) =	vsort.dscd.msk.f32 $0xffff, v5, v8  }
0x131: {  	v11 =	vperm.xlane v40, v4;
	(xrf1) =	vsort.dscd.msk.f32 $0xffff, v6, v17  }
0x132: {  	v45 =	vperm.xlane v43, v4  }
0x133: {  	v44 =	vperm.xlane v19, v4;
	vm7 =	vge.f32 v28, v11;
	v49 =	vperm.xlane v20, v4;
	v51, v50, _ =	vpop (xrf1)  }
0x134: {  	v48 =	vsel vm7, v28, v11;
	v5 =	vperm.xlane v51, v4;
	vm8 =	vge.f32 v47, v45;
	v52, v53, _ =	vpop (xrf1)  }
0x135: {  	v6 =	vperm.xlane v50, v4;
	v54 =	vsel vm8, v47, v45;
	v11 =	vsel vm8, v46, v49;
	v56, v55, _ =	vpop (xrf1)  }
0x136: {  	[tilespmem:s16+$0x0] =	vst.msk $0xff, v7;
	v7 =	vsel vm7, v29, v44;
	vm9 =	vge.f32 v56, v5;
	(xrf1) =	vsort.dscd.msk.f32 $0xffff, v54, v11  }
0x137: {  	[tilespmem:s17+$0x0] =	vst.msk $0xff, v9;
	v5 =	vsel vm9, v56, v5;
	v6 =	vsel vm9, v55, v6;
	(xrf1) =	vsort.dscd.msk.f32 $0xffff, v48, v7  }
0x138: {  	[tilespmem:s22+$0xFFFFFFF8] =	vst.msk $0xff, v52;
	v7 =	vld [tilespmem:s24+$0x80];
	(xrf1) =	vsort.dscd.msk.f32 $0xffff, v5, v6  }
0x139: {  	v57 =	vld [tilespmem:s24+$0xB0];
	[tilespmem:s23+$0xFFFFFFF8] =	vst.msk $0xff, v53  }
0x13a: {  	v58 =	vld [tilespmem:s21+$0x30]  }
0x13b: {  	v59 =	vld [tilespmem:s24+$0xA0];
	v6, v5, _ =	vpop (xrf1)  }
0x13c: {  	v60 =	vld [tilespmem:s21+$0x10];
	v62, v61, _ =	vpop (xrf1)  }
0x13d: {  	v12 =	vld [tilespmem:s21+$0x0];
	(xrf1) =	vsort.dscd.msk.f32 $0xffff, v7, v0;
	v20, v19, _ =	vpop (xrf1)  }
0x13e: {  	s31 =	sadd.s32 $0x20, s26;
	v7 =	vld [tilespmem:s24+$0x90];
	(xrf1) =	vsort.dscd.msk.f32 $0xffff, v57, v3;
	v8 =	vperm.xlane v20, v4;
	v23, v22, _ =	vpop (xrf1)  }
0x13f: {  	s30 =	sadd.s32 $0x20, s28;
	v63 =	vld [tilespmem:s21+$0x20];
	[tilespmem:s31+$0xFFFFFFF0] =	vst.msk $0xff, v62;
	(xrf1) =	vsort.dscd.msk.f32 $0xffff, v58, v3;
	v9 =	vperm.xlane v19, v4;
	v25, v26, _ =	vpop (xrf1)  }
0x140: {  	[tilespmem:s30+$0xFFFFFFF0] =	vst.msk $0xff, v61;
	(xrf1) =	vsort.dscd.msk.f32 $0xffff, v59, v2;
	vm10 =	vge.f32 v25, v8  }
0x141: {  	v21 =	vld [tilespmem:s29+$0xFFFFFFB0];
	(xrf1) =	vsort.dscd.msk.f32 $0xffff, v60, v1;
	v9 =	vsel vm10, v26, v9  }
0x142: {  	v24 =	vld [tilespmem:s29+$0xFFFFFFA0];
	(xrf1) =	vsort.dscd.msk.f32 $0xffff, v12, v0;
	v8 =	vsel vm10, v25, v8  }
0x143: {  	(xrf1) =	vsort.dscd.msk.f32 $0xffff, v7, v1;
	v7 =	vld [tilespmem:s29+$0xFFFFFF90]  }
0x144: {  	(xrf1) =	vsort.dscd.msk.f32 $0xffff, v63, v2;
	v28, v27, _ =	vpop (xrf1)  }
0x145: {  	v29 =	vld [tilespmem:s29+$0xFFFFFF80];
	v30 =	vperm.xlane v28, v4;
	(xrf1) =	vsort.dscd.msk.f32 $0xffff, v8, v9;
	v8, v9, _ =	vpop (xrf1)  }
0x146: {  	v31 =	vperm.xlane v27, v4;
	(xrf1) =	vsort.dscd.msk.f32 $0xffff, v21, v3;
	v32, v33, _ =	vpop (xrf1)  }
0x147: {  	(xrf1) =	vsort.dscd.msk.f32 $0xffff, v24, v2;
	vm11 =	vge.f32 v32, v30  }
0x148: {  	(xrf1) =	vsort.dscd.msk.f32 $0xffff, v7, v1;
	v7 =	vsel vm11, v32, v30;
	v10 =	vsel vm11, v33, v31  }
0x149: {  	(xrf1) =	vsort.dscd.msk.f32 $0xffff, v7, v10  }
0x14a: {  	(xrf1) =	vsort.dscd.msk.f32 $0xffff, v29, v0  }
0x14b: {  	v34, v35, _ =	vpop (xrf1)  }
0x14c: {  	v36, v37, _ =	vpop (xrf1);
	v7 =	vperm.xlane v23, v4  }
0x14d: {  	v13 =	vperm.xlane v22, v4;
	v15, v16, _ =	vpop (xrf1)  }
0x14e: {  	v38 =	vperm.xlane v36, v4;
	v14 =	vperm.xlane v37, v4;
	v40, v39, _ =	vpop (xrf1);
	vm12 =	vge.f32 v8, v7  }
0x14f: {  	v41 =	vperm.xlane v15, v4;
	v43, v42, _ =	vpop (xrf1);
	v7 =	vsel vm12, v8, v7;
	v9 =	vsel vm12, v9, v13  }
0x150: {  	vm13 =	vge.f32 v40, v38;
	v44, v45, _ =	vpop (xrf1);
	(xrf1) =	vsort.dscd.msk.f32 $0xffff, v7, v9;
	v7 =	vperm.xlane v43, v4  }
0x151: {  	v16 =	vperm.xlane v16, v4;
	v8 =	vsel vm13, v40, v38;
	v46 =	vperm.xlane v42, v4;
	v48, v47, _ =	vpop (xrf1)  }
0x152: {  	v14 =	vsel vm13, v39, v14;
	v49 =	vperm.xlane v48, v4;
	v51, v50, _ =	vpop (xrf1);
	vm14 =	vge.f32 v44, v7  }
0x153: {  	v53 =	vperm.xlane v47, v4;
	vm15 =	vge.f32 v51, v41;
	v7 =	vsel vm14, v44, v7;
	v12, v15, _ =	vpop (xrf1)  }
0x154: {  	v52 =	vsel vm14, v45, v46;
	v13 =	vsel vm15, v51, v41;
	v16 =	vsel vm15, v50, v16;
	v21, v22, _ =	vpop (xrf1)  }
0x155: {  	vm4 =	vge.f32 v34, v49;
	(xrf1) =	vsort.dscd.msk.f32 $0xffff, v13, v16;
	v54 =	vperm.xlane v21, v4;
	v55, v56, _ =	vpop (xrf1)  }
0x156: {  	v10 =	vsel vm4, v34, v49;
	v57 =	vperm.xlane v22, v4;
	(xrf1) =	vsort.dscd.msk.f32 $0xffff, v8, v14;
	v58, v59, _ =	vpop (xrf1)  }
0x157: {  	(xrf1) =	vsort.dscd.msk.f32 $0xffff, v7, v52;
	v60 =	vperm.xlane v58, v4;
	vm5 =	vge.f32 v55, v54;
	v61, v62, _ =	vpop (xrf1)  }
0x158: {  	v7 =	vperm.xlane v59, v4;
	v63 =	vsel vm5, v55, v54;
	v13 =	vsel vm5, v56, v57;
	v22, v23, _ =	vpop (xrf1)  }
0x159: {  	v11 =	vsel vm4, v35, v53;
	(xrf1) =	vsort.dscd.msk.f32 $0xffff, v63, v13;
	vm6 =	vge.f32 v22, v60  }
0x15a: {  	(xrf1) =	vsort.dscd.msk.f32 $0xffff, v10, v11;
	v8 =	vsel vm6, v22, v60;
	v7 =	vsel vm6, v23, v7  }
0x15b: {  	[tilespmem:s18+$0x0] =	vst.msk $0xff, v12;
	(xrf1) =	vsort.dscd.msk.f32 $0xffff, v8, v7  }
0x15c: {  	[tilespmem:s19+$0x0] =	vst.msk $0xff, v15  }
0x15d: {  	[tilespmem:s26+$0xFFFFFFF8] =	vst.msk $0xff, v61;
	v7 =	vld [tilespmem:s20+$0x80]  }
0x15e: {  	v24 =	vld [tilespmem:s20+$0xB0];
	[tilespmem:s28+$0xFFFFFFF8] =	vst.msk $0xff, v62  }
0x15f: {  	v25 =	vld [tilespmem:s25+$0x30]  }
0x160: {  	v26 =	vld [tilespmem:s20+$0xA0]  }
0x161: {  	v27 =	vld [tilespmem:s25+$0x10]  }
0x162: {  	v28 =	vld [tilespmem:s25+$0x0];
	(xrf1) =	vsort.dscd.msk.f32 $0xffff, v7, v0  }
0x163: {  	v29 =	vld [tilespmem:s20+$0x90];
	v8, v7, _ =	vpop (xrf1);
	(xrf1) =	vsort.dscd.msk.f32 $0xffff, v24, v3  }
0x164: {  	v14 =	vld [tilespmem:s25+$0x20];
	v30, v31, _ =	vpop (xrf1);
	(xrf1) =	vsort.dscd.msk.f32 $0xffff, v25, v3  }
0x165: {  	v33, v32, _ =	vpop (xrf1);
	v9 =	vperm.xlane v30, v4;
	(xrf1) =	vsort.dscd.msk.f32 $0xffff, v26, v2  }
0x166: {  	v35, v34, _ =	vpop (xrf1);
	(xrf1) =	vsort.dscd.msk.f32 $0xffff, v27, v1  }
0x167: {  	v10 =	vperm.xlane v31, v4;
	v37, v36, _ =	vpop (xrf1);
	vm7 =	vge.f32 v35, v9;
	(xrf1) =	vsort.dscd.msk.f32 $0xffff, v28, v0  }
0x168: {  	v13 =	vperm.xlane v37, v4;
	v39, v38, _ =	vpop (xrf1);
	v9 =	vsel vm7, v35, v9;
	(xrf1) =	vsort.dscd.msk.f32 $0xffff, v29, v1  }
0x169: {  	v10 =	vsel vm7, v34, v10;
	v40 =	vperm.xlane v36, v4;
	(xrf1) =	vsort.dscd.msk.f32 $0xffff, v14, v2;
	v41, v42, _ =	vpop (xrf1)  }
0x16a: {  	(xrf1) =	vsort.dscd.msk.f32 $0xffff, v9, v10;
	vm8 =	vge.f32 v41, v13  }
0x16b: {  	v43 =	vsel vm8, v41, v13;
	v44 =	vsel vm8, v42, v40  }
0x16c: {  	(xrf1) =	vsort.dscd.msk.f32 $0xffff, v43, v44;
	_ =	sdelay $0x3  }
0x16d: {  	v9, v10, _ =	vpop (xrf1)  }
0x16e: {  	v46, v45, _ =	vpop (xrf1)  }
0x16f: {  	v47, v48, _ =	vpop (xrf1)  }
0x170: {  	v11 =	vperm.xlane v33, v4;
	v50, v49, _ =	vpop (xrf1)  }
0x171: {  	v15 =	vperm.xlane v32, v4;
	v52, v51, _ =	vpop (xrf1)  }
0x172: {  	vm9 =	vge.f32 v39, v11;
	v12 =	vperm.xlane v46, v4;
	v23, v24, _ =	vpop (xrf1)  }
0x173: {  	v11 =	vsel vm9, v39, v11;
	v15 =	vsel vm9, v38, v15;
	v13 =	vperm.xlane v45, v4;
	v53, v25, _ =	vpop (xrf1)  }
0x174: {  	(xrf1) =	vsort.dscd.msk.f32 $0xffff, v11, v15;
	v16 =	vperm.xlane v47, v4;
	vm10 =	vge.f32 v50, v12;
	v54, v26, _ =	vpop (xrf1)  }
0x175: {  	v17 =	vperm.xlane v48, v4;
	v55 =	vperm.xlane v52, v4;
	v12 =	vsel vm10, v50, v12;
	v56, v57, _ =	vpop (xrf1)  }
0x176: {  	v13 =	vsel vm10, v49, v13;
	v58 =	vperm.xlane v51, v4;
	vm12 =	vge.f32 v54, v16;
	[tilespmem:s22+$0x0] =	vst.msk $0xff, v56  }
0x177: {  	vm11 =	vge.f32 v23, v55;
	v16 =	vsel vm12, v54, v16;
	v17 =	vsel vm12, v26, v17;
	[tilespmem:s23+$0x0] =	vst.msk $0xff, v57;
	v59, v60, _ =	vpop (xrf1)  }
0x178: {  	v14 =	vperm.xlane v53, v4;
	v62 =	vperm.xlane v25, v4;
	(xrf1) =	vsort.dscd.msk.f32 $0xffff, v16, v17;
	v61 =	vld [tilespmem:s21+$0x80];
	[tilespmem:s31+$0xFFFFFFF8] =	vst.msk $0xff, v59  }
0x179: {  	v11 =	vsel vm11, v23, v55;
	v15 =	vsel vm11, v24, v58;
	v63 =	vld [tilespmem:s21+$0xB0];
	(xrf1) =	vsort.dscd.msk.f32 $0xffff, v12, v13;
	[tilespmem:s30+$0xFFFFFFF8] =	vst.msk $0xff, v60  }
0x17a: {  	vm13 =	vge.f32 v9, v14;
	(xrf1) =	vsort.dscd.msk.f32 $0xffff, v11, v15;
	v17 =	vld [tilespmem:s29+$0x30]  }
0x17b: {  	v9 =	vsel vm13, v9, v14;
	v10 =	vsel vm13, v10, v62;
	v20 =	vld [tilespmem:s21+$0xA0]  }
0x17c: {  	(xrf1) =	vsort.dscd.msk.f32 $0xffff, v9, v10;
	v21 =	vld [tilespmem:s29+$0x10]  }
0x17d: {  	v22 =	vld [tilespmem:s29+$0x0];
	(xrf1) =	vsort.dscd.msk.f32 $0xffff, v61, v0  }
0x17e: {  	v23 =	vld [tilespmem:s21+$0x90];
	(xrf1) =	vsort.dscd.msk.f32 $0xffff, v63, v3  }
0x17f: {  	v24 =	vld [tilespmem:s29+$0x20];
	(xrf1) =	vsort.dscd.msk.f32 $0xffff, v17, v3  }
0x180: {  	(xrf1) =	vsort.dscd.msk.f32 $0xffff, v20, v2  }
0x181: {  	(xrf1) =	vsort.dscd.msk.f32 $0xffff, v21, v1  }
0x182: {  	(xrf1) =	vsort.dscd.msk.f32 $0xffff, v22, v0  }
0x183: {  	(xrf1) =	vsort.dscd.msk.f32 $0xffff, v23, v1  }
0x184: {  	(xrf1) =	vsort.dscd.msk.f32 $0xffff, v24, v2  }
0x185: {  	v10, v9, _ =	vpop (xrf1)  }
0x186: {  	v26, v25, _ =	vpop (xrf1)  }
0x187: {  	v27, v28, _ =	vpop (xrf1);
	v11 =	vperm.xlane v26, v4  }
0x188: {  	v12 =	vperm.xlane v25, v4;
	v15, v29, _ =	vpop (xrf1)  }
0x189: {  	vm14 =	vge.f32 v15, v11  }
0x18a: {  	v30, v31, _ =	vpop (xrf1);
	v12 =	vsel vm14, v29, v12  }
0x18b: {  	v11 =	vsel vm14, v15, v11;
	v33, v32, _ =	vpop (xrf1)  }
0x18c: {  	v35, v34, _ =	vpop (xrf1)  }
0x18d: {  	v13 =	vperm.xlane v27, v4;
	v36, v37, _ =	vpop (xrf1)  }
0x18e: {  	v14 =	vperm.xlane v28, v4;
	(xrf1) =	vsort.dscd.msk.f32 $0xffff, v11, v12;
	v11, v12, _ =	vpop (xrf1)  }
0x18f: {  	vm15 =	vge.f32 v30, v13;
	v38, v39, _ =	vpop (xrf1)  }
0x190: {  	v13 =	vsel vm15, v30, v13;
	v14 =	vsel vm15, v31, v14;
	v40 =	vperm.xlane v35, v4;
	v42, v41, _ =	vpop (xrf1)  }
0x191: {  	(xrf1) =	vsort.dscd.msk.f32 $0xffff, v13, v14;
	v15 =	vperm.xlane v36, v4;
	v45, v44, _ =	vpop (xrf1)  }
0x192: {  	v43 =	vperm.xlane v34, v4;
	v46 =	vperm.xlane v37, v4;
	vm4 =	vge.f32 v11, v40;
	v47, v48, _ =	vpop (xrf1)  }
0x193: {  	v23 =	vperm.xlane v38, v4;
	v11 =	vsel vm4, v11, v40;
	vm5 =	vge.f32 v47, v15  }
0x194: {  	v49 =	vperm.xlane v39, v4;
	v14 =	vsel vm5, v47, v15;
	v13 =	vsel vm5, v48, v46  }
0x195: {  	v12 =	vsel vm4, v12, v43;
	vm6 =	vge.f32 v42, v23;
	(xrf1) =	vsort.dscd.msk.f32 $0xffff, v14, v13  }
0x196: {  	v50 =	vsel vm6, v42, v23;
	v51 =	vsel vm6, v41, v49;
	(xrf1) =	vsort.dscd.msk.f32 $0xffff, v11, v12  }
0x197: {  	(xrf1) =	vsort.dscd.msk.f32 $0xffff, v50, v51;
	_ =	sdelay $0x4  }
0x198: {  	v52 =	vperm.xlane v45, v4;
	v11, v12, _ =	vpop (xrf1)  }
0x199: {  	v53 =	vperm.xlane v44, v4;
	[tilespmem:s26+$0x0] =	vst.msk $0xff, v11  }
0x19a: {  	vm7 =	vge.f32 v33, v52;
	[tilespmem:s28+$0x0] =	vst.msk $0xff, v12  }
0x19b: {  	v13 =	vsel vm7, v32, v53;
	v12 =	vld [tilespmem:s25+$0x80]  }
0x19c: {  	v11 =	vsel vm7, v33, v52;
	v54 =	vld [tilespmem:s25+$0xB0]  }
0x19d: {  	v55 =	vld [tilespmem:s25+$0xA0]  }
0x19e: {  	v17, v18, _ =	vpop (xrf1);
	v56 =	vld [tilespmem:s25+$0x90]  }
0x19f: {  	(xrf1) =	vsort.dscd.msk.f32 $0xffff, v11, v13;
	v11, v13, _ =	vpop (xrf1)  }
0x1a0: {  	(xrf1) =	vsort.dscd.msk.f32 $0xffff, v12, v0;
	v11 =	vperm.xlane v11, v4;
	v58, v57, _ =	vpop (xrf1)  }
0x1a1: {  	(xrf1) =	vsort.dscd.msk.f32 $0xffff, v54, v3;
	v13 =	vperm.xlane v13, v4;
	v60, v59, _ =	vpop (xrf1)  }
0x1a2: {  	(xrf1) =	vsort.dscd.msk.f32 $0xffff, v55, v2;
	vm8 =	vge.f32 v60, v11  }
0x1a3: {  	(xrf1) =	vsort.dscd.msk.f32 $0xffff, v56, v1;
	v11 =	vsel vm8, v60, v11;
	v13 =	vsel vm8, v59, v13  }
0x1a4: {  	(xrf1) =	vsort.dscd.msk.f32 $0xffff, v11, v13;
	_ =	sdelay $0x8  }
0x1a5: {  	v11, v13, _ =	vpop (xrf1)  }
0x1a6: {  	v62, v61, _ =	vpop (xrf1)  }
0x1a7: {  	v63, v28, _ =	vpop (xrf1)  }
0x1a8: {  	v29, v30, _ =	vpop (xrf1)  }
0x1a9: {  	v12 =	vperm.xlane v58, v4;
	v32, v31, _ =	vpop (xrf1)  }
0x1aa: {  	v33, v34, _ =	vpop (xrf1)  }
0x1ab: {  	v19 =	vperm.xlane v57, v4;
	vm9 =	vge.f32 v11, v12;
	[tilespmem:s31+$0x0] =	vst.msk $0xff, v33  }
0x1ac: {  	v11 =	vsel vm9, v11, v12;
	v35 =	vperm.xlane v63, v4;
	[tilespmem:s30+$0x0] =	vst.msk $0xff, v34  }
0x1ad: {  	v13 =	vsel vm9, v13, v19;
	v36 =	vperm.xlane v28, v4;
	v37 =	vperm.xlane v32, v4;
	v38 =	vld [tilespmem:s29+$0x80]  }
0x1ae: {  	(xrf1) =	vsort.dscd.msk.f32 $0xffff, v11, v13;
	vm10 =	vge.f32 v29, v35;
	v39 =	vperm.xlane v31, v4;
	v40 =	vld [tilespmem:s29+$0xB0]  }
0x1af: {  	v12 =	vsel vm10, v29, v35;
	v16 =	vsel vm10, v30, v36;
	vm11 =	vge.f32 v62, v37;
	v41 =	vld [tilespmem:s29+$0xA0]  }
0x1b0: {  	(xrf1) =	vsort.dscd.msk.f32 $0xffff, v12, v16;
	v14 =	vsel vm11, v62, v37;
	v11 =	vsel vm11, v61, v39;
	v42 =	vld [tilespmem:s29+$0x90]  }
0x1b1: {  	(xrf1) =	vsort.dscd.msk.f32 $0xffff, v14, v11  }
0x1b2: {  	(xrf1) =	vsort.dscd.msk.f32 $0xffff, v38, v0  }
0x1b3: {  	(xrf1) =	vsort.dscd.msk.f32 $0xffff, v40, v3  }
0x1b4: {  	(xrf1) =	vsort.dscd.msk.f32 $0xffff, v41, v2  }
0x1b5: {  	(xrf1) =	vsort.dscd.msk.f32 $0xffff, v42, v1;
	_ =	sdelay $0x7  }
0x1b6: {  	v44, v43, _ =	vpop (xrf1)  }
0x1b7: {  	v46, v45, _ =	vpop (xrf1)  }
0x1b8: {  	v47, v48, _ =	vpop (xrf1)  }
0x1b9: {  	v13 =	vperm.xlane v46, v4;
	v49, v20, _ =	vpop (xrf1)  }
0x1ba: {  	v14 =	vperm.xlane v45, v4;
	v51, v50, _ =	vpop (xrf1)  }
0x1bb: {  	vm12 =	vge.f32 v47, v13;
	v21 =	vperm.xlane v51, v4;
	v52, v53, _ =	vpop (xrf1)  }
0x1bc: {  	v13 =	vsel vm12, v47, v13;
	v14 =	vsel vm12, v48, v14;
	v54 =	vperm.xlane v50, v4;
	v55, v56, _ =	vpop (xrf1)  }
0x1bd: {  	(xrf1) =	vsort.dscd.msk.f32 $0xffff, v13, v14;
	vm13 =	vge.f32 v52, v21;
	v57 =	vperm.xlane v55, v4  }
0x1be: {  	v59 =	vperm.xlane v56, v4;
	v58 =	vsel vm13, v52, v21;
	v15 =	vsel vm13, v53, v54  }
0x1bf: {  	vm14 =	vge.f32 v49, v57;
	(xrf1) =	vsort.dscd.msk.f32 $0xffff, v58, v15  }
0x1c0: {  	v13 =	vsel vm14, v49, v57;
	v60 =	vsel vm14, v20, v59  }
0x1c1: {  	(xrf1) =	vsort.dscd.msk.f32 $0xffff, v13, v60;
	_ =	sdelay $0xa  }
0x1c2: {  	v13, v14, _ =	vpop (xrf1)  }
0x1c3: {  	v15, v61, _ =	vpop (xrf1)  }
0x1c4: {  	v15 =	vperm.xlane v15, v4  }
0x1c5: {  	v16 =	vperm.xlane v61, v4;
	v62, v63, _ =	vpop (xrf1)  }
0x1c6: {  	vm15 =	vge.f32 v62, v15  }
0x1c7: {  	v15 =	vsel vm15, v62, v15;
	v16 =	vsel vm15, v63, v16  }
0x1c8: {  	(xrf1) =	vsort.dscd.msk.f32 $0xffff, v15, v16;
	_ =	sdelay $0x2  }
0x1c9: {  	[tilespmem:s12+$0x8] =	vst.msk $0xff, v6  }
0x1ca: {  	[tilespmem:s13+$0x8] =	vst.msk $0xff, v5  }
0x1cb: {  	[tilespmem:s15+$0x8] =	vst.msk $0xff, v8  }
0x1cc: {  	[tilespmem:s14+$0x8] =	vst.msk $0xff, v7  }
0x1cd: {  	[tilespmem:s16+$0x8] =	vst.msk $0xff, v10  }
0x1ce: {  	[tilespmem:s17+$0x8] =	vst.msk $0xff, v9  }
0x1cf: {  	[tilespmem:s18+$0x8] =	vst.msk $0xff, v17  }
0x1d0: {  	[tilespmem:s19+$0x8] =	vst.msk $0xff, v18  }
0x1d1: {  	[tilespmem:s22+$0x8] =	vst.msk $0xff, v44  }
0x1d2: {  	[tilespmem:s23+$0x8] =	vst.msk $0xff, v43  }
0x1d3: {  	[tilespmem:s26+$0x8] =	vst.msk $0xff, v13  }
0x1d4: {  	[tilespmem:s28+$0x8] =	vst.msk $0xff, v14;
	v5, v6, _ =	vpop (xrf1)  }
0x1d5: {  	[tilespmem:s31+$0x8] =	vst.msk $0xff, v5  }
0x1d6: {  	[tilespmem:s30+$0x8] =	vst.msk $0xff, v6  }
0x1d7: {  	[hbm4b:s4+s2] =	stream.linear.scatter [tilespmem:s8], [sflag:$0x2], $0x800, $0x38;
	[tilespmem:$0x9100] =	vst v63  }
0x1d8: {  	s11 =	sadd.s32 $0x1, s11;
	_ =	swait.ge [sflag:s9], $0x800  }
0x1d9: {  	p0 =	sne.s32 s11, s6;
	[sflag:s9] =	ssyncset.done $0x0  }
.Ltmp1:
0x1da: {  	[sflag:s9] =	ssyncadd.s32 $0xFFFFF800;
	(pc) =	sbr.rel @p0 .LBB2_1-.Ltmp1, $4  }
0x1db: {  	[hbm4b:s5+s2] =	stream.linear.scatter [tilespmem:s10], [sflag:$0x2], $0x800, $0x38;
	[tilespmem:$0x9100] =	vst v63  }
0x1dc: {  	_ =	swait.ge [sflag:s9], $0x800  }
0x1dd: {  	[sflag:s9] =	ssyncset.done $0x0  }
0x1de: {  	[sflag:s9] =	ssyncadd.s32 $0xFFFFF800  }
0x1df: {  	_ =	sfence.sel $0x180000  }
0x1e0: {  	[bflag:$0x0] =	sbarrier.arrive $0xFFFF  }
0x1e1: {  	p0 =	sne.s32 s1, $0x0;
	_ =	strace $0x90000050  }
0x1e2: {  	s0 =	sadd.s32 @!p0 $0x100000, s0;
	[bflag:$0x2] =	sbarrier.arrive $0xFFFF  }
0x1e3: {  	[sflag:s0] =	ssyncadd.tile.s32 @!p0 $0x1;
	_ =	shalt  }
.Lfunc_end2:
_tile_overlayer_lowered:
.L_overlay_start_2:
0x1e4: {  	(tag) =	ssettag $0x2  }
0x1e5: {  	s0 =	rddreg [dreg:$0x0];
	s2 =	stileid.u32  }
0x1e6: {  	s1 =	rddreg [dreg:$0x1];
	p0 =	sne.s32 s2, $0x0  }
0x1e7: {  	s3 =	rddreg [dreg:$0x2];
	[bflag:$0x3] =	sbarrier.arrive $0xFFFF;
	s2 =	simm.s32 @!p0 $0x1C02  }
0x1e8: {  	[timem:s3], [sflag:s2] =	dma.local @!p0 [hbm:s0], s1  }
0x1e9: {  	s0 =	simm.s32 @!p0 $0x2  }
0x1ea: {  	_ =	swait.ge @!p0 [sflag:s0], s1  }
0x1eb: {  	s1 =	ssub.s32 @!p0 $0x0, s1;
	[sflag:s0] =	ssyncset.done @!p0 $0x0  }
0x1ec: {  	[sflag:s0] =	ssyncadd.s32 @!p0 s1  }
0x1ed: {  	[bflag:$0x3] =	sbarrier.arrive $0xFFFF  }
0x1ee: {  	_ =	shalt  }

// kernel: kernel.16.cloned.1.call-start
scs
__scs_entry_jumppad:
0x0: {  	(pc) =	sbr.rel $0x88, $3  }
0x1: {  	(tag) =	ssettag $0x0;
	lr =	simm.s32 $0x1  }
0x2: {  	[smem:$0x3F9F] =	sst lr;
	_ =	strace $0xD0000000  }
0x3: {  	_ = 	snop  }
0x4: {  	_ = 	snop  }
0x5: {  	_ = 	snop  }
0x6: {  	_ = 	snop  }
0x7: {  	_ = 	snop  }
__scs_overlays_trampoline_lowered:
0x8: {  	[smem:$0x3FAE] =	sst s0  }
0x9: {  	[smem:$0x3FAF] =	sst s1  }
0xa: {  	[smem:$0x3FB0] =	sst s2  }
0xb: {  	[smem:$0x3FB1] =	sst s3  }
0xc: {  	[smem:$0x3FB2] =	sst s4  }
0xd: {  	[smem:$0x3FB3] =	sst s5  }
0xe: {  	[smem:$0x3FB4] =	sst s6  }
0xf: {  	[smem:$0x3FB5] =	sst s7  }
0x10: {  	[smem:$0x3FB6] =	sst s8  }
0x11: {  	[smem:$0x3FB7] =	sst s9;
	s0 =	simm.s32 @!p0 $0x0  }
0x12: {  	s1 =	sld [smem:$0x3F9D];
	s0 =	simm.s32 @p0 $0x1  }
0x13: {  	[smem:$0x3FB8] =	sst s0;
	s0 =	simm.s32 @!p1 $0x0  }
0x14: {  	s2 =	sld [smem:$0x3F9C];
	s0 =	simm.s32 @p1 $0x1  }
0x15: {  	[smem:$0x3FB9] =	sst s0;
	s0 =	simm.s32 @!p2 $0x0  }
0x16: {  	s3 =	sld [smem:$0x3FDB];
	s0 =	simm.s32 @p2 $0x1  }
0x17: {  	s4 =	simm.s32 $0x1BF5;
	[smem:$0x3FBB] =	sst s0  }
0x18: {  	s0 =	sld [smem:$0x3F9E];
	_ =	swait.ge [sflag:s4], $0x0  }
0x19: {  	s7 =	sld [smem:$0x3F9F]  }
0x1a: {  	s8 =	sadd.s32 $0xFFFFE003, lr  }
0x1b: {  	s9 =	sadd.s32 $0xFFFFFEF7, lr;
	s5 =	simm.s32 $0xFFFFFFFF;
	p2 =	slt.u32 s8, $0xFFFFF086  }
0x1c: {  	p1 =	slt.u32 s9, $0xF7A;
	s5 =	simm.s32 @!p2 $0x0  }
0x1d: {  	s5 =	simm.s32 @p1 $0x1;
	p0 =	seq.s32 s7, s2  }
0x1e: {  	s7 =	smul.u32 @!p0 $0xF7A, s2;
	p2 =	seq.s32 @!p0 s5, $0x0  }
0x1f: {  	s9 =	smul.u32 $0xF7A, s1;
	s8 =	simm.s32 @!p0 $0x1BF5;
	p2 =	por !p2, p0  }
0x20: {  	[sflag:s8] =	ssyncset.s32 @!p0 $0xFFFFF086;
	s6 =	sadd.s32 @!p0 s3, s7;
	s7 =	simm.s32 @!p0 $0x108  }
0x21: {  	s3 =	sadd.s32 s3, s9;
	s6 =	sadd.s32 @!p0 $0x88, s6;
	s7 =	simm.s32 @p2 $0x1082  }
0x22: {  	[simem:s7], [sflag:s8] =	dma.local @!p0 [hbm:s6], $0xF7A  }
0x23: {  	s9 =	sor.u32 $0xD0000000, s2;
	s6 =	simm.s32 $0x108;
	_ =	swait.ge @!p0 [sflag:s8], $0x0  }
0x24: {  	s3 =	sadd.s32 $0x88, s3;
	s6 =	simm.s32 @!p1 $0x1082;
	[sflag:s4] =	ssyncset.s32 $0xFFFFF086  }
0x25: {  	[simem:s6], [sflag:s4] =	dma.local [hbm:s3], $0xF7A  }
0x26: {  	[smem:$0x3F9F] =	sst s1;
	(tag) =	ssettag s2;
	_ =	strace s9  }
0x27: {  	s1 =	sld [smem:$0x3FAF]  }
0x28: {  	s2 =	sld [smem:$0x3FB0]  }
0x29: {  	s4 =	sld [smem:$0x3FB2]  }
0x2a: {  	p0 =	seq.s32 s5, $0x0;
	s5 =	sld [smem:$0x3FB3]  }
0x2b: {  	s6 =	sld [smem:$0x3FB4]  }
0x2c: {  	s7 =	sld [smem:$0x3FB5]  }
0x2d: {  	s3 =	simm.s32 $0x108;
	s8 =	sld [smem:$0x3FB6]  }
0x2e: {  	s3 =	simm.s32 @!p0 $0x1082;
	s9 =	sld [smem:$0x3FB7]  }
0x2f: {  	lr =	sadd.s32 s0, s3;
	s0 =	sld [smem:$0x3FAE]  }
0x30: {  	s3 =	sld [smem:$0x3FB1]  }
0x31: {  	[smem:$0x3FBA] =	sst s10  }
0x32: {  	s10 =	sld [smem:$0x3FB8];
	_ =	sdelay $0x3  }
0x33: {  	p0 =	seq.s32 s10, $0x1;
	s10 =	sld [smem:$0x3FBA];
	_ =	sdelay $0x3  }
0x34: {  	[smem:$0x3FBA] =	sst s10  }
0x35: {  	s10 =	sld [smem:$0x3FB9];
	_ =	sdelay $0x3  }
0x36: {  	p1 =	seq.s32 s10, $0x1;
	s10 =	sld [smem:$0x3FBA];
	_ =	sdelay $0x3  }
0x37: {  	[smem:$0x3FBA] =	sst s10  }
0x38: {  	s10 =	sld [smem:$0x3FBB]  }
0x39: {  	_ = 	snop;
	(pc) =	sbr.ind lr, $3  }
0x3a: {  	_ = 	snop  }
0x3b: {  	_ = 	snop  }
0x3c: {  	p2 =	seq.s32 s10, $0x1;
	s10 =	sld [smem:$0x3FBA]  }
0x3d: {  	_ =	shalt  }
0x3e: {  	_ =	shalt  }
0x3f: {  	_ =	shalt  }
0x40: {  	_ =	shalt  }
0x41: {  	_ =	shalt  }
0x42: {  	_ =	shalt  }
0x43: {  	_ =	shalt  }
0x44: {  	_ =	shalt  }
0x45: {  	_ =	shalt  }
0x46: {  	_ =	shalt  }
0x47: {  	_ =	shalt  }
0x48: {  	_ =	shalt  }
0x49: {  	_ =	shalt  }
0x4a: {  	_ =	shalt  }
0x4b: {  	_ =	shalt  }
0x4c: {  	_ =	shalt  }
0x4d: {  	_ =	shalt  }
0x4e: {  	_ =	shalt  }
0x4f: {  	_ =	shalt  }
0x50: {  	_ =	shalt  }
0x51: {  	_ =	shalt  }
0x52: {  	_ =	shalt  }
0x53: {  	_ =	shalt  }
0x54: {  	_ =	shalt  }
0x55: {  	_ =	shalt  }
0x56: {  	_ =	shalt  }
0x57: {  	_ =	shalt  }
0x58: {  	_ =	shalt  }
0x59: {  	_ =	shalt  }
0x5a: {  	_ =	shalt  }
0x5b: {  	_ =	shalt  }
0x5c: {  	_ =	shalt  }
0x5d: {  	_ =	shalt  }
0x5e: {  	_ =	shalt  }
0x5f: {  	_ =	shalt  }
0x60: {  	_ =	shalt  }
0x61: {  	_ =	shalt  }
0x62: {  	_ =	shalt  }
0x63: {  	_ =	shalt  }
0x64: {  	_ =	shalt  }
0x65: {  	_ =	shalt  }
0x66: {  	_ =	shalt  }
0x67: {  	_ =	shalt  }
0x68: {  	_ =	shalt  }
0x69: {  	_ =	shalt  }
0x6a: {  	_ =	shalt  }
0x6b: {  	_ =	shalt  }
0x6c: {  	_ =	shalt  }
0x6d: {  	_ =	shalt  }
0x6e: {  	_ =	shalt  }
0x6f: {  	_ =	shalt  }
0x70: {  	_ =	shalt  }
0x71: {  	_ =	shalt  }
0x72: {  	_ =	shalt  }
0x73: {  	_ =	shalt  }
0x74: {  	_ =	shalt  }
0x75: {  	_ =	shalt  }
0x76: {  	_ =	shalt  }
0x77: {  	_ =	shalt  }
0x78: {  	_ =	shalt  }
0x79: {  	_ =	shalt  }
0x7a: {  	_ =	shalt  }
0x7b: {  	_ =	shalt  }
0x7c: {  	_ =	shalt  }
0x7d: {  	_ =	shalt  }
0x7e: {  	_ =	shalt  }
0x7f: {  	_ =	shalt  }
0x80: {  	_ =	shalt  }
0x81: {  	_ =	shalt  }
0x82: {  	_ =	shalt  }
0x83: {  	_ =	shalt  }
0x84: {  	_ =	shalt  }
0x85: {  	_ =	shalt  }
0x86: {  	_ =	shalt  }
0x87: {  	_ =	shalt  }
.Lfunc_end0:
.L_simem_size_0:
called_computation.2_lowered:
.L_overlay_start_0:
0x88: {  	s2 =	sld [smem:$0x3FD9]  }
0x89: {  	s3 =	sld [smem:$0x3FFE];
	_ =	sdelay $0x1  }
0x8a: {  	s1 =	srdreg.scid  }
0x8b: {  	s0 =	sand.u32 $0x1, s1  }
0x8c: {  	s17 =	sshll.u32 s0, $0xA;
	s2 =	sadd.s32 s3, s2  }
0x8d: {  	s2 =	sadd.s32 s2, s17  }
0x8e: {  	[smem:$0x3FC6] =	sst s2  }
0x8f: {  	_ = 	snop  }
0x90: {  	(tm) =	ssettm $0x1  }
0x91: {  	s18 =	sld [smem:$0x3FFB];
	_ =	sdelay $0x3  }
0x92: {  	_ =	strace s18  }
0x93: {  	s2 =	sld [smem:$0x3FFC];
	_ =	sdelay $0x3  }
0x94: {  	_ =	strace s2  }
0x95: {  	s2 =	sld [smem:$0x3FFD];
	_ =	sdelay $0x3  }
0x96: {  	_ =	strace s2  }
0x97: {  	_ =	strace $0x8FFFFFFF  }
0x98: {  	s19 =	sld [smem:$0x3FDB];
	_ =	sdelay $0x1  }
0x99: {  	s20 =	simm.s32 $_scs_section_size  }
0x9a: {  	s4 =	simm.s32 $_size__tile_overlayer_lowered;
	s5 =	simm.s32 $_tile_overlayer_lowered  }
0x9b: {  	s6 =	simm.s32 $0x1BFF;
	s21 =	sshll.u32 s5, $0x1;
	s3 =	sadd.s32 s20, s19  }
0x9c: {  	s22 =	simm.s32 $0x0;
	s4 =	sshll.u32 s4, $0x1;
	s5 =	sadd.s32 s21, s3  }
0x9d: {  	[timem:s22], [sflag:s6] =	dma.local [hbm:s5], s4  }
0x9e: {  	_ =	swait.ge [sflag:s6], s4  }
0x9f: {  	s4 =	ssub.s32 $0x0, s4;
	[sflag:s6] =	ssyncset.done $0x0  }
0xa0: {  	[sflag:s6] =	ssyncadd.s32 s4;
	_ =	sdelay $0x1  }
0xa1: {  	s23 =	simm.s32 $0x1B8B  }
0xa2: {  	_ =	swait.ge [sflag:s23], $0x1  }
0xa3: {  	[sflag:s23] =	ssyncset.done $0x0  }
0xa4: {  	[sflag:s23] =	ssyncadd.s32 $0xFFFFFFFF  }
0xa5: {  	s4 =	sld [smem:$0x0]  }
0xa6: {  	s5 =	sand.u32 $0xFFFFFFFE, s1  }
0xa7: {  	p0 =	sne.s32 s1, s5  }
0xa8: {  	s5 =	sshll.u32 @p0 s5, $0xE  }
0xa9: {  	s5 =	sadd.s32 @p0 $0x11B8D, s5;
	s6 =	sshll.u32 @p0 s4, $0x11  }
0xaa: {  	s5 =	sor.u32 @p0 s6, s5  }
0xab: {  	[sflag:s5] =	ssyncadd.remote.s32 @p0 $0x1;
	_ =	sdelay $0x1  }
0xac: {  	s5 =	simm.s32 @p0 $0x1B8D  }
0xad: {  	_ =	swait.eq @p0 [sflag:s5], $0x1  }
0xae: {  	[sflag:s5] =	ssyncadd.s32 @p0 $0xFFFFFFFF  }
0xaf: {  	s6 =	sshll.u32 @!p0 s1, $0xE  }
0xb0: {  	s6 =	sor.u32 @!p0 $0x4000, s6;
	s5 =	simm.s32 @!p0 $0x1B8D  }
0xb1: {  	s4 =	sshll.u32 @!p0 s4, $0x11;
	s6 =	sadd.s32 @!p0 $0x11B8D, s6;
	_ =	swait.eq @!p0 [sflag:s5], $0x1  }
0xb2: {  	s4 =	sor.u32 @!p0 s4, s6;
	[sflag:s5] =	ssyncadd.s32 @!p0 $0xFFFFFFFF  }
0xb3: {  	s25 =	simm.s32 $0x1B8E;
	s24 =	sld [smem:$0x3FFE];
	[sflag:s4] =	ssyncadd.remote.s32 @!p0 $0x1  }
0xb4: {  	s26 =	simm.s32 $execute0_lowered;
	[smem:$0x3FD2] =	sst s25  }
0xb5: {  	s5 =	sshll.u32 s26, $0x1;
	_ =	strace $0x80000049;
	[dreg:$0x1] =	wrdreg $0xFFFFFFFF  }
0xb6: {  	s28 =	simm.s32 $_size_execute0_lowered;
	s3 =	sadd.s32 s3, s5;
	[dreg:$0x0] =	wrdreg $0x0  }
0xb7: {  	s5 =	sshll.u32 s28, $0x1;
	[dreg:$0x2] =	wrdreg s3  }
0xb8: {  	[dreg:$0x3] =	wrdreg s5  }
0xb9: {  	[dreg:$0x4] =	wrdreg $0xC0  }
0xba: {  	_ =	task [dreg:s22], $0x5FFFF  }
0xbb: {  	[dreg:$0x1] =	wrdreg $0xFFFFFFFF  }
0xbc: {  	[dreg:$0x0] =	wrdreg $0x60  }
0xbd: {  	[dreg:$0x2] =	wrdreg s24  }
0xbe: {  	[dreg:$0x3] =	wrdreg $0xB  }
0xbf: {  	_ =	task.clear_ibuf [dreg:s22], $0x4FFFF;
	_ =	strace $0x90000049  }
0xc0: {  	s29 =	simm.s32 $0xB;
	_ =	strace $0x8000004B  }
0xc1: {  	_ =	swait.ge [sflag:s29], $0x1  }
0xc2: {  	[sflag:s29] =	ssyncadd.s32 $0xFFFFFFFF  }
0xc3: {  	_ =	strace $0x9000004B  }
0xc4: {  	_ =	sfence  }
0xc5: {  	s30 =	sld [smem:$0x0];
	_ =	sdelay $0x2  }
0xc6: {  	s31 =	sshll.u32 s1, $0xD;
	s1 =	sshrl.u32 s1, $0x2  }
0xc7: {  	s4 =	sand.u32 $0x4000, s31;
	s1 =	sadd.s32 s1, s30  }
0xc8: {  	s0 =	sor.u32 s4, s0;
	s1 =	sshll.u32 s1, $0x11  }
0xc9: {  	s0 =	sor.u32 s1, s0  }
0xca: {  	s0 =	sadd.s32 $0x8F2B, s0  }
0xcb: {  	[sflag:s0] =	ssyncadd.remote.s32 $0x1  }
0xcc: {  	_ =	sfence.sel $0xFFFF  }
0xcd: {  	[dreg:$0x0] =	wrdreg $0xFFFFFFFF;
	(pc) =	sbr.abs _section_cstart, $3  }
0xce: {  	[dreg:$0x1] =	wrdreg $0xFFFFFFFF  }
0xcf: {  	_ =	task.clear_ibuf [dreg:s22], $0x2FFFF;
	_ =	strace $0x9FFFFFFF  }
0xd0: {  	(tm) =	ssettm $0x7FFFFFFF  }
0xd1: {  	_ =	shalt  }
tec
execute0_lowered:
.L_overlay_start_1:
0x0: {  	(tag) =	ssettag $0x1  }
0x1: {  	s3 =	rddreg [dreg:$0x0]  }
0x2: {  	s0 =	rddreg [dreg:$0x1]  }
0x3: {  	s2 =	simm.s32 $0x0;
	s4 =	srdreg.scid;
	s1 =	stileid.u32  }
0x4: {  	s8 =	simm.s32 $0x8000;
	s9 =	simm.s32 $0x2;
	s10 =	simm.s32 $0x8880  }
0x5: {  	[smem:$0x7FF] =	sst s2;
	s4 =	sand.u32 $0x1, s4;
	s5 =	sshll.u32 s1, $0x1  }
0x6: {  	s11 =	simm.s32 $0x0;
	_ =	strace $0x8000004A;
	s5 =	sor.u32 s4, s5  }
0x7: {  	v0 =	vlaneseq.u32;
	s4 =	ssub.s32 $0x2, s4;
	s6 =	sshll.u32 s5, $0xC;
	s5 =	sshll.u32 s5, $0x8  }
0x8: {  	v4 =	vmul.u32 $0xFFFFFFFF, v0;
	s7 =	sshrl.u32 s4, $0x1;
	s6 =	sadd.s32 s6, s3;
	s5 =	sadd.s32 s5, s3  }
0x9: {  	v1 =	vor.u32 $0x10, v0;
	s7 =	ssub.s32 s4, s7;
	s3 =	sadd.s32 $0x27000, s6;
	s4 =	sadd.s32 $0x47000, s5  }
0xa: {  	v2 =	vor.u32 $0x20, v0;
	v3 =	vor.u32 $0x30, v0;
	v4 =	vadd.s32 $0xF, v4;
	s5 =	sadd.s32 $0x49000, s5;
	s6 =	smax.u32 s7, $0x1;
	s7 =	simm.s32 $0x1  }
.LBB2_1:
0xb: {  	[tilespmem:s2], [sflag:$0x1] =	stream.linear.gather [hbm4b:s3+s2], $0x8000, $0x38;
	[tilespmem:$0x9100] =	vst v63  }
0xc: {  	_ =	swait.ge [sflag:s7], $0x8000  }
0xd: {  	[sflag:s7] =	ssyncset.done $0x0  }
0xe: {  	s22 =	simm.s32 $0x100;
	[sflag:s7] =	ssyncadd.s32 $0xFFFF8000  }
0xf: {  	v5 =	vld [tilespmem:s22+$0xFFFFFF30]  }
0x10: {  	v6 =	vld [tilespmem:s22+$0xFFFFFF20]  }
0x11: {  	v7 =	vld [tilespmem:s22+$0xFFFFFF10];
	_ =	sdelay $0x1  }
0x12: {  	v8 =	vld [tilespmem:s22+$0xFFFFFF00]  }
0x13: {  	(xrf1) =	vsort.dscd.msk.f32 $0xffff, v5, v3  }
0x14: {  	(xrf1) =	vsort.dscd.msk.f32 $0xffff, v6, v2  }
0x15: {  	(xrf1) =	vsort.dscd.msk.f32 $0xffff, v7, v1;
	_ =	sdelay $0x1  }
0x16: {  	(xrf1) =	vsort.dscd.msk.f32 $0xffff, v8, v0;
	_ =	sdelay $0x9  }
0x17: {  	v5, v6, _ =	vpop (xrf1)  }
0x18: {  	v5 =	vperm.xlane v5, v4;
	v7, v8, _ =	vpop (xrf1)  }
0x19: {  	v6 =	vperm.xlane v6, v4;
	v9, v10, _ =	vpop (xrf1)  }
0x1a: {  	v9 =	vperm.xlane v9, v4;
	vm0 =	vge.f32 v7, v5  }
0x1b: {  	v10 =	vperm.xlane v10, v4;
	v5 =	vsel vm0, v7, v5;
	v7, v11, _ =	vpop (xrf1);
	v6 =	vsel vm0, v8, v6  }
0x1c: {  	vm10 =	vge.f32 v7, v9;
	(xrf1) =	vsort.dscd.msk.f32 $0xffff, v5, v6  }
0x1d: {  	v5 =	vsel vm10, v7, v9;
	v6 =	vsel vm10, v11, v10  }
0x1e: {  	(xrf1) =	vsort.dscd.msk.f32 $0xffff, v5, v6;
	_ =	sdelay $0x5  }
0x1f: {  	s28 =	simm.s32 $0x300  }
0x20: {  	v5 =	vld [tilespmem:s28+$0xFFFFFF30]  }
0x21: {  	v6 =	vld [tilespmem:s28+$0xFFFFFF20]  }
0x22: {  	v7 =	vld [tilespmem:s28+$0xFFFFFF10];
	_ =	sdelay $0x1  }
0x23: {  	v8 =	vld [tilespmem:s28+$0xFFFFFF00]  }
0x24: {  	(xrf1) =	vsort.dscd.msk.f32 $0xffff, v5, v3;
	v9, v10, _ =	vpop (xrf1)  }
0x25: {  	(xrf1) =	vsort.dscd.msk.f32 $0xffff, v6, v2;
	v5 =	vperm.xlane v9, v4  }
0x26: {  	(xrf1) =	vsort.dscd.msk.f32 $0xffff, v7, v1;
	v10 =	vperm.xlane v10, v4;
	v6, v9, _ =	vpop (xrf1)  }
0x27: {  	vm11 =	vge.f32 v6, v5  }
0x28: {  	(xrf1) =	vsort.dscd.msk.f32 $0xffff, v8, v0;
	v5 =	vsel vm11, v6, v5;
	v6 =	vsel vm11, v9, v10  }
0x29: {  	(xrf1) =	vsort.dscd.msk.f32 $0xffff, v5, v6;
	_ =	sdelay $0x8  }
0x2a: {  	v5, v6, _ =	vpop (xrf1)  }
0x2b: {  	v7, v8, _ =	vpop (xrf1);
	v5 =	vperm.xlane v5, v4  }
0x2c: {  	v6 =	vperm.xlane v6, v4;
	v9, v10, _ =	vpop (xrf1)  }
0x2d: {  	v9 =	vperm.xlane v9, v4;
	vm12 =	vge.f32 v7, v5  }
0x2e: {  	v11, v12, _ =	vpop (xrf1);
	v10 =	vperm.xlane v10, v4;
	v5 =	vsel vm12, v7, v5;
	v6 =	vsel vm12, v8, v6  }
0x2f: {  	s12 =	simm.s32 $0x8010;
	vm13 =	vge.f32 v11, v9;
	(xrf1) =	vsort.dscd.msk.f32 $0xffff, v5, v6;
	v13, v14, _ =	vpop (xrf1)  }
0x30: {  	s13 =	simm.s32 $0x8890;
	v5 =	vsel vm13, v11, v9;
	v6 =	vsel vm13, v12, v10;
	[tilespmem:s12+$0xFFFFFFF0] =	vst.msk $0xff, v13  }
0x31: {  	(xrf1) =	vsort.dscd.msk.f32 $0xffff, v5, v6;
	[tilespmem:s13+$0xFFFFFFF0] =	vst.msk $0xff, v14  }
0x32: {  	v7 =	vld [tilespmem:s22+$0xFFFFFFB0]  }
0x33: {  	v5 =	vld [tilespmem:s22+$0xFFFFFFA0]  }
0x34: {  	v6 =	vld [tilespmem:s22+$0xFFFFFF90];
	_ =	sdelay $0x1  }
0x35: {  	v8 =	vld [tilespmem:s22+$0xFFFFFF80]  }
0x36: {  	(xrf1) =	vsort.dscd.msk.f32 $0xffff, v7, v3  }
0x37: {  	s24 =	simm.s32 $0x500;
	(xrf1) =	vsort.dscd.msk.f32 $0xffff, v5, v2  }
0x38: {  	v5 =	vld [tilespmem:s24+$0xFFFFFF30];
	(xrf1) =	vsort.dscd.msk.f32 $0xffff, v6, v1  }
0x39: {  	v6 =	vld [tilespmem:s24+$0xFFFFFF20]  }
0x3a: {  	(xrf1) =	vsort.dscd.msk.f32 $0xffff, v8, v0;
	_ =	sdelay $0x1  }
0x3b: {  	v9, v10, _ =	vpop (xrf1)  }
0x3c: {  	v7 =	vld [tilespmem:s24+$0xFFFFFF10];
	(xrf1) =	vsort.dscd.msk.f32 $0xffff, v5, v3;
	v5 =	vperm.xlane v9, v4  }
0x3d: {  	v10 =	vperm.xlane v10, v4;
	v8 =	vld [tilespmem:s24+$0xFFFFFF00];
	(xrf1) =	vsort.dscd.msk.f32 $0xffff, v6, v2;
	v6, v9, _ =	vpop (xrf1)  }
0x3e: {  	vm14 =	vge.f32 v6, v5  }
0x3f: {  	v5 =	vsel vm14, v6, v5;
	v6 =	vsel vm14, v9, v10;
	_ =	sdelay $0x1  }
0x40: {  	(xrf1) =	vsort.dscd.msk.f32 $0xffff, v7, v1  }
0x41: {  	(xrf1) =	vsort.dscd.msk.f32 $0xffff, v8, v0  }
0x42: {  	(xrf1) =	vsort.dscd.msk.f32 $0xffff, v5, v6;
	v5, v6, _ =	vpop (xrf1)  }
0x43: {  	v5 =	vperm.xlane v5, v4;
	v7, v8, _ =	vpop (xrf1)  }
0x44: {  	v6 =	vperm.xlane v6, v4;
	v9, v10, _ =	vpop (xrf1)  }
0x45: {  	v9 =	vperm.xlane v9, v4;
	vm15 =	vge.f32 v7, v5  }
0x46: {  	v10 =	vperm.xlane v10, v4;
	v5 =	vsel vm15, v7, v5;
	v6 =	vsel vm15, v8, v6;
	v7, v8, _ =	vpop (xrf1)  }
0x47: {  	vm4 =	vge.f32 v7, v9  }
0x48: {  	(xrf1) =	vsort.dscd.msk.f32 $0xffff, v5, v6;
	v6 =	vsel vm4, v8, v10  }
0x49: {  	v5 =	vsel vm4, v7, v9  }
0x4a: {  	(xrf1) =	vsort.dscd.msk.f32 $0xffff, v5, v6;
	_ =	sdelay $0x1  }
0x4b: {  	v5, v6, _ =	vpop (xrf1)  }
0x4c: {  	v7, v8, _ =	vpop (xrf1);
	v5 =	vperm.xlane v5, v4  }
0x4d: {  	v6 =	vperm.xlane v6, v4;
	v9, v10, _ =	vpop (xrf1)  }
0x4e: {  	v11, v46, _ =	vpop (xrf1);
	v9 =	vperm.xlane v9, v4;
	vm5 =	vge.f32 v7, v5  }
0x4f: {  	s15 =	simm.s32 $0x8030;
	v10 =	vperm.xlane v10, v4;
	v47, v48, _ =	vpop (xrf1);
	v5 =	vsel vm5, v7, v5;
	v6 =	vsel vm5, v8, v6  }
0x50: {  	s14 =	simm.s32 $0x88B0;
	[tilespmem:s15+$0xFFFFFFF0] =	vst.msk $0xff, v47;
	vm6 =	vge.f32 v11, v9;
	(xrf1) =	vsort.dscd.msk.f32 $0xffff, v5, v6  }
0x51: {  	[tilespmem:s14+$0xFFFFFFF0] =	vst.msk $0xff, v48;
	v5 =	vsel vm6, v11, v9;
	v6 =	vsel vm6, v46, v10  }
0x52: {  	v7 =	vld [tilespmem:s28+$0xFFFFFFB0];
	(xrf1) =	vsort.dscd.msk.f32 $0xffff, v5, v6  }
0x53: {  	v5 =	vld [tilespmem:s28+$0xFFFFFFA0]  }
0x54: {  	v6 =	vld [tilespmem:s28+$0xFFFFFF90]  }
0x55: {  	v8, v9, _ =	vpop (xrf1)  }
0x56: {  	v8 =	vperm.xlane v8, v4  }
0x57: {  	v10 =	vld [tilespmem:s28+$0xFFFFFF80];
	(xrf1) =	vsort.dscd.msk.f32 $0xffff, v7, v3;
	v7 =	vperm.xlane v9, v4;
	v9, v11, _ =	vpop (xrf1)  }
0x58: {  	(xrf1) =	vsort.dscd.msk.f32 $0xffff, v5, v2;
	vm7 =	vge.f32 v9, v8  }
0x59: {  	s20 =	simm.s32 $0x700;
	(xrf1) =	vsort.dscd.msk.f32 $0xffff, v6, v1;
	v5 =	vsel vm7, v9, v8;
	v6 =	vsel vm7, v11, v7  }
0x5a: {  	(xrf1) =	vsort.dscd.msk.f32 $0xffff, v5, v6;
	v5 =	vld [tilespmem:s20+$0xFFFFFF30]  }
0x5b: {  	v6 =	vld [tilespmem:s20+$0xFFFFFF20]  }
0x5c: {  	(xrf1) =	vsort.dscd.msk.f32 $0xffff, v10, v0;
	_ =	sdelay $0x1  }
0x5d: {  	v7 =	vld [tilespmem:s20+$0xFFFFFF10];
	v9, v10, _ =	vpop (xrf1)  }
0x5e: {  	v8 =	vld [tilespmem:s20+$0xFFFFFF00];
	(xrf1) =	vsort.dscd.msk.f32 $0xffff, v5, v3;
	v5 =	vperm.xlane v9, v4  }
0x5f: {  	v10 =	vperm.xlane v10, v4;
	(xrf1) =	vsort.dscd.msk.f32 $0xffff, v6, v2;
	v6, v9, _ =	vpop (xrf1)  }
0x60: {  	vm8 =	vge.f32 v6, v5  }
0x61: {  	v5 =	vsel vm8, v6, v5;
	v6 =	vsel vm8, v9, v10  }
0x62: {  	(xrf1) =	vsort.dscd.msk.f32 $0xffff, v7, v1  }
0x63: {  	(xrf1) =	vsort.dscd.msk.f32 $0xffff, v8, v0  }
0x64: {  	(xrf1) =	vsort.dscd.msk.f32 $0xffff, v5, v6  }
0x65: {  	v5, v6, _ =	vpop (xrf1)  }
0x66: {  	v5 =	vperm.xlane v5, v4;
	v7, v8, _ =	vpop (xrf1)  }
0x67: {  	v6 =	vperm.xlane v6, v4;
	v9, v10, _ =	vpop (xrf1)  }
0x68: {  	v9 =	vperm.xlane v9, v4;
	vm9 =	vge.f32 v7, v5;
	v11, v49, _ =	vpop (xrf1)  }
0x69: {  	v10 =	vperm.xlane v10, v4;
	v5 =	vsel vm9, v7, v5;
	v6 =	vsel vm9, v8, v6;
	v7, v8, _ =	vpop (xrf1)  }
0x6a: {  	[tilespmem:s12+$0xFFFFFFF8] =	vst.msk $0xff, v11;
	vm10 =	vge.f32 v7, v9;
	(xrf1) =	vsort.dscd.msk.f32 $0xffff, v5, v6  }
0x6b: {  	[tilespmem:s13+$0xFFFFFFF8] =	vst.msk $0xff, v49;
	v5 =	vsel vm10, v7, v9;
	v6 =	vsel vm10, v8, v10  }
0x6c: {  	v7 =	vld [tilespmem:s22+$0x30];
	(xrf1) =	vsort.dscd.msk.f32 $0xffff, v5, v6  }
0x6d: {  	v5 =	vld [tilespmem:s22+$0x10]  }
0x6e: {  	v9 =	vld [tilespmem:s22+$0x0];
	v6, v8, _ =	vpop (xrf1)  }
0x6f: {  	v10, v11, _ =	vpop (xrf1)  }
0x70: {  	v6 =	vperm.xlane v6, v4;
	v51, v50, _ =	vpop (xrf1)  }
0x71: {  	v8 =	vperm.xlane v8, v4;
	(xrf1) =	vsort.dscd.msk.f32 $0xffff, v7, v3;
	v12 =	vperm.xlane v51, v4;
	v7, v52, _ =	vpop (xrf1)  }
0x72: {  	s16 =	simm.s32 $0x8050;
	vm11 =	vge.f32 v10, v6;
	v13 =	vperm.xlane v50, v4;
	(xrf1) =	vsort.dscd.msk.f32 $0xffff, v5, v1;
	v15, v16, _ =	vpop (xrf1)  }
0x73: {  	s17 =	simm.s32 $0x88D0;
	v5 =	vld [tilespmem:s22+$0x20];
	v6 =	vsel vm11, v10, v6;
	v8 =	vsel vm11, v11, v8;
	(xrf1) =	vsort.dscd.msk.f32 $0xffff, v9, v0;
	[tilespmem:s16+$0xFFFFFFF0] =	vst.msk $0xff, v15  }
0x74: {  	vm12 =	vge.f32 v7, v12;
	(xrf1) =	vsort.dscd.msk.f32 $0xffff, v6, v8;
	[tilespmem:s17+$0xFFFFFFF0] =	vst.msk $0xff, v16  }
0x75: {  	v6 =	vsel vm12, v7, v12;
	v7 =	vsel vm12, v52, v13;
	v8 =	vld [tilespmem:s24+$0xFFFFFFB0]  }
0x76: {  	(xrf1) =	vsort.dscd.msk.f32 $0xffff, v6, v7;
	v6 =	vld [tilespmem:s24+$0xFFFFFFA0]  }
0x77: {  	v7 =	vld [tilespmem:s24+$0xFFFFFF90]  }
0x78: {  	(xrf1) =	vsort.dscd.msk.f32 $0xffff, v5, v2;
	v9, v10, _ =	vpop (xrf1)  }
0x79: {  	v9 =	vperm.xlane v9, v4  }
0x7a: {  	v5 =	vld [tilespmem:s24+$0xFFFFFF80];
	(xrf1) =	vsort.dscd.msk.f32 $0xffff, v8, v3;
	v8 =	vperm.xlane v10, v4;
	v10, v11, _ =	vpop (xrf1)  }
0x7b: {  	(xrf1) =	vsort.dscd.msk.f32 $0xffff, v6, v2;
	vm13 =	vge.f32 v10, v9  }
0x7c: {  	(xrf1) =	vsort.dscd.msk.f32 $0xffff, v7, v1;
	v7 =	vsel vm13, v11, v8  }
0x7d: {  	s21 =	simm.s32 $0x900;
	v6 =	vsel vm13, v10, v9  }
0x7e: {  	(xrf1) =	vsort.dscd.msk.f32 $0xffff, v6, v7;
	v6 =	vld [tilespmem:s21+$0xFFFFFF30]  }
0x7f: {  	(xrf1) =	vsort.dscd.msk.f32 $0xffff, v5, v0;
	v5 =	vld [tilespmem:s21+$0xFFFFFF20];
	v7, v8, _ =	vpop (xrf1)  }
0x80: {  	v10, v11, _ =	vpop (xrf1)  }
0x81: {  	v9 =	vld [tilespmem:s21+$0xFFFFFF10];
	v13, v14, _ =	vpop (xrf1)  }
0x82: {  	v54, v55, _ =	vpop (xrf1)  }
0x83: {  	v53 =	vld [tilespmem:s21+$0xFFFFFF00];
	(xrf1) =	vsort.dscd.msk.f32 $0xffff, v6, v3;
	v6 =	vperm.xlane v54, v4  }
0x84: {  	(xrf1) =	vsort.dscd.msk.f32 $0xffff, v5, v2;
	v5, v56, _ =	vpop (xrf1);
	v16 =	vperm.xlane v55, v4  }
0x85: {  	v7 =	vperm.xlane v7, v4;
	vm14 =	vge.f32 v5, v6  }
0x86: {  	(xrf1) =	vsort.dscd.msk.f32 $0xffff, v9, v1;
	v9, v57, _ =	vpop (xrf1);
	v5 =	vsel vm14, v5, v6;
	v6 =	vsel vm14, v56, v16  }
0x87: {  	v8 =	vperm.xlane v8, v4;
	vm15 =	vge.f32 v9, v7  }
0x88: {  	v10 =	vperm.xlane v10, v4;
	(xrf1) =	vsort.dscd.msk.f32 $0xffff, v53, v0;
	v7 =	vsel vm15, v9, v7  }
0x89: {  	v8 =	vsel vm15, v57, v8;
	(xrf1) =	vsort.dscd.msk.f32 $0xffff, v5, v6;
	v5 =	vperm.xlane v11, v4;
	v6, v11, _ =	vpop (xrf1)  }
0x8a: {  	(xrf1) =	vsort.dscd.msk.f32 $0xffff, v7, v8;
	v8 =	vperm.xlane v11, v4  }
0x8b: {  	vm4 =	vge.f32 v13, v10;
	v6 =	vperm.xlane v6, v4;
	v9, v58, _ =	vpop (xrf1)  }
0x8c: {  	v7 =	vsel vm4, v13, v10;
	v10, v11, _ =	vpop (xrf1)  }
0x8d: {  	v5 =	vsel vm4, v14, v5;
	v10 =	vperm.xlane v10, v4;
	vm5 =	vge.f32 v9, v6;
	v59, v60, _ =	vpop (xrf1)  }
0x8e: {  	(xrf1) =	vsort.dscd.msk.f32 $0xffff, v7, v5;
	v6 =	vsel vm5, v9, v6;
	v7 =	vsel vm5, v58, v8;
	v8, v9, _ =	vpop (xrf1)  }
0x8f: {  	vm6 =	vge.f32 v8, v10  }
0x90: {  	v5 =	vperm.xlane v11, v4;
	(xrf1) =	vsort.dscd.msk.f32 $0xffff, v6, v7;
	v6 =	vsel vm6, v8, v10  }
0x91: {  	[tilespmem:s15+$0xFFFFFFF8] =	vst.msk $0xff, v59  }
0x92: {  	[tilespmem:s14+$0xFFFFFFF8] =	vst.msk $0xff, v60;
	v5 =	vsel vm6, v9, v5  }
0x93: {  	v7 =	vld [tilespmem:s28+$0x30];
	(xrf1) =	vsort.dscd.msk.f32 $0xffff, v6, v5;
	v6, v8, _ =	vpop (xrf1)  }
0x94: {  	v5 =	vld [tilespmem:s28+$0x10];
	v6 =	vperm.xlane v6, v4  }
0x95: {  	v9 =	vld [tilespmem:s28+$0x0];
	v10, v11, _ =	vpop (xrf1);
	v8 =	vperm.xlane v8, v4  }
0x96: {  	v61, v62, _ =	vpop (xrf1);
	vm7 =	vge.f32 v10, v6  }
0x97: {  	v12 =	vperm.xlane v61, v4;
	v8 =	vsel vm7, v11, v8  }
0x98: {  	(xrf1) =	vsort.dscd.msk.f32 $0xffff, v7, v3;
	v7, v63, _ =	vpop (xrf1);
	v13 =	vperm.xlane v62, v4;
	v6 =	vsel vm7, v10, v6  }
0x99: {  	(xrf1) =	vsort.dscd.msk.f32 $0xffff, v5, v1;
	vm8 =	vge.f32 v7, v12  }
0x9a: {  	s18 =	simm.s32 $0x8070;
	v5 =	vld [tilespmem:s28+$0x20];
	v15, v16, _ =	vpop (xrf1);
	(xrf1) =	vsort.dscd.msk.f32 $0xffff, v9, v0;
	v9 =	vsel vm8, v63, v13  }
0x9b: {  	s19 =	simm.s32 $0x88F0;
	[tilespmem:s18+$0xFFFFFFF0] =	vst.msk $0xff, v15;
	(xrf1) =	vsort.dscd.msk.f32 $0xffff, v6, v8;
	v6, v8, _ =	vpop (xrf1)  }
0x9c: {  	[tilespmem:s19+$0xFFFFFFF0] =	vst.msk $0xff, v16;
	v7 =	vsel vm8, v7, v12;
	v6 =	vperm.xlane v6, v4  }
0x9d: {  	v10 =	vld [tilespmem:s20+$0xFFFFFFB0];
	(xrf1) =	vsort.dscd.msk.f32 $0xffff, v7, v9;
	v7 =	vperm.xlane v8, v4;
	v9, v11, _ =	vpop (xrf1)  }
0x9e: {  	v8 =	vld [tilespmem:s20+$0xFFFFFFA0];
	vm9 =	vge.f32 v9, v6  }
0x9f: {  	v19 =	vld [tilespmem:s20+$0xFFFFFF90];
	(xrf1) =	vsort.dscd.msk.f32 $0xffff, v5, v2;
	v5 =	vsel vm9, v9, v6;
	v6 =	vsel vm9, v11, v7  }
0xa0: {  	v13, v14, _ =	vpop (xrf1)  }
0xa1: {  	v7 =	vld [tilespmem:s20+$0xFFFFFF80];
	v9 =	vperm.xlane v13, v4;
	(xrf1) =	vsort.dscd.msk.f32 $0xffff, v5, v6  }
0xa2: {  	v5 =	vperm.xlane v14, v4;
	(xrf1) =	vsort.dscd.msk.f32 $0xffff, v10, v3;
	v6, v10, _ =	vpop (xrf1)  }
0xa3: {  	(xrf1) =	vsort.dscd.msk.f32 $0xffff, v8, v2;
	vm10 =	vge.f32 v6, v9  }
0xa4: {  	s25 =	simm.s32 $0xB00;
	(xrf1) =	vsort.dscd.msk.f32 $0xffff, v19, v1;
	v6 =	vsel vm10, v6, v9;
	v5 =	vsel vm10, v10, v5  }
0xa5: {  	(xrf1) =	vsort.dscd.msk.f32 $0xffff, v6, v5;
	v5 =	vld [tilespmem:s25+$0xFFFFFF30]  }
0xa6: {  	v6 =	vld [tilespmem:s25+$0xFFFFFF20];
	(xrf1) =	vsort.dscd.msk.f32 $0xffff, v7, v0;
	v7, v8, _ =	vpop (xrf1)  }
0xa7: {  	v10, v11, _ =	vpop (xrf1)  }
0xa8: {  	v21, v22, _ =	vpop (xrf1)  }
0xa9: {  	v23, v24, _ =	vpop (xrf1)  }
0xaa: {  	v9 =	vld [tilespmem:s25+$0xFFFFFF10];
	(xrf1) =	vsort.dscd.msk.f32 $0xffff, v5, v3;
	v5 =	vperm.xlane v23, v4  }
0xab: {  	v20 =	vld [tilespmem:s25+$0xFFFFFF00];
	v16 =	vperm.xlane v24, v4;
	(xrf1) =	vsort.dscd.msk.f32 $0xffff, v6, v2;
	v6, v25, _ =	vpop (xrf1)  }
0xac: {  	vm11 =	vge.f32 v6, v5  }
0xad: {  	v5 =	vsel vm11, v6, v5;
	v6 =	vsel vm11, v25, v16;
	_ =	sdelay $0x1  }
0xae: {  	v7 =	vperm.xlane v7, v4;
	v11 =	vperm.xlane v11, v4;
	(xrf1) =	vsort.dscd.msk.f32 $0xffff, v9, v1  }
0xaf: {  	v8 =	vperm.xlane v8, v4;
	v10 =	vperm.xlane v10, v4;
	v9, v26, _ =	vpop (xrf1);
	(xrf1) =	vsort.dscd.msk.f32 $0xffff, v20, v0  }
0xb0: {  	vm12 =	vge.f32 v9, v7;
	(xrf1) =	vsort.dscd.msk.f32 $0xffff, v5, v6;
	v5, v6, _ =	vpop (xrf1)  }
0xb1: {  	v7 =	vsel vm12, v9, v7;
	v8 =	vsel vm12, v26, v8;
	v15, v16, _ =	vpop (xrf1)  }
0xb2: {  	vm13 =	vge.f32 v21, v10;
	(xrf1) =	vsort.dscd.msk.f32 $0xffff, v7, v8;
	v27, v28, _ =	vpop (xrf1)  }
0xb3: {  	v7 =	vsel vm13, v21, v10;
	v8 =	vsel vm13, v22, v11;
	[tilespmem:s12+$0x0] =	vst.msk $0xff, v5;
	v9 =	vperm.xlane v15, v4;
	v10, v11, _ =	vpop (xrf1)  }
0xb4: {  	v5 =	vperm.xlane v16, v4;
	[tilespmem:s13+$0x0] =	vst.msk $0xff, v6;
	v6 =	vperm.xlane v10, v4;
	v10, v29, _ =	vpop (xrf1)  }
0xb5: {  	(xrf1) =	vsort.dscd.msk.f32 $0xffff, v7, v8;
	v7 =	vld [tilespmem:s22+$0x80];
	vm14 =	vge.f32 v27, v9;
	v8 =	vperm.xlane v11, v4;
	v11, v30, _ =	vpop (xrf1);
	[tilespmem:s16+$0xFFFFFFF8] =	vst.msk $0xff, v10  }
0xb6: {  	v9 =	vsel vm14, v27, v9;
	v5 =	vsel vm14, v28, v5;
	v10 =	vld [tilespmem:s22+$0xB0];
	vm15 =	vge.f32 v11, v6;
	[tilespmem:s17+$0xFFFFFFF8] =	vst.msk $0xff, v29  }
0xb7: {  	(xrf1) =	vsort.dscd.msk.f32 $0xffff, v9, v5;
	v5 =	vsel vm15, v11, v6;
	v6 =	vsel vm15, v30, v8;
	v8 =	vld [tilespmem:s24+$0x30];
	_ =	sdelay $0x1  }
0xb8: {  	(xrf1) =	vsort.dscd.msk.f32 $0xffff, v5, v6  }
0xb9: {  	v9 =	vld [tilespmem:s22+$0xA0];
	(xrf1) =	vsort.dscd.msk.f32 $0xffff, v7, v0;
	v6, v11, _ =	vpop (xrf1)  }
0xba: {  	v5 =	vld [tilespmem:s24+$0x10];
	(xrf1) =	vsort.dscd.msk.f32 $0xffff, v10, v3;
	v6 =	vperm.xlane v6, v4  }
0xbb: {  	v31 =	vld [tilespmem:s24+$0x0];
	v7, v32, _ =	vpop (xrf1);
	(xrf1) =	vsort.dscd.msk.f32 $0xffff, v8, v3;
	v8 =	vperm.xlane v11, v4  }
0xbc: {  	v10, v33, _ =	vpop (xrf1);
	vm4 =	vge.f32 v7, v6  }
0xbd: {  	v10 =	vperm.xlane v10, v4;
	v6 =	vsel vm4, v7, v6;
	v7 =	vsel vm4, v32, v8  }
0xbe: {  	v11, v34, _ =	vpop (xrf1);
	(xrf1) =	vsort.dscd.msk.f32 $0xffff, v9, v2;
	v14 =	vperm.xlane v33, v4  }
0xbf: {  	v9 =	vld [tilespmem:s22+$0x90];
	s22 =	simm.s32 $0x8090;
	v35, v17, _ =	vpop (xrf1);
	(xrf1) =	vsort.dscd.msk.f32 $0xffff, v5, v1;
	vm5 =	vge.f32 v11, v10  }
0xc0: {  	s23 =	simm.s32 $0x8910;
	v5 =	vld [tilespmem:s24+$0x20];
	[tilespmem:s22+$0xFFFFFFF0] =	vst.msk $0xff, v35;
	(xrf1) =	vsort.dscd.msk.f32 $0xffff, v31, v0;
	v8 =	vsel vm5, v11, v10;
	v10 =	vsel vm5, v34, v14  }
0xc1: {  	(xrf1) =	vsort.dscd.msk.f32 $0xffff, v6, v7;
	[tilespmem:s23+$0xFFFFFFF0] =	vst.msk $0xff, v17;
	v6, v7, _ =	vpop (xrf1)  }
0xc2: {  	v11 =	vld [tilespmem:s21+$0xFFFFFFB0];
	v6 =	vperm.xlane v6, v4  }
0xc3: {  	(xrf1) =	vsort.dscd.msk.f32 $0xffff, v8, v10;
	v7 =	vperm.xlane v7, v4;
	v10, v36, _ =	vpop (xrf1)  }
0xc4: {  	(xrf1) =	vsort.dscd.msk.f32 $0xffff, v9, v1;
	vm6 =	vge.f32 v10, v6  }
0xc5: {  	(xrf1) =	vsort.dscd.msk.f32 $0xffff, v5, v2;
	v37, v38, _ =	vpop (xrf1);
	v5 =	vsel vm6, v10, v6;
	v6 =	vsel vm6, v36, v7  }
0xc6: {  	v8 =	vld [tilespmem:s21+$0xFFFFFFA0];
	v7 =	vperm.xlane v37, v4;
	(xrf1) =	vsort.dscd.msk.f32 $0xffff, v5, v6  }
0xc7: {  	v9 =	vld [tilespmem:s21+$0xFFFFFF90];
	(xrf1) =	vsort.dscd.msk.f32 $0xffff, v11, v3;
	v10, v11, _ =	vpop (xrf1)  }
0xc8: {  	v6 =	vperm.xlane v38, v4;
	vm7 =	vge.f32 v10, v7  }
0xc9: {  	v7 =	vsel vm7, v10, v7  }
0xca: {  	v5 =	vld [tilespmem:s21+$0xFFFFFF80];
	v6 =	vsel vm7, v11, v6  }
0xcb: {  	s30 =	simm.s32 $0xD00;
	(xrf1) =	vsort.dscd.msk.f32 $0xffff, v8, v2  }
0xcc: {  	(xrf1) =	vsort.dscd.msk.f32 $0xffff, v9, v1;
	v8, v9, _ =	vpop (xrf1);
	v10 =	vld [tilespmem:s30+$0xFFFFFF30]  }
0xcd: {  	v11 =	vld [tilespmem:s30+$0xFFFFFF20];
	(xrf1) =	vsort.dscd.msk.f32 $0xffff, v7, v6;
	v6, v7, _ =	vpop (xrf1)  }
0xce: {  	v39, v40, _ =	vpop (xrf1)  }
0xcf: {  	(xrf1) =	vsort.dscd.msk.f32 $0xffff, v5, v0;
	v5 =	vld [tilespmem:s30+$0xFFFFFF10];
	v42, v41, _ =	vpop (xrf1)  }
0xd0: {  	v43, v44, _ =	vpop (xrf1)  }
0xd1: {  	(xrf1) =	vsort.dscd.msk.f32 $0xffff, v10, v3;
	v19, v20, _ =	vpop (xrf1)  }
0xd2: {  	(xrf1) =	vsort.dscd.msk.f32 $0xffff, v11, v2;
	v11, v45, _ =	vpop (xrf1)  }
0xd3: {  	v11 =	vperm.xlane v11, v4;
	v13 =	vperm.xlane v45, v4  }
0xd4: {  	v18 =	vld [tilespmem:s30+$0xFFFFFF00];
	(xrf1) =	vsort.dscd.msk.f32 $0xffff, v5, v1;
	v5, v46, _ =	vpop (xrf1)  }
0xd5: {  	vm9 =	vge.f32 v5, v11  }
0xd6: {  	v12 =	vperm.xlane v39, v4;
	v47, v48, _ =	vpop (xrf1);
	v5 =	vsel vm9, v5, v11;
	v11 =	vsel vm9, v46, v13  }
0xd7: {  	v6 =	vperm.xlane v6, v4;
	v13, v14, _ =	vpop (xrf1)  }
0xd8: {  	v7 =	vperm.xlane v7, v4;
	v10 =	vperm.xlane v40, v4;
	vm1 =	vge.f32 v13, v12  }
0xd9: {  	vm8 =	vge.f32 v42, v6;
	(xrf1) =	vsort.dscd.msk.f32 $0xffff, v18, v0;
	v12 =	vsel vm1, v13, v12  }
0xda: {  	v16 =	vperm.xlane v43, v4;
	(xrf1) =	vsort.dscd.msk.f32 $0xffff, v5, v11;
	v10 =	vsel vm1, v14, v10;
	v5, v11, _ =	vpop (xrf1)  }
0xdb: {  	v6 =	vsel vm8, v42, v6;
	v17 =	vperm.xlane v44, v4;
	v49, v50, _ =	vpop (xrf1)  }
0xdc: {  	v7 =	vsel vm8, v41, v7;
	vm10 =	vge.f32 v19, v16;
	v15 =	vperm.xlane v47, v4;
	v51, v52, _ =	vpop (xrf1)  }
0xdd: {  	v16 =	vsel vm10, v19, v16;
	v17 =	vsel vm10, v20, v17;
	[tilespmem:s15+$0x0] =	vst.msk $0xff, v5;
	(xrf1) =	vsort.dscd.msk.f32 $0xffff, v12, v10;
	v10, v12, _ =	vpop (xrf1)  }
0xde: {  	vm11 =	vge.f32 v8, v15;
	v5 =	vperm.xlane v49, v4;
	[tilespmem:s14+$0x0] =	vst.msk $0xff, v11;
	v11, v53, _ =	vpop (xrf1);
	v10 =	vperm.xlane v10, v4  }
0xdf: {  	(xrf1) =	vsort.dscd.msk.f32 $0xffff, v6, v7;
	v6 =	vperm.xlane v48, v4;
	v7 =	vsel vm11, v8, v15;
	v56, v55, _ =	vpop (xrf1)  }
0xe0: {  	v8 =	vperm.xlane v50, v4;
	vm12 =	vge.f32 v51, v5;
	vm13 =	vge.f32 v56, v10  }
0xe1: {  	(xrf1) =	vsort.dscd.msk.f32 $0xffff, v16, v17;
	v6 =	vsel vm11, v9, v6;
	v9 =	vsel vm13, v56, v10  }
0xe2: {  	v54 =	vld [tilespmem:s28+$0x80];
	[tilespmem:s18+$0xFFFFFFF8] =	vst.msk $0xff, v11;
	v11 =	vperm.xlane v12, v4;
	v5 =	vsel vm12, v51, v5;
	v8 =	vsel vm12, v52, v8  }
0xe3: {  	v57 =	vld [tilespmem:s28+$0xB0];
	[tilespmem:s19+$0xFFFFFFF8] =	vst.msk $0xff, v53;
	(xrf1) =	vsort.dscd.msk.f32 $0xffff, v5, v8  }
0xe4: {  	v5 =	vld [tilespmem:s20+$0x30];
	v10 =	vsel vm13, v55, v11;
	(xrf1) =	vsort.dscd.msk.f32 $0xffff, v7, v6  }
0xe5: {  	v8 =	vld [tilespmem:s28+$0xA0];
	(xrf1) =	vsort.dscd.msk.f32 $0xffff, v9, v10;
	v7, v9, _ =	vpop (xrf1)  }
0xe6: {  	v6 =	vld [tilespmem:s20+$0x10];
	v7 =	vperm.xlane v7, v4  }
0xe7: {  	v10 =	vld [tilespmem:s20+$0x0];
	(xrf1) =	vsort.dscd.msk.f32 $0xffff, v54, v0;
	v11, v58, _ =	vpop (xrf1);
	v9 =	vperm.xlane v9, v4  }
0xe8: {  	(xrf1) =	vsort.dscd.msk.f32 $0xffff, v57, v3;
	vm14 =	vge.f32 v11, v7  }
0xe9: {  	(xrf1) =	vsort.dscd.msk.f32 $0xffff, v5, v3;
	v9 =	vsel vm14, v58, v9  }
0xea: {  	v59, v60, _ =	vpop (xrf1);
	(xrf1) =	vsort.dscd.msk.f32 $0xffff, v8, v2;
	v7 =	vsel vm14, v11, v7  }
0xeb: {  	v5 =	vld [tilespmem:s28+$0x90];
	v13 =	vperm.xlane v59, v4;
	v61, v62, _ =	vpop (xrf1);
	(xrf1) =	vsort.dscd.msk.f32 $0xffff, v6, v1  }
0xec: {  	s26 =	simm.s32 $0x80B0;
	v8 =	vperm.xlane v60, v4;
	v11, v63, _ =	vpop (xrf1);
	(xrf1) =	vsort.dscd.msk.f32 $0xffff, v10, v0  }
0xed: {  	s28 =	simm.s32 $0x8930;
	v6 =	vld [tilespmem:s20+$0x20];
	vm15 =	vge.f32 v61, v13;
	[tilespmem:s26+$0xFFFFFFF0] =	vst.msk $0xff, v11;
	(xrf1) =	vsort.dscd.msk.f32 $0xffff, v7, v9;
	v7, v9, _ =	vpop (xrf1)  }
0xee: {  	v10 =	vsel vm15, v61, v13;
	v8 =	vsel vm15, v62, v8;
	[tilespmem:s28+$0xFFFFFFF0] =	vst.msk $0xff, v63  }
0xef: {  	s31 =	simm.s32 $0x18;
	s29 =	simm.s32 $0xD00;
	(xrf1) =	vsort.dscd.msk.f32 $0xffff, v10, v8;
	v8 =	vld [tilespmem:s25+$0xFFFFFFB0];
	v10 =	vperm.xlane v7, v4;
	v11 =	vperm.xlane v9, v4;
	v9, v7, _ =	vpop (xrf1)  }
.LBB2_2:
0xf0: {  	s31 =	sadd.s32 $0x4, s31;
	v12 =	vld [tilespmem:s25+$0xFFFFFFA0];
	v13, v14, _ =	vpop (xrf1);
	(xrf1) =	vsort.dscd.msk.f32 $0xffff, v5, v1  }
0xf1: {  	v9 =	vperm.xlane v9, v4;
	p0 =	slt.u32 s31, $0xFC;
	v5 =	vld [tilespmem:s25+$0xFFFFFF90];
	vm0 =	vge.f32 v13, v10  }
0xf2: {  	v15, v16, _ =	vpop (xrf1);
	(xrf1) =	vsort.dscd.msk.f32 $0xffff, v6, v2;
	v6 =	vsel vm0, v13, v10;
	v17 =	vsel vm0, v14, v11  }
0xf3: {  	v11 =	vld [tilespmem:s25+$0xFFFFFF80];
	v13 =	vperm.xlane v15, v4;
	(xrf1) =	vsort.dscd.msk.f32 $0xffff, v6, v17;
	v6 =	vperm.xlane v7, v4;
	v7, v10, _ =	vpop (xrf1)  }
0xf4: {  	v17 =	vperm.xlane v16, v4;
	(xrf1) =	vsort.dscd.msk.f32 $0xffff, v8, v3;
	v14, v15, _ =	vpop (xrf1);
	vm0 =	vge.f32 v7, v9  }
0xf5: {  	s30 =	sadd.s32 $0x200, s30;
	(xrf1) =	vsort.dscd.msk.f32 $0xffff, v12, v2;
	vm1 =	vge.f32 v14, v13;
	v7 =	vsel vm0, v7, v9  }
0xf6: {  	(xrf1) =	vsort.dscd.msk.f32 $0xffff, v5, v1;
	v16 =	vsel vm1, v14, v13;
	v15 =	vsel vm1, v15, v17;
	v9, v12, _ =	vpop (xrf1)  }
0xf7: {  	v6 =	vsel vm0, v10, v6;
	v13 =	vld [tilespmem:s30+$0xFFFFFF30];
	(xrf1) =	vsort.dscd.msk.f32 $0xffff, v16, v15;
	v5, v8, _ =	vpop (xrf1)  }
0xf8: {  	v10 =	vld [tilespmem:s30+$0xFFFFFF20];
	(xrf1) =	vsort.dscd.msk.f32 $0xffff, v11, v0;
	v11, v14, _ =	vpop (xrf1);
	v5 =	vperm.xlane v5, v4  }
0xf9: {  	v8 =	vperm.xlane v8, v4;
	v15 =	vld [tilespmem:s30+$0xFFFFFF10];
	v11 =	vperm.xlane v11, v4;
	v16, v17, _ =	vpop (xrf1);
	(xrf1) =	vsort.dscd.msk.f32 $0xffff, v7, v6  }
0xfa: {  	v6 =	vperm.xlane v14, v4;
	v7, v14, _ =	vpop (xrf1);
	vm0 =	vge.f32 v16, v5  }
0xfb: {  	v18 =	vld [tilespmem:s30+$0xFFFFFF00];
	v7 =	vperm.xlane v7, v4;
	v19, v20, _ =	vpop (xrf1);
	v16 =	vsel vm0, v16, v5;
	v8 =	vsel vm0, v17, v8  }
0xfc: {  	v14 =	vperm.xlane v14, v4;
	(xrf1) =	vsort.dscd.msk.f32 $0xffff, v13, v3;
	v5, v13, _ =	vpop (xrf1)  }
0xfd: {  	(xrf1) =	vsort.dscd.msk.f32 $0xffff, v10, v2;
	v5 =	vperm.xlane v5, v4;
	v10, v17, _ =	vpop (xrf1);
	vm0 =	vge.f32 v19, v7  }
0xfe: {  	v21 =	vperm.xlane v13, v4;
	(xrf1) =	vsort.dscd.msk.f32 $0xffff, v15, v1;
	v7 =	vsel vm0, v19, v7;
	v15, v19, _ =	vpop (xrf1)  }
0xff: {  	v14 =	vsel vm0, v20, v14;
	vm1 =	vge.f32 v10, v5;
	v15 =	vperm.xlane v15, v4  }
0x100: {  	(xrf1) =	vsort.dscd.msk.f32 $0xffff, v18, v0;
	v22 =	vsel vm1, v10, v5;
	v21 =	vsel vm1, v17, v21;
	v13, v17, _ =	vpop (xrf1)  }
0x101: {  	(xrf1) =	vsort.dscd.msk.f32 $0xffff, v22, v21;
	vm0 =	vge.f32 v13, v11;
	v5, v10, _ =	vpop (xrf1);
	vm1 =	vge.f32 v9, v15  }
0x102: {  	v22 =	vperm.xlane v19, v4;
	v18, v20, _ =	vpop (xrf1);
	v21 =	vsel vm0, v13, v11;
	v6 =	vsel vm0, v17, v6;
	[tilespmem:s16+$0x0] =	vst.msk $0xff, v5  }
0x103: {  	v17 =	vperm.xlane v18, v4;
	v18, v19, _ =	vpop (xrf1);
	(xrf1) =	vsort.dscd.msk.f32 $0xffff, v21, v6;
	[tilespmem:s17+$0x0] =	vst.msk $0xff, v10;
	v6 =	vsel vm1, v9, v15  }
0x104: {  	v9 =	vperm.xlane v20, v4;
	v12 =	vsel vm1, v12, v22;
	v10, v11, _ =	vpop (xrf1);
	v5 =	vld [tilespmem:s24+$0x90];
	(xrf1) =	vsort.dscd.msk.f32 $0xffff, v16, v8  }
0x105: {  	v8 =	vperm.xlane v10, v4;
	vm0 =	vge.f32 v18, v17;
	v10, v13, _ =	vpop (xrf1);
	(xrf1) =	vsort.dscd.msk.f32 $0xffff, v7, v14;
	v7 =	vld [tilespmem:s24+$0x80]  }
0x106: {  	v20 =	vperm.xlane v11, v4;
	v17 =	vsel vm0, v18, v17;
	v9 =	vsel vm0, v19, v9;
	v15, v16, _ =	vpop (xrf1);
	[tilespmem:s22+$0xFFFFFFF8] =	vst.msk $0xff, v10;
	v10 =	vld [tilespmem:s24+$0xB0]  }
0x107: {  	vm0 =	vge.f32 v15, v8;
	(xrf1) =	vsort.dscd.msk.f32 $0xffff, v17, v9;
	[tilespmem:s23+$0xFFFFFFF8] =	vst.msk $0xff, v13;
	v9 =	vld [tilespmem:s24+$0xA0];
	v13, v14, _ =	vpop (xrf1);
	s24 =	smov.u32 s20;
	s20 =	smov.u32 s21;
	s21 =	smov.u32 s25  }
0x108: {  	s25 =	smov.u32 s29;
	s29 =	smov.u32 s30;
	v17 =	vsel vm0, v15, v8;
	v16 =	vsel vm0, v16, v20;
	v15 =	vld [tilespmem:s20+$0x30];
	(xrf1) =	vsort.dscd.msk.f32 $0xffff, v6, v12;
	[tilespmem:s12+$0x8] =	vst.msk $0xff, v13;
	s12 =	smov.u32 s15  }
0x109: {  	s15 =	smov.u32 s16;
	s16 =	smov.u32 s18;
	s18 =	smov.u32 s22;
	(xrf1) =	vsort.dscd.msk.f32 $0xffff, v17, v16;
	v6 =	vld [tilespmem:s20+$0x20];
	[tilespmem:s13+$0x8] =	vst.msk $0xff, v14  }
0x10a: {  	s22 =	smov.u32 s26;
	s13 =	smov.u32 s14;
	s14 =	smov.u32 s17;
	v8, v11, _ =	vpop (xrf1);
	v12 =	vld [tilespmem:s20+$0x10]  }
0x10b: {  	s17 =	smov.u32 s19;
	s19 =	smov.u32 s23;
	s23 =	smov.u32 s28;
	v8 =	vperm.xlane v8, v4;
	v13, v14, _ =	vpop (xrf1);
	v16 =	vld [tilespmem:s20+$0x0];
	(xrf1) =	vsort.dscd.msk.f32 $0xffff, v7, v0  }
0x10c: {  	s26 =	sadd.s32 $0x20, s26;
	v7 =	vperm.xlane v11, v4;
	v11, v17, _ =	vpop (xrf1);
	(xrf1) =	vsort.dscd.msk.f32 $0xffff, v10, v3  }
0x10d: {  	s28 =	sadd.s32 $0x20, s28;
	v10 =	vperm.xlane v11, v4;
	vm0 =	vge.f32 v13, v8;
	(xrf1) =	vsort.dscd.msk.f32 $0xffff, v15, v3  }
.Ltmp0:
0x10e: {  	v11 =	vperm.xlane v17, v4;
	v8 =	vsel vm0, v13, v8;
	v13, v15, _ =	vpop (xrf1);
	(xrf1) =	vsort.dscd.msk.f32 $0xffff, v9, v2;
	(pc) =	sbr.rel @p0 .LBB2_2-.Ltmp0, $4  }
0x10f: {  	v17 =	vsel vm0, v14, v7;
	vm1 =	vge.f32 v13, v10;
	v9, v14, _ =	vpop (xrf1);
	(xrf1) =	vsort.dscd.msk.f32 $0xffff, v12, v1  }
0x110: {  	v10 =	vsel vm1, v13, v10;
	v11 =	vsel vm1, v15, v11;
	[tilespmem:s26+$0xFFFFFFF0] =	vst.msk $0xff, v9;
	(xrf1) =	vsort.dscd.msk.f32 $0xffff, v16, v0  }
0x111: {  	(xrf1) =	vsort.dscd.msk.f32 $0xffff, v8, v17;
	[tilespmem:s28+$0xFFFFFFF0] =	vst.msk $0xff, v14;
	v12, v9, _ =	vpop (xrf1)  }
0x112: {  	(xrf1) =	vsort.dscd.msk.f32 $0xffff, v10, v11;
	v8 =	vld [tilespmem:s25+$0xFFFFFFB0];
	v10 =	vperm.xlane v12, v4;
	v11 =	vperm.xlane v9, v4;
	v9, v7, _ =	vpop (xrf1)  }
0x113: {  	v13, v14, _ =	vpop (xrf1)  }
0x114: {  	(xrf1) =	vsort.dscd.msk.f32 $0xffff, v5, v1;
	vm0 =	vge.f32 v13, v10  }
0x115: {  	v15, v16, _ =	vpop (xrf1);
	(xrf1) =	vsort.dscd.msk.f32 $0xffff, v6, v2;
	v6 =	vsel vm0, v13, v10  }
0x116: {  	v12 =	vld [tilespmem:s25+$0xFFFFFFA0]  }
0x117: {  	v5 =	vld [tilespmem:s25+$0xFFFFFF90];
	v22 =	vsel vm0, v14, v11  }
0x118: {  	v24 =	vperm.xlane v15, v4;
	(xrf1) =	vsort.dscd.msk.f32 $0xffff, v6, v22;
	v6, v10, _ =	vpop (xrf1)  }
0x119: {  	v25 =	vperm.xlane v16, v4;
	v26, v27, _ =	vpop (xrf1)  }
0x11a: {  	(xrf1) =	vsort.dscd.msk.f32 $0xffff, v8, v3;
	vm14 =	vge.f32 v26, v24  }
0x11b: {  	(xrf1) =	vsort.dscd.msk.f32 $0xffff, v12, v2;
	v8 =	vsel vm14, v27, v25  }
0x11c: {  	(xrf1) =	vsort.dscd.msk.f32 $0xffff, v5, v1;
	v5 =	vsel vm14, v26, v24;
	_ =	sdelay $0x1  }
0x11d: {  	v23 =	vld [tilespmem:s25+$0xFFFFFF80];
	v9 =	vperm.xlane v9, v4;
	v28, v29, _ =	vpop (xrf1)  }
0x11e: {  	v7 =	vperm.xlane v7, v4;
	(xrf1) =	vsort.dscd.msk.f32 $0xffff, v5, v8;
	v5, v8, _ =	vpop (xrf1)  }
0x11f: {  	vm15 =	vge.f32 v6, v9;
	v31, v30, _ =	vpop (xrf1)  }
0x120: {  	v7 =	vsel vm15, v10, v7;
	v33, v32, _ =	vpop (xrf1)  }
0x121: {  	v34, v17, _ =	vpop (xrf1)  }
0x122: {  	v6 =	vsel vm15, v6, v9;
	(xrf1) =	vsort.dscd.msk.f32 $0xffff, v23, v0;
	v36, v18, _ =	vpop (xrf1)  }
0x123: {  	(xrf1) =	vsort.dscd.msk.f32 $0xffff, v6, v7;
	v7, v37, _ =	vpop (xrf1)  }
0x124: {  	v7 =	vperm.xlane v7, v4  }
0x125: {  	v38, v39, _ =	vpop (xrf1);
	v9 =	vperm.xlane v37, v4  }
0x126: {  	vm1 =	vge.f32 v38, v7  }
0x127: {  	v9 =	vsel vm1, v39, v9  }
0x128: {  	v5 =	vperm.xlane v5, v4;
	v7 =	vsel vm1, v38, v7  }
0x129: {  	v8 =	vperm.xlane v8, v4;
	v35 =	vperm.xlane v31, v4;
	v40, v19, _ =	vpop (xrf1)  }
0x12a: {  	v14 =	vperm.xlane v30, v4;
	vm4 =	vge.f32 v33, v5;
	v6 =	vperm.xlane v34, v4;
	v41, v42, _ =	vpop (xrf1)  }
0x12b: {  	v5 =	vsel vm4, v33, v5;
	vm6 =	vge.f32 v41, v35;
	(xrf1) =	vsort.dscd.msk.f32 $0xffff, v7, v9;
	v7, v9, _ =	vpop (xrf1)  }
0x12c: {  	v17 =	vperm.xlane v17, v4;
	v10 =	vsel vm6, v41, v35;
	v14 =	vsel vm6, v42, v14;
	v43, v20, _ =	vpop (xrf1)  }
0x12d: {  	v8 =	vsel vm4, v32, v8;
	vm5 =	vge.f32 v36, v6;
	v47, v46, _ =	vpop (xrf1);
	(xrf1) =	vsort.dscd.msk.f32 $0xffff, v10, v14  }
0x12e: {  	v6 =	vsel vm5, v36, v6;
	v17 =	vsel vm5, v18, v17;
	(xrf1) =	vsort.dscd.msk.f32 $0xffff, v5, v8  }
0x12f: {  	v11 =	vperm.xlane v40, v4;
	(xrf1) =	vsort.dscd.msk.f32 $0xffff, v6, v17  }
0x130: {  	v45 =	vperm.xlane v43, v4  }
0x131: {  	v44 =	vperm.xlane v19, v4;
	vm7 =	vge.f32 v28, v11;
	v49 =	vperm.xlane v20, v4;
	v51, v50, _ =	vpop (xrf1)  }
0x132: {  	v48 =	vsel vm7, v28, v11;
	v5 =	vperm.xlane v51, v4;
	vm8 =	vge.f32 v47, v45;
	v52, v53, _ =	vpop (xrf1)  }
0x133: {  	v6 =	vperm.xlane v50, v4;
	v54 =	vsel vm8, v47, v45;
	v11 =	vsel vm8, v46, v49;
	v56, v55, _ =	vpop (xrf1)  }
0x134: {  	[tilespmem:s16+$0x0] =	vst.msk $0xff, v7;
	v7 =	vsel vm7, v29, v44;
	vm9 =	vge.f32 v56, v5;
	(xrf1) =	vsort.dscd.msk.f32 $0xffff, v54, v11  }
0x135: {  	[tilespmem:s17+$0x0] =	vst.msk $0xff, v9;
	v5 =	vsel vm9, v56, v5;
	v6 =	vsel vm9, v55, v6;
	(xrf1) =	vsort.dscd.msk.f32 $0xffff, v48, v7  }
0x136: {  	[tilespmem:s22+$0xFFFFFFF8] =	vst.msk $0xff, v52;
	v7 =	vld [tilespmem:s24+$0x80];
	(xrf1) =	vsort.dscd.msk.f32 $0xffff, v5, v6  }
0x137: {  	v57 =	vld [tilespmem:s24+$0xB0];
	[tilespmem:s23+$0xFFFFFFF8] =	vst.msk $0xff, v53  }
0x138: {  	v58 =	vld [tilespmem:s21+$0x30]  }
0x139: {  	v59 =	vld [tilespmem:s24+$0xA0];
	v6, v5, _ =	vpop (xrf1)  }
0x13a: {  	v60 =	vld [tilespmem:s21+$0x10];
	v62, v61, _ =	vpop (xrf1)  }
0x13b: {  	v12 =	vld [tilespmem:s21+$0x0];
	(xrf1) =	vsort.dscd.msk.f32 $0xffff, v7, v0;
	v20, v19, _ =	vpop (xrf1)  }
0x13c: {  	s31 =	sadd.s32 $0x20, s26;
	v7 =	vld [tilespmem:s24+$0x90];
	(xrf1) =	vsort.dscd.msk.f32 $0xffff, v57, v3;
	v8 =	vperm.xlane v20, v4;
	v23, v22, _ =	vpop (xrf1)  }
0x13d: {  	s30 =	sadd.s32 $0x20, s28;
	v63 =	vld [tilespmem:s21+$0x20];
	[tilespmem:s31+$0xFFFFFFF0] =	vst.msk $0xff, v62;
	(xrf1) =	vsort.dscd.msk.f32 $0xffff, v58, v3;
	v9 =	vperm.xlane v19, v4;
	v25, v26, _ =	vpop (xrf1)  }
0x13e: {  	[tilespmem:s30+$0xFFFFFFF0] =	vst.msk $0xff, v61;
	(xrf1) =	vsort.dscd.msk.f32 $0xffff, v59, v2;
	vm10 =	vge.f32 v25, v8  }
0x13f: {  	v21 =	vld [tilespmem:s29+$0xFFFFFFB0];
	(xrf1) =	vsort.dscd.msk.f32 $0xffff, v60, v1;
	v9 =	vsel vm10, v26, v9  }
0x140: {  	v24 =	vld [tilespmem:s29+$0xFFFFFFA0];
	(xrf1) =	vsort.dscd.msk.f32 $0xffff, v12, v0;
	v8 =	vsel vm10, v25, v8  }
0x141: {  	(xrf1) =	vsort.dscd.msk.f32 $0xffff, v7, v1;
	v7 =	vld [tilespmem:s29+$0xFFFFFF90]  }
0x142: {  	(xrf1) =	vsort.dscd.msk.f32 $0xffff, v63, v2;
	v28, v27, _ =	vpop (xrf1)  }
0x143: {  	v29 =	vld [tilespmem:s29+$0xFFFFFF80];
	v30 =	vperm.xlane v28, v4;
	(xrf1) =	vsort.dscd.msk.f32 $0xffff, v8, v9;
	v8, v9, _ =	vpop (xrf1)  }
0x144: {  	v31 =	vperm.xlane v27, v4;
	(xrf1) =	vsort.dscd.msk.f32 $0xffff, v21, v3;
	v32, v33, _ =	vpop (xrf1)  }
0x145: {  	(xrf1) =	vsort.dscd.msk.f32 $0xffff, v24, v2;
	vm11 =	vge.f32 v32, v30  }
0x146: {  	(xrf1) =	vsort.dscd.msk.f32 $0xffff, v7, v1;
	v7 =	vsel vm11, v32, v30;
	v10 =	vsel vm11, v33, v31  }
0x147: {  	(xrf1) =	vsort.dscd.msk.f32 $0xffff, v7, v10  }
0x148: {  	(xrf1) =	vsort.dscd.msk.f32 $0xffff, v29, v0  }
0x149: {  	v34, v35, _ =	vpop (xrf1)  }
0x14a: {  	v36, v37, _ =	vpop (xrf1);
	v7 =	vperm.xlane v23, v4  }
0x14b: {  	v13 =	vperm.xlane v22, v4;
	v15, v16, _ =	vpop (xrf1)  }
0x14c: {  	v38 =	vperm.xlane v36, v4;
	v14 =	vperm.xlane v37, v4;
	v40, v39, _ =	vpop (xrf1);
	vm12 =	vge.f32 v8, v7  }
0x14d: {  	v41 =	vperm.xlane v15, v4;
	v43, v42, _ =	vpop (xrf1);
	v7 =	vsel vm12, v8, v7;
	v9 =	vsel vm12, v9, v13  }
0x14e: {  	vm13 =	vge.f32 v40, v38;
	v44, v45, _ =	vpop (xrf1);
	(xrf1) =	vsort.dscd.msk.f32 $0xffff, v7, v9;
	v7 =	vperm.xlane v43, v4  }
0x14f: {  	v16 =	vperm.xlane v16, v4;
	v8 =	vsel vm13, v40, v38;
	v46 =	vperm.xlane v42, v4;
	v48, v47, _ =	vpop (xrf1)  }
0x150: {  	v14 =	vsel vm13, v39, v14;
	v49 =	vperm.xlane v48, v4;
	v51, v50, _ =	vpop (xrf1);
	vm14 =	vge.f32 v44, v7  }
0x151: {  	v53 =	vperm.xlane v47, v4;
	vm15 =	vge.f32 v51, v41;
	v7 =	vsel vm14, v44, v7;
	v12, v15, _ =	vpop (xrf1)  }
0x152: {  	v52 =	vsel vm14, v45, v46;
	v13 =	vsel vm15, v51, v41;
	v16 =	vsel vm15, v50, v16;
	v21, v22, _ =	vpop (xrf1)  }
0x153: {  	vm4 =	vge.f32 v34, v49;
	(xrf1) =	vsort.dscd.msk.f32 $0xffff, v13, v16;
	v54 =	vperm.xlane v21, v4;
	v55, v56, _ =	vpop (xrf1)  }
0x154: {  	v10 =	vsel vm4, v34, v49;
	v57 =	vperm.xlane v22, v4;
	(xrf1) =	vsort.dscd.msk.f32 $0xffff, v8, v14;
	v58, v59, _ =	vpop (xrf1)  }
0x155: {  	(xrf1) =	vsort.dscd.msk.f32 $0xffff, v7, v52;
	v60 =	vperm.xlane v58, v4;
	vm5 =	vge.f32 v55, v54;
	v61, v62, _ =	vpop (xrf1)  }
0x156: {  	v7 =	vperm.xlane v59, v4;
	v63 =	vsel vm5, v55, v54;
	v13 =	vsel vm5, v56, v57;
	v22, v23, _ =	vpop (xrf1)  }
0x157: {  	v11 =	vsel vm4, v35, v53;
	(xrf1) =	vsort.dscd.msk.f32 $0xffff, v63, v13;
	vm6 =	vge.f32 v22, v60  }
0x158: {  	(xrf1) =	vsort.dscd.msk.f32 $0xffff, v10, v11;
	v8 =	vsel vm6, v22, v60;
	v7 =	vsel vm6, v23, v7  }
0x159: {  	[tilespmem:s18+$0x0] =	vst.msk $0xff, v12;
	(xrf1) =	vsort.dscd.msk.f32 $0xffff, v8, v7  }
0x15a: {  	[tilespmem:s19+$0x0] =	vst.msk $0xff, v15  }
0x15b: {  	[tilespmem:s26+$0xFFFFFFF8] =	vst.msk $0xff, v61;
	v7 =	vld [tilespmem:s20+$0x80]  }
0x15c: {  	v24 =	vld [tilespmem:s20+$0xB0];
	[tilespmem:s28+$0xFFFFFFF8] =	vst.msk $0xff, v62  }
0x15d: {  	v25 =	vld [tilespmem:s25+$0x30]  }
0x15e: {  	v26 =	vld [tilespmem:s20+$0xA0]  }
0x15f: {  	v27 =	vld [tilespmem:s25+$0x10]  }
0x160: {  	v28 =	vld [tilespmem:s25+$0x0];
	(xrf1) =	vsort.dscd.msk.f32 $0xffff, v7, v0  }
0x161: {  	v29 =	vld [tilespmem:s20+$0x90];
	v8, v7, _ =	vpop (xrf1);
	(xrf1) =	vsort.dscd.msk.f32 $0xffff, v24, v3  }
0x162: {  	v14 =	vld [tilespmem:s25+$0x20];
	v30, v31, _ =	vpop (xrf1);
	(xrf1) =	vsort.dscd.msk.f32 $0xffff, v25, v3  }
0x163: {  	v33, v32, _ =	vpop (xrf1);
	v9 =	vperm.xlane v30, v4;
	(xrf1) =	vsort.dscd.msk.f32 $0xffff, v26, v2  }
0x164: {  	v35, v34, _ =	vpop (xrf1);
	(xrf1) =	vsort.dscd.msk.f32 $0xffff, v27, v1  }
0x165: {  	v10 =	vperm.xlane v31, v4;
	v37, v36, _ =	vpop (xrf1);
	vm7 =	vge.f32 v35, v9;
	(xrf1) =	vsort.dscd.msk.f32 $0xffff, v28, v0  }
0x166: {  	v13 =	vperm.xlane v37, v4;
	v39, v38, _ =	vpop (xrf1);
	v9 =	vsel vm7, v35, v9;
	(xrf1) =	vsort.dscd.msk.f32 $0xffff, v29, v1  }
0x167: {  	v10 =	vsel vm7, v34, v10;
	v40 =	vperm.xlane v36, v4;
	(xrf1) =	vsort.dscd.msk.f32 $0xffff, v14, v2;
	v41, v42, _ =	vpop (xrf1)  }
0x168: {  	(xrf1) =	vsort.dscd.msk.f32 $0xffff, v9, v10;
	vm8 =	vge.f32 v41, v13  }
0x169: {  	v43 =	vsel vm8, v41, v13;
	v44 =	vsel vm8, v42, v40  }
0x16a: {  	(xrf1) =	vsort.dscd.msk.f32 $0xffff, v43, v44;
	_ =	sdelay $0x3  }
0x16b: {  	v9, v10, _ =	vpop (xrf1)  }
0x16c: {  	v46, v45, _ =	vpop (xrf1)  }
0x16d: {  	v47, v48, _ =	vpop (xrf1)  }
0x16e: {  	v11 =	vperm.xlane v33, v4;
	v50, v49, _ =	vpop (xrf1)  }
0x16f: {  	v15 =	vperm.xlane v32, v4;
	v52, v51, _ =	vpop (xrf1)  }
0x170: {  	vm9 =	vge.f32 v39, v11;
	v12 =	vperm.xlane v46, v4;
	v23, v24, _ =	vpop (xrf1)  }
0x171: {  	v11 =	vsel vm9, v39, v11;
	v15 =	vsel vm9, v38, v15;
	v13 =	vperm.xlane v45, v4;
	v53, v25, _ =	vpop (xrf1)  }
0x172: {  	(xrf1) =	vsort.dscd.msk.f32 $0xffff, v11, v15;
	v16 =	vperm.xlane v47, v4;
	vm10 =	vge.f32 v50, v12;
	v54, v26, _ =	vpop (xrf1)  }
0x173: {  	v17 =	vperm.xlane v48, v4;
	v55 =	vperm.xlane v52, v4;
	v12 =	vsel vm10, v50, v12;
	v56, v57, _ =	vpop (xrf1)  }
0x174: {  	v13 =	vsel vm10, v49, v13;
	v58 =	vperm.xlane v51, v4;
	vm12 =	vge.f32 v54, v16;
	[tilespmem:s22+$0x0] =	vst.msk $0xff, v56  }
0x175: {  	vm11 =	vge.f32 v23, v55;
	v16 =	vsel vm12, v54, v16;
	v17 =	vsel vm12, v26, v17;
	[tilespmem:s23+$0x0] =	vst.msk $0xff, v57;
	v59, v60, _ =	vpop (xrf1)  }
0x176: {  	v14 =	vperm.xlane v53, v4;
	v62 =	vperm.xlane v25, v4;
	(xrf1) =	vsort.dscd.msk.f32 $0xffff, v16, v17;
	v61 =	vld [tilespmem:s21+$0x80];
	[tilespmem:s31+$0xFFFFFFF8] =	vst.msk $0xff, v59  }
0x177: {  	v11 =	vsel vm11, v23, v55;
	v15 =	vsel vm11, v24, v58;
	v63 =	vld [tilespmem:s21+$0xB0];
	(xrf1) =	vsort.dscd.msk.f32 $0xffff, v12, v13;
	[tilespmem:s30+$0xFFFFFFF8] =	vst.msk $0xff, v60  }
0x178: {  	vm13 =	vge.f32 v9, v14;
	(xrf1) =	vsort.dscd.msk.f32 $0xffff, v11, v15;
	v17 =	vld [tilespmem:s29+$0x30]  }
0x179: {  	v9 =	vsel vm13, v9, v14;
	v10 =	vsel vm13, v10, v62;
	v20 =	vld [tilespmem:s21+$0xA0]  }
0x17a: {  	(xrf1) =	vsort.dscd.msk.f32 $0xffff, v9, v10;
	v21 =	vld [tilespmem:s29+$0x10]  }
0x17b: {  	v22 =	vld [tilespmem:s29+$0x0];
	(xrf1) =	vsort.dscd.msk.f32 $0xffff, v61, v0  }
0x17c: {  	v23 =	vld [tilespmem:s21+$0x90];
	(xrf1) =	vsort.dscd.msk.f32 $0xffff, v63, v3  }
0x17d: {  	v24 =	vld [tilespmem:s29+$0x20];
	(xrf1) =	vsort.dscd.msk.f32 $0xffff, v17, v3  }
0x17e: {  	(xrf1) =	vsort.dscd.msk.f32 $0xffff, v20, v2  }
0x17f: {  	(xrf1) =	vsort.dscd.msk.f32 $0xffff, v21, v1  }
0x180: {  	(xrf1) =	vsort.dscd.msk.f32 $0xffff, v22, v0  }
0x181: {  	(xrf1) =	vsort.dscd.msk.f32 $0xffff, v23, v1  }
0x182: {  	(xrf1) =	vsort.dscd.msk.f32 $0xffff, v24, v2  }
0x183: {  	v10, v9, _ =	vpop (xrf1)  }
0x184: {  	v26, v25, _ =	vpop (xrf1)  }
0x185: {  	v27, v28, _ =	vpop (xrf1);
	v11 =	vperm.xlane v26, v4  }
0x186: {  	v12 =	vperm.xlane v25, v4;
	v15, v29, _ =	vpop (xrf1)  }
0x187: {  	vm14 =	vge.f32 v15, v11  }
0x188: {  	v30, v31, _ =	vpop (xrf1);
	v12 =	vsel vm14, v29, v12  }
0x189: {  	v11 =	vsel vm14, v15, v11;
	v33, v32, _ =	vpop (xrf1)  }
0x18a: {  	v35, v34, _ =	vpop (xrf1)  }
0x18b: {  	v13 =	vperm.xlane v27, v4;
	v36, v37, _ =	vpop (xrf1)  }
0x18c: {  	v14 =	vperm.xlane v28, v4;
	(xrf1) =	vsort.dscd.msk.f32 $0xffff, v11, v12;
	v11, v12, _ =	vpop (xrf1)  }
0x18d: {  	vm15 =	vge.f32 v30, v13;
	v38, v39, _ =	vpop (xrf1)  }
0x18e: {  	v13 =	vsel vm15, v30, v13;
	v14 =	vsel vm15, v31, v14;
	v40 =	vperm.xlane v35, v4;
	v42, v41, _ =	vpop (xrf1)  }
0x18f: {  	(xrf1) =	vsort.dscd.msk.f32 $0xffff, v13, v14;
	v15 =	vperm.xlane v36, v4;
	v45, v44, _ =	vpop (xrf1)  }
0x190: {  	v43 =	vperm.xlane v34, v4;
	v46 =	vperm.xlane v37, v4;
	vm4 =	vge.f32 v11, v40;
	v47, v48, _ =	vpop (xrf1)  }
0x191: {  	v23 =	vperm.xlane v38, v4;
	v11 =	vsel vm4, v11, v40;
	vm5 =	vge.f32 v47, v15  }
0x192: {  	v49 =	vperm.xlane v39, v4;
	v14 =	vsel vm5, v47, v15;
	v13 =	vsel vm5, v48, v46  }
0x193: {  	v12 =	vsel vm4, v12, v43;
	vm6 =	vge.f32 v42, v23;
	(xrf1) =	vsort.dscd.msk.f32 $0xffff, v14, v13  }
0x194: {  	v50 =	vsel vm6, v42, v23;
	v51 =	vsel vm6, v41, v49;
	(xrf1) =	vsort.dscd.msk.f32 $0xffff, v11, v12  }
0x195: {  	(xrf1) =	vsort.dscd.msk.f32 $0xffff, v50, v51;
	_ =	sdelay $0x4  }
0x196: {  	v52 =	vperm.xlane v45, v4;
	v11, v12, _ =	vpop (xrf1)  }
0x197: {  	v53 =	vperm.xlane v44, v4;
	[tilespmem:s26+$0x0] =	vst.msk $0xff, v11  }
0x198: {  	vm7 =	vge.f32 v33, v52;
	[tilespmem:s28+$0x0] =	vst.msk $0xff, v12  }
0x199: {  	v13 =	vsel vm7, v32, v53;
	v12 =	vld [tilespmem:s25+$0x80]  }
0x19a: {  	v11 =	vsel vm7, v33, v52;
	v54 =	vld [tilespmem:s25+$0xB0]  }
0x19b: {  	v55 =	vld [tilespmem:s25+$0xA0]  }
0x19c: {  	v17, v18, _ =	vpop (xrf1);
	v56 =	vld [tilespmem:s25+$0x90]  }
0x19d: {  	(xrf1) =	vsort.dscd.msk.f32 $0xffff, v11, v13;
	v11, v13, _ =	vpop (xrf1)  }
0x19e: {  	(xrf1) =	vsort.dscd.msk.f32 $0xffff, v12, v0;
	v11 =	vperm.xlane v11, v4;
	v58, v57, _ =	vpop (xrf1)  }
0x19f: {  	(xrf1) =	vsort.dscd.msk.f32 $0xffff, v54, v3;
	v13 =	vperm.xlane v13, v4;
	v60, v59, _ =	vpop (xrf1)  }
0x1a0: {  	(xrf1) =	vsort.dscd.msk.f32 $0xffff, v55, v2;
	vm8 =	vge.f32 v60, v11  }
0x1a1: {  	(xrf1) =	vsort.dscd.msk.f32 $0xffff, v56, v1;
	v11 =	vsel vm8, v60, v11;
	v13 =	vsel vm8, v59, v13  }
0x1a2: {  	(xrf1) =	vsort.dscd.msk.f32 $0xffff, v11, v13;
	_ =	sdelay $0x8  }
0x1a3: {  	v11, v13, _ =	vpop (xrf1)  }
0x1a4: {  	v62, v61, _ =	vpop (xrf1)  }
0x1a5: {  	v63, v28, _ =	vpop (xrf1)  }
0x1a6: {  	v29, v30, _ =	vpop (xrf1)  }
0x1a7: {  	v12 =	vperm.xlane v58, v4;
	v32, v31, _ =	vpop (xrf1)  }
0x1a8: {  	v33, v34, _ =	vpop (xrf1)  }
0x1a9: {  	v19 =	vperm.xlane v57, v4;
	vm9 =	vge.f32 v11, v12;
	[tilespmem:s31+$0x0] =	vst.msk $0xff, v33  }
0x1aa: {  	v11 =	vsel vm9, v11, v12;
	v35 =	vperm.xlane v63, v4;
	[tilespmem:s30+$0x0] =	vst.msk $0xff, v34  }
0x1ab: {  	v13 =	vsel vm9, v13, v19;
	v36 =	vperm.xlane v28, v4;
	v37 =	vperm.xlane v32, v4;
	v38 =	vld [tilespmem:s29+$0x80]  }
0x1ac: {  	(xrf1) =	vsort.dscd.msk.f32 $0xffff, v11, v13;
	vm10 =	vge.f32 v29, v35;
	v39 =	vperm.xlane v31, v4;
	v40 =	vld [tilespmem:s29+$0xB0]  }
0x1ad: {  	v12 =	vsel vm10, v29, v35;
	v16 =	vsel vm10, v30, v36;
	vm11 =	vge.f32 v62, v37;
	v41 =	vld [tilespmem:s29+$0xA0]  }
0x1ae: {  	(xrf1) =	vsort.dscd.msk.f32 $0xffff, v12, v16;
	v14 =	vsel vm11, v62, v37;
	v11 =	vsel vm11, v61, v39;
	v42 =	vld [tilespmem:s29+$0x90]  }
0x1af: {  	(xrf1) =	vsort.dscd.msk.f32 $0xffff, v14, v11  }
0x1b0: {  	(xrf1) =	vsort.dscd.msk.f32 $0xffff, v38, v0  }
0x1b1: {  	(xrf1) =	vsort.dscd.msk.f32 $0xffff, v40, v3  }
0x1b2: {  	(xrf1) =	vsort.dscd.msk.f32 $0xffff, v41, v2  }
0x1b3: {  	(xrf1) =	vsort.dscd.msk.f32 $0xffff, v42, v1;
	_ =	sdelay $0x7  }
0x1b4: {  	v44, v43, _ =	vpop (xrf1)  }
0x1b5: {  	v46, v45, _ =	vpop (xrf1)  }
0x1b6: {  	v47, v48, _ =	vpop (xrf1)  }
0x1b7: {  	v13 =	vperm.xlane v46, v4;
	v49, v20, _ =	vpop (xrf1)  }
0x1b8: {  	v14 =	vperm.xlane v45, v4;
	v51, v50, _ =	vpop (xrf1)  }
0x1b9: {  	vm12 =	vge.f32 v47, v13;
	v21 =	vperm.xlane v51, v4;
	v52, v53, _ =	vpop (xrf1)  }
0x1ba: {  	v13 =	vsel vm12, v47, v13;
	v14 =	vsel vm12, v48, v14;
	v54 =	vperm.xlane v50, v4;
	v55, v56, _ =	vpop (xrf1)  }
0x1bb: {  	(xrf1) =	vsort.dscd.msk.f32 $0xffff, v13, v14;
	vm13 =	vge.f32 v52, v21;
	v57 =	vperm.xlane v55, v4  }
0x1bc: {  	v59 =	vperm.xlane v56, v4;
	v58 =	vsel vm13, v52, v21;
	v15 =	vsel vm13, v53, v54  }
0x1bd: {  	vm14 =	vge.f32 v49, v57;
	(xrf1) =	vsort.dscd.msk.f32 $0xffff, v58, v15  }
0x1be: {  	v13 =	vsel vm14, v49, v57;
	v60 =	vsel vm14, v20, v59  }
0x1bf: {  	(xrf1) =	vsort.dscd.msk.f32 $0xffff, v13, v60;
	_ =	sdelay $0xa  }
0x1c0: {  	v13, v14, _ =	vpop (xrf1)  }
0x1c1: {  	v15, v61, _ =	vpop (xrf1)  }
0x1c2: {  	v15 =	vperm.xlane v15, v4  }
0x1c3: {  	v16 =	vperm.xlane v61, v4;
	v62, v63, _ =	vpop (xrf1)  }
0x1c4: {  	vm15 =	vge.f32 v62, v15  }
0x1c5: {  	v15 =	vsel vm15, v62, v15;
	v16 =	vsel vm15, v63, v16  }
0x1c6: {  	(xrf1) =	vsort.dscd.msk.f32 $0xffff, v15, v16;
	_ =	sdelay $0x2  }
0x1c7: {  	[tilespmem:s12+$0x8] =	vst.msk $0xff, v6  }
0x1c8: {  	[tilespmem:s13+$0x8] =	vst.msk $0xff, v5  }
0x1c9: {  	[tilespmem:s15+$0x8] =	vst.msk $0xff, v8  }
0x1ca: {  	[tilespmem:s14+$0x8] =	vst.msk $0xff, v7  }
0x1cb: {  	[tilespmem:s16+$0x8] =	vst.msk $0xff, v10  }
0x1cc: {  	[tilespmem:s17+$0x8] =	vst.msk $0xff, v9  }
0x1cd: {  	[tilespmem:s18+$0x8] =	vst.msk $0xff, v17  }
0x1ce: {  	[tilespmem:s19+$0x8] =	vst.msk $0xff, v18  }
0x1cf: {  	[tilespmem:s22+$0x8] =	vst.msk $0xff, v44  }
0x1d0: {  	[tilespmem:s23+$0x8] =	vst.msk $0xff, v43  }
0x1d1: {  	[tilespmem:s26+$0x8] =	vst.msk $0xff, v13  }
0x1d2: {  	[tilespmem:s28+$0x8] =	vst.msk $0xff, v14;
	v5, v6, _ =	vpop (xrf1)  }
0x1d3: {  	[tilespmem:s31+$0x8] =	vst.msk $0xff, v5  }
0x1d4: {  	[tilespmem:s30+$0x8] =	vst.msk $0xff, v6  }
0x1d5: {  	[hbm4b:s4+s2] =	stream.linear.scatter [tilespmem:s8], [sflag:$0x2], $0x800, $0x38;
	[tilespmem:$0x9100] =	vst v63  }
0x1d6: {  	s11 =	sadd.s32 $0x1, s11;
	_ =	swait.ge [sflag:s9], $0x800  }
0x1d7: {  	p0 =	sne.s32 s11, s6;
	[sflag:s9] =	ssyncset.done $0x0  }
.Ltmp1:
0x1d8: {  	[sflag:s9] =	ssyncadd.s32 $0xFFFFF800;
	(pc) =	sbr.rel @p0 .LBB2_1-.Ltmp1, $4  }
0x1d9: {  	[hbm4b:s5+s2] =	stream.linear.scatter [tilespmem:s10], [sflag:$0x2], $0x800, $0x38;
	[tilespmem:$0x9100] =	vst v63  }
0x1da: {  	_ =	swait.ge [sflag:s9], $0x800  }
0x1db: {  	[sflag:s9] =	ssyncset.done $0x0  }
0x1dc: {  	[sflag:s9] =	ssyncadd.s32 $0xFFFFF800  }
0x1dd: {  	_ =	sfence.sel $0x180000  }
0x1de: {  	[bflag:$0x0] =	sbarrier.arrive $0xFFFF  }
0x1df: {  	p0 =	sne.s32 s1, $0x0;
	_ =	strace $0x9000004A  }
0x1e0: {  	s0 =	sadd.s32 @!p0 $0x100000, s0;
	[bflag:$0x2] =	sbarrier.arrive $0xFFFF  }
0x1e1: {  	[sflag:s0] =	ssyncadd.tile.s32 @!p0 $0x1;
	_ =	shalt  }
.Lfunc_end2:
_tile_overlayer_lowered:
.L_overlay_start_2:
0x1e2: {  	(tag) =	ssettag $0x2  }
0x1e3: {  	s0 =	rddreg [dreg:$0x0];
	s2 =	stileid.u32  }
0x1e4: {  	s1 =	rddreg [dreg:$0x1];
	p0 =	sne.s32 s2, $0x0  }
0x1e5: {  	s3 =	rddreg [dreg:$0x2];
	[bflag:$0x3] =	sbarrier.arrive $0xFFFF;
	s2 =	simm.s32 @!p0 $0x1C02  }
0x1e6: {  	[timem:s3], [sflag:s2] =	dma.local @!p0 [hbm:s0], s1  }
0x1e7: {  	s0 =	simm.s32 @!p0 $0x2  }
0x1e8: {  	_ =	swait.ge @!p0 [sflag:s0], s1  }
0x1e9: {  	s1 =	ssub.s32 @!p0 $0x0, s1;
	[sflag:s0] =	ssyncset.done @!p0 $0x0  }
0x1ea: {  	[sflag:s0] =	ssyncadd.s32 @!p0 s1  }
0x1eb: {  	[bflag:$0x3] =	sbarrier.arrive $0xFFFF  }
0x1ec: {  	_ =	shalt  }

// kernel: kernel.19.cloned.1.call-start
scs
__scs_entry_jumppad:
0x0: {  	(pc) =	sbr.rel $0x88, $3  }
0x1: {  	(tag) =	ssettag $0x0;
	lr =	simm.s32 $0x1  }
0x2: {  	[smem:$0x3F9F] =	sst lr;
	_ =	strace $0xD0000000  }
0x3: {  	_ = 	snop  }
0x4: {  	_ = 	snop  }
0x5: {  	_ = 	snop  }
0x6: {  	_ = 	snop  }
0x7: {  	_ = 	snop  }
__scs_overlays_trampoline_lowered:
0x8: {  	[smem:$0x3FAE] =	sst s0  }
0x9: {  	[smem:$0x3FAF] =	sst s1  }
0xa: {  	[smem:$0x3FB0] =	sst s2  }
0xb: {  	[smem:$0x3FB1] =	sst s3  }
0xc: {  	[smem:$0x3FB2] =	sst s4  }
0xd: {  	[smem:$0x3FB3] =	sst s5  }
0xe: {  	[smem:$0x3FB4] =	sst s6  }
0xf: {  	[smem:$0x3FB5] =	sst s7  }
0x10: {  	[smem:$0x3FB6] =	sst s8  }
0x11: {  	[smem:$0x3FB7] =	sst s9;
	s0 =	simm.s32 @!p0 $0x0  }
0x12: {  	s1 =	sld [smem:$0x3F9D];
	s0 =	simm.s32 @p0 $0x1  }
0x13: {  	[smem:$0x3FB8] =	sst s0;
	s0 =	simm.s32 @!p1 $0x0  }
0x14: {  	s2 =	sld [smem:$0x3F9C];
	s0 =	simm.s32 @p1 $0x1  }
0x15: {  	[smem:$0x3FB9] =	sst s0;
	s0 =	simm.s32 @!p2 $0x0  }
0x16: {  	s3 =	sld [smem:$0x3FDB];
	s0 =	simm.s32 @p2 $0x1  }
0x17: {  	s4 =	simm.s32 $0x1BF5;
	[smem:$0x3FBB] =	sst s0  }
0x18: {  	s0 =	sld [smem:$0x3F9E];
	_ =	swait.ge [sflag:s4], $0x0  }
0x19: {  	s7 =	sld [smem:$0x3F9F]  }
0x1a: {  	s8 =	sadd.s32 $0xFFFFE003, lr  }
0x1b: {  	s9 =	sadd.s32 $0xFFFFFEF7, lr;
	s5 =	simm.s32 $0xFFFFFFFF;
	p2 =	slt.u32 s8, $0xFFFFF086  }
0x1c: {  	p1 =	slt.u32 s9, $0xF7A;
	s5 =	simm.s32 @!p2 $0x0  }
0x1d: {  	s5 =	simm.s32 @p1 $0x1;
	p0 =	seq.s32 s7, s2  }
0x1e: {  	s7 =	smul.u32 @!p0 $0xF7A, s2;
	p2 =	seq.s32 @!p0 s5, $0x0  }
0x1f: {  	s9 =	smul.u32 $0xF7A, s1;
	s8 =	simm.s32 @!p0 $0x1BF5;
	p2 =	por !p2, p0  }
0x20: {  	[sflag:s8] =	ssyncset.s32 @!p0 $0xFFFFF086;
	s6 =	sadd.s32 @!p0 s3, s7;
	s7 =	simm.s32 @!p0 $0x108  }
0x21: {  	s3 =	sadd.s32 s3, s9;
	s6 =	sadd.s32 @!p0 $0x88, s6;
	s7 =	simm.s32 @p2 $0x1082  }
0x22: {  	[simem:s7], [sflag:s8] =	dma.local @!p0 [hbm:s6], $0xF7A  }
0x23: {  	s9 =	sor.u32 $0xD0000000, s2;
	s6 =	simm.s32 $0x108;
	_ =	swait.ge @!p0 [sflag:s8], $0x0  }
0x24: {  	s3 =	sadd.s32 $0x88, s3;
	s6 =	simm.s32 @!p1 $0x1082;
	[sflag:s4] =	ssyncset.s32 $0xFFFFF086  }
0x25: {  	[simem:s6], [sflag:s4] =	dma.local [hbm:s3], $0xF7A  }
0x26: {  	[smem:$0x3F9F] =	sst s1;
	(tag) =	ssettag s2;
	_ =	strace s9  }
0x27: {  	s1 =	sld [smem:$0x3FAF]  }
0x28: {  	s2 =	sld [smem:$0x3FB0]  }
0x29: {  	s4 =	sld [smem:$0x3FB2]  }
0x2a: {  	p0 =	seq.s32 s5, $0x0;
	s5 =	sld [smem:$0x3FB3]  }
0x2b: {  	s6 =	sld [smem:$0x3FB4]  }
0x2c: {  	s7 =	sld [smem:$0x3FB5]  }
0x2d: {  	s3 =	simm.s32 $0x108;
	s8 =	sld [smem:$0x3FB6]  }
0x2e: {  	s3 =	simm.s32 @!p0 $0x1082;
	s9 =	sld [smem:$0x3FB7]  }
0x2f: {  	lr =	sadd.s32 s0, s3;
	s0 =	sld [smem:$0x3FAE]  }
0x30: {  	s3 =	sld [smem:$0x3FB1]  }
0x31: {  	[smem:$0x3FBA] =	sst s10  }
0x32: {  	s10 =	sld [smem:$0x3FB8];
	_ =	sdelay $0x3  }
0x33: {  	p0 =	seq.s32 s10, $0x1;
	s10 =	sld [smem:$0x3FBA];
	_ =	sdelay $0x3  }
0x34: {  	[smem:$0x3FBA] =	sst s10  }
0x35: {  	s10 =	sld [smem:$0x3FB9];
	_ =	sdelay $0x3  }
0x36: {  	p1 =	seq.s32 s10, $0x1;
	s10 =	sld [smem:$0x3FBA];
	_ =	sdelay $0x3  }
0x37: {  	[smem:$0x3FBA] =	sst s10  }
0x38: {  	s10 =	sld [smem:$0x3FBB]  }
0x39: {  	_ = 	snop;
	(pc) =	sbr.ind lr, $3  }
0x3a: {  	_ = 	snop  }
0x3b: {  	_ = 	snop  }
0x3c: {  	p2 =	seq.s32 s10, $0x1;
	s10 =	sld [smem:$0x3FBA]  }
0x3d: {  	_ =	shalt  }
0x3e: {  	_ =	shalt  }
0x3f: {  	_ =	shalt  }
0x40: {  	_ =	shalt  }
0x41: {  	_ =	shalt  }
0x42: {  	_ =	shalt  }
0x43: {  	_ =	shalt  }
0x44: {  	_ =	shalt  }
0x45: {  	_ =	shalt  }
0x46: {  	_ =	shalt  }
0x47: {  	_ =	shalt  }
0x48: {  	_ =	shalt  }
0x49: {  	_ =	shalt  }
0x4a: {  	_ =	shalt  }
0x4b: {  	_ =	shalt  }
0x4c: {  	_ =	shalt  }
0x4d: {  	_ =	shalt  }
0x4e: {  	_ =	shalt  }
0x4f: {  	_ =	shalt  }
0x50: {  	_ =	shalt  }
0x51: {  	_ =	shalt  }
0x52: {  	_ =	shalt  }
0x53: {  	_ =	shalt  }
0x54: {  	_ =	shalt  }
0x55: {  	_ =	shalt  }
0x56: {  	_ =	shalt  }
0x57: {  	_ =	shalt  }
0x58: {  	_ =	shalt  }
0x59: {  	_ =	shalt  }
0x5a: {  	_ =	shalt  }
0x5b: {  	_ =	shalt  }
0x5c: {  	_ =	shalt  }
0x5d: {  	_ =	shalt  }
0x5e: {  	_ =	shalt  }
0x5f: {  	_ =	shalt  }
0x60: {  	_ =	shalt  }
0x61: {  	_ =	shalt  }
0x62: {  	_ =	shalt  }
0x63: {  	_ =	shalt  }
0x64: {  	_ =	shalt  }
0x65: {  	_ =	shalt  }
0x66: {  	_ =	shalt  }
0x67: {  	_ =	shalt  }
0x68: {  	_ =	shalt  }
0x69: {  	_ =	shalt  }
0x6a: {  	_ =	shalt  }
0x6b: {  	_ =	shalt  }
0x6c: {  	_ =	shalt  }
0x6d: {  	_ =	shalt  }
0x6e: {  	_ =	shalt  }
0x6f: {  	_ =	shalt  }
0x70: {  	_ =	shalt  }
0x71: {  	_ =	shalt  }
0x72: {  	_ =	shalt  }
0x73: {  	_ =	shalt  }
0x74: {  	_ =	shalt  }
0x75: {  	_ =	shalt  }
0x76: {  	_ =	shalt  }
0x77: {  	_ =	shalt  }
0x78: {  	_ =	shalt  }
0x79: {  	_ =	shalt  }
0x7a: {  	_ =	shalt  }
0x7b: {  	_ =	shalt  }
0x7c: {  	_ =	shalt  }
0x7d: {  	_ =	shalt  }
0x7e: {  	_ =	shalt  }
0x7f: {  	_ =	shalt  }
0x80: {  	_ =	shalt  }
0x81: {  	_ =	shalt  }
0x82: {  	_ =	shalt  }
0x83: {  	_ =	shalt  }
0x84: {  	_ =	shalt  }
0x85: {  	_ =	shalt  }
0x86: {  	_ =	shalt  }
0x87: {  	_ =	shalt  }
.Lfunc_end0:
.L_simem_size_0:
called_computation.3_lowered:
.L_overlay_start_0:
0x88: {  	s2 =	sld [smem:$0x3FD9]  }
0x89: {  	s3 =	sld [smem:$0x3FFE];
	_ =	sdelay $0x1  }
0x8a: {  	s1 =	srdreg.scid  }
0x8b: {  	s0 =	sand.u32 $0x1, s1  }
0x8c: {  	s16 =	sshll.u32 s0, $0xA;
	s2 =	sadd.s32 s3, s2  }
0x8d: {  	s2 =	sadd.s32 s2, s16  }
0x8e: {  	[smem:$0x3FC6] =	sst s2  }
0x8f: {  	_ = 	snop  }
0x90: {  	(tm) =	ssettm $0x1  }
0x91: {  	s17 =	sld [smem:$0x3FFB];
	_ =	sdelay $0x3  }
0x92: {  	_ =	strace s17  }
0x93: {  	s2 =	sld [smem:$0x3FFC];
	_ =	sdelay $0x3  }
0x94: {  	_ =	strace s2  }
0x95: {  	s2 =	sld [smem:$0x3FFD];
	_ =	sdelay $0x3  }
0x96: {  	_ =	strace s2  }
0x97: {  	_ =	strace $0x8FFFFFFF  }
0x98: {  	s18 =	sld [smem:$0x3FDB];
	_ =	sdelay $0x1  }
0x99: {  	s19 =	simm.s32 $_scs_section_size  }
0x9a: {  	s4 =	simm.s32 $_size__tile_overlayer_lowered;
	s5 =	simm.s32 $_tile_overlayer_lowered  }
0x9b: {  	s22 =	simm.s32 $0x1BFF;
	s21 =	sshll.u32 s5, $0x1;
	s2 =	sadd.s32 s19, s18  }
0x9c: {  	s6 =	simm.s32 $0x0;
	s20 =	sshll.u32 s4, $0x1;
	s4 =	sadd.s32 s21, s2  }
0x9d: {  	[timem:s6], [sflag:s22] =	dma.local [hbm:s4], s20  }
0x9e: {  	_ =	swait.ge [sflag:s22], s20  }
0x9f: {  	s3 =	ssub.s32 $0x0, s20;
	[sflag:s22] =	ssyncset.done $0x0  }
0xa0: {  	[sflag:s22] =	ssyncadd.s32 s3;
	_ =	sdelay $0x1  }
0xa1: {  	s23 =	simm.s32 $0x1B8B  }
0xa2: {  	_ =	swait.ge [sflag:s23], $0x1  }
0xa3: {  	[sflag:s23] =	ssyncset.done $0x0  }
0xa4: {  	s25 =	simm.s32 $0x1B8E;
	s24 =	sld [smem:$0x3FFE];
	[sflag:s23] =	ssyncadd.s32 $0xFFFFFFFF  }
0xa5: {  	s26 =	simm.s32 $execute0_lowered;
	[smem:$0x3FD2] =	sst s25  }
0xa6: {  	s4 =	sshll.u32 s26, $0x1;
	_ =	strace $0x80000046;
	[dreg:$0x1] =	wrdreg $0xFFFFFFFF  }
0xa7: {  	s28 =	simm.s32 $_size_execute0_lowered;
	s2 =	sadd.s32 s2, s4;
	[dreg:$0x0] =	wrdreg $0x0  }
0xa8: {  	s4 =	sshll.u32 s28, $0x1;
	[dreg:$0x2] =	wrdreg s2  }
0xa9: {  	[dreg:$0x3] =	wrdreg s4  }
0xaa: {  	[dreg:$0x4] =	wrdreg $0xC0  }
0xab: {  	_ =	task [dreg:s6], $0x5FFFF  }
0xac: {  	[dreg:$0x1] =	wrdreg $0xFFFFFFFF  }
0xad: {  	[dreg:$0x0] =	wrdreg $0x60  }
0xae: {  	[dreg:$0x2] =	wrdreg s24  }
0xaf: {  	[dreg:$0x3] =	wrdreg $0xC  }
0xb0: {  	_ =	task.clear_ibuf [dreg:s6], $0x4FFFF;
	_ =	strace $0x90000046  }
0xb1: {  	s29 =	simm.s32 $0xC;
	_ =	strace $0x80000048  }
0xb2: {  	_ =	swait.ge [sflag:s29], $0x1  }
0xb3: {  	[sflag:s29] =	ssyncadd.s32 $0xFFFFFFFF  }
0xb4: {  	_ =	strace $0x90000048  }
0xb5: {  	_ =	sfence  }
0xb6: {  	s30 =	sld [smem:$0x0];
	_ =	sdelay $0x2  }
0xb7: {  	s31 =	sshll.u32 s1, $0xD;
	s1 =	sshrl.u32 s1, $0x2  }
0xb8: {  	s3 =	sand.u32 $0x4000, s31;
	s1 =	sadd.s32 s1, s30  }
0xb9: {  	s0 =	sor.u32 s3, s0;
	s1 =	sshll.u32 s1, $0x11  }
0xba: {  	s0 =	sor.u32 s1, s0  }
0xbb: {  	s0 =	sadd.s32 $0x8F2B, s0  }
0xbc: {  	[sflag:s0] =	ssyncadd.remote.s32 $0x1  }
0xbd: {  	_ =	sfence.sel $0xFFFF  }
0xbe: {  	[dreg:$0x0] =	wrdreg $0xFFFFFFFF;
	(pc) =	sbr.abs _section_cstart, $3  }
0xbf: {  	[dreg:$0x1] =	wrdreg $0xFFFFFFFF  }
0xc0: {  	_ =	task.clear_ibuf [dreg:s6], $0x2FFFF;
	_ =	strace $0x9FFFFFFF  }
0xc1: {  	(tm) =	ssettm $0x7FFFFFFF  }
tec
execute0_lowered:
.L_overlay_start_1:
0x0: {  	(tag) =	ssettag $0x1  }
0x1: {  	s3 =	rddreg [dreg:$0x0]  }
0x2: {  	s0 =	rddreg [dreg:$0x1]  }
0x3: {  	s2 =	simm.s32 $0x0;
	s4 =	srdreg.scid;
	s1 =	stileid.u32  }
0x4: {  	s8 =	simm.s32 $0x8000;
	s9 =	simm.s32 $0x2;
	s10 =	simm.s32 $0x8880  }
0x5: {  	[smem:$0x7FF] =	sst s2;
	s4 =	sand.u32 $0x1, s4;
	s5 =	sshll.u32 s1, $0x1  }
0x6: {  	s11 =	simm.s32 $0x0;
	_ =	strace $0x80000047;
	s5 =	sor.u32 s4, s5  }
0x7: {  	v0 =	vlaneseq.u32;
	s4 =	ssub.s32 $0x2, s4;
	s6 =	sshll.u32 s5, $0xC;
	s5 =	sshll.u32 s5, $0x8  }
0x8: {  	v4 =	vmul.u32 $0xFFFFFFFF, v0;
	s7 =	sshrl.u32 s4, $0x1;
	s6 =	sadd.s32 s6, s3;
	s5 =	sadd.s32 s5, s3  }
0x9: {  	v1 =	vor.u32 $0x10, v0;
	s7 =	ssub.s32 s4, s7;
	s3 =	sadd.s32 $0x3000, s6;
	s4 =	sadd.s32 $0x23000, s5  }
0xa: {  	v2 =	vor.u32 $0x20, v0;
	v3 =	vor.u32 $0x30, v0;
	v4 =	vadd.s32 $0xF, v4;
	s5 =	sadd.s32 $0x25000, s5;
	s6 =	smax.u32 s7, $0x1;
	s7 =	simm.s32 $0x1  }
.LBB2_1:
0xb: {  	[tilespmem:s2], [sflag:$0x1] =	stream.linear.gather [hbm4b:s3+s2], $0x8000, $0x38;
	[tilespmem:$0x9100] =	vst v63  }
0xc: {  	_ =	swait.ge [sflag:s7], $0x8000  }
0xd: {  	[sflag:s7] =	ssyncset.done $0x0  }
0xe: {  	s22 =	simm.s32 $0x100;
	[sflag:s7] =	ssyncadd.s32 $0xFFFF8000  }
0xf: {  	v5 =	vld [tilespmem:s22+$0xFFFFFF30]  }
0x10: {  	v6 =	vld [tilespmem:s22+$0xFFFFFF20]  }
0x11: {  	v7 =	vld [tilespmem:s22+$0xFFFFFF10];
	_ =	sdelay $0x1  }
0x12: {  	v8 =	vld [tilespmem:s22+$0xFFFFFF00]  }
0x13: {  	(xrf1) =	vsort.dscd.msk.f32 $0xffff, v5, v3  }
0x14: {  	(xrf1) =	vsort.dscd.msk.f32 $0xffff, v6, v2  }
0x15: {  	(xrf1) =	vsort.dscd.msk.f32 $0xffff, v7, v1;
	_ =	sdelay $0x1  }
0x16: {  	(xrf1) =	vsort.dscd.msk.f32 $0xffff, v8, v0;
	_ =	sdelay $0x9  }
0x17: {  	v5, v6, _ =	vpop (xrf1)  }
0x18: {  	v5 =	vperm.xlane v5, v4;
	v7, v8, _ =	vpop (xrf1)  }
0x19: {  	v6 =	vperm.xlane v6, v4;
	v9, v10, _ =	vpop (xrf1)  }
0x1a: {  	v9 =	vperm.xlane v9, v4;
	vm0 =	vge.f32 v7, v5  }
0x1b: {  	v10 =	vperm.xlane v10, v4;
	v5 =	vsel vm0, v7, v5;
	v7, v11, _ =	vpop (xrf1);
	v6 =	vsel vm0, v8, v6  }
0x1c: {  	vm10 =	vge.f32 v7, v9;
	(xrf1) =	vsort.dscd.msk.f32 $0xffff, v5, v6  }
0x1d: {  	v5 =	vsel vm10, v7, v9;
	v6 =	vsel vm10, v11, v10  }
0x1e: {  	(xrf1) =	vsort.dscd.msk.f32 $0xffff, v5, v6;
	_ =	sdelay $0x5  }
0x1f: {  	s28 =	simm.s32 $0x300  }
0x20: {  	v5 =	vld [tilespmem:s28+$0xFFFFFF30]  }
0x21: {  	v6 =	vld [tilespmem:s28+$0xFFFFFF20]  }
0x22: {  	v7 =	vld [tilespmem:s28+$0xFFFFFF10];
	_ =	sdelay $0x1  }
0x23: {  	v8 =	vld [tilespmem:s28+$0xFFFFFF00]  }
0x24: {  	(xrf1) =	vsort.dscd.msk.f32 $0xffff, v5, v3;
	v9, v10, _ =	vpop (xrf1)  }
0x25: {  	(xrf1) =	vsort.dscd.msk.f32 $0xffff, v6, v2;
	v5 =	vperm.xlane v9, v4  }
0x26: {  	(xrf1) =	vsort.dscd.msk.f32 $0xffff, v7, v1;
	v10 =	vperm.xlane v10, v4;
	v6, v9, _ =	vpop (xrf1)  }
0x27: {  	vm11 =	vge.f32 v6, v5  }
0x28: {  	(xrf1) =	vsort.dscd.msk.f32 $0xffff, v8, v0;
	v5 =	vsel vm11, v6, v5;
	v6 =	vsel vm11, v9, v10  }
0x29: {  	(xrf1) =	vsort.dscd.msk.f32 $0xffff, v5, v6;
	_ =	sdelay $0x8  }
0x2a: {  	v5, v6, _ =	vpop (xrf1)  }
0x2b: {  	v7, v8, _ =	vpop (xrf1);
	v5 =	vperm.xlane v5, v4  }
0x2c: {  	v6 =	vperm.xlane v6, v4;
	v9, v10, _ =	vpop (xrf1)  }
0x2d: {  	v9 =	vperm.xlane v9, v4;
	vm12 =	vge.f32 v7, v5  }
0x2e: {  	v11, v12, _ =	vpop (xrf1);
	v10 =	vperm.xlane v10, v4;
	v5 =	vsel vm12, v7, v5;
	v6 =	vsel vm12, v8, v6  }
0x2f: {  	s12 =	simm.s32 $0x8010;
	vm13 =	vge.f32 v11, v9;
	(xrf1) =	vsort.dscd.msk.f32 $0xffff, v5, v6;
	v13, v14, _ =	vpop (xrf1)  }
0x30: {  	s13 =	simm.s32 $0x8890;
	v5 =	vsel vm13, v11, v9;
	v6 =	vsel vm13, v12, v10;
	[tilespmem:s12+$0xFFFFFFF0] =	vst.msk $0xff, v13  }
0x31: {  	(xrf1) =	vsort.dscd.msk.f32 $0xffff, v5, v6;
	[tilespmem:s13+$0xFFFFFFF0] =	vst.msk $0xff, v14  }
0x32: {  	v7 =	vld [tilespmem:s22+$0xFFFFFFB0]  }
0x33: {  	v5 =	vld [tilespmem:s22+$0xFFFFFFA0]  }
0x34: {  	v6 =	vld [tilespmem:s22+$0xFFFFFF90];
	_ =	sdelay $0x1  }
0x35: {  	v8 =	vld [tilespmem:s22+$0xFFFFFF80]  }
0x36: {  	(xrf1) =	vsort.dscd.msk.f32 $0xffff, v7, v3  }
0x37: {  	s24 =	simm.s32 $0x500;
	(xrf1) =	vsort.dscd.msk.f32 $0xffff, v5, v2  }
0x38: {  	v5 =	vld [tilespmem:s24+$0xFFFFFF30];
	(xrf1) =	vsort.dscd.msk.f32 $0xffff, v6, v1  }
0x39: {  	v6 =	vld [tilespmem:s24+$0xFFFFFF20]  }
0x3a: {  	(xrf1) =	vsort.dscd.msk.f32 $0xffff, v8, v0;
	_ =	sdelay $0x1  }
0x3b: {  	v9, v10, _ =	vpop (xrf1)  }
0x3c: {  	v7 =	vld [tilespmem:s24+$0xFFFFFF10];
	(xrf1) =	vsort.dscd.msk.f32 $0xffff, v5, v3;
	v5 =	vperm.xlane v9, v4  }
0x3d: {  	v10 =	vperm.xlane v10, v4;
	v8 =	vld [tilespmem:s24+$0xFFFFFF00];
	(xrf1) =	vsort.dscd.msk.f32 $0xffff, v6, v2;
	v6, v9, _ =	vpop (xrf1)  }
0x3e: {  	vm14 =	vge.f32 v6, v5  }
0x3f: {  	v5 =	vsel vm14, v6, v5;
	v6 =	vsel vm14, v9, v10;
	_ =	sdelay $0x1  }
0x40: {  	(xrf1) =	vsort.dscd.msk.f32 $0xffff, v7, v1  }
0x41: {  	(xrf1) =	vsort.dscd.msk.f32 $0xffff, v8, v0  }
0x42: {  	(xrf1) =	vsort.dscd.msk.f32 $0xffff, v5, v6;
	v5, v6, _ =	vpop (xrf1)  }
0x43: {  	v5 =	vperm.xlane v5, v4;
	v7, v8, _ =	vpop (xrf1)  }
0x44: {  	v6 =	vperm.xlane v6, v4;
	v9, v10, _ =	vpop (xrf1)  }
0x45: {  	v9 =	vperm.xlane v9, v4;
	vm15 =	vge.f32 v7, v5  }
0x46: {  	v10 =	vperm.xlane v10, v4;
	v5 =	vsel vm15, v7, v5;
	v6 =	vsel vm15, v8, v6;
	v7, v8, _ =	vpop (xrf1)  }
0x47: {  	vm4 =	vge.f32 v7, v9  }
0x48: {  	(xrf1) =	vsort.dscd.msk.f32 $0xffff, v5, v6;
	v6 =	vsel vm4, v8, v10  }
0x49: {  	v5 =	vsel vm4, v7, v9  }
0x4a: {  	(xrf1) =	vsort.dscd.msk.f32 $0xffff, v5, v6;
	_ =	sdelay $0x1  }
0x4b: {  	v5, v6, _ =	vpop (xrf1)  }
0x4c: {  	v7, v8, _ =	vpop (xrf1);
	v5 =	vperm.xlane v5, v4  }
0x4d: {  	v6 =	vperm.xlane v6, v4;
	v9, v10, _ =	vpop (xrf1)  }
0x4e: {  	v11, v46, _ =	vpop (xrf1);
	v9 =	vperm.xlane v9, v4;
	vm5 =	vge.f32 v7, v5  }
0x4f: {  	s15 =	simm.s32 $0x8030;
	v10 =	vperm.xlane v10, v4;
	v47, v48, _ =	vpop (xrf1);
	v5 =	vsel vm5, v7, v5;
	v6 =	vsel vm5, v8, v6  }
0x50: {  	s14 =	simm.s32 $0x88B0;
	[tilespmem:s15+$0xFFFFFFF0] =	vst.msk $0xff, v47;
	vm6 =	vge.f32 v11, v9;
	(xrf1) =	vsort.dscd.msk.f32 $0xffff, v5, v6  }
0x51: {  	[tilespmem:s14+$0xFFFFFFF0] =	vst.msk $0xff, v48;
	v5 =	vsel vm6, v11, v9;
	v6 =	vsel vm6, v46, v10  }
0x52: {  	v7 =	vld [tilespmem:s28+$0xFFFFFFB0];
	(xrf1) =	vsort.dscd.msk.f32 $0xffff, v5, v6  }
0x53: {  	v5 =	vld [tilespmem:s28+$0xFFFFFFA0]  }
0x54: {  	v6 =	vld [tilespmem:s28+$0xFFFFFF90]  }
0x55: {  	v8, v9, _ =	vpop (xrf1)  }
0x56: {  	v8 =	vperm.xlane v8, v4  }
0x57: {  	v10 =	vld [tilespmem:s28+$0xFFFFFF80];
	(xrf1) =	vsort.dscd.msk.f32 $0xffff, v7, v3;
	v7 =	vperm.xlane v9, v4;
	v9, v11, _ =	vpop (xrf1)  }
0x58: {  	(xrf1) =	vsort.dscd.msk.f32 $0xffff, v5, v2;
	vm7 =	vge.f32 v9, v8  }
0x59: {  	s20 =	simm.s32 $0x700;
	(xrf1) =	vsort.dscd.msk.f32 $0xffff, v6, v1;
	v5 =	vsel vm7, v9, v8;
	v6 =	vsel vm7, v11, v7  }
0x5a: {  	(xrf1) =	vsort.dscd.msk.f32 $0xffff, v5, v6;
	v5 =	vld [tilespmem:s20+$0xFFFFFF30]  }
0x5b: {  	v6 =	vld [tilespmem:s20+$0xFFFFFF20]  }
0x5c: {  	(xrf1) =	vsort.dscd.msk.f32 $0xffff, v10, v0;
	_ =	sdelay $0x1  }
0x5d: {  	v7 =	vld [tilespmem:s20+$0xFFFFFF10];
	v9, v10, _ =	vpop (xrf1)  }
0x5e: {  	v8 =	vld [tilespmem:s20+$0xFFFFFF00];
	(xrf1) =	vsort.dscd.msk.f32 $0xffff, v5, v3;
	v5 =	vperm.xlane v9, v4  }
0x5f: {  	v10 =	vperm.xlane v10, v4;
	(xrf1) =	vsort.dscd.msk.f32 $0xffff, v6, v2;
	v6, v9, _ =	vpop (xrf1)  }
0x60: {  	vm8 =	vge.f32 v6, v5  }
0x61: {  	v5 =	vsel vm8, v6, v5;
	v6 =	vsel vm8, v9, v10  }
0x62: {  	(xrf1) =	vsort.dscd.msk.f32 $0xffff, v7, v1  }
0x63: {  	(xrf1) =	vsort.dscd.msk.f32 $0xffff, v8, v0  }
0x64: {  	(xrf1) =	vsort.dscd.msk.f32 $0xffff, v5, v6  }
0x65: {  	v5, v6, _ =	vpop (xrf1)  }
0x66: {  	v5 =	vperm.xlane v5, v4;
	v7, v8, _ =	vpop (xrf1)  }
0x67: {  	v6 =	vperm.xlane v6, v4;
	v9, v10, _ =	vpop (xrf1)  }
0x68: {  	v9 =	vperm.xlane v9, v4;
	vm9 =	vge.f32 v7, v5;
	v11, v49, _ =	vpop (xrf1)  }
0x69: {  	v10 =	vperm.xlane v10, v4;
	v5 =	vsel vm9, v7, v5;
	v6 =	vsel vm9, v8, v6;
	v7, v8, _ =	vpop (xrf1)  }
0x6a: {  	[tilespmem:s12+$0xFFFFFFF8] =	vst.msk $0xff, v11;
	vm10 =	vge.f32 v7, v9;
	(xrf1) =	vsort.dscd.msk.f32 $0xffff, v5, v6  }
0x6b: {  	[tilespmem:s13+$0xFFFFFFF8] =	vst.msk $0xff, v49;
	v5 =	vsel vm10, v7, v9;
	v6 =	vsel vm10, v8, v10  }
0x6c: {  	v7 =	vld [tilespmem:s22+$0x30];
	(xrf1) =	vsort.dscd.msk.f32 $0xffff, v5, v6  }
0x6d: {  	v5 =	vld [tilespmem:s22+$0x10]  }
0x6e: {  	v9 =	vld [tilespmem:s22+$0x0];
	v6, v8, _ =	vpop (xrf1)  }
0x6f: {  	v10, v11, _ =	vpop (xrf1)  }
0x70: {  	v6 =	vperm.xlane v6, v4;
	v51, v50, _ =	vpop (xrf1)  }
0x71: {  	v8 =	vperm.xlane v8, v4;
	(xrf1) =	vsort.dscd.msk.f32 $0xffff, v7, v3;
	v12 =	vperm.xlane v51, v4;
	v7, v52, _ =	vpop (xrf1)  }
0x72: {  	s16 =	simm.s32 $0x8050;
	vm11 =	vge.f32 v10, v6;
	v13 =	vperm.xlane v50, v4;
	(xrf1) =	vsort.dscd.msk.f32 $0xffff, v5, v1;
	v15, v16, _ =	vpop (xrf1)  }
0x73: {  	s17 =	simm.s32 $0x88D0;
	v5 =	vld [tilespmem:s22+$0x20];
	v6 =	vsel vm11, v10, v6;
	v8 =	vsel vm11, v11, v8;
	(xrf1) =	vsort.dscd.msk.f32 $0xffff, v9, v0;
	[tilespmem:s16+$0xFFFFFFF0] =	vst.msk $0xff, v15  }
0x74: {  	vm12 =	vge.f32 v7, v12;
	(xrf1) =	vsort.dscd.msk.f32 $0xffff, v6, v8;
	[tilespmem:s17+$0xFFFFFFF0] =	vst.msk $0xff, v16  }
0x75: {  	v6 =	vsel vm12, v7, v12;
	v7 =	vsel vm12, v52, v13;
	v8 =	vld [tilespmem:s24+$0xFFFFFFB0]  }
0x76: {  	(xrf1) =	vsort.dscd.msk.f32 $0xffff, v6, v7;
	v6 =	vld [tilespmem:s24+$0xFFFFFFA0]  }
0x77: {  	v7 =	vld [tilespmem:s24+$0xFFFFFF90]  }
0x78: {  	(xrf1) =	vsort.dscd.msk.f32 $0xffff, v5, v2;
	v9, v10, _ =	vpop (xrf1)  }
0x79: {  	v9 =	vperm.xlane v9, v4  }
0x7a: {  	v5 =	vld [tilespmem:s24+$0xFFFFFF80];
	(xrf1) =	vsort.dscd.msk.f32 $0xffff, v8, v3;
	v8 =	vperm.xlane v10, v4;
	v10, v11, _ =	vpop (xrf1)  }
0x7b: {  	(xrf1) =	vsort.dscd.msk.f32 $0xffff, v6, v2;
	vm13 =	vge.f32 v10, v9  }
0x7c: {  	(xrf1) =	vsort.dscd.msk.f32 $0xffff, v7, v1;
	v7 =	vsel vm13, v11, v8  }
0x7d: {  	s21 =	simm.s32 $0x900;
	v6 =	vsel vm13, v10, v9  }
0x7e: {  	(xrf1) =	vsort.dscd.msk.f32 $0xffff, v6, v7;
	v6 =	vld [tilespmem:s21+$0xFFFFFF30]  }
0x7f: {  	(xrf1) =	vsort.dscd.msk.f32 $0xffff, v5, v0;
	v5 =	vld [tilespmem:s21+$0xFFFFFF20];
	v7, v8, _ =	vpop (xrf1)  }
0x80: {  	v10, v11, _ =	vpop (xrf1)  }
0x81: {  	v9 =	vld [tilespmem:s21+$0xFFFFFF10];
	v13, v14, _ =	vpop (xrf1)  }
0x82: {  	v54, v55, _ =	vpop (xrf1)  }
0x83: {  	v53 =	vld [tilespmem:s21+$0xFFFFFF00];
	(xrf1) =	vsort.dscd.msk.f32 $0xffff, v6, v3;
	v6 =	vperm.xlane v54, v4  }
0x84: {  	(xrf1) =	vsort.dscd.msk.f32 $0xffff, v5, v2;
	v5, v56, _ =	vpop (xrf1);
	v16 =	vperm.xlane v55, v4  }
0x85: {  	v7 =	vperm.xlane v7, v4;
	vm14 =	vge.f32 v5, v6  }
0x86: {  	(xrf1) =	vsort.dscd.msk.f32 $0xffff, v9, v1;
	v9, v57, _ =	vpop (xrf1);
	v5 =	vsel vm14, v5, v6;
	v6 =	vsel vm14, v56, v16  }
0x87: {  	v8 =	vperm.xlane v8, v4;
	vm15 =	vge.f32 v9, v7  }
0x88: {  	v10 =	vperm.xlane v10, v4;
	(xrf1) =	vsort.dscd.msk.f32 $0xffff, v53, v0;
	v7 =	vsel vm15, v9, v7  }
0x89: {  	v8 =	vsel vm15, v57, v8;
	(xrf1) =	vsort.dscd.msk.f32 $0xffff, v5, v6;
	v5 =	vperm.xlane v11, v4;
	v6, v11, _ =	vpop (xrf1)  }
0x8a: {  	(xrf1) =	vsort.dscd.msk.f32 $0xffff, v7, v8;
	v8 =	vperm.xlane v11, v4  }
0x8b: {  	vm4 =	vge.f32 v13, v10;
	v6 =	vperm.xlane v6, v4;
	v9, v58, _ =	vpop (xrf1)  }
0x8c: {  	v7 =	vsel vm4, v13, v10;
	v10, v11, _ =	vpop (xrf1)  }
0x8d: {  	v5 =	vsel vm4, v14, v5;
	v10 =	vperm.xlane v10, v4;
	vm5 =	vge.f32 v9, v6;
	v59, v60, _ =	vpop (xrf1)  }
0x8e: {  	(xrf1) =	vsort.dscd.msk.f32 $0xffff, v7, v5;
	v6 =	vsel vm5, v9, v6;
	v7 =	vsel vm5, v58, v8;
	v8, v9, _ =	vpop (xrf1)  }
0x8f: {  	vm6 =	vge.f32 v8, v10  }
0x90: {  	v5 =	vperm.xlane v11, v4;
	(xrf1) =	vsort.dscd.msk.f32 $0xffff, v6, v7;
	v6 =	vsel vm6, v8, v10  }
0x91: {  	[tilespmem:s15+$0xFFFFFFF8] =	vst.msk $0xff, v59  }
0x92: {  	[tilespmem:s14+$0xFFFFFFF8] =	vst.msk $0xff, v60;
	v5 =	vsel vm6, v9, v5  }
0x93: {  	v7 =	vld [tilespmem:s28+$0x30];
	(xrf1) =	vsort.dscd.msk.f32 $0xffff, v6, v5;
	v6, v8, _ =	vpop (xrf1)  }
0x94: {  	v5 =	vld [tilespmem:s28+$0x10];
	v6 =	vperm.xlane v6, v4  }
0x95: {  	v9 =	vld [tilespmem:s28+$0x0];
	v10, v11, _ =	vpop (xrf1);
	v8 =	vperm.xlane v8, v4  }
0x96: {  	v61, v62, _ =	vpop (xrf1);
	vm7 =	vge.f32 v10, v6  }
0x97: {  	v12 =	vperm.xlane v61, v4;
	v8 =	vsel vm7, v11, v8  }
0x98: {  	(xrf1) =	vsort.dscd.msk.f32 $0xffff, v7, v3;
	v7, v63, _ =	vpop (xrf1);
	v13 =	vperm.xlane v62, v4;
	v6 =	vsel vm7, v10, v6  }
0x99: {  	(xrf1) =	vsort.dscd.msk.f32 $0xffff, v5, v1;
	vm8 =	vge.f32 v7, v12  }
0x9a: {  	s18 =	simm.s32 $0x8070;
	v5 =	vld [tilespmem:s28+$0x20];
	v15, v16, _ =	vpop (xrf1);
	(xrf1) =	vsort.dscd.msk.f32 $0xffff, v9, v0;
	v9 =	vsel vm8, v63, v13  }
0x9b: {  	s19 =	simm.s32 $0x88F0;
	[tilespmem:s18+$0xFFFFFFF0] =	vst.msk $0xff, v15;
	(xrf1) =	vsort.dscd.msk.f32 $0xffff, v6, v8;
	v6, v8, _ =	vpop (xrf1)  }
0x9c: {  	[tilespmem:s19+$0xFFFFFFF0] =	vst.msk $0xff, v16;
	v7 =	vsel vm8, v7, v12;
	v6 =	vperm.xlane v6, v4  }
0x9d: {  	v10 =	vld [tilespmem:s20+$0xFFFFFFB0];
	(xrf1) =	vsort.dscd.msk.f32 $0xffff, v7, v9;
	v7 =	vperm.xlane v8, v4;
	v9, v11, _ =	vpop (xrf1)  }
0x9e: {  	v8 =	vld [tilespmem:s20+$0xFFFFFFA0];
	vm9 =	vge.f32 v9, v6  }
0x9f: {  	v19 =	vld [tilespmem:s20+$0xFFFFFF90];
	(xrf1) =	vsort.dscd.msk.f32 $0xffff, v5, v2;
	v5 =	vsel vm9, v9, v6;
	v6 =	vsel vm9, v11, v7  }
0xa0: {  	v13, v14, _ =	vpop (xrf1)  }
0xa1: {  	v7 =	vld [tilespmem:s20+$0xFFFFFF80];
	v9 =	vperm.xlane v13, v4;
	(xrf1) =	vsort.dscd.msk.f32 $0xffff, v5, v6  }
0xa2: {  	v5 =	vperm.xlane v14, v4;
	(xrf1) =	vsort.dscd.msk.f32 $0xffff, v10, v3;
	v6, v10, _ =	vpop (xrf1)  }
0xa3: {  	(xrf1) =	vsort.dscd.msk.f32 $0xffff, v8, v2;
	vm10 =	vge.f32 v6, v9  }
0xa4: {  	s25 =	simm.s32 $0xB00;
	(xrf1) =	vsort.dscd.msk.f32 $0xffff, v19, v1;
	v6 =	vsel vm10, v6, v9;
	v5 =	vsel vm10, v10, v5  }
0xa5: {  	(xrf1) =	vsort.dscd.msk.f32 $0xffff, v6, v5;
	v5 =	vld [tilespmem:s25+$0xFFFFFF30]  }
0xa6: {  	v6 =	vld [tilespmem:s25+$0xFFFFFF20];
	(xrf1) =	vsort.dscd.msk.f32 $0xffff, v7, v0;
	v7, v8, _ =	vpop (xrf1)  }
0xa7: {  	v10, v11, _ =	vpop (xrf1)  }
0xa8: {  	v21, v22, _ =	vpop (xrf1)  }
0xa9: {  	v23, v24, _ =	vpop (xrf1)  }
0xaa: {  	v9 =	vld [tilespmem:s25+$0xFFFFFF10];
	(xrf1) =	vsort.dscd.msk.f32 $0xffff, v5, v3;
	v5 =	vperm.xlane v23, v4  }
0xab: {  	v20 =	vld [tilespmem:s25+$0xFFFFFF00];
	v16 =	vperm.xlane v24, v4;
	(xrf1) =	vsort.dscd.msk.f32 $0xffff, v6, v2;
	v6, v25, _ =	vpop (xrf1)  }
0xac: {  	vm11 =	vge.f32 v6, v5  }
0xad: {  	v5 =	vsel vm11, v6, v5;
	v6 =	vsel vm11, v25, v16;
	_ =	sdelay $0x1  }
0xae: {  	v7 =	vperm.xlane v7, v4;
	v11 =	vperm.xlane v11, v4;
	(xrf1) =	vsort.dscd.msk.f32 $0xffff, v9, v1  }
0xaf: {  	v8 =	vperm.xlane v8, v4;
	v10 =	vperm.xlane v10, v4;
	v9, v26, _ =	vpop (xrf1);
	(xrf1) =	vsort.dscd.msk.f32 $0xffff, v20, v0  }
0xb0: {  	vm12 =	vge.f32 v9, v7;
	(xrf1) =	vsort.dscd.msk.f32 $0xffff, v5, v6;
	v5, v6, _ =	vpop (xrf1)  }
0xb1: {  	v7 =	vsel vm12, v9, v7;
	v8 =	vsel vm12, v26, v8;
	v15, v16, _ =	vpop (xrf1)  }
0xb2: {  	vm13 =	vge.f32 v21, v10;
	(xrf1) =	vsort.dscd.msk.f32 $0xffff, v7, v8;
	v27, v28, _ =	vpop (xrf1)  }
0xb3: {  	v7 =	vsel vm13, v21, v10;
	v8 =	vsel vm13, v22, v11;
	[tilespmem:s12+$0x0] =	vst.msk $0xff, v5;
	v9 =	vperm.xlane v15, v4;
	v10, v11, _ =	vpop (xrf1)  }
0xb4: {  	v5 =	vperm.xlane v16, v4;
	[tilespmem:s13+$0x0] =	vst.msk $0xff, v6;
	v6 =	vperm.xlane v10, v4;
	v10, v29, _ =	vpop (xrf1)  }
0xb5: {  	(xrf1) =	vsort.dscd.msk.f32 $0xffff, v7, v8;
	v7 =	vld [tilespmem:s22+$0x80];
	vm14 =	vge.f32 v27, v9;
	v8 =	vperm.xlane v11, v4;
	v11, v30, _ =	vpop (xrf1);
	[tilespmem:s16+$0xFFFFFFF8] =	vst.msk $0xff, v10  }
0xb6: {  	v9 =	vsel vm14, v27, v9;
	v5 =	vsel vm14, v28, v5;
	v10 =	vld [tilespmem:s22+$0xB0];
	vm15 =	vge.f32 v11, v6;
	[tilespmem:s17+$0xFFFFFFF8] =	vst.msk $0xff, v29  }
0xb7: {  	(xrf1) =	vsort.dscd.msk.f32 $0xffff, v9, v5;
	v5 =	vsel vm15, v11, v6;
	v6 =	vsel vm15, v30, v8;
	v8 =	vld [tilespmem:s24+$0x30];
	_ =	sdelay $0x1  }
0xb8: {  	(xrf1) =	vsort.dscd.msk.f32 $0xffff, v5, v6  }
0xb9: {  	v9 =	vld [tilespmem:s22+$0xA0];
	(xrf1) =	vsort.dscd.msk.f32 $0xffff, v7, v0;
	v6, v11, _ =	vpop (xrf1)  }
0xba: {  	v5 =	vld [tilespmem:s24+$0x10];
	(xrf1) =	vsort.dscd.msk.f32 $0xffff, v10, v3;
	v6 =	vperm.xlane v6, v4  }
0xbb: {  	v31 =	vld [tilespmem:s24+$0x0];
	v7, v32, _ =	vpop (xrf1);
	(xrf1) =	vsort.dscd.msk.f32 $0xffff, v8, v3;
	v8 =	vperm.xlane v11, v4  }
0xbc: {  	v10, v33, _ =	vpop (xrf1);
	vm4 =	vge.f32 v7, v6  }
0xbd: {  	v10 =	vperm.xlane v10, v4;
	v6 =	vsel vm4, v7, v6;
	v7 =	vsel vm4, v32, v8  }
0xbe: {  	v11, v34, _ =	vpop (xrf1);
	(xrf1) =	vsort.dscd.msk.f32 $0xffff, v9, v2;
	v14 =	vperm.xlane v33, v4  }
0xbf: {  	v9 =	vld [tilespmem:s22+$0x90];
	s22 =	simm.s32 $0x8090;
	v35, v17, _ =	vpop (xrf1);
	(xrf1) =	vsort.dscd.msk.f32 $0xffff, v5, v1;
	vm5 =	vge.f32 v11, v10  }
0xc0: {  	s23 =	simm.s32 $0x8910;
	v5 =	vld [tilespmem:s24+$0x20];
	[tilespmem:s22+$0xFFFFFFF0] =	vst.msk $0xff, v35;
	(xrf1) =	vsort.dscd.msk.f32 $0xffff, v31, v0;
	v8 =	vsel vm5, v11, v10;
	v10 =	vsel vm5, v34, v14  }
0xc1: {  	(xrf1) =	vsort.dscd.msk.f32 $0xffff, v6, v7;
	[tilespmem:s23+$0xFFFFFFF0] =	vst.msk $0xff, v17;
	v6, v7, _ =	vpop (xrf1)  }
0xc2: {  	v11 =	vld [tilespmem:s21+$0xFFFFFFB0];
	v6 =	vperm.xlane v6, v4  }
0xc3: {  	(xrf1) =	vsort.dscd.msk.f32 $0xffff, v8, v10;
	v7 =	vperm.xlane v7, v4;
	v10, v36, _ =	vpop (xrf1)  }
0xc4: {  	(xrf1) =	vsort.dscd.msk.f32 $0xffff, v9, v1;
	vm6 =	vge.f32 v10, v6  }
0xc5: {  	(xrf1) =	vsort.dscd.msk.f32 $0xffff, v5, v2;
	v37, v38, _ =	vpop (xrf1);
	v5 =	vsel vm6, v10, v6;
	v6 =	vsel vm6, v36, v7  }
0xc6: {  	v8 =	vld [tilespmem:s21+$0xFFFFFFA0];
	v7 =	vperm.xlane v37, v4;
	(xrf1) =	vsort.dscd.msk.f32 $0xffff, v5, v6  }
0xc7: {  	v9 =	vld [tilespmem:s21+$0xFFFFFF90];
	(xrf1) =	vsort.dscd.msk.f32 $0xffff, v11, v3;
	v10, v11, _ =	vpop (xrf1)  }
0xc8: {  	v6 =	vperm.xlane v38, v4;
	vm7 =	vge.f32 v10, v7  }
0xc9: {  	v7 =	vsel vm7, v10, v7  }
0xca: {  	v5 =	vld [tilespmem:s21+$0xFFFFFF80];
	v6 =	vsel vm7, v11, v6  }
0xcb: {  	s30 =	simm.s32 $0xD00;
	(xrf1) =	vsort.dscd.msk.f32 $0xffff, v8, v2  }
0xcc: {  	(xrf1) =	vsort.dscd.msk.f32 $0xffff, v9, v1;
	v8, v9, _ =	vpop (xrf1);
	v10 =	vld [tilespmem:s30+$0xFFFFFF30]  }
0xcd: {  	v11 =	vld [tilespmem:s30+$0xFFFFFF20];
	(xrf1) =	vsort.dscd.msk.f32 $0xffff, v7, v6;
	v6, v7, _ =	vpop (xrf1)  }
0xce: {  	v39, v40, _ =	vpop (xrf1)  }
0xcf: {  	(xrf1) =	vsort.dscd.msk.f32 $0xffff, v5, v0;
	v5 =	vld [tilespmem:s30+$0xFFFFFF10];
	v42, v41, _ =	vpop (xrf1)  }
0xd0: {  	v43, v44, _ =	vpop (xrf1)  }
0xd1: {  	(xrf1) =	vsort.dscd.msk.f32 $0xffff, v10, v3;
	v19, v20, _ =	vpop (xrf1)  }
0xd2: {  	(xrf1) =	vsort.dscd.msk.f32 $0xffff, v11, v2;
	v11, v45, _ =	vpop (xrf1)  }
0xd3: {  	v11 =	vperm.xlane v11, v4;
	v13 =	vperm.xlane v45, v4  }
0xd4: {  	v18 =	vld [tilespmem:s30+$0xFFFFFF00];
	(xrf1) =	vsort.dscd.msk.f32 $0xffff, v5, v1;
	v5, v46, _ =	vpop (xrf1)  }
0xd5: {  	vm9 =	vge.f32 v5, v11  }
0xd6: {  	v12 =	vperm.xlane v39, v4;
	v47, v48, _ =	vpop (xrf1);
	v5 =	vsel vm9, v5, v11;
	v11 =	vsel vm9, v46, v13  }
0xd7: {  	v6 =	vperm.xlane v6, v4;
	v13, v14, _ =	vpop (xrf1)  }
0xd8: {  	v7 =	vperm.xlane v7, v4;
	v10 =	vperm.xlane v40, v4;
	vm1 =	vge.f32 v13, v12  }
0xd9: {  	vm8 =	vge.f32 v42, v6;
	(xrf1) =	vsort.dscd.msk.f32 $0xffff, v18, v0;
	v12 =	vsel vm1, v13, v12  }
0xda: {  	v16 =	vperm.xlane v43, v4;
	(xrf1) =	vsort.dscd.msk.f32 $0xffff, v5, v11;
	v10 =	vsel vm1, v14, v10;
	v5, v11, _ =	vpop (xrf1)  }
0xdb: {  	v6 =	vsel vm8, v42, v6;
	v17 =	vperm.xlane v44, v4;
	v49, v50, _ =	vpop (xrf1)  }
0xdc: {  	v7 =	vsel vm8, v41, v7;
	vm10 =	vge.f32 v19, v16;
	v15 =	vperm.xlane v47, v4;
	v51, v52, _ =	vpop (xrf1)  }
0xdd: {  	v16 =	vsel vm10, v19, v16;
	v17 =	vsel vm10, v20, v17;
	[tilespmem:s15+$0x0] =	vst.msk $0xff, v5;
	(xrf1) =	vsort.dscd.msk.f32 $0xffff, v12, v10;
	v10, v12, _ =	vpop (xrf1)  }
0xde: {  	vm11 =	vge.f32 v8, v15;
	v5 =	vperm.xlane v49, v4;
	[tilespmem:s14+$0x0] =	vst.msk $0xff, v11;
	v11, v53, _ =	vpop (xrf1);
	v10 =	vperm.xlane v10, v4  }
0xdf: {  	(xrf1) =	vsort.dscd.msk.f32 $0xffff, v6, v7;
	v6 =	vperm.xlane v48, v4;
	v7 =	vsel vm11, v8, v15;
	v56, v55, _ =	vpop (xrf1)  }
0xe0: {  	v8 =	vperm.xlane v50, v4;
	vm12 =	vge.f32 v51, v5;
	vm13 =	vge.f32 v56, v10  }
0xe1: {  	(xrf1) =	vsort.dscd.msk.f32 $0xffff, v16, v17;
	v6 =	vsel vm11, v9, v6;
	v9 =	vsel vm13, v56, v10  }
0xe2: {  	v54 =	vld [tilespmem:s28+$0x80];
	[tilespmem:s18+$0xFFFFFFF8] =	vst.msk $0xff, v11;
	v11 =	vperm.xlane v12, v4;
	v5 =	vsel vm12, v51, v5;
	v8 =	vsel vm12, v52, v8  }
0xe3: {  	v57 =	vld [tilespmem:s28+$0xB0];
	[tilespmem:s19+$0xFFFFFFF8] =	vst.msk $0xff, v53;
	(xrf1) =	vsort.dscd.msk.f32 $0xffff, v5, v8  }
0xe4: {  	v5 =	vld [tilespmem:s20+$0x30];
	v10 =	vsel vm13, v55, v11;
	(xrf1) =	vsort.dscd.msk.f32 $0xffff, v7, v6  }
0xe5: {  	v8 =	vld [tilespmem:s28+$0xA0];
	(xrf1) =	vsort.dscd.msk.f32 $0xffff, v9, v10;
	v7, v9, _ =	vpop (xrf1)  }
0xe6: {  	v6 =	vld [tilespmem:s20+$0x10];
	v7 =	vperm.xlane v7, v4  }
0xe7: {  	v10 =	vld [tilespmem:s20+$0x0];
	(xrf1) =	vsort.dscd.msk.f32 $0xffff, v54, v0;
	v11, v58, _ =	vpop (xrf1);
	v9 =	vperm.xlane v9, v4  }
0xe8: {  	(xrf1) =	vsort.dscd.msk.f32 $0xffff, v57, v3;
	vm14 =	vge.f32 v11, v7  }
0xe9: {  	(xrf1) =	vsort.dscd.msk.f32 $0xffff, v5, v3;
	v9 =	vsel vm14, v58, v9  }
0xea: {  	v59, v60, _ =	vpop (xrf1);
	(xrf1) =	vsort.dscd.msk.f32 $0xffff, v8, v2;
	v7 =	vsel vm14, v11, v7  }
0xeb: {  	v5 =	vld [tilespmem:s28+$0x90];
	v13 =	vperm.xlane v59, v4;
	v61, v62, _ =	vpop (xrf1);
	(xrf1) =	vsort.dscd.msk.f32 $0xffff, v6, v1  }
0xec: {  	s26 =	simm.s32 $0x80B0;
	v8 =	vperm.xlane v60, v4;
	v11, v63, _ =	vpop (xrf1);
	(xrf1) =	vsort.dscd.msk.f32 $0xffff, v10, v0  }
0xed: {  	s28 =	simm.s32 $0x8930;
	v6 =	vld [tilespmem:s20+$0x20];
	vm15 =	vge.f32 v61, v13;
	[tilespmem:s26+$0xFFFFFFF0] =	vst.msk $0xff, v11;
	(xrf1) =	vsort.dscd.msk.f32 $0xffff, v7, v9;
	v7, v9, _ =	vpop (xrf1)  }
0xee: {  	v10 =	vsel vm15, v61, v13;
	v8 =	vsel vm15, v62, v8;
	[tilespmem:s28+$0xFFFFFFF0] =	vst.msk $0xff, v63  }
0xef: {  	s31 =	simm.s32 $0x18;
	s29 =	simm.s32 $0xD00;
	(xrf1) =	vsort.dscd.msk.f32 $0xffff, v10, v8;
	v8 =	vld [tilespmem:s25+$0xFFFFFFB0];
	v10 =	vperm.xlane v7, v4;
	v11 =	vperm.xlane v9, v4;
	v9, v7, _ =	vpop (xrf1)  }
.LBB2_2:
0xf0: {  	s31 =	sadd.s32 $0x4, s31;
	v12 =	vld [tilespmem:s25+$0xFFFFFFA0];
	v13, v14, _ =	vpop (xrf1);
	(xrf1) =	vsort.dscd.msk.f32 $0xffff, v5, v1  }
0xf1: {  	v9 =	vperm.xlane v9, v4;
	p0 =	slt.u32 s31, $0xFC;
	v5 =	vld [tilespmem:s25+$0xFFFFFF90];
	vm0 =	vge.f32 v13, v10  }
0xf2: {  	v15, v16, _ =	vpop (xrf1);
	(xrf1) =	vsort.dscd.msk.f32 $0xffff, v6, v2;
	v6 =	vsel vm0, v13, v10;
	v17 =	vsel vm0, v14, v11  }
0xf3: {  	v11 =	vld [tilespmem:s25+$0xFFFFFF80];
	v13 =	vperm.xlane v15, v4;
	(xrf1) =	vsort.dscd.msk.f32 $0xffff, v6, v17;
	v6 =	vperm.xlane v7, v4;
	v7, v10, _ =	vpop (xrf1)  }
0xf4: {  	v17 =	vperm.xlane v16, v4;
	(xrf1) =	vsort.dscd.msk.f32 $0xffff, v8, v3;
	v14, v15, _ =	vpop (xrf1);
	vm0 =	vge.f32 v7, v9  }
0xf5: {  	s30 =	sadd.s32 $0x200, s30;
	(xrf1) =	vsort.dscd.msk.f32 $0xffff, v12, v2;
	vm1 =	vge.f32 v14, v13;
	v7 =	vsel vm0, v7, v9  }
0xf6: {  	(xrf1) =	vsort.dscd.msk.f32 $0xffff, v5, v1;
	v16 =	vsel vm1, v14, v13;
	v15 =	vsel vm1, v15, v17;
	v9, v12, _ =	vpop (xrf1)  }
0xf7: {  	v6 =	vsel vm0, v10, v6;
	v13 =	vld [tilespmem:s30+$0xFFFFFF30];
	(xrf1) =	vsort.dscd.msk.f32 $0xffff, v16, v15;
	v5, v8, _ =	vpop (xrf1)  }
0xf8: {  	v10 =	vld [tilespmem:s30+$0xFFFFFF20];
	(xrf1) =	vsort.dscd.msk.f32 $0xffff, v11, v0;
	v11, v14, _ =	vpop (xrf1);
	v5 =	vperm.xlane v5, v4  }
0xf9: {  	v8 =	vperm.xlane v8, v4;
	v15 =	vld [tilespmem:s30+$0xFFFFFF10];
	v11 =	vperm.xlane v11, v4;
	v16, v17, _ =	vpop (xrf1);
	(xrf1) =	vsort.dscd.msk.f32 $0xffff, v7, v6  }
0xfa: {  	v6 =	vperm.xlane v14, v4;
	v7, v14, _ =	vpop (xrf1);
	vm0 =	vge.f32 v16, v5  }
0xfb: {  	v18 =	vld [tilespmem:s30+$0xFFFFFF00];
	v7 =	vperm.xlane v7, v4;
	v19, v20, _ =	vpop (xrf1);
	v16 =	vsel vm0, v16, v5;
	v8 =	vsel vm0, v17, v8  }
0xfc: {  	v14 =	vperm.xlane v14, v4;
	(xrf1) =	vsort.dscd.msk.f32 $0xffff, v13, v3;
	v5, v13, _ =	vpop (xrf1)  }
0xfd: {  	(xrf1) =	vsort.dscd.msk.f32 $0xffff, v10, v2;
	v5 =	vperm.xlane v5, v4;
	v10, v17, _ =	vpop (xrf1);
	vm0 =	vge.f32 v19, v7  }
0xfe: {  	v21 =	vperm.xlane v13, v4;
	(xrf1) =	vsort.dscd.msk.f32 $0xffff, v15, v1;
	v7 =	vsel vm0, v19, v7;
	v15, v19, _ =	vpop (xrf1)  }
0xff: {  	v14 =	vsel vm0, v20, v14;
	vm1 =	vge.f32 v10, v5;
	v15 =	vperm.xlane v15, v4  }
0x100: {  	(xrf1) =	vsort.dscd.msk.f32 $0xffff, v18, v0;
	v22 =	vsel vm1, v10, v5;
	v21 =	vsel vm1, v17, v21;
	v13, v17, _ =	vpop (xrf1)  }
0x101: {  	(xrf1) =	vsort.dscd.msk.f32 $0xffff, v22, v21;
	vm0 =	vge.f32 v13, v11;
	v5, v10, _ =	vpop (xrf1);
	vm1 =	vge.f32 v9, v15  }
0x102: {  	v22 =	vperm.xlane v19, v4;
	v18, v20, _ =	vpop (xrf1);
	v21 =	vsel vm0, v13, v11;
	v6 =	vsel vm0, v17, v6;
	[tilespmem:s16+$0x0] =	vst.msk $0xff, v5  }
0x103: {  	v17 =	vperm.xlane v18, v4;
	v18, v19, _ =	vpop (xrf1);
	(xrf1) =	vsort.dscd.msk.f32 $0xffff, v21, v6;
	[tilespmem:s17+$0x0] =	vst.msk $0xff, v10;
	v6 =	vsel vm1, v9, v15  }
0x104: {  	v9 =	vperm.xlane v20, v4;
	v12 =	vsel vm1, v12, v22;
	v10, v11, _ =	vpop (xrf1);
	v5 =	vld [tilespmem:s24+$0x90];
	(xrf1) =	vsort.dscd.msk.f32 $0xffff, v16, v8  }
0x105: {  	v8 =	vperm.xlane v10, v4;
	vm0 =	vge.f32 v18, v17;
	v10, v13, _ =	vpop (xrf1);
	(xrf1) =	vsort.dscd.msk.f32 $0xffff, v7, v14;
	v7 =	vld [tilespmem:s24+$0x80]  }
0x106: {  	v20 =	vperm.xlane v11, v4;
	v17 =	vsel vm0, v18, v17;
	v9 =	vsel vm0, v19, v9;
	v15, v16, _ =	vpop (xrf1);
	[tilespmem:s22+$0xFFFFFFF8] =	vst.msk $0xff, v10;
	v10 =	vld [tilespmem:s24+$0xB0]  }
0x107: {  	vm0 =	vge.f32 v15, v8;
	(xrf1) =	vsort.dscd.msk.f32 $0xffff, v17, v9;
	[tilespmem:s23+$0xFFFFFFF8] =	vst.msk $0xff, v13;
	v9 =	vld [tilespmem:s24+$0xA0];
	v13, v14, _ =	vpop (xrf1);
	s24 =	smov.u32 s20;
	s20 =	smov.u32 s21;
	s21 =	smov.u32 s25  }
0x108: {  	s25 =	smov.u32 s29;
	s29 =	smov.u32 s30;
	v17 =	vsel vm0, v15, v8;
	v16 =	vsel vm0, v16, v20;
	v15 =	vld [tilespmem:s20+$0x30];
	(xrf1) =	vsort.dscd.msk.f32 $0xffff, v6, v12;
	[tilespmem:s12+$0x8] =	vst.msk $0xff, v13;
	s12 =	smov.u32 s15  }
0x109: {  	s15 =	smov.u32 s16;
	s16 =	smov.u32 s18;
	s18 =	smov.u32 s22;
	(xrf1) =	vsort.dscd.msk.f32 $0xffff, v17, v16;
	v6 =	vld [tilespmem:s20+$0x20];
	[tilespmem:s13+$0x8] =	vst.msk $0xff, v14  }
0x10a: {  	s22 =	smov.u32 s26;
	s13 =	smov.u32 s14;
	s14 =	smov.u32 s17;
	v8, v11, _ =	vpop (xrf1);
	v12 =	vld [tilespmem:s20+$0x10]  }
0x10b: {  	s17 =	smov.u32 s19;
	s19 =	smov.u32 s23;
	s23 =	smov.u32 s28;
	v8 =	vperm.xlane v8, v4;
	v13, v14, _ =	vpop (xrf1);
	v16 =	vld [tilespmem:s20+$0x0];
	(xrf1) =	vsort.dscd.msk.f32 $0xffff, v7, v0  }
0x10c: {  	s26 =	sadd.s32 $0x20, s26;
	v7 =	vperm.xlane v11, v4;
	v11, v17, _ =	vpop (xrf1);
	(xrf1) =	vsort.dscd.msk.f32 $0xffff, v10, v3  }
0x10d: {  	s28 =	sadd.s32 $0x20, s28;
	v10 =	vperm.xlane v11, v4;
	vm0 =	vge.f32 v13, v8;
	(xrf1) =	vsort.dscd.msk.f32 $0xffff, v15, v3  }
.Ltmp0:
0x10e: {  	v11 =	vperm.xlane v17, v4;
	v8 =	vsel vm0, v13, v8;
	v13, v15, _ =	vpop (xrf1);
	(xrf1) =	vsort.dscd.msk.f32 $0xffff, v9, v2;
	(pc) =	sbr.rel @p0 .LBB2_2-.Ltmp0, $4  }
0x10f: {  	v17 =	vsel vm0, v14, v7;
	vm1 =	vge.f32 v13, v10;
	v9, v14, _ =	vpop (xrf1);
	(xrf1) =	vsort.dscd.msk.f32 $0xffff, v12, v1  }
0x110: {  	v10 =	vsel vm1, v13, v10;
	v11 =	vsel vm1, v15, v11;
	[tilespmem:s26+$0xFFFFFFF0] =	vst.msk $0xff, v9;
	(xrf1) =	vsort.dscd.msk.f32 $0xffff, v16, v0  }
0x111: {  	(xrf1) =	vsort.dscd.msk.f32 $0xffff, v8, v17;
	[tilespmem:s28+$0xFFFFFFF0] =	vst.msk $0xff, v14;
	v12, v9, _ =	vpop (xrf1)  }
0x112: {  	(xrf1) =	vsort.dscd.msk.f32 $0xffff, v10, v11;
	v8 =	vld [tilespmem:s25+$0xFFFFFFB0];
	v10 =	vperm.xlane v12, v4;
	v11 =	vperm.xlane v9, v4;
	v9, v7, _ =	vpop (xrf1)  }
0x113: {  	v13, v14, _ =	vpop (xrf1)  }
0x114: {  	(xrf1) =	vsort.dscd.msk.f32 $0xffff, v5, v1;
	vm0 =	vge.f32 v13, v10  }
0x115: {  	v15, v16, _ =	vpop (xrf1);
	(xrf1) =	vsort.dscd.msk.f32 $0xffff, v6, v2;
	v6 =	vsel vm0, v13, v10  }
0x116: {  	v12 =	vld [tilespmem:s25+$0xFFFFFFA0]  }
0x117: {  	v5 =	vld [tilespmem:s25+$0xFFFFFF90];
	v22 =	vsel vm0, v14, v11  }
0x118: {  	v24 =	vperm.xlane v15, v4;
	(xrf1) =	vsort.dscd.msk.f32 $0xffff, v6, v22;
	v6, v10, _ =	vpop (xrf1)  }
0x119: {  	v25 =	vperm.xlane v16, v4;
	v26, v27, _ =	vpop (xrf1)  }
0x11a: {  	(xrf1) =	vsort.dscd.msk.f32 $0xffff, v8, v3;
	vm14 =	vge.f32 v26, v24  }
0x11b: {  	(xrf1) =	vsort.dscd.msk.f32 $0xffff, v12, v2;
	v8 =	vsel vm14, v27, v25  }
0x11c: {  	(xrf1) =	vsort.dscd.msk.f32 $0xffff, v5, v1;
	v5 =	vsel vm14, v26, v24;
	_ =	sdelay $0x1  }
0x11d: {  	v23 =	vld [tilespmem:s25+$0xFFFFFF80];
	v9 =	vperm.xlane v9, v4;
	v28, v29, _ =	vpop (xrf1)  }
0x11e: {  	v7 =	vperm.xlane v7, v4;
	(xrf1) =	vsort.dscd.msk.f32 $0xffff, v5, v8;
	v5, v8, _ =	vpop (xrf1)  }
0x11f: {  	vm15 =	vge.f32 v6, v9;
	v31, v30, _ =	vpop (xrf1)  }
0x120: {  	v7 =	vsel vm15, v10, v7;
	v33, v32, _ =	vpop (xrf1)  }
0x121: {  	v34, v17, _ =	vpop (xrf1)  }
0x122: {  	v6 =	vsel vm15, v6, v9;
	(xrf1) =	vsort.dscd.msk.f32 $0xffff, v23, v0;
	v36, v18, _ =	vpop (xrf1)  }
0x123: {  	(xrf1) =	vsort.dscd.msk.f32 $0xffff, v6, v7;
	v7, v37, _ =	vpop (xrf1)  }
0x124: {  	v7 =	vperm.xlane v7, v4  }
0x125: {  	v38, v39, _ =	vpop (xrf1);
	v9 =	vperm.xlane v37, v4  }
0x126: {  	vm1 =	vge.f32 v38, v7  }
0x127: {  	v9 =	vsel vm1, v39, v9  }
0x128: {  	v5 =	vperm.xlane v5, v4;
	v7 =	vsel vm1, v38, v7  }
0x129: {  	v8 =	vperm.xlane v8, v4;
	v35 =	vperm.xlane v31, v4;
	v40, v19, _ =	vpop (xrf1)  }
0x12a: {  	v14 =	vperm.xlane v30, v4;
	vm4 =	vge.f32 v33, v5;
	v6 =	vperm.xlane v34, v4;
	v41, v42, _ =	vpop (xrf1)  }
0x12b: {  	v5 =	vsel vm4, v33, v5;
	vm6 =	vge.f32 v41, v35;
	(xrf1) =	vsort.dscd.msk.f32 $0xffff, v7, v9;
	v7, v9, _ =	vpop (xrf1)  }
0x12c: {  	v17 =	vperm.xlane v17, v4;
	v10 =	vsel vm6, v41, v35;
	v14 =	vsel vm6, v42, v14;
	v43, v20, _ =	vpop (xrf1)  }
0x12d: {  	v8 =	vsel vm4, v32, v8;
	vm5 =	vge.f32 v36, v6;
	v47, v46, _ =	vpop (xrf1);
	(xrf1) =	vsort.dscd.msk.f32 $0xffff, v10, v14  }
0x12e: {  	v6 =	vsel vm5, v36, v6;
	v17 =	vsel vm5, v18, v17;
	(xrf1) =	vsort.dscd.msk.f32 $0xffff, v5, v8  }
0x12f: {  	v11 =	vperm.xlane v40, v4;
	(xrf1) =	vsort.dscd.msk.f32 $0xffff, v6, v17  }
0x130: {  	v45 =	vperm.xlane v43, v4  }
0x131: {  	v44 =	vperm.xlane v19, v4;
	vm7 =	vge.f32 v28, v11;
	v49 =	vperm.xlane v20, v4;
	v51, v50, _ =	vpop (xrf1)  }
0x132: {  	v48 =	vsel vm7, v28, v11;
	v5 =	vperm.xlane v51, v4;
	vm8 =	vge.f32 v47, v45;
	v52, v53, _ =	vpop (xrf1)  }
0x133: {  	v6 =	vperm.xlane v50, v4;
	v54 =	vsel vm8, v47, v45;
	v11 =	vsel vm8, v46, v49;
	v56, v55, _ =	vpop (xrf1)  }
0x134: {  	[tilespmem:s16+$0x0] =	vst.msk $0xff, v7;
	v7 =	vsel vm7, v29, v44;
	vm9 =	vge.f32 v56, v5;
	(xrf1) =	vsort.dscd.msk.f32 $0xffff, v54, v11  }
0x135: {  	[tilespmem:s17+$0x0] =	vst.msk $0xff, v9;
	v5 =	vsel vm9, v56, v5;
	v6 =	vsel vm9, v55, v6;
	(xrf1) =	vsort.dscd.msk.f32 $0xffff, v48, v7  }
0x136: {  	[tilespmem:s22+$0xFFFFFFF8] =	vst.msk $0xff, v52;
	v7 =	vld [tilespmem:s24+$0x80];
	(xrf1) =	vsort.dscd.msk.f32 $0xffff, v5, v6  }
0x137: {  	v57 =	vld [tilespmem:s24+$0xB0];
	[tilespmem:s23+$0xFFFFFFF8] =	vst.msk $0xff, v53  }
0x138: {  	v58 =	vld [tilespmem:s21+$0x30]  }
0x139: {  	v59 =	vld [tilespmem:s24+$0xA0];
	v6, v5, _ =	vpop (xrf1)  }
0x13a: {  	v60 =	vld [tilespmem:s21+$0x10];
	v62, v61, _ =	vpop (xrf1)  }
0x13b: {  	v12 =	vld [tilespmem:s21+$0x0];
	(xrf1) =	vsort.dscd.msk.f32 $0xffff, v7, v0;
	v20, v19, _ =	vpop (xrf1)  }
0x13c: {  	s31 =	sadd.s32 $0x20, s26;
	v7 =	vld [tilespmem:s24+$0x90];
	(xrf1) =	vsort.dscd.msk.f32 $0xffff, v57, v3;
	v8 =	vperm.xlane v20, v4;
	v23, v22, _ =	vpop (xrf1)  }
0x13d: {  	s30 =	sadd.s32 $0x20, s28;
	v63 =	vld [tilespmem:s21+$0x20];
	[tilespmem:s31+$0xFFFFFFF0] =	vst.msk $0xff, v62;
	(xrf1) =	vsort.dscd.msk.f32 $0xffff, v58, v3;
	v9 =	vperm.xlane v19, v4;
	v25, v26, _ =	vpop (xrf1)  }
0x13e: {  	[tilespmem:s30+$0xFFFFFFF0] =	vst.msk $0xff, v61;
	(xrf1) =	vsort.dscd.msk.f32 $0xffff, v59, v2;
	vm10 =	vge.f32 v25, v8  }
0x13f: {  	v21 =	vld [tilespmem:s29+$0xFFFFFFB0];
	(xrf1) =	vsort.dscd.msk.f32 $0xffff, v60, v1;
	v9 =	vsel vm10, v26, v9  }
0x140: {  	v24 =	vld [tilespmem:s29+$0xFFFFFFA0];
	(xrf1) =	vsort.dscd.msk.f32 $0xffff, v12, v0;
	v8 =	vsel vm10, v25, v8  }
0x141: {  	(xrf1) =	vsort.dscd.msk.f32 $0xffff, v7, v1;
	v7 =	vld [tilespmem:s29+$0xFFFFFF90]  }
0x142: {  	(xrf1) =	vsort.dscd.msk.f32 $0xffff, v63, v2;
	v28, v27, _ =	vpop (xrf1)  }
0x143: {  	v29 =	vld [tilespmem:s29+$0xFFFFFF80];
	v30 =	vperm.xlane v28, v4;
	(xrf1) =	vsort.dscd.msk.f32 $0xffff, v8, v9;
	v8, v9, _ =	vpop (xrf1)  }
0x144: {  	v31 =	vperm.xlane v27, v4;
	(xrf1) =	vsort.dscd.msk.f32 $0xffff, v21, v3;
	v32, v33, _ =	vpop (xrf1)  }
0x145: {  	(xrf1) =	vsort.dscd.msk.f32 $0xffff, v24, v2;
	vm11 =	vge.f32 v32, v30  }
0x146: {  	(xrf1) =	vsort.dscd.msk.f32 $0xffff, v7, v1;
	v7 =	vsel vm11, v32, v30;
	v10 =	vsel vm11, v33, v31  }
0x147: {  	(xrf1) =	vsort.dscd.msk.f32 $0xffff, v7, v10  }
0x148: {  	(xrf1) =	vsort.dscd.msk.f32 $0xffff, v29, v0  }
0x149: {  	v34, v35, _ =	vpop (xrf1)  }
0x14a: {  	v36, v37, _ =	vpop (xrf1);
	v7 =	vperm.xlane v23, v4  }
0x14b: {  	v13 =	vperm.xlane v22, v4;
	v15, v16, _ =	vpop (xrf1)  }
0x14c: {  	v38 =	vperm.xlane v36, v4;
	v14 =	vperm.xlane v37, v4;
	v40, v39, _ =	vpop (xrf1);
	vm12 =	vge.f32 v8, v7  }
0x14d: {  	v41 =	vperm.xlane v15, v4;
	v43, v42, _ =	vpop (xrf1);
	v7 =	vsel vm12, v8, v7;
	v9 =	vsel vm12, v9, v13  }
0x14e: {  	vm13 =	vge.f32 v40, v38;
	v44, v45, _ =	vpop (xrf1);
	(xrf1) =	vsort.dscd.msk.f32 $0xffff, v7, v9;
	v7 =	vperm.xlane v43, v4  }
0x14f: {  	v16 =	vperm.xlane v16, v4;
	v8 =	vsel vm13, v40, v38;
	v46 =	vperm.xlane v42, v4;
	v48, v47, _ =	vpop (xrf1)  }
0x150: {  	v14 =	vsel vm13, v39, v14;
	v49 =	vperm.xlane v48, v4;
	v51, v50, _ =	vpop (xrf1);
	vm14 =	vge.f32 v44, v7  }
0x151: {  	v53 =	vperm.xlane v47, v4;
	vm15 =	vge.f32 v51, v41;
	v7 =	vsel vm14, v44, v7;
	v12, v15, _ =	vpop (xrf1)  }
0x152: {  	v52 =	vsel vm14, v45, v46;
	v13 =	vsel vm15, v51, v41;
	v16 =	vsel vm15, v50, v16;
	v21, v22, _ =	vpop (xrf1)  }
0x153: {  	vm4 =	vge.f32 v34, v49;
	(xrf1) =	vsort.dscd.msk.f32 $0xffff, v13, v16;
	v54 =	vperm.xlane v21, v4;
	v55, v56, _ =	vpop (xrf1)  }
0x154: {  	v10 =	vsel vm4, v34, v49;
	v57 =	vperm.xlane v22, v4;
	(xrf1) =	vsort.dscd.msk.f32 $0xffff, v8, v14;
	v58, v59, _ =	vpop (xrf1)  }
0x155: {  	(xrf1) =	vsort.dscd.msk.f32 $0xffff, v7, v52;
	v60 =	vperm.xlane v58, v4;
	vm5 =	vge.f32 v55, v54;
	v61, v62, _ =	vpop (xrf1)  }
0x156: {  	v7 =	vperm.xlane v59, v4;
	v63 =	vsel vm5, v55, v54;
	v13 =	vsel vm5, v56, v57;
	v22, v23, _ =	vpop (xrf1)  }
0x157: {  	v11 =	vsel vm4, v35, v53;
	(xrf1) =	vsort.dscd.msk.f32 $0xffff, v63, v13;
	vm6 =	vge.f32 v22, v60  }
0x158: {  	(xrf1) =	vsort.dscd.msk.f32 $0xffff, v10, v11;
	v8 =	vsel vm6, v22, v60;
	v7 =	vsel vm6, v23, v7  }
0x159: {  	[tilespmem:s18+$0x0] =	vst.msk $0xff, v12;
	(xrf1) =	vsort.dscd.msk.f32 $0xffff, v8, v7  }
0x15a: {  	[tilespmem:s19+$0x0] =	vst.msk $0xff, v15  }
0x15b: {  	[tilespmem:s26+$0xFFFFFFF8] =	vst.msk $0xff, v61;
	v7 =	vld [tilespmem:s20+$0x80]  }
0x15c: {  	v24 =	vld [tilespmem:s20+$0xB0];
	[tilespmem:s28+$0xFFFFFFF8] =	vst.msk $0xff, v62  }
0x15d: {  	v25 =	vld [tilespmem:s25+$0x30]  }
0x15e: {  	v26 =	vld [tilespmem:s20+$0xA0]  }
0x15f: {  	v27 =	vld [tilespmem:s25+$0x10]  }
0x160: {  	v28 =	vld [tilespmem:s25+$0x0];
	(xrf1) =	vsort.dscd.msk.f32 $0xffff, v7, v0  }
0x161: {  	v29 =	vld [tilespmem:s20+$0x90];
	v8, v7, _ =	vpop (xrf1);
	(xrf1) =	vsort.dscd.msk.f32 $0xffff, v24, v3  }
0x162: {  	v14 =	vld [tilespmem:s25+$0x20];
	v30, v31, _ =	vpop (xrf1);
	(xrf1) =	vsort.dscd.msk.f32 $0xffff, v25, v3  }
0x163: {  	v33, v32, _ =	vpop (xrf1);
	v9 =	vperm.xlane v30, v4;
	(xrf1) =	vsort.dscd.msk.f32 $0xffff, v26, v2  }
0x164: {  	v35, v34, _ =	vpop (xrf1);
	(xrf1) =	vsort.dscd.msk.f32 $0xffff, v27, v1  }
0x165: {  	v10 =	vperm.xlane v31, v4;
	v37, v36, _ =	vpop (xrf1);
	vm7 =	vge.f32 v35, v9;
	(xrf1) =	vsort.dscd.msk.f32 $0xffff, v28, v0  }
0x166: {  	v13 =	vperm.xlane v37, v4;
	v39, v38, _ =	vpop (xrf1);
	v9 =	vsel vm7, v35, v9;
	(xrf1) =	vsort.dscd.msk.f32 $0xffff, v29, v1  }
0x167: {  	v10 =	vsel vm7, v34, v10;
	v40 =	vperm.xlane v36, v4;
	(xrf1) =	vsort.dscd.msk.f32 $0xffff, v14, v2;
	v41, v42, _ =	vpop (xrf1)  }
0x168: {  	(xrf1) =	vsort.dscd.msk.f32 $0xffff, v9, v10;
	vm8 =	vge.f32 v41, v13  }
0x169: {  	v43 =	vsel vm8, v41, v13;
	v44 =	vsel vm8, v42, v40  }
0x16a: {  	(xrf1) =	vsort.dscd.msk.f32 $0xffff, v43, v44;
	_ =	sdelay $0x3  }
0x16b: {  	v9, v10, _ =	vpop (xrf1)  }
0x16c: {  	v46, v45, _ =	vpop (xrf1)  }
0x16d: {  	v47, v48, _ =	vpop (xrf1)  }
0x16e: {  	v11 =	vperm.xlane v33, v4;
	v50, v49, _ =	vpop (xrf1)  }
0x16f: {  	v15 =	vperm.xlane v32, v4;
	v52, v51, _ =	vpop (xrf1)  }
0x170: {  	vm9 =	vge.f32 v39, v11;
	v12 =	vperm.xlane v46, v4;
	v23, v24, _ =	vpop (xrf1)  }
0x171: {  	v11 =	vsel vm9, v39, v11;
	v15 =	vsel vm9, v38, v15;
	v13 =	vperm.xlane v45, v4;
	v53, v25, _ =	vpop (xrf1)  }
0x172: {  	(xrf1) =	vsort.dscd.msk.f32 $0xffff, v11, v15;
	v16 =	vperm.xlane v47, v4;
	vm10 =	vge.f32 v50, v12;
	v54, v26, _ =	vpop (xrf1)  }
0x173: {  	v17 =	vperm.xlane v48, v4;
	v55 =	vperm.xlane v52, v4;
	v12 =	vsel vm10, v50, v12;
	v56, v57, _ =	vpop (xrf1)  }
0x174: {  	v13 =	vsel vm10, v49, v13;
	v58 =	vperm.xlane v51, v4;
	vm12 =	vge.f32 v54, v16;
	[tilespmem:s22+$0x0] =	vst.msk $0xff, v56  }
0x175: {  	vm11 =	vge.f32 v23, v55;
	v16 =	vsel vm12, v54, v16;
	v17 =	vsel vm12, v26, v17;
	[tilespmem:s23+$0x0] =	vst.msk $0xff, v57;
	v59, v60, _ =	vpop (xrf1)  }
0x176: {  	v14 =	vperm.xlane v53, v4;
	v62 =	vperm.xlane v25, v4;
	(xrf1) =	vsort.dscd.msk.f32 $0xffff, v16, v17;
	v61 =	vld [tilespmem:s21+$0x80];
	[tilespmem:s31+$0xFFFFFFF8] =	vst.msk $0xff, v59  }
0x177: {  	v11 =	vsel vm11, v23, v55;
	v15 =	vsel vm11, v24, v58;
	v63 =	vld [tilespmem:s21+$0xB0];
	(xrf1) =	vsort.dscd.msk.f32 $0xffff, v12, v13;
	[tilespmem:s30+$0xFFFFFFF8] =	vst.msk $0xff, v60  }
0x178: {  	vm13 =	vge.f32 v9, v14;
	(xrf1) =	vsort.dscd.msk.f32 $0xffff, v11, v15;
	v17 =	vld [tilespmem:s29+$0x30]  }
0x179: {  	v9 =	vsel vm13, v9, v14;
	v10 =	vsel vm13, v10, v62;
	v20 =	vld [tilespmem:s21+$0xA0]  }
0x17a: {  	(xrf1) =	vsort.dscd.msk.f32 $0xffff, v9, v10;
	v21 =	vld [tilespmem:s29+$0x10]  }
0x17b: {  	v22 =	vld [tilespmem:s29+$0x0];
	(xrf1) =	vsort.dscd.msk.f32 $0xffff, v61, v0  }
0x17c: {  	v23 =	vld [tilespmem:s21+$0x90];
	(xrf1) =	vsort.dscd.msk.f32 $0xffff, v63, v3  }
0x17d: {  	v24 =	vld [tilespmem:s29+$0x20];
	(xrf1) =	vsort.dscd.msk.f32 $0xffff, v17, v3  }
0x17e: {  	(xrf1) =	vsort.dscd.msk.f32 $0xffff, v20, v2  }
0x17f: {  	(xrf1) =	vsort.dscd.msk.f32 $0xffff, v21, v1  }
0x180: {  	(xrf1) =	vsort.dscd.msk.f32 $0xffff, v22, v0  }
0x181: {  	(xrf1) =	vsort.dscd.msk.f32 $0xffff, v23, v1  }
0x182: {  	(xrf1) =	vsort.dscd.msk.f32 $0xffff, v24, v2  }
0x183: {  	v10, v9, _ =	vpop (xrf1)  }
0x184: {  	v26, v25, _ =	vpop (xrf1)  }
0x185: {  	v27, v28, _ =	vpop (xrf1);
	v11 =	vperm.xlane v26, v4  }
0x186: {  	v12 =	vperm.xlane v25, v4;
	v15, v29, _ =	vpop (xrf1)  }
0x187: {  	vm14 =	vge.f32 v15, v11  }
0x188: {  	v30, v31, _ =	vpop (xrf1);
	v12 =	vsel vm14, v29, v12  }
0x189: {  	v11 =	vsel vm14, v15, v11;
	v33, v32, _ =	vpop (xrf1)  }
0x18a: {  	v35, v34, _ =	vpop (xrf1)  }
0x18b: {  	v13 =	vperm.xlane v27, v4;
	v36, v37, _ =	vpop (xrf1)  }
0x18c: {  	v14 =	vperm.xlane v28, v4;
	(xrf1) =	vsort.dscd.msk.f32 $0xffff, v11, v12;
	v11, v12, _ =	vpop (xrf1)  }
0x18d: {  	vm15 =	vge.f32 v30, v13;
	v38, v39, _ =	vpop (xrf1)  }
0x18e: {  	v13 =	vsel vm15, v30, v13;
	v14 =	vsel vm15, v31, v14;
	v40 =	vperm.xlane v35, v4;
	v42, v41, _ =	vpop (xrf1)  }
0x18f: {  	(xrf1) =	vsort.dscd.msk.f32 $0xffff, v13, v14;
	v15 =	vperm.xlane v36, v4;
	v45, v44, _ =	vpop (xrf1)  }
0x190: {  	v43 =	vperm.xlane v34, v4;
	v46 =	vperm.xlane v37, v4;
	vm4 =	vge.f32 v11, v40;
	v47, v48, _ =	vpop (xrf1)  }
0x191: {  	v23 =	vperm.xlane v38, v4;
	v11 =	vsel vm4, v11, v40;
	vm5 =	vge.f32 v47, v15  }
0x192: {  	v49 =	vperm.xlane v39, v4;
	v14 =	vsel vm5, v47, v15;
	v13 =	vsel vm5, v48, v46  }
0x193: {  	v12 =	vsel vm4, v12, v43;
	vm6 =	vge.f32 v42, v23;
	(xrf1) =	vsort.dscd.msk.f32 $0xffff, v14, v13  }
0x194: {  	v50 =	vsel vm6, v42, v23;
	v51 =	vsel vm6, v41, v49;
	(xrf1) =	vsort.dscd.msk.f32 $0xffff, v11, v12  }
0x195: {  	(xrf1) =	vsort.dscd.msk.f32 $0xffff, v50, v51;
	_ =	sdelay $0x4  }
0x196: {  	v52 =	vperm.xlane v45, v4;
	v11, v12, _ =	vpop (xrf1)  }
0x197: {  	v53 =	vperm.xlane v44, v4;
	[tilespmem:s26+$0x0] =	vst.msk $0xff, v11  }
0x198: {  	vm7 =	vge.f32 v33, v52;
	[tilespmem:s28+$0x0] =	vst.msk $0xff, v12  }
0x199: {  	v13 =	vsel vm7, v32, v53;
	v12 =	vld [tilespmem:s25+$0x80]  }
0x19a: {  	v11 =	vsel vm7, v33, v52;
	v54 =	vld [tilespmem:s25+$0xB0]  }
0x19b: {  	v55 =	vld [tilespmem:s25+$0xA0]  }
0x19c: {  	v17, v18, _ =	vpop (xrf1);
	v56 =	vld [tilespmem:s25+$0x90]  }
0x19d: {  	(xrf1) =	vsort.dscd.msk.f32 $0xffff, v11, v13;
	v11, v13, _ =	vpop (xrf1)  }
0x19e: {  	(xrf1) =	vsort.dscd.msk.f32 $0xffff, v12, v0;
	v11 =	vperm.xlane v11, v4;
	v58, v57, _ =	vpop (xrf1)  }
0x19f: {  	(xrf1) =	vsort.dscd.msk.f32 $0xffff, v54, v3;
	v13 =	vperm.xlane v13, v4;
	v60, v59, _ =	vpop (xrf1)  }
0x1a0: {  	(xrf1) =	vsort.dscd.msk.f32 $0xffff, v55, v2;
	vm8 =	vge.f32 v60, v11  }
0x1a1: {  	(xrf1) =	vsort.dscd.msk.f32 $0xffff, v56, v1;
	v11 =	vsel vm8, v60, v11;
	v13 =	vsel vm8, v59, v13  }
0x1a2: {  	(xrf1) =	vsort.dscd.msk.f32 $0xffff, v11, v13;
	_ =	sdelay $0x8  }
0x1a3: {  	v11, v13, _ =	vpop (xrf1)  }
0x1a4: {  	v62, v61, _ =	vpop (xrf1)  }
0x1a5: {  	v63, v28, _ =	vpop (xrf1)  }
0x1a6: {  	v29, v30, _ =	vpop (xrf1)  }
0x1a7: {  	v12 =	vperm.xlane v58, v4;
	v32, v31, _ =	vpop (xrf1)  }
0x1a8: {  	v33, v34, _ =	vpop (xrf1)  }
0x1a9: {  	v19 =	vperm.xlane v57, v4;
	vm9 =	vge.f32 v11, v12;
	[tilespmem:s31+$0x0] =	vst.msk $0xff, v33  }
0x1aa: {  	v11 =	vsel vm9, v11, v12;
	v35 =	vperm.xlane v63, v4;
	[tilespmem:s30+$0x0] =	vst.msk $0xff, v34  }
0x1ab: {  	v13 =	vsel vm9, v13, v19;
	v36 =	vperm.xlane v28, v4;
	v37 =	vperm.xlane v32, v4;
	v38 =	vld [tilespmem:s29+$0x80]  }
0x1ac: {  	(xrf1) =	vsort.dscd.msk.f32 $0xffff, v11, v13;
	vm10 =	vge.f32 v29, v35;
	v39 =	vperm.xlane v31, v4;
	v40 =	vld [tilespmem:s29+$0xB0]  }
0x1ad: {  	v12 =	vsel vm10, v29, v35;
	v16 =	vsel vm10, v30, v36;
	vm11 =	vge.f32 v62, v37;
	v41 =	vld [tilespmem:s29+$0xA0]  }
0x1ae: {  	(xrf1) =	vsort.dscd.msk.f32 $0xffff, v12, v16;
	v14 =	vsel vm11, v62, v37;
	v11 =	vsel vm11, v61, v39;
	v42 =	vld [tilespmem:s29+$0x90]  }
0x1af: {  	(xrf1) =	vsort.dscd.msk.f32 $0xffff, v14, v11  }
0x1b0: {  	(xrf1) =	vsort.dscd.msk.f32 $0xffff, v38, v0  }
0x1b1: {  	(xrf1) =	vsort.dscd.msk.f32 $0xffff, v40, v3  }
0x1b2: {  	(xrf1) =	vsort.dscd.msk.f32 $0xffff, v41, v2  }
0x1b3: {  	(xrf1) =	vsort.dscd.msk.f32 $0xffff, v42, v1;
	_ =	sdelay $0x7  }
0x1b4: {  	v44, v43, _ =	vpop (xrf1)  }
0x1b5: {  	v46, v45, _ =	vpop (xrf1)  }
0x1b6: {  	v47, v48, _ =	vpop (xrf1)  }
0x1b7: {  	v13 =	vperm.xlane v46, v4;
	v49, v20, _ =	vpop (xrf1)  }
0x1b8: {  	v14 =	vperm.xlane v45, v4;
	v51, v50, _ =	vpop (xrf1)  }
0x1b9: {  	vm12 =	vge.f32 v47, v13;
	v21 =	vperm.xlane v51, v4;
	v52, v53, _ =	vpop (xrf1)  }
0x1ba: {  	v13 =	vsel vm12, v47, v13;
	v14 =	vsel vm12, v48, v14;
	v54 =	vperm.xlane v50, v4;
	v55, v56, _ =	vpop (xrf1)  }
0x1bb: {  	(xrf1) =	vsort.dscd.msk.f32 $0xffff, v13, v14;
	vm13 =	vge.f32 v52, v21;
	v57 =	vperm.xlane v55, v4  }
0x1bc: {  	v59 =	vperm.xlane v56, v4;
	v58 =	vsel vm13, v52, v21;
	v15 =	vsel vm13, v53, v54  }
0x1bd: {  	vm14 =	vge.f32 v49, v57;
	(xrf1) =	vsort.dscd.msk.f32 $0xffff, v58, v15  }
0x1be: {  	v13 =	vsel vm14, v49, v57;
	v60 =	vsel vm14, v20, v59  }
0x1bf: {  	(xrf1) =	vsort.dscd.msk.f32 $0xffff, v13, v60;
	_ =	sdelay $0xa  }
0x1c0: {  	v13, v14, _ =	vpop (xrf1)  }
0x1c1: {  	v15, v61, _ =	vpop (xrf1)  }
0x1c2: {  	v15 =	vperm.xlane v15, v4  }
0x1c3: {  	v16 =	vperm.xlane v61, v4;
	v62, v63, _ =	vpop (xrf1)  }
0x1c4: {  	vm15 =	vge.f32 v62, v15  }
0x1c5: {  	v15 =	vsel vm15, v62, v15;
	v16 =	vsel vm15, v63, v16  }
0x1c6: {  	(xrf1) =	vsort.dscd.msk.f32 $0xffff, v15, v16;
	_ =	sdelay $0x2  }
0x1c7: {  	[tilespmem:s12+$0x8] =	vst.msk $0xff, v6  }
0x1c8: {  	[tilespmem:s13+$0x8] =	vst.msk $0xff, v5  }
0x1c9: {  	[tilespmem:s15+$0x8] =	vst.msk $0xff, v8  }
0x1ca: {  	[tilespmem:s14+$0x8] =	vst.msk $0xff, v7  }
0x1cb: {  	[tilespmem:s16+$0x8] =	vst.msk $0xff, v10  }
0x1cc: {  	[tilespmem:s17+$0x8] =	vst.msk $0xff, v9  }
0x1cd: {  	[tilespmem:s18+$0x8] =	vst.msk $0xff, v17  }
0x1ce: {  	[tilespmem:s19+$0x8] =	vst.msk $0xff, v18  }
0x1cf: {  	[tilespmem:s22+$0x8] =	vst.msk $0xff, v44  }
0x1d0: {  	[tilespmem:s23+$0x8] =	vst.msk $0xff, v43  }
0x1d1: {  	[tilespmem:s26+$0x8] =	vst.msk $0xff, v13  }
0x1d2: {  	[tilespmem:s28+$0x8] =	vst.msk $0xff, v14;
	v5, v6, _ =	vpop (xrf1)  }
0x1d3: {  	[tilespmem:s31+$0x8] =	vst.msk $0xff, v5  }
0x1d4: {  	[tilespmem:s30+$0x8] =	vst.msk $0xff, v6  }
0x1d5: {  	[hbm4b:s4+s2] =	stream.linear.scatter [tilespmem:s8], [sflag:$0x2], $0x800, $0x38;
	[tilespmem:$0x9100] =	vst v63  }
0x1d6: {  	s11 =	sadd.s32 $0x1, s11;
	_ =	swait.ge [sflag:s9], $0x800  }
0x1d7: {  	p0 =	sne.s32 s11, s6;
	[sflag:s9] =	ssyncset.done $0x0  }
.Ltmp1:
0x1d8: {  	[sflag:s9] =	ssyncadd.s32 $0xFFFFF800;
	(pc) =	sbr.rel @p0 .LBB2_1-.Ltmp1, $4  }
0x1d9: {  	[hbm4b:s5+s2] =	stream.linear.scatter [tilespmem:s10], [sflag:$0x2], $0x800, $0x38;
	[tilespmem:$0x9100] =	vst v63  }
0x1da: {  	_ =	swait.ge [sflag:s9], $0x800  }
0x1db: {  	[sflag:s9] =	ssyncset.done $0x0  }
0x1dc: {  	[sflag:s9] =	ssyncadd.s32 $0xFFFFF800  }
0x1dd: {  	_ =	sfence.sel $0x180000  }
0x1de: {  	[bflag:$0x0] =	sbarrier.arrive $0xFFFF  }
0x1df: {  	p0 =	sne.s32 s1, $0x0;
	_ =	strace $0x90000047  }
0x1e0: {  	s0 =	sadd.s32 @!p0 $0x100000, s0;
	[bflag:$0x2] =	sbarrier.arrive $0xFFFF  }
0x1e1: {  	[sflag:s0] =	ssyncadd.tile.s32 @!p0 $0x1;
	_ =	shalt  }
.Lfunc_end2:
_tile_overlayer_lowered:
.L_overlay_start_2:
0x1e2: {  	(tag) =	ssettag $0x2  }
0x1e3: {  	s0 =	rddreg [dreg:$0x0];
	s2 =	stileid.u32  }
0x1e4: {  	s1 =	rddreg [dreg:$0x1];
	p0 =	sne.s32 s2, $0x0  }
0x1e5: {  	s3 =	rddreg [dreg:$0x2];
	[bflag:$0x3] =	sbarrier.arrive $0xFFFF;
	s2 =	simm.s32 @!p0 $0x1C02  }
0x1e6: {  	[timem:s3], [sflag:s2] =	dma.local @!p0 [hbm:s0], s1  }
0x1e7: {  	s0 =	simm.s32 @!p0 $0x2  }
0x1e8: {  	_ =	swait.ge @!p0 [sflag:s0], s1  }
0x1e9: {  	s1 =	ssub.s32 @!p0 $0x0, s1;
	[sflag:s0] =	ssyncset.done @!p0 $0x0  }
0x1ea: {  	[sflag:s0] =	ssyncadd.s32 @!p0 s1  }
0x1eb: {  	[bflag:$0x3] =	sbarrier.arrive $0xFFFF  }
0x1ec: {  	_ =	shalt  }

</sc_bundles>
